<compile_context>
chip_gen: v7x
topology: tpu7x:2x2x1
jax: 0.10.2.dev20260603
libtpu: 0.0.44.dev20260713+nightly
codegen_flags: <defaults>
</compile_context>

<pallas_src>
import functools

import jax
import jax.numpy as jnp
from jax import lax
from jax.experimental import pallas as pl
from jax.experimental.pallas import tpu as pltpu
from jax.experimental.pallas import tpu_sc as plsc

N = 10000
E = 320000
D = 128
DE = 6
EP = 16
EPR = D // EP
NC = 2
NS = 16
NW = NC * NS
EPW = E // NW
K = 80
NCH = EPW // K
GB = 5
NB = NCH // GB
NBLK = N // K
MAXB = 8


def _sc_aggregate(x, src5d, dst5d, efp):
    mesh = plsc.VectorSubcoreMesh(core_axis_name="c", subcore_axis_name="s")

    @functools.partial(
        pl.kernel,
        mesh=mesh,
        out_type=[
            jax.ShapeDtypeStruct((NC, N, D), jnp.float32),
            jax.ShapeDtypeStruct((NC, N, D), jnp.float32),
        ],
        scratch_types=[
            pltpu.VMEM((GB, K), jnp.int32),
            pltpu.VMEM((GB, K), jnp.int32),
            pltpu.VMEM((K,), jnp.int32),
            pltpu.VMEM((K,), jnp.int32),
            pltpu.VMEM((K, D), jnp.float32),
            pltpu.VMEM((K, D), jnp.float32),
            pltpu.VMEM((GB * K // EPR, D), jnp.float32),
            pltpu.VMEM_SHARED((N, D), jnp.float32),
            pltpu.SemaphoreType.DMA,
            pltpu.SemaphoreType.DMA,
            pltpu.SemaphoreType.DMA,
            pltpu.SemaphoreType.DMA,
            pltpu.SemaphoreType.DMA,
            pltpu.SemaphoreType.DMA,
        ],
    )
    def agg(x_hbm, src_hbm, dst_hbm, ef_hbm, outx_hbm, oute_hbm,
            src_v, dst_v, dstc0_v, dstc1_v, rows0_v, rows1_v, ef_v,
            acc_s, semg0, semg1, sems0, sems1, semi0, semi1):
        cid = lax.axis_index("c")
        sid = lax.axis_index("s")
        wid = cid * NS + sid

        rowsb = (rows0_v, rows1_v)
        dstcb = (dstc0_v, dstc1_v)
        semg = (semg0, semg1)
        sems = (sems0, sems1)

        zeros = jnp.zeros((16,), jnp.float32)

        def stage_dst(ci, b):
            for j in range(K // 16):
                dstcb[b][pl.ds(j * 16, 16)] = dst_v[ci, pl.ds(j * 16, 16)]

        def zero_rows_bufs():
            def zx0(i, carry):
                rows0_v[i // (D // 16), pl.ds((i % (D // 16)) * 16, 16)] = zeros
                return carry

            def zx1(i, carry):
                rows1_v[i // (D // 16), pl.ds((i % (D // 16)) * 16, 16)] = zeros
                return carry

            lax.fori_loop(0, K * (D // 16), zx0, 0)
            lax.fori_loop(0, K * (D // 16), zx1, 0)

        def zero_acc_blocks():
            def init_body(m, carry):
                blk = sid + m * NS

                @pl.when(blk < NBLK)
                def _do():
                    pltpu.sync_copy(rows0_v, acc_s.at[pl.ds(blk * K, K)])

                return carry

            lax.fori_loop(0, MAXB, init_body, 0)

        semib = (semi0, semi1)

        def copy_acc_out(out_hbm):
            for m in range(MAXB):
                blk = sid + m * NS
                b = m % 2

                @pl.when(blk < NBLK)
                def _do(blk=blk, b=b, m=m):
                    r0 = blk * K
                    if m >= 2:
                        pltpu.make_async_copy(
                            rowsb[b], out_hbm.at[cid, pl.ds(r0, K)],
                            semib[b]).wait()
                    pltpu.async_copy(
                        acc_s.at[pl.ds(r0, K)], rowsb[b], semg[b]).wait()
                    pltpu.async_copy(
                        rowsb[b], out_hbm.at[cid, pl.ds(r0, K)], semib[b])

            for b in range(2):
                pltpu.make_async_copy(
                    rowsb[b], out_hbm.at[cid, pl.ds(0, K)], semib[b]).wait()

        def wait_scatter(b):
            pltpu.make_async_copy(
                rowsb[b], acc_s.at[dstcb[b]], sems[b]).wait()

        zero_rows_bufs()
        zero_acc_blocks()
        plsc.subcore_barrier()

        def batch_a(bt, first):
            d1 = pltpu.async_copy(src_hbm.at[wid, bt], src_v, semi0)
            d2 = pltpu.async_copy(dst_hbm.at[wid, bt], dst_v, semi1)
            d1.wait()
            d2.wait()
            for ci in range(GB):
                b = ci % 2
                if not (first and ci < 2):
                    wait_scatter(b)
                stage_dst(ci, b)
                pltpu.async_copy(
                    x_hbm.at[src_v.at[ci]], rowsb[b], semg[b]).wait()
                pltpu.async_copy(
                    rowsb[b], acc_s.at[dstcb[b]], sems[b], add=True)

        batch_a(0, True)

        def loopa_body(bt, carry):
            batch_a(bt, False)
            return carry

        lax.fori_loop(1, NB, loopa_body, 0)
        wait_scatter(0)
        wait_scatter(1)

        plsc.subcore_barrier()
        copy_acc_out(outx_hbm)
        plsc.subcore_barrier()

        zero_rows_bufs()
        zero_acc_blocks()
        plsc.subcore_barrier()

        def batch_b(bt, first):
            d1 = pltpu.async_copy(dst_hbm.at[wid, bt], dst_v, semi0)
            d2 = pltpu.async_copy(ef_hbm.at[wid, bt], ef_v, semi1)
            d1.wait()
            d2.wait()
            for ci in range(GB):
                b = ci % 2
                if not (first and ci < 2):
                    wait_scatter(b)
                stage_dst(ci, b)

                rv = rowsb[b]
                pr0 = ci * (K // EPR)

                def expand_body(pr, carry2):
                    for jj in range(EPR):
                        rv[pr * EPR + jj, pl.ds(0, EP)] = (
                            ef_v[pr0 + pr, pl.ds(jj * EP, EP)])
                    return carry2

                lax.fori_loop(0, K // EPR, expand_body, 0)
                pltpu.async_copy(
                    rowsb[b], acc_s.at[dstcb[b]], sems[b], add=True)

        batch_b(0, True)

        def loopb_body(bt, carry):
            batch_b(bt, False)
            return carry

        lax.fori_loop(1, NB, loopb_body, 0)
        wait_scatter(0)
        wait_scatter(1)

        plsc.subcore_barrier()
        copy_acc_out(oute_hbm)

    return agg(x, src5d, dst5d, efp)


_BLK = 1000


def _tc_body(accx_ref, acce_ref, wt_ref, wep_ref, o_ref):
    a = accx_ref[0] + accx_ref[1]
    e = acce_ref[0] + acce_ref[1]
    y = jax.lax.dot(a, wt_ref[...], precision=jax.lax.Precision.HIGHEST,
                    preferred_element_type=jnp.float32)
    y = y + jax.lax.dot(e, wep_ref[...], precision=jax.lax.Precision.HIGHEST,
                        preferred_element_type=jnp.float32)
    o_ref[...] = jnp.maximum(y, 0.0)


def _tc_combine(accx, acce, wt, wep):
    return pl.pallas_call(
        _tc_body,
        grid=(N // _BLK,),
        in_specs=[
            pl.BlockSpec((NC, _BLK, D), lambda i: (0, i, 0)),
            pl.BlockSpec((NC, _BLK, D), lambda i: (0, i, 0)),
            pl.BlockSpec((D, D), lambda i: (0, 0)),
            pl.BlockSpec((D, D), lambda i: (0, 0)),
        ],
        out_specs=pl.BlockSpec((_BLK, D), lambda i: (i, 0)),
        out_shape=jax.ShapeDtypeStruct((N, D), jnp.float32),
    )(accx, acce, wt, wep)


def kernel(nodeFeatures, edgeIndex, edgeFeatures, W, b, We, be):
    ei = edgeIndex.astype(jnp.int32)
    src5d = ei[:, 0].reshape(NW, NB, GB, K)
    dst5d = ei[:, 1].reshape(NW, NB, GB, K)
    efp = jnp.concatenate(
        [
            edgeFeatures.astype(jnp.float32),
            jnp.ones((E, 1), jnp.float32),
            jnp.zeros((E, EP - DE - 1), jnp.float32),
        ],
        axis=1,
    )
    efp = efp.reshape(NW, NB, GB * K // EPR, D)
    accx, acce = _sc_aggregate(nodeFeatures, src5d, dst5d, efp)

    wt = W.T
    wep = (
        jnp.zeros((D, D), jnp.float32)
        .at[:DE].set(We.T)
        .at[DE].set(b + be)
    )
    return _tc_combine(accx, acce, wt, wep)

# --- scband reference (transcript-rebuilt; emitter-appended) ---
"""Pipeline reference for scband-graph-convolution-layer-46067819217039 (READ-ONLY COPY).

The authoritative reference and input builder live on the scoring server;
editing this copy changes nothing except your own understanding.
"""

import jax, jax.numpy as jnp
import numpy as np

N = 10000
E = 320000
DIN = 128
DOUT = 128
DEDGE = 6

def setup_inputs(seed: int = 0) -> dict:
    key = jax.random.key(seed)
    k1, k2, k3, k4, k5, k6, k7 = jax.random.split(key, 7)
    nodeFeatures = jax.random.normal(k1, (N, DIN), dtype=jnp.float32)
    edgeIndex = jax.random.randint(k2, (E, 2), 0, N)
    edgeFeatures = jax.random.normal(k3, (E, DEDGE), dtype=jnp.float32)
    # learned params (nn.Linear weights are [out, in] in torch)
    W = jax.random.normal(k4, (DOUT, DIN), dtype=jnp.float32) * (1.0 / np.sqrt(DIN))
    b = jax.random.normal(k5, (DOUT,), dtype=jnp.float32) * 0.01
    We = jax.random.normal(k6, (DOUT, DEDGE), dtype=jnp.float32) * (1.0 / np.sqrt(DEDGE))
    be = jax.random.normal(k7, (DOUT,), dtype=jnp.float32) * 0.01
    return {"nodeFeatures": nodeFeatures, "edgeIndex": edgeIndex, "edgeFeatures": edgeFeatures,
            "W": W, "b": b, "We": We, "be": be}

def reference(nodeFeatures, edgeIndex, edgeFeatures, W, b, We, be):
    numNodes = nodeFeatures.shape[0]
    transformed = nodeFeatures @ W.T + b            # [N, DOUT]
    edgeMessage = edgeFeatures @ We.T + be          # [E, DOUT]
    src = edgeIndex[:, 0]
    dst = edgeIndex[:, 1]
    messages = transformed[src] + edgeMessage       # gather + add, [E, DOUT]
    aggregated = jnp.zeros((numNodes, W.shape[0]), dtype=transformed.dtype).at[dst].add(messages)
    return jax.nn.relu(aggregated)

if __name__ == "__main__":
    import jax
    _d = setup_inputs()
    print(jax.jit(kernel)(*tuple(_d.values())))

</pallas_src>

<mosaic_0001>
#map = affine_map<(d0, d1) -> (0, 0)>
#map1 = affine_map<(d0, d1) -> (0, 0, 0, 0)>
#map2 = affine_map<(d0, d1) -> (0, 0, 0)>
module attributes {stable_mosaic.version = 14 : i64} {
  func.func @agg(%arg0: i32, %arg1: i32, %arg2: memref<10000x128xf32, #tpu.memory_space<hbm>>, %arg3: memref<32x25x5x80xi32, #tpu.memory_space<hbm>>, %arg4: memref<32x25x5x80xi32, #tpu.memory_space<hbm>>, %arg5: memref<32x25x50x128xf32, #tpu.memory_space<hbm>>, %arg6: memref<2x10000x128xf32, #tpu.memory_space<hbm>>, %arg7: memref<2x10000x128xf32, #tpu.memory_space<hbm>>, %arg8: memref<5x80xi32, #tpu.memory_space<vmem>>, %arg9: memref<5x80xi32, #tpu.memory_space<vmem>>, %arg10: memref<80xi32, #tpu.memory_space<vmem>>, %arg11: memref<80xi32, #tpu.memory_space<vmem>>, %arg12: memref<80x128xf32, #tpu.memory_space<vmem>>, %arg13: memref<80x128xf32, #tpu.memory_space<vmem>>, %arg14: memref<50x128xf32, #tpu.memory_space<vmem>>, %arg15: memref<10000x128xf32, #tpu.memory_space<vmem_shared>>, %arg16: memref<!tpu.dma_semaphore, #tpu.memory_space<semaphore_mem>>, %arg17: memref<!tpu.dma_semaphore, #tpu.memory_space<semaphore_mem>>, %arg18: memref<!tpu.dma_semaphore, #tpu.memory_space<semaphore_mem>>, %arg19: memref<!tpu.dma_semaphore, #tpu.memory_space<semaphore_mem>>, %arg20: memref<!tpu.dma_semaphore, #tpu.memory_space<semaphore_mem>>, %arg21: memref<!tpu.dma_semaphore, #tpu.memory_space<semaphore_mem>>) attributes {dimension_semantics = [#tpu.dimension_semantics<core_parallel>, #tpu.dimension_semantics<subcore_parallel>], iteration_bounds = array<i64: 2, 16>, scalar_prefetch = 0 : i64, scratch_operands = 14 : i64, tpu.core_type = #tpu.core_type<sc_vector_subcore>, window_params = [{transform_indices = #map}, {transform_indices = #map1}, {transform_indices = #map1}, {transform_indices = #map1}, {transform_indices = #map2}, {transform_indices = #map2}]} {
    %mul3A = arith.constant 16 : i32
    %mul3A_0 = arith.muli %arg0, %mul3A : i32
    %add3A = arith.addi %mul3A_0, %arg1 : i32
    %broadcast_in_dim3A = arith.constant 0.000000e+00 : f32
    %broadcast_in_dim3A_1 = vector.broadcast %broadcast_in_dim3A : f32 to vector<16xf32>
    %scan3A = arith.constant 0 : i32
    %scan3A_2 = arith.constant 0 : i32
    %scan3A_3 = arith.constant 640 : i32
    %scan3A_4 = arith.addi %scan3A_2, %scan3A_3 : i32
    %scan3A_5 = arith.constant 1 : i32
    scf.for %scan3A_872 = %scan3A_2 to %scan3A_4 step %scan3A_5  : i32 {
      %jit3A = arith.constant 8 : i32
      %div3A = arith.divsi %scan3A_872, %jit3A : i32
      %sign3A = arith.constant 0 : i32
      %sign3A_873 = arith.cmpi sgt, %scan3A_872, %sign3A : i32
      %sign3A_874 = arith.extui %sign3A_873 : i1 to i32
      %sign3A_875 = arith.constant 0 : i32
      %sign3A_876 = arith.cmpi slt, %scan3A_872, %sign3A_875 : i32
      %sign3A_877 = arith.extui %sign3A_876 : i1 to i32
      %sign3A_878 = arith.subi %sign3A_874, %sign3A_877 : i32
      %sign3A_879 = arith.constant 0 : i32
      %sign3A_880 = arith.cmpi sgt, %jit3A, %sign3A_879 : i32
      %sign3A_881 = arith.extui %sign3A_880 : i1 to i32
      %sign3A_882 = arith.constant 0 : i32
      %sign3A_883 = arith.cmpi slt, %jit3A, %sign3A_882 : i32
      %sign3A_884 = arith.extui %sign3A_883 : i1 to i32
      %sign3A_885 = arith.subi %sign3A_881, %sign3A_884 : i32
      %ne3A = arith.cmpi ne, %sign3A_878, %sign3A_885 : i32
      %rem3A = arith.remsi %scan3A_872, %jit3A : i32
      %ne3A_886 = arith.constant 0 : i32
      %ne3A_887 = arith.cmpi ne, %rem3A, %ne3A_886 : i32
      %and3A = arith.andi %ne3A, %ne3A_887 : i1
      %sub3A = arith.constant 1 : i32
      %sub3A_888 = arith.subi %div3A, %sub3A : i32
      %select_n3A = arith.select %and3A, %sub3A_888, %div3A : i32
      %jit3A_889 = arith.constant 8 : i32
      %eq3A = arith.constant 0 : i32
      %eq3A_890 = arith.cmpi eq, %jit3A_889, %eq3A : i32
      %jit3A_891 = arith.constant 1 : i32
      %select_n3A_892 = arith.select %eq3A_890, %jit3A_891, %jit3A_889 : i32
      %rem3A_893 = arith.remsi %scan3A_872, %select_n3A_892 : i32
      %ne3A_894 = arith.constant 0 : i32
      %ne3A_895 = arith.cmpi ne, %rem3A_893, %ne3A_894 : i32
      %lt3A_896 = arith.constant 0 : i32
      %lt3A_897 = arith.cmpi slt, %rem3A_893, %lt3A_896 : i32
      %lt3A_898 = arith.constant 0 : i32
      %lt3A_899 = arith.cmpi slt, %select_n3A_892, %lt3A_898 : i32
      %ne3A_900 = arith.xori %lt3A_897, %lt3A_899 : i1
      %and3A_901 = arith.andi %ne3A_900, %ne3A_895 : i1
      %add3A_902 = arith.addi %rem3A_893, %select_n3A_892 : i32
      %select_n3A_903 = arith.select %and3A_901, %add3A_902, %rem3A_893 : i32
      %mul3A_904 = arith.constant 16 : i32
      %mul3A_905 = arith.muli %select_n3A_903, %mul3A_904 : i32
      %swap3A_906 = arith.index_cast %select_n3A : i32 to index
      %swap3A_907 = arith.index_cast %mul3A_905 : i32 to index
      %swap3A_908 = tpu.vector_load %arg12[%swap3A_906, %swap3A_907] {strides = array<i32>} : memref<80x128xf32, #tpu.memory_space<vmem>>, vector<1x16xf32>,
      %swap3A_909 = vector.shape_cast %swap3A_908 : vector<1x16xf32> to vector<16xf32>
      %swap3A_910 = vector.shape_cast %broadcast_in_dim3A_1 : vector<16xf32> to vector<1x16xf32>
      tpu.vector_store %arg12[%swap3A_906, %swap3A_907], %swap3A_910 {strides = array<i32>} : memref<80x128xf32, #tpu.memory_space<vmem>>, vector<1x16xf32>,
    }
    %scan3A_6 = arith.constant 640 : i32
    %scan3A_7 = arith.constant 0 : i32
    %scan3A_8 = arith.constant 0 : i32
    %scan3A_9 = arith.constant 640 : i32
    %scan3A_10 = arith.addi %scan3A_8, %scan3A_9 : i32
    %scan3A_11 = arith.constant 1 : i32
    scf.for %scan3A_872 = %scan3A_8 to %scan3A_10 step %scan3A_11  : i32 {
      %jit3A = arith.constant 8 : i32
      %div3A = arith.divsi %scan3A_872, %jit3A : i32
      %sign3A = arith.constant 0 : i32
      %sign3A_873 = arith.cmpi sgt, %scan3A_872, %sign3A : i32
      %sign3A_874 = arith.extui %sign3A_873 : i1 to i32
      %sign3A_875 = arith.constant 0 : i32
      %sign3A_876 = arith.cmpi slt, %scan3A_872, %sign3A_875 : i32
      %sign3A_877 = arith.extui %sign3A_876 : i1 to i32
      %sign3A_878 = arith.subi %sign3A_874, %sign3A_877 : i32
      %sign3A_879 = arith.constant 0 : i32
      %sign3A_880 = arith.cmpi sgt, %jit3A, %sign3A_879 : i32
      %sign3A_881 = arith.extui %sign3A_880 : i1 to i32
      %sign3A_882 = arith.constant 0 : i32
      %sign3A_883 = arith.cmpi slt, %jit3A, %sign3A_882 : i32
      %sign3A_884 = arith.extui %sign3A_883 : i1 to i32
      %sign3A_885 = arith.subi %sign3A_881, %sign3A_884 : i32
      %ne3A = arith.cmpi ne, %sign3A_878, %sign3A_885 : i32
      %rem3A = arith.remsi %scan3A_872, %jit3A : i32
      %ne3A_886 = arith.constant 0 : i32
      %ne3A_887 = arith.cmpi ne, %rem3A, %ne3A_886 : i32
      %and3A = arith.andi %ne3A, %ne3A_887 : i1
      %sub3A = arith.constant 1 : i32
      %sub3A_888 = arith.subi %div3A, %sub3A : i32
      %select_n3A = arith.select %and3A, %sub3A_888, %div3A : i32
      %jit3A_889 = arith.constant 8 : i32
      %eq3A = arith.constant 0 : i32
      %eq3A_890 = arith.cmpi eq, %jit3A_889, %eq3A : i32
      %jit3A_891 = arith.constant 1 : i32
      %select_n3A_892 = arith.select %eq3A_890, %jit3A_891, %jit3A_889 : i32
      %rem3A_893 = arith.remsi %scan3A_872, %select_n3A_892 : i32
      %ne3A_894 = arith.constant 0 : i32
      %ne3A_895 = arith.cmpi ne, %rem3A_893, %ne3A_894 : i32
      %lt3A_896 = arith.constant 0 : i32
      %lt3A_897 = arith.cmpi slt, %rem3A_893, %lt3A_896 : i32
      %lt3A_898 = arith.constant 0 : i32
      %lt3A_899 = arith.cmpi slt, %select_n3A_892, %lt3A_898 : i32
      %ne3A_900 = arith.xori %lt3A_897, %lt3A_899 : i1
      %and3A_901 = arith.andi %ne3A_900, %ne3A_895 : i1
      %add3A_902 = arith.addi %rem3A_893, %select_n3A_892 : i32
      %select_n3A_903 = arith.select %and3A_901, %add3A_902, %rem3A_893 : i32
      %mul3A_904 = arith.constant 16 : i32
      %mul3A_905 = arith.muli %select_n3A_903, %mul3A_904 : i32
      %swap3A_906 = arith.index_cast %select_n3A : i32 to index
      %swap3A_907 = arith.index_cast %mul3A_905 : i32 to index
      %swap3A_908 = tpu.vector_load %arg13[%swap3A_906, %swap3A_907] {strides = array<i32>} : memref<80x128xf32, #tpu.memory_space<vmem>>, vector<1x16xf32>,
      %swap3A_909 = vector.shape_cast %swap3A_908 : vector<1x16xf32> to vector<16xf32>
      %swap3A_910 = vector.shape_cast %broadcast_in_dim3A_1 : vector<16xf32> to vector<1x16xf32>
      tpu.vector_store %arg13[%swap3A_906, %swap3A_907], %swap3A_910 {strides = array<i32>} : memref<80x128xf32, #tpu.memory_space<vmem>>, vector<1x16xf32>,
    }
    %scan3A_12 = arith.constant 640 : i32
    %scan3A_13 = arith.constant 0 : i32
    %scan3A_14 = arith.constant 0 : i32
    %scan3A_15 = arith.constant 8 : i32
    %scan3A_16 = arith.addi %scan3A_14, %scan3A_15 : i32
    %scan3A_17 = arith.constant 1 : i32
    scf.for %scan3A_872 = %scan3A_14 to %scan3A_16 step %scan3A_17  : i32 {
      %mul3A_873 = arith.constant 16 : i32
      %mul3A_874 = arith.muli %scan3A_872, %mul3A_873 : i32
      %add3A_875 = arith.addi %arg1, %mul3A_874 : i32
      %lt3A_876 = arith.constant 125 : i32
      %lt3A_877 = arith.cmpi slt, %add3A_875, %lt3A_876 : i32
      %convert_element_type3A_878 = arith.extui %lt3A_877 : i1 to i32
      %cond3A_879 = arith.constant 0 : i32
      %cond3A_880 = arith.cmpi ne, %convert_element_type3A_878, %cond3A_879 : i32
      scf.if %cond3A_880 {
        %mul3A_881 = arith.constant 80 : i32
        %mul3A_882 = arith.muli %add3A_875, %mul3A_881 : i32
        "tpu.region"() ({
          %run_scoped3A = tpu.sem_alloc : memref<!tpu.dma_semaphore, #tpu.memory_space<semaphore_mem>>
          %dma_start3A_883 = arith.constant 0 : i32
          %dma_start3A_884 = tpu.memref_slice %arg15[%mul3A_882, %dma_start3A_883] : memref<10000x128xf32, #tpu.memory_space<vmem_shared>> -> memref<80x128xf32, #tpu.memory_space<vmem_shared>>
          %dma_start3A_885 = arith.constant 0 : i32
          %dma_start3A_886 = tpu.memref_slice %arg15[%mul3A_882, %dma_start3A_885] : memref<10000x128xf32, #tpu.memory_space<vmem_shared>> -> memref<80x128xf32, #tpu.memory_space<vmem_shared>>
          tpu.enqueue_dma source(%arg12 : memref<80x128xf32, #tpu.memory_space<vmem>>) target(%dma_start3A_886 : memref<80x128xf32, #tpu.memory_space<vmem_shared>>) target_semaphore(%run_scoped3A : memref<!tpu.dma_semaphore, #tpu.memory_space<semaphore_mem>>)
          %dma_wait3A_887 = arith.constant 0 : i32
          %dma_wait3A_888 = tpu.memref_slice %arg15[%mul3A_882, %dma_wait3A_887] : memref<10000x128xf32, #tpu.memory_space<vmem_shared>> -> memref<80x128xf32, #tpu.memory_space<vmem_shared>>
          %dma_wait3A_889 = arith.constant 0 : i32
          %dma_wait3A_890 = tpu.memref_slice %arg15[%mul3A_882, %dma_wait3A_889] : memref<10000x128xf32, #tpu.memory_space<vmem_shared>> -> memref<80x128xf32, #tpu.memory_space<vmem_shared>>
          tpu.wait_dma2 semaphore(%run_scoped3A : memref<!tpu.dma_semaphore, #tpu.memory_space<semaphore_mem>>) src(%arg12 : memref<80x128xf32, #tpu.memory_space<vmem>>) dst(%dma_wait3A_890 : memref<80x128xf32, #tpu.memory_space<vmem_shared>>)
          tpu.yield
        }) : () -> ()
      } else {
      }
    }
    %scan3A_18 = arith.constant 8 : i32
    %barrier3A = arith.constant 0 : index
    tpu.barrier barrier_id(%barrier3A)
    %dma_start3A = arith.constant 0 : i32
    %dma_start3A_19 = arith.constant 0 : i32
    %dma_start3A_20 = arith.constant 0 : i32
    %dma_start3A_21 = tpu.memref_slice %arg3[%add3A, %dma_start3A, %dma_start3A_19, %dma_start3A_20] : memref<32x25x5x80xi32, #tpu.memory_space<hbm>> -> memref<1x1x5x80xi32, #tpu.memory_space<hbm>>
    %dma_start3A_22 = tpu.memref_squeeze %dma_start3A_21 : memref<1x1x5x80xi32, #tpu.memory_space<hbm>> -> memref<5x80xi32, #tpu.memory_space<hbm>>
    %dma_start3A_23 = arith.constant 0 : i32
    %dma_start3A_24 = arith.constant 0 : i32
    %dma_start3A_25 = tpu.memref_slice %arg3[%add3A, %dma_start3A, %dma_start3A_23, %dma_start3A_24] : memref<32x25x5x80xi32, #tpu.memory_space<hbm>> -> memref<1x1x5x80xi32, #tpu.memory_space<hbm>>
    %dma_start3A_26 = tpu.memref_squeeze %dma_start3A_25 : memref<1x1x5x80xi32, #tpu.memory_space<hbm>> -> memref<5x80xi32, #tpu.memory_space<hbm>>
    tpu.enqueue_dma source(%dma_start3A_26 : memref<5x80xi32, #tpu.memory_space<hbm>>) target(%arg8 : memref<5x80xi32, #tpu.memory_space<vmem>>) target_semaphore(%arg20 : memref<!tpu.dma_semaphore, #tpu.memory_space<semaphore_mem>>)
    %dma_start3A_27 = arith.constant 0 : i32
    %dma_start3A_28 = arith.constant 0 : i32
    %dma_start3A_29 = arith.constant 0 : i32
    %dma_start3A_30 = tpu.memref_slice %arg4[%add3A, %dma_start3A_27, %dma_start3A_28, %dma_start3A_29] : memref<32x25x5x80xi32, #tpu.memory_space<hbm>> -> memref<1x1x5x80xi32, #tpu.memory_space<hbm>>
    %dma_start3A_31 = tpu.memref_squeeze %dma_start3A_30 : memref<1x1x5x80xi32, #tpu.memory_space<hbm>> -> memref<5x80xi32, #tpu.memory_space<hbm>>
    %dma_start3A_32 = arith.constant 0 : i32
    %dma_start3A_33 = arith.constant 0 : i32
    %dma_start3A_34 = tpu.memref_slice %arg4[%add3A, %dma_start3A_27, %dma_start3A_32, %dma_start3A_33] : memref<32x25x5x80xi32, #tpu.memory_space<hbm>> -> memref<1x1x5x80xi32, #tpu.memory_space<hbm>>
    %dma_start3A_35 = tpu.memref_squeeze %dma_start3A_34 : memref<1x1x5x80xi32, #tpu.memory_space<hbm>> -> memref<5x80xi32, #tpu.memory_space<hbm>>
    tpu.enqueue_dma source(%dma_start3A_35 : memref<5x80xi32, #tpu.memory_space<hbm>>) target(%arg9 : memref<5x80xi32, #tpu.memory_space<vmem>>) target_semaphore(%arg21 : memref<!tpu.dma_semaphore, #tpu.memory_space<semaphore_mem>>)
    %dma_wait3A = arith.constant 0 : i32
    %dma_wait3A_36 = arith.constant 0 : i32
    %dma_wait3A_37 = arith.constant 0 : i32
    %dma_wait3A_38 = tpu.memref_slice %arg3[%add3A, %dma_wait3A, %dma_wait3A_36, %dma_wait3A_37] : memref<32x25x5x80xi32, #tpu.memory_space<hbm>> -> memref<1x1x5x80xi32, #tpu.memory_space<hbm>>
    %dma_wait3A_39 = tpu.memref_squeeze %dma_wait3A_38 : memref<1x1x5x80xi32, #tpu.memory_space<hbm>> -> memref<5x80xi32, #tpu.memory_space<hbm>>
    %dma_wait3A_40 = arith.constant 0 : i32
    %dma_wait3A_41 = arith.constant 0 : i32
    %dma_wait3A_42 = tpu.memref_slice %arg3[%add3A, %dma_wait3A, %dma_wait3A_40, %dma_wait3A_41] : memref<32x25x5x80xi32, #tpu.memory_space<hbm>> -> memref<1x1x5x80xi32, #tpu.memory_space<hbm>>
    %dma_wait3A_43 = tpu.memref_squeeze %dma_wait3A_42 : memref<1x1x5x80xi32, #tpu.memory_space<hbm>> -> memref<5x80xi32, #tpu.memory_space<hbm>>
    tpu.wait_dma2 semaphore(%arg20 : memref<!tpu.dma_semaphore, #tpu.memory_space<semaphore_mem>>) src(%dma_wait3A_43 : memref<5x80xi32, #tpu.memory_space<hbm>>) dst(%arg8 : memref<5x80xi32, #tpu.memory_space<vmem>>)
    %dma_wait3A_44 = arith.constant 0 : i32
    %dma_wait3A_45 = arith.constant 0 : i32
    %dma_wait3A_46 = arith.constant 0 : i32
    %dma_wait3A_47 = tpu.memref_slice %arg4[%add3A, %dma_wait3A_44, %dma_wait3A_45, %dma_wait3A_46] : memref<32x25x5x80xi32, #tpu.memory_space<hbm>> -> memref<1x1x5x80xi32, #tpu.memory_space<hbm>>
    %dma_wait3A_48 = tpu.memref_squeeze %dma_wait3A_47 : memref<1x1x5x80xi32, #tpu.memory_space<hbm>> -> memref<5x80xi32, #tpu.memory_space<hbm>>
    %dma_wait3A_49 = arith.constant 0 : i32
    %dma_wait3A_50 = arith.constant 0 : i32
    %dma_wait3A_51 = tpu.memref_slice %arg4[%add3A, %dma_wait3A_44, %dma_wait3A_49, %dma_wait3A_50] : memref<32x25x5x80xi32, #tpu.memory_space<hbm>> -> memref<1x1x5x80xi32, #tpu.memory_space<hbm>>
    %dma_wait3A_52 = tpu.memref_squeeze %dma_wait3A_51 : memref<1x1x5x80xi32, #tpu.memory_space<hbm>> -> memref<5x80xi32, #tpu.memory_space<hbm>>
    tpu.wait_dma2 semaphore(%arg21 : memref<!tpu.dma_semaphore, #tpu.memory_space<semaphore_mem>>) src(%dma_wait3A_52 : memref<5x80xi32, #tpu.memory_space<hbm>>) dst(%arg9 : memref<5x80xi32, #tpu.memory_space<vmem>>)
    %get3A = arith.constant 0 : i32
    %get3A_53 = arith.index_cast %get3A : i32 to index
    %get3A_54 = arith.constant 0 : index
    %get3A_55 = tpu.vector_load %arg9[%get3A_53, %get3A_54] {strides = array<i32>} : memref<5x80xi32, #tpu.memory_space<vmem>>, vector<1x16xi32>,
    %get3A_56 = vector.shape_cast %get3A_55 : vector<1x16xi32> to vector<16xi32>
    %swap3A = arith.constant 0 : index
    %swap3A_57 = tpu.vector_load %arg10[%swap3A] {strides = array<i32>} : memref<80xi32, #tpu.memory_space<vmem>>, vector<16xi32>,
    %swap3A_58 = vector.shape_cast %swap3A_57 : vector<16xi32> to vector<16xi32>
    %swap3A_59 = vector.shape_cast %get3A_56 : vector<16xi32> to vector<16xi32>
    tpu.vector_store %arg10[%swap3A], %swap3A_59 {strides = array<i32>} : memref<80xi32, #tpu.memory_space<vmem>>, vector<16xi32>,
    %get3A_60 = arith.constant 0 : i32
    %get3A_61 = arith.index_cast %get3A_60 : i32 to index
    %get3A_62 = arith.constant 16 : index
    %get3A_63 = tpu.vector_load %arg9[%get3A_61, %get3A_62] {strides = array<i32>} : memref<5x80xi32, #tpu.memory_space<vmem>>, vector<1x16xi32>,
    %get3A_64 = vector.shape_cast %get3A_63 : vector<1x16xi32> to vector<16xi32>
    %swap3A_65 = arith.constant 16 : index
    %swap3A_66 = tpu.vector_load %arg10[%swap3A_65] {strides = array<i32>} : memref<80xi32, #tpu.memory_space<vmem>>, vector<16xi32>,
    %swap3A_67 = vector.shape_cast %swap3A_66 : vector<16xi32> to vector<16xi32>
    %swap3A_68 = vector.shape_cast %get3A_64 : vector<16xi32> to vector<16xi32>
    tpu.vector_store %arg10[%swap3A_65], %swap3A_68 {strides = array<i32>} : memref<80xi32, #tpu.memory_space<vmem>>, vector<16xi32>,
    %get3A_69 = arith.constant 0 : i32
    %get3A_70 = arith.index_cast %get3A_69 : i32 to index
    %get3A_71 = arith.constant 32 : index
    %get3A_72 = tpu.vector_load %arg9[%get3A_70, %get3A_71] {strides = array<i32>} : memref<5x80xi32, #tpu.memory_space<vmem>>, vector<1x16xi32>,
    %get3A_73 = vector.shape_cast %get3A_72 : vector<1x16xi32> to vector<16xi32>
    %swap3A_74 = arith.constant 32 : index
    %swap3A_75 = tpu.vector_load %arg10[%swap3A_74] {strides = array<i32>} : memref<80xi32, #tpu.memory_space<vmem>>, vector<16xi32>,
    %swap3A_76 = vector.shape_cast %swap3A_75 : vector<16xi32> to vector<16xi32>
    %swap3A_77 = vector.shape_cast %get3A_73 : vector<16xi32> to vector<16xi32>
    tpu.vector_store %arg10[%swap3A_74], %swap3A_77 {strides = array<i32>} : memref<80xi32, #tpu.memory_space<vmem>>, vector<16xi32>,
    %get3A_78 = arith.constant 0 : i32
    %get3A_79 = arith.index_cast %get3A_78 : i32 to index
    %get3A_80 = arith.constant 48 : index
    %get3A_81 = tpu.vector_load %arg9[%get3A_79, %get3A_80] {strides = array<i32>} : memref<5x80xi32, #tpu.memory_space<vmem>>, vector<1x16xi32>,
    %get3A_82 = vector.shape_cast %get3A_81 : vector<1x16xi32> to vector<16xi32>
    %swap3A_83 = arith.constant 48 : index
    %swap3A_84 = tpu.vector_load %arg10[%swap3A_83] {strides = array<i32>} : memref<80xi32, #tpu.memory_space<vmem>>, vector<16xi32>,
    %swap3A_85 = vector.shape_cast %swap3A_84 : vector<16xi32> to vector<16xi32>
    %swap3A_86 = vector.shape_cast %get3A_82 : vector<16xi32> to vector<16xi32>
    tpu.vector_store %arg10[%swap3A_83], %swap3A_86 {strides = array<i32>} : memref<80xi32, #tpu.memory_space<vmem>>, vector<16xi32>,
    %get3A_87 = arith.constant 0 : i32
    %get3A_88 = arith.index_cast %get3A_87 : i32 to index
    %get3A_89 = arith.constant 64 : index
    %get3A_90 = tpu.vector_load %arg9[%get3A_88, %get3A_89] {strides = array<i32>} : memref<5x80xi32, #tpu.memory_space<vmem>>, vector<1x16xi32>,
    %get3A_91 = vector.shape_cast %get3A_90 : vector<1x16xi32> to vector<16xi32>
    %swap3A_92 = arith.constant 64 : index
    %swap3A_93 = tpu.vector_load %arg10[%swap3A_92] {strides = array<i32>} : memref<80xi32, #tpu.memory_space<vmem>>, vector<16xi32>,
    %swap3A_94 = vector.shape_cast %swap3A_93 : vector<16xi32> to vector<16xi32>
    %swap3A_95 = vector.shape_cast %get3A_91 : vector<16xi32> to vector<16xi32>
    tpu.vector_store %arg10[%swap3A_92], %swap3A_95 {strides = array<i32>} : memref<80xi32, #tpu.memory_space<vmem>>, vector<16xi32>,
    %dma_start3A_96 = arith.constant 0 : i32
    %dma_start3A_97 = arith.constant 0 : i32
    %dma_start3A_98 = tpu.memref_slice %arg8[%dma_start3A_96, %dma_start3A_97] : memref<5x80xi32, #tpu.memory_space<vmem>> -> memref<1x80xi32, #tpu.memory_space<vmem>>
    %dma_start3A_99 = tpu.memref_squeeze %dma_start3A_98 : memref<1x80xi32, #tpu.memory_space<vmem>> -> memref<80xi32, #tpu.memory_space<vmem>>
    %dma_start3A_100 = arith.constant 0 : i32
    %dma_start3A_101 = arith.constant 0 : i32
    %dma_start3A_102 = tpu.memref_slice %arg2[%dma_start3A_100, %dma_start3A_101] : memref<10000x128xf32, #tpu.memory_space<hbm>> -> memref<10000x128xf32, #tpu.memory_space<hbm>>
    tpu.enqueue_indirect_dma source(%dma_start3A_102 : memref<10000x128xf32, #tpu.memory_space<hbm>>) target(%arg12 : memref<80x128xf32, #tpu.memory_space<vmem>>) offsets(%dma_start3A_99 : memref<80xi32, #tpu.memory_space<vmem>>) semaphore(%arg16 : memref<!tpu.dma_semaphore, #tpu.memory_space<semaphore_mem>>)
    %dma_wait3A_103 = arith.constant 0 : i32
    %dma_wait3A_104 = arith.constant 0 : i32
    %dma_wait3A_105 = tpu.memref_slice %arg8[%dma_wait3A_103, %dma_wait3A_104] : memref<5x80xi32, #tpu.memory_space<vmem>> -> memref<1x80xi32, #tpu.memory_space<vmem>>
    %dma_wait3A_106 = tpu.memref_squeeze %dma_wait3A_105 : memref<1x80xi32, #tpu.memory_space<vmem>> -> memref<80xi32, #tpu.memory_space<vmem>>
    %dma_wait3A_107 = arith.constant 0 : i32
    %dma_wait3A_108 = arith.constant 0 : i32
    %dma_wait3A_109 = tpu.memref_slice %arg2[%dma_wait3A_107, %dma_wait3A_108] : memref<10000x128xf32, #tpu.memory_space<hbm>> -> memref<10000x128xf32, #tpu.memory_space<hbm>>
    tpu.wait_indirect_dma semaphore(%arg16 : memref<!tpu.dma_semaphore, #tpu.memory_space<semaphore_mem>>) src(%dma_wait3A_109 : memref<10000x128xf32, #tpu.memory_space<hbm>>) dst(%arg12 : memref<80x128xf32, #tpu.memory_space<vmem>>)
    %dma_start3A_110 = arith.constant 0 : i32
    %dma_start3A_111 = arith.constant 0 : i32
    %dma_start3A_112 = tpu.memref_slice %arg15[%dma_start3A_110, %dma_start3A_111] : memref<10000x128xf32, #tpu.memory_space<vmem_shared>> -> memref<10000x128xf32, #tpu.memory_space<vmem_shared>>
    tpu.enqueue_indirect_dma source(%arg12 : memref<80x128xf32, #tpu.memory_space<vmem>>) target(%dma_start3A_112 : memref<10000x128xf32, #tpu.memory_space<vmem_shared>>) offsets(%arg10 : memref<80xi32, #tpu.memory_space<vmem>>) semaphore(%arg18 : memref<!tpu.dma_semaphore, #tpu.memory_space<semaphore_mem>>) {add = true}
    %get3A_113 = arith.constant 1 : i32
    %get3A_114 = arith.index_cast %get3A_113 : i32 to index
    %get3A_115 = arith.constant 0 : index
    %get3A_116 = tpu.vector_load %arg9[%get3A_114, %get3A_115] {strides = array<i32>} : memref<5x80xi32, #tpu.memory_space<vmem>>, vector<1x16xi32>,
    %get3A_117 = vector.shape_cast %get3A_116 : vector<1x16xi32> to vector<16xi32>
    %swap3A_118 = arith.constant 0 : index
    %swap3A_119 = tpu.vector_load %arg11[%swap3A_118] {strides = array<i32>} : memref<80xi32, #tpu.memory_space<vmem>>, vector<16xi32>,
    %swap3A_120 = vector.shape_cast %swap3A_119 : vector<16xi32> to vector<16xi32>
    %swap3A_121 = vector.shape_cast %get3A_117 : vector<16xi32> to vector<16xi32>
    tpu.vector_store %arg11[%swap3A_118], %swap3A_121 {strides = array<i32>} : memref<80xi32, #tpu.memory_space<vmem>>, vector<16xi32>,
    %get3A_122 = arith.constant 1 : i32
    %get3A_123 = arith.index_cast %get3A_122 : i32 to index
    %get3A_124 = arith.constant 16 : index
    %get3A_125 = tpu.vector_load %arg9[%get3A_123, %get3A_124] {strides = array<i32>} : memref<5x80xi32, #tpu.memory_space<vmem>>, vector<1x16xi32>,
    %get3A_126 = vector.shape_cast %get3A_125 : vector<1x16xi32> to vector<16xi32>
    %swap3A_127 = arith.constant 16 : index
    %swap3A_128 = tpu.vector_load %arg11[%swap3A_127] {strides = array<i32>} : memref<80xi32, #tpu.memory_space<vmem>>, vector<16xi32>,
    %swap3A_129 = vector.shape_cast %swap3A_128 : vector<16xi32> to vector<16xi32>
    %swap3A_130 = vector.shape_cast %get3A_126 : vector<16xi32> to vector<16xi32>
    tpu.vector_store %arg11[%swap3A_127], %swap3A_130 {strides = array<i32>} : memref<80xi32, #tpu.memory_space<vmem>>, vector<16xi32>,
    %get3A_131 = arith.constant 1 : i32
    %get3A_132 = arith.index_cast %get3A_131 : i32 to index
    %get3A_133 = arith.constant 32 : index
    %get3A_134 = tpu.vector_load %arg9[%get3A_132, %get3A_133] {strides = array<i32>} : memref<5x80xi32, #tpu.memory_space<vmem>>, vector<1x16xi32>,
    %get3A_135 = vector.shape_cast %get3A_134 : vector<1x16xi32> to vector<16xi32>
    %swap3A_136 = arith.constant 32 : index
    %swap3A_137 = tpu.vector_load %arg11[%swap3A_136] {strides = array<i32>} : memref<80xi32, #tpu.memory_space<vmem>>, vector<16xi32>,
    %swap3A_138 = vector.shape_cast %swap3A_137 : vector<16xi32> to vector<16xi32>
    %swap3A_139 = vector.shape_cast %get3A_135 : vector<16xi32> to vector<16xi32>
    tpu.vector_store %arg11[%swap3A_136], %swap3A_139 {strides = array<i32>} : memref<80xi32, #tpu.memory_space<vmem>>, vector<16xi32>,
    %get3A_140 = arith.constant 1 : i32
    %get3A_141 = arith.index_cast %get3A_140 : i32 to index
    %get3A_142 = arith.constant 48 : index
    %get3A_143 = tpu.vector_load %arg9[%get3A_141, %get3A_142] {strides = array<i32>} : memref<5x80xi32, #tpu.memory_space<vmem>>, vector<1x16xi32>,
    %get3A_144 = vector.shape_cast %get3A_143 : vector<1x16xi32> to vector<16xi32>
    %swap3A_145 = arith.constant 48 : index
    %swap3A_146 = tpu.vector_load %arg11[%swap3A_145] {strides = array<i32>} : memref<80xi32, #tpu.memory_space<vmem>>, vector<16xi32>,
    %swap3A_147 = vector.shape_cast %swap3A_146 : vector<16xi32> to vector<16xi32>
    %swap3A_148 = vector.shape_cast %get3A_144 : vector<16xi32> to vector<16xi32>
    tpu.vector_store %arg11[%swap3A_145], %swap3A_148 {strides = array<i32>} : memref<80xi32, #tpu.memory_space<vmem>>, vector<16xi32>,
    %get3A_149 = arith.constant 1 : i32
    %get3A_150 = arith.index_cast %get3A_149 : i32 to index
    %get3A_151 = arith.constant 64 : index
    %get3A_152 = tpu.vector_load %arg9[%get3A_150, %get3A_151] {strides = array<i32>} : memref<5x80xi32, #tpu.memory_space<vmem>>, vector<1x16xi32>,
    %get3A_153 = vector.shape_cast %get3A_152 : vector<1x16xi32> to vector<16xi32>
    %swap3A_154 = arith.constant 64 : index
    %swap3A_155 = tpu.vector_load %arg11[%swap3A_154] {strides = array<i32>} : memref<80xi32, #tpu.memory_space<vmem>>, vector<16xi32>,
    %swap3A_156 = vector.shape_cast %swap3A_155 : vector<16xi32> to vector<16xi32>
    %swap3A_157 = vector.shape_cast %get3A_153 : vector<16xi32> to vector<16xi32>
    tpu.vector_store %arg11[%swap3A_154], %swap3A_157 {strides = array<i32>} : memref<80xi32, #tpu.memory_space<vmem>>, vector<16xi32>,
    %dma_start3A_158 = arith.constant 1 : i32
    %dma_start3A_159 = arith.constant 0 : i32
    %dma_start3A_160 = tpu.memref_slice %arg8[%dma_start3A_158, %dma_start3A_159] : memref<5x80xi32, #tpu.memory_space<vmem>> -> memref<1x80xi32, #tpu.memory_space<vmem>>
    %dma_start3A_161 = tpu.memref_squeeze %dma_start3A_160 : memref<1x80xi32, #tpu.memory_space<vmem>> -> memref<80xi32, #tpu.memory_space<vmem>>
    %dma_start3A_162 = arith.constant 0 : i32
    %dma_start3A_163 = arith.constant 0 : i32
    %dma_start3A_164 = tpu.memref_slice %arg2[%dma_start3A_162, %dma_start3A_163] : memref<10000x128xf32, #tpu.memory_space<hbm>> -> memref<10000x128xf32, #tpu.memory_space<hbm>>
    tpu.enqueue_indirect_dma source(%dma_start3A_164 : memref<10000x128xf32, #tpu.memory_space<hbm>>) target(%arg13 : memref<80x128xf32, #tpu.memory_space<vmem>>) offsets(%dma_start3A_161 : memref<80xi32, #tpu.memory_space<vmem>>) semaphore(%arg17 : memref<!tpu.dma_semaphore, #tpu.memory_space<semaphore_mem>>)
    %dma_wait3A_165 = arith.constant 1 : i32
    %dma_wait3A_166 = arith.constant 0 : i32
    %dma_wait3A_167 = tpu.memref_slice %arg8[%dma_wait3A_165, %dma_wait3A_166] : memref<5x80xi32, #tpu.memory_space<vmem>> -> memref<1x80xi32, #tpu.memory_space<vmem>>
    %dma_wait3A_168 = tpu.memref_squeeze %dma_wait3A_167 : memref<1x80xi32, #tpu.memory_space<vmem>> -> memref<80xi32, #tpu.memory_space<vmem>>
    %dma_wait3A_169 = arith.constant 0 : i32
    %dma_wait3A_170 = arith.constant 0 : i32
    %dma_wait3A_171 = tpu.memref_slice %arg2[%dma_wait3A_169, %dma_wait3A_170] : memref<10000x128xf32, #tpu.memory_space<hbm>> -> memref<10000x128xf32, #tpu.memory_space<hbm>>
    tpu.wait_indirect_dma semaphore(%arg17 : memref<!tpu.dma_semaphore, #tpu.memory_space<semaphore_mem>>) src(%dma_wait3A_171 : memref<10000x128xf32, #tpu.memory_space<hbm>>) dst(%arg13 : memref<80x128xf32, #tpu.memory_space<vmem>>)
    %dma_start3A_172 = arith.constant 0 : i32
    %dma_start3A_173 = arith.constant 0 : i32
    %dma_start3A_174 = tpu.memref_slice %arg15[%dma_start3A_172, %dma_start3A_173] : memref<10000x128xf32, #tpu.memory_space<vmem_shared>> -> memref<10000x128xf32, #tpu.memory_space<vmem_shared>>
    tpu.enqueue_indirect_dma source(%arg13 : memref<80x128xf32, #tpu.memory_space<vmem>>) target(%dma_start3A_174 : memref<10000x128xf32, #tpu.memory_space<vmem_shared>>) offsets(%arg11 : memref<80xi32, #tpu.memory_space<vmem>>) semaphore(%arg19 : memref<!tpu.dma_semaphore, #tpu.memory_space<semaphore_mem>>) {add = true}
    %dma_wait3A_175 = arith.constant 0 : i32
    %dma_wait3A_176 = arith.constant 0 : i32
    %dma_wait3A_177 = tpu.memref_slice %arg15[%dma_wait3A_175, %dma_wait3A_176] : memref<10000x128xf32, #tpu.memory_space<vmem_shared>> -> memref<10000x128xf32, #tpu.memory_space<vmem_shared>>
    tpu.wait_indirect_dma semaphore(%arg18 : memref<!tpu.dma_semaphore, #tpu.memory_space<semaphore_mem>>) src(%arg12 : memref<80x128xf32, #tpu.memory_space<vmem>>) dst(%dma_wait3A_177 : memref<10000x128xf32, #tpu.memory_space<vmem_shared>>)
    %get3A_178 = arith.constant 2 : i32
    %get3A_179 = arith.index_cast %get3A_178 : i32 to index
    %get3A_180 = arith.constant 0 : index
    %get3A_181 = tpu.vector_load %arg9[%get3A_179, %get3A_180] {strides = array<i32>} : memref<5x80xi32, #tpu.memory_space<vmem>>, vector<1x16xi32>,
    %get3A_182 = vector.shape_cast %get3A_181 : vector<1x16xi32> to vector<16xi32>
    %swap3A_183 = arith.constant 0 : index
    %swap3A_184 = tpu.vector_load %arg10[%swap3A_183] {strides = array<i32>} : memref<80xi32, #tpu.memory_space<vmem>>, vector<16xi32>,
    %swap3A_185 = vector.shape_cast %swap3A_184 : vector<16xi32> to vector<16xi32>
    %swap3A_186 = vector.shape_cast %get3A_182 : vector<16xi32> to vector<16xi32>
    tpu.vector_store %arg10[%swap3A_183], %swap3A_186 {strides = array<i32>} : memref<80xi32, #tpu.memory_space<vmem>>, vector<16xi32>,
    %get3A_187 = arith.constant 2 : i32
    %get3A_188 = arith.index_cast %get3A_187 : i32 to index
    %get3A_189 = arith.constant 16 : index
    %get3A_190 = tpu.vector_load %arg9[%get3A_188, %get3A_189] {strides = array<i32>} : memref<5x80xi32, #tpu.memory_space<vmem>>, vector<1x16xi32>,
    %get3A_191 = vector.shape_cast %get3A_190 : vector<1x16xi32> to vector<16xi32>
    %swap3A_192 = arith.constant 16 : index
    %swap3A_193 = tpu.vector_load %arg10[%swap3A_192] {strides = array<i32>} : memref<80xi32, #tpu.memory_space<vmem>>, vector<16xi32>,
    %swap3A_194 = vector.shape_cast %swap3A_193 : vector<16xi32> to vector<16xi32>
    %swap3A_195 = vector.shape_cast %get3A_191 : vector<16xi32> to vector<16xi32>
    tpu.vector_store %arg10[%swap3A_192], %swap3A_195 {strides = array<i32>} : memref<80xi32, #tpu.memory_space<vmem>>, vector<16xi32>,
    %get3A_196 = arith.constant 2 : i32
    %get3A_197 = arith.index_cast %get3A_196 : i32 to index
    %get3A_198 = arith.constant 32 : index
    %get3A_199 = tpu.vector_load %arg9[%get3A_197, %get3A_198] {strides = array<i32>} : memref<5x80xi32, #tpu.memory_space<vmem>>, vector<1x16xi32>,
    %get3A_200 = vector.shape_cast %get3A_199 : vector<1x16xi32> to vector<16xi32>
    %swap3A_201 = arith.constant 32 : index
    %swap3A_202 = tpu.vector_load %arg10[%swap3A_201] {strides = array<i32>} : memref<80xi32, #tpu.memory_space<vmem>>, vector<16xi32>,
    %swap3A_203 = vector.shape_cast %swap3A_202 : vector<16xi32> to vector<16xi32>
    %swap3A_204 = vector.shape_cast %get3A_200 : vector<16xi32> to vector<16xi32>
    tpu.vector_store %arg10[%swap3A_201], %swap3A_204 {strides = array<i32>} : memref<80xi32, #tpu.memory_space<vmem>>, vector<16xi32>,
    %get3A_205 = arith.constant 2 : i32
    %get3A_206 = arith.index_cast %get3A_205 : i32 to index
    %get3A_207 = arith.constant 48 : index
    %get3A_208 = tpu.vector_load %arg9[%get3A_206, %get3A_207] {strides = array<i32>} : memref<5x80xi32, #tpu.memory_space<vmem>>, vector<1x16xi32>,
    %get3A_209 = vector.shape_cast %get3A_208 : vector<1x16xi32> to vector<16xi32>
    %swap3A_210 = arith.constant 48 : index
    %swap3A_211 = tpu.vector_load %arg10[%swap3A_210] {strides = array<i32>} : memref<80xi32, #tpu.memory_space<vmem>>, vector<16xi32>,
    %swap3A_212 = vector.shape_cast %swap3A_211 : vector<16xi32> to vector<16xi32>
    %swap3A_213 = vector.shape_cast %get3A_209 : vector<16xi32> to vector<16xi32>
    tpu.vector_store %arg10[%swap3A_210], %swap3A_213 {strides = array<i32>} : memref<80xi32, #tpu.memory_space<vmem>>, vector<16xi32>,
    %get3A_214 = arith.constant 2 : i32
    %get3A_215 = arith.index_cast %get3A_214 : i32 to index
    %get3A_216 = arith.constant 64 : index
    %get3A_217 = tpu.vector_load %arg9[%get3A_215, %get3A_216] {strides = array<i32>} : memref<5x80xi32, #tpu.memory_space<vmem>>, vector<1x16xi32>,
    %get3A_218 = vector.shape_cast %get3A_217 : vector<1x16xi32> to vector<16xi32>
    %swap3A_219 = arith.constant 64 : index
    %swap3A_220 = tpu.vector_load %arg10[%swap3A_219] {strides = array<i32>} : memref<80xi32, #tpu.memory_space<vmem>>, vector<16xi32>,
    %swap3A_221 = vector.shape_cast %swap3A_220 : vector<16xi32> to vector<16xi32>
    %swap3A_222 = vector.shape_cast %get3A_218 : vector<16xi32> to vector<16xi32>
    tpu.vector_store %arg10[%swap3A_219], %swap3A_222 {strides = array<i32>} : memref<80xi32, #tpu.memory_space<vmem>>, vector<16xi32>,
    %dma_start3A_223 = arith.constant 2 : i32
    %dma_start3A_224 = arith.constant 0 : i32
    %dma_start3A_225 = tpu.memref_slice %arg8[%dma_start3A_223, %dma_start3A_224] : memref<5x80xi32, #tpu.memory_space<vmem>> -> memref<1x80xi32, #tpu.memory_space<vmem>>
    %dma_start3A_226 = tpu.memref_squeeze %dma_start3A_225 : memref<1x80xi32, #tpu.memory_space<vmem>> -> memref<80xi32, #tpu.memory_space<vmem>>
    %dma_start3A_227 = arith.constant 0 : i32
    %dma_start3A_228 = arith.constant 0 : i32
    %dma_start3A_229 = tpu.memref_slice %arg2[%dma_start3A_227, %dma_start3A_228] : memref<10000x128xf32, #tpu.memory_space<hbm>> -> memref<10000x128xf32, #tpu.memory_space<hbm>>
    tpu.enqueue_indirect_dma source(%dma_start3A_229 : memref<10000x128xf32, #tpu.memory_space<hbm>>) target(%arg12 : memref<80x128xf32, #tpu.memory_space<vmem>>) offsets(%dma_start3A_226 : memref<80xi32, #tpu.memory_space<vmem>>) semaphore(%arg16 : memref<!tpu.dma_semaphore, #tpu.memory_space<semaphore_mem>>)
    %dma_wait3A_230 = arith.constant 2 : i32
    %dma_wait3A_231 = arith.constant 0 : i32
    %dma_wait3A_232 = tpu.memref_slice %arg8[%dma_wait3A_230, %dma_wait3A_231] : memref<5x80xi32, #tpu.memory_space<vmem>> -> memref<1x80xi32, #tpu.memory_space<vmem>>
    %dma_wait3A_233 = tpu.memref_squeeze %dma_wait3A_232 : memref<1x80xi32, #tpu.memory_space<vmem>> -> memref<80xi32, #tpu.memory_space<vmem>>
    %dma_wait3A_234 = arith.constant 0 : i32
    %dma_wait3A_235 = arith.constant 0 : i32
    %dma_wait3A_236 = tpu.memref_slice %arg2[%dma_wait3A_234, %dma_wait3A_235] : memref<10000x128xf32, #tpu.memory_space<hbm>> -> memref<10000x128xf32, #tpu.memory_space<hbm>>
    tpu.wait_indirect_dma semaphore(%arg16 : memref<!tpu.dma_semaphore, #tpu.memory_space<semaphore_mem>>) src(%dma_wait3A_236 : memref<10000x128xf32, #tpu.memory_space<hbm>>) dst(%arg12 : memref<80x128xf32, #tpu.memory_space<vmem>>)
    %dma_start3A_237 = arith.constant 0 : i32
    %dma_start3A_238 = arith.constant 0 : i32
    %dma_start3A_239 = tpu.memref_slice %arg15[%dma_start3A_237, %dma_start3A_238] : memref<10000x128xf32, #tpu.memory_space<vmem_shared>> -> memref<10000x128xf32, #tpu.memory_space<vmem_shared>>
    tpu.enqueue_indirect_dma source(%arg12 : memref<80x128xf32, #tpu.memory_space<vmem>>) target(%dma_start3A_239 : memref<10000x128xf32, #tpu.memory_space<vmem_shared>>) offsets(%arg10 : memref<80xi32, #tpu.memory_space<vmem>>) semaphore(%arg18 : memref<!tpu.dma_semaphore, #tpu.memory_space<semaphore_mem>>) {add = true}
    %dma_wait3A_240 = arith.constant 0 : i32
    %dma_wait3A_241 = arith.constant 0 : i32
    %dma_wait3A_242 = tpu.memref_slice %arg15[%dma_wait3A_240, %dma_wait3A_241] : memref<10000x128xf32, #tpu.memory_space<vmem_shared>> -> memref<10000x128xf32, #tpu.memory_space<vmem_shared>>
    tpu.wait_indirect_dma semaphore(%arg19 : memref<!tpu.dma_semaphore, #tpu.memory_space<semaphore_mem>>) src(%arg13 : memref<80x128xf32, #tpu.memory_space<vmem>>) dst(%dma_wait3A_242 : memref<10000x128xf32, #tpu.memory_space<vmem_shared>>)
    %get3A_243 = arith.constant 3 : i32
    %get3A_244 = arith.index_cast %get3A_243 : i32 to index
    %get3A_245 = arith.constant 0 : index
    %get3A_246 = tpu.vector_load %arg9[%get3A_244, %get3A_245] {strides = array<i32>} : memref<5x80xi32, #tpu.memory_space<vmem>>, vector<1x16xi32>,
    %get3A_247 = vector.shape_cast %get3A_246 : vector<1x16xi32> to vector<16xi32>
    %swap3A_248 = arith.constant 0 : index
    %swap3A_249 = tpu.vector_load %arg11[%swap3A_248] {strides = array<i32>} : memref<80xi32, #tpu.memory_space<vmem>>, vector<16xi32>,
    %swap3A_250 = vector.shape_cast %swap3A_249 : vector<16xi32> to vector<16xi32>
    %swap3A_251 = vector.shape_cast %get3A_247 : vector<16xi32> to vector<16xi32>
    tpu.vector_store %arg11[%swap3A_248], %swap3A_251 {strides = array<i32>} : memref<80xi32, #tpu.memory_space<vmem>>, vector<16xi32>,
    %get3A_252 = arith.constant 3 : i32
    %get3A_253 = arith.index_cast %get3A_252 : i32 to index
    %get3A_254 = arith.constant 16 : index
    %get3A_255 = tpu.vector_load %arg9[%get3A_253, %get3A_254] {strides = array<i32>} : memref<5x80xi32, #tpu.memory_space<vmem>>, vector<1x16xi32>,
    %get3A_256 = vector.shape_cast %get3A_255 : vector<1x16xi32> to vector<16xi32>
    %swap3A_257 = arith.constant 16 : index
    %swap3A_258 = tpu.vector_load %arg11[%swap3A_257] {strides = array<i32>} : memref<80xi32, #tpu.memory_space<vmem>>, vector<16xi32>,
    %swap3A_259 = vector.shape_cast %swap3A_258 : vector<16xi32> to vector<16xi32>
    %swap3A_260 = vector.shape_cast %get3A_256 : vector<16xi32> to vector<16xi32>
    tpu.vector_store %arg11[%swap3A_257], %swap3A_260 {strides = array<i32>} : memref<80xi32, #tpu.memory_space<vmem>>, vector<16xi32>,
    %get3A_261 = arith.constant 3 : i32
    %get3A_262 = arith.index_cast %get3A_261 : i32 to index
    %get3A_263 = arith.constant 32 : index
    %get3A_264 = tpu.vector_load %arg9[%get3A_262, %get3A_263] {strides = array<i32>} : memref<5x80xi32, #tpu.memory_space<vmem>>, vector<1x16xi32>,
    %get3A_265 = vector.shape_cast %get3A_264 : vector<1x16xi32> to vector<16xi32>
    %swap3A_266 = arith.constant 32 : index
    %swap3A_267 = tpu.vector_load %arg11[%swap3A_266] {strides = array<i32>} : memref<80xi32, #tpu.memory_space<vmem>>, vector<16xi32>,
    %swap3A_268 = vector.shape_cast %swap3A_267 : vector<16xi32> to vector<16xi32>
    %swap3A_269 = vector.shape_cast %get3A_265 : vector<16xi32> to vector<16xi32>
    tpu.vector_store %arg11[%swap3A_266], %swap3A_269 {strides = array<i32>} : memref<80xi32, #tpu.memory_space<vmem>>, vector<16xi32>,
    %get3A_270 = arith.constant 3 : i32
    %get3A_271 = arith.index_cast %get3A_270 : i32 to index
    %get3A_272 = arith.constant 48 : index
    %get3A_273 = tpu.vector_load %arg9[%get3A_271, %get3A_272] {strides = array<i32>} : memref<5x80xi32, #tpu.memory_space<vmem>>, vector<1x16xi32>,
    %get3A_274 = vector.shape_cast %get3A_273 : vector<1x16xi32> to vector<16xi32>
    %swap3A_275 = arith.constant 48 : index
    %swap3A_276 = tpu.vector_load %arg11[%swap3A_275] {strides = array<i32>} : memref<80xi32, #tpu.memory_space<vmem>>, vector<16xi32>,
    %swap3A_277 = vector.shape_cast %swap3A_276 : vector<16xi32> to vector<16xi32>
    %swap3A_278 = vector.shape_cast %get3A_274 : vector<16xi32> to vector<16xi32>
    tpu.vector_store %arg11[%swap3A_275], %swap3A_278 {strides = array<i32>} : memref<80xi32, #tpu.memory_space<vmem>>, vector<16xi32>,
    %get3A_279 = arith.constant 3 : i32
    %get3A_280 = arith.index_cast %get3A_279 : i32 to index
    %get3A_281 = arith.constant 64 : index
    %get3A_282 = tpu.vector_load %arg9[%get3A_280, %get3A_281] {strides = array<i32>} : memref<5x80xi32, #tpu.memory_space<vmem>>, vector<1x16xi32>,
    %get3A_283 = vector.shape_cast %get3A_282 : vector<1x16xi32> to vector<16xi32>
    %swap3A_284 = arith.constant 64 : index
    %swap3A_285 = tpu.vector_load %arg11[%swap3A_284] {strides = array<i32>} : memref<80xi32, #tpu.memory_space<vmem>>, vector<16xi32>,
    %swap3A_286 = vector.shape_cast %swap3A_285 : vector<16xi32> to vector<16xi32>
    %swap3A_287 = vector.shape_cast %get3A_283 : vector<16xi32> to vector<16xi32>
    tpu.vector_store %arg11[%swap3A_284], %swap3A_287 {strides = array<i32>} : memref<80xi32, #tpu.memory_space<vmem>>, vector<16xi32>,
    %dma_start3A_288 = arith.constant 3 : i32
    %dma_start3A_289 = arith.constant 0 : i32
    %dma_start3A_290 = tpu.memref_slice %arg8[%dma_start3A_288, %dma_start3A_289] : memref<5x80xi32, #tpu.memory_space<vmem>> -> memref<1x80xi32, #tpu.memory_space<vmem>>
    %dma_start3A_291 = tpu.memref_squeeze %dma_start3A_290 : memref<1x80xi32, #tpu.memory_space<vmem>> -> memref<80xi32, #tpu.memory_space<vmem>>
    %dma_start3A_292 = arith.constant 0 : i32
    %dma_start3A_293 = arith.constant 0 : i32
    %dma_start3A_294 = tpu.memref_slice %arg2[%dma_start3A_292, %dma_start3A_293] : memref<10000x128xf32, #tpu.memory_space<hbm>> -> memref<10000x128xf32, #tpu.memory_space<hbm>>
    tpu.enqueue_indirect_dma source(%dma_start3A_294 : memref<10000x128xf32, #tpu.memory_space<hbm>>) target(%arg13 : memref<80x128xf32, #tpu.memory_space<vmem>>) offsets(%dma_start3A_291 : memref<80xi32, #tpu.memory_space<vmem>>) semaphore(%arg17 : memref<!tpu.dma_semaphore, #tpu.memory_space<semaphore_mem>>)
    %dma_wait3A_295 = arith.constant 3 : i32
    %dma_wait3A_296 = arith.constant 0 : i32
    %dma_wait3A_297 = tpu.memref_slice %arg8[%dma_wait3A_295, %dma_wait3A_296] : memref<5x80xi32, #tpu.memory_space<vmem>> -> memref<1x80xi32, #tpu.memory_space<vmem>>
    %dma_wait3A_298 = tpu.memref_squeeze %dma_wait3A_297 : memref<1x80xi32, #tpu.memory_space<vmem>> -> memref<80xi32, #tpu.memory_space<vmem>>
    %dma_wait3A_299 = arith.constant 0 : i32
    %dma_wait3A_300 = arith.constant 0 : i32
    %dma_wait3A_301 = tpu.memref_slice %arg2[%dma_wait3A_299, %dma_wait3A_300] : memref<10000x128xf32, #tpu.memory_space<hbm>> -> memref<10000x128xf32, #tpu.memory_space<hbm>>
    tpu.wait_indirect_dma semaphore(%arg17 : memref<!tpu.dma_semaphore, #tpu.memory_space<semaphore_mem>>) src(%dma_wait3A_301 : memref<10000x128xf32, #tpu.memory_space<hbm>>) dst(%arg13 : memref<80x128xf32, #tpu.memory_space<vmem>>)
    %dma_start3A_302 = arith.constant 0 : i32
    %dma_start3A_303 = arith.constant 0 : i32
    %dma_start3A_304 = tpu.memref_slice %arg15[%dma_start3A_302, %dma_start3A_303] : memref<10000x128xf32, #tpu.memory_space<vmem_shared>> -> memref<10000x128xf32, #tpu.memory_space<vmem_shared>>
    tpu.enqueue_indirect_dma source(%arg13 : memref<80x128xf32, #tpu.memory_space<vmem>>) target(%dma_start3A_304 : memref<10000x128xf32, #tpu.memory_space<vmem_shared>>) offsets(%arg11 : memref<80xi32, #tpu.memory_space<vmem>>) semaphore(%arg19 : memref<!tpu.dma_semaphore, #tpu.memory_space<semaphore_mem>>) {add = true}
    %dma_wait3A_305 = arith.constant 0 : i32
    %dma_wait3A_306 = arith.constant 0 : i32
    %dma_wait3A_307 = tpu.memref_slice %arg15[%dma_wait3A_305, %dma_wait3A_306] : memref<10000x128xf32, #tpu.memory_space<vmem_shared>> -> memref<10000x128xf32, #tpu.memory_space<vmem_shared>>
    tpu.wait_indirect_dma semaphore(%arg18 : memref<!tpu.dma_semaphore, #tpu.memory_space<semaphore_mem>>) src(%arg12 : memref<80x128xf32, #tpu.memory_space<vmem>>) dst(%dma_wait3A_307 : memref<10000x128xf32, #tpu.memory_space<vmem_shared>>)
    %get3A_308 = arith.constant 4 : i32
    %get3A_309 = arith.index_cast %get3A_308 : i32 to index
    %get3A_310 = arith.constant 0 : index
    %get3A_311 = tpu.vector_load %arg9[%get3A_309, %get3A_310] {strides = array<i32>} : memref<5x80xi32, #tpu.memory_space<vmem>>, vector<1x16xi32>,
    %get3A_312 = vector.shape_cast %get3A_311 : vector<1x16xi32> to vector<16xi32>
    %swap3A_313 = arith.constant 0 : index
    %swap3A_314 = tpu.vector_load %arg10[%swap3A_313] {strides = array<i32>} : memref<80xi32, #tpu.memory_space<vmem>>, vector<16xi32>,
    %swap3A_315 = vector.shape_cast %swap3A_314 : vector<16xi32> to vector<16xi32>
    %swap3A_316 = vector.shape_cast %get3A_312 : vector<16xi32> to vector<16xi32>
    tpu.vector_store %arg10[%swap3A_313], %swap3A_316 {strides = array<i32>} : memref<80xi32, #tpu.memory_space<vmem>>, vector<16xi32>,
    %get3A_317 = arith.constant 4 : i32
    %get3A_318 = arith.index_cast %get3A_317 : i32 to index
    %get3A_319 = arith.constant 16 : index
    %get3A_320 = tpu.vector_load %arg9[%get3A_318, %get3A_319] {strides = array<i32>} : memref<5x80xi32, #tpu.memory_space<vmem>>, vector<1x16xi32>,
    %get3A_321 = vector.shape_cast %get3A_320 : vector<1x16xi32> to vector<16xi32>
    %swap3A_322 = arith.constant 16 : index
    %swap3A_323 = tpu.vector_load %arg10[%swap3A_322] {strides = array<i32>} : memref<80xi32, #tpu.memory_space<vmem>>, vector<16xi32>,
    %swap3A_324 = vector.shape_cast %swap3A_323 : vector<16xi32> to vector<16xi32>
    %swap3A_325 = vector.shape_cast %get3A_321 : vector<16xi32> to vector<16xi32>
    tpu.vector_store %arg10[%swap3A_322], %swap3A_325 {strides = array<i32>} : memref<80xi32, #tpu.memory_space<vmem>>, vector<16xi32>,
    %get3A_326 = arith.constant 4 : i32
    %get3A_327 = arith.index_cast %get3A_326 : i32 to index
    %get3A_328 = arith.constant 32 : index
    %get3A_329 = tpu.vector_load %arg9[%get3A_327, %get3A_328] {strides = array<i32>} : memref<5x80xi32, #tpu.memory_space<vmem>>, vector<1x16xi32>,
    %get3A_330 = vector.shape_cast %get3A_329 : vector<1x16xi32> to vector<16xi32>
    %swap3A_331 = arith.constant 32 : index
    %swap3A_332 = tpu.vector_load %arg10[%swap3A_331] {strides = array<i32>} : memref<80xi32, #tpu.memory_space<vmem>>, vector<16xi32>,
    %swap3A_333 = vector.shape_cast %swap3A_332 : vector<16xi32> to vector<16xi32>
    %swap3A_334 = vector.shape_cast %get3A_330 : vector<16xi32> to vector<16xi32>
    tpu.vector_store %arg10[%swap3A_331], %swap3A_334 {strides = array<i32>} : memref<80xi32, #tpu.memory_space<vmem>>, vector<16xi32>,
    %get3A_335 = arith.constant 4 : i32
    %get3A_336 = arith.index_cast %get3A_335 : i32 to index
    %get3A_337 = arith.constant 48 : index
    %get3A_338 = tpu.vector_load %arg9[%get3A_336, %get3A_337] {strides = array<i32>} : memref<5x80xi32, #tpu.memory_space<vmem>>, vector<1x16xi32>,
    %get3A_339 = vector.shape_cast %get3A_338 : vector<1x16xi32> to vector<16xi32>
    %swap3A_340 = arith.constant 48 : index
    %swap3A_341 = tpu.vector_load %arg10[%swap3A_340] {strides = array<i32>} : memref<80xi32, #tpu.memory_space<vmem>>, vector<16xi32>,
    %swap3A_342 = vector.shape_cast %swap3A_341 : vector<16xi32> to vector<16xi32>
    %swap3A_343 = vector.shape_cast %get3A_339 : vector<16xi32> to vector<16xi32>
    tpu.vector_store %arg10[%swap3A_340], %swap3A_343 {strides = array<i32>} : memref<80xi32, #tpu.memory_space<vmem>>, vector<16xi32>,
    %get3A_344 = arith.constant 4 : i32
    %get3A_345 = arith.index_cast %get3A_344 : i32 to index
    %get3A_346 = arith.constant 64 : index
    %get3A_347 = tpu.vector_load %arg9[%get3A_345, %get3A_346] {strides = array<i32>} : memref<5x80xi32, #tpu.memory_space<vmem>>, vector<1x16xi32>,
    %get3A_348 = vector.shape_cast %get3A_347 : vector<1x16xi32> to vector<16xi32>
    %swap3A_349 = arith.constant 64 : index
    %swap3A_350 = tpu.vector_load %arg10[%swap3A_349] {strides = array<i32>} : memref<80xi32, #tpu.memory_space<vmem>>, vector<16xi32>,
    %swap3A_351 = vector.shape_cast %swap3A_350 : vector<16xi32> to vector<16xi32>
    %swap3A_352 = vector.shape_cast %get3A_348 : vector<16xi32> to vector<16xi32>
    tpu.vector_store %arg10[%swap3A_349], %swap3A_352 {strides = array<i32>} : memref<80xi32, #tpu.memory_space<vmem>>, vector<16xi32>,
    %dma_start3A_353 = arith.constant 4 : i32
    %dma_start3A_354 = arith.constant 0 : i32
    %dma_start3A_355 = tpu.memref_slice %arg8[%dma_start3A_353, %dma_start3A_354] : memref<5x80xi32, #tpu.memory_space<vmem>> -> memref<1x80xi32, #tpu.memory_space<vmem>>
    %dma_start3A_356 = tpu.memref_squeeze %dma_start3A_355 : memref<1x80xi32, #tpu.memory_space<vmem>> -> memref<80xi32, #tpu.memory_space<vmem>>
    %dma_start3A_357 = arith.constant 0 : i32
    %dma_start3A_358 = arith.constant 0 : i32
    %dma_start3A_359 = tpu.memref_slice %arg2[%dma_start3A_357, %dma_start3A_358] : memref<10000x128xf32, #tpu.memory_space<hbm>> -> memref<10000x128xf32, #tpu.memory_space<hbm>>
    tpu.enqueue_indirect_dma source(%dma_start3A_359 : memref<10000x128xf32, #tpu.memory_space<hbm>>) target(%arg12 : memref<80x128xf32, #tpu.memory_space<vmem>>) offsets(%dma_start3A_356 : memref<80xi32, #tpu.memory_space<vmem>>) semaphore(%arg16 : memref<!tpu.dma_semaphore, #tpu.memory_space<semaphore_mem>>)
    %dma_wait3A_360 = arith.constant 4 : i32
    %dma_wait3A_361 = arith.constant 0 : i32
    %dma_wait3A_362 = tpu.memref_slice %arg8[%dma_wait3A_360, %dma_wait3A_361] : memref<5x80xi32, #tpu.memory_space<vmem>> -> memref<1x80xi32, #tpu.memory_space<vmem>>
    %dma_wait3A_363 = tpu.memref_squeeze %dma_wait3A_362 : memref<1x80xi32, #tpu.memory_space<vmem>> -> memref<80xi32, #tpu.memory_space<vmem>>
    %dma_wait3A_364 = arith.constant 0 : i32
    %dma_wait3A_365 = arith.constant 0 : i32
    %dma_wait3A_366 = tpu.memref_slice %arg2[%dma_wait3A_364, %dma_wait3A_365] : memref<10000x128xf32, #tpu.memory_space<hbm>> -> memref<10000x128xf32, #tpu.memory_space<hbm>>
    tpu.wait_indirect_dma semaphore(%arg16 : memref<!tpu.dma_semaphore, #tpu.memory_space<semaphore_mem>>) src(%dma_wait3A_366 : memref<10000x128xf32, #tpu.memory_space<hbm>>) dst(%arg12 : memref<80x128xf32, #tpu.memory_space<vmem>>)
    %dma_start3A_367 = arith.constant 0 : i32
    %dma_start3A_368 = arith.constant 0 : i32
    %dma_start3A_369 = tpu.memref_slice %arg15[%dma_start3A_367, %dma_start3A_368] : memref<10000x128xf32, #tpu.memory_space<vmem_shared>> -> memref<10000x128xf32, #tpu.memory_space<vmem_shared>>
    tpu.enqueue_indirect_dma source(%arg12 : memref<80x128xf32, #tpu.memory_space<vmem>>) target(%dma_start3A_369 : memref<10000x128xf32, #tpu.memory_space<vmem_shared>>) offsets(%arg10 : memref<80xi32, #tpu.memory_space<vmem>>) semaphore(%arg18 : memref<!tpu.dma_semaphore, #tpu.memory_space<semaphore_mem>>) {add = true}
    %scan3A_370 = arith.constant 0 : i32
    %scan3A_371 = arith.constant 1 : i32
    %scan3A_372 = arith.constant 24 : i32
    %scan3A_373 = arith.addi %scan3A_371, %scan3A_372 : i32
    %scan3A_374 = arith.constant 1 : i32
    scf.for %scan3A_872 = %scan3A_371 to %scan3A_373 step %scan3A_374  : i32 {
      %dma_start3A_873 = arith.constant 0 : i32
      %dma_start3A_874 = arith.constant 0 : i32
      %dma_start3A_875 = tpu.memref_slice %arg3[%add3A, %scan3A_872, %dma_start3A_873, %dma_start3A_874] : memref<32x25x5x80xi32, #tpu.memory_space<hbm>> -> memref<1x1x5x80xi32, #tpu.memory_space<hbm>>
      %dma_start3A_876 = tpu.memref_squeeze %dma_start3A_875 : memref<1x1x5x80xi32, #tpu.memory_space<hbm>> -> memref<5x80xi32, #tpu.memory_space<hbm>>
      %dma_start3A_877 = arith.constant 0 : i32
      %dma_start3A_878 = arith.constant 0 : i32
      %dma_start3A_879 = tpu.memref_slice %arg3[%add3A, %scan3A_872, %dma_start3A_877, %dma_start3A_878] : memref<32x25x5x80xi32, #tpu.memory_space<hbm>> -> memref<1x1x5x80xi32, #tpu.memory_space<hbm>>
      %dma_start3A_880 = tpu.memref_squeeze %dma_start3A_879 : memref<1x1x5x80xi32, #tpu.memory_space<hbm>> -> memref<5x80xi32, #tpu.memory_space<hbm>>
      tpu.enqueue_dma source(%dma_start3A_880 : memref<5x80xi32, #tpu.memory_space<hbm>>) target(%arg8 : memref<5x80xi32, #tpu.memory_space<vmem>>) target_semaphore(%arg20 : memref<!tpu.dma_semaphore, #tpu.memory_space<semaphore_mem>>)
      %dma_start3A_881 = arith.constant 0 : i32
      %dma_start3A_882 = arith.constant 0 : i32
      %dma_start3A_883 = tpu.memref_slice %arg4[%add3A, %scan3A_872, %dma_start3A_881, %dma_start3A_882] : memref<32x25x5x80xi32, #tpu.memory_space<hbm>> -> memref<1x1x5x80xi32, #tpu.memory_space<hbm>>
      %dma_start3A_884 = tpu.memref_squeeze %dma_start3A_883 : memref<1x1x5x80xi32, #tpu.memory_space<hbm>> -> memref<5x80xi32, #tpu.memory_space<hbm>>
      %dma_start3A_885 = arith.constant 0 : i32
      %dma_start3A_886 = arith.constant 0 : i32
      %dma_start3A_887 = tpu.memref_slice %arg4[%add3A, %scan3A_872, %dma_start3A_885, %dma_start3A_886] : memref<32x25x5x80xi32, #tpu.memory_space<hbm>> -> memref<1x1x5x80xi32, #tpu.memory_space<hbm>>
      %dma_start3A_888 = tpu.memref_squeeze %dma_start3A_887 : memref<1x1x5x80xi32, #tpu.memory_space<hbm>> -> memref<5x80xi32, #tpu.memory_space<hbm>>
      tpu.enqueue_dma source(%dma_start3A_888 : memref<5x80xi32, #tpu.memory_space<hbm>>) target(%arg9 : memref<5x80xi32, #tpu.memory_space<vmem>>) target_semaphore(%arg21 : memref<!tpu.dma_semaphore, #tpu.memory_space<semaphore_mem>>)
      %dma_wait3A_889 = arith.constant 0 : i32
      %dma_wait3A_890 = arith.constant 0 : i32
      %dma_wait3A_891 = tpu.memref_slice %arg3[%add3A, %scan3A_872, %dma_wait3A_889, %dma_wait3A_890] : memref<32x25x5x80xi32, #tpu.memory_space<hbm>> -> memref<1x1x5x80xi32, #tpu.memory_space<hbm>>
      %dma_wait3A_892 = tpu.memref_squeeze %dma_wait3A_891 : memref<1x1x5x80xi32, #tpu.memory_space<hbm>> -> memref<5x80xi32, #tpu.memory_space<hbm>>
      %dma_wait3A_893 = arith.constant 0 : i32
      %dma_wait3A_894 = arith.constant 0 : i32
      %dma_wait3A_895 = tpu.memref_slice %arg3[%add3A, %scan3A_872, %dma_wait3A_893, %dma_wait3A_894] : memref<32x25x5x80xi32, #tpu.memory_space<hbm>> -> memref<1x1x5x80xi32, #tpu.memory_space<hbm>>
      %dma_wait3A_896 = tpu.memref_squeeze %dma_wait3A_895 : memref<1x1x5x80xi32, #tpu.memory_space<hbm>> -> memref<5x80xi32, #tpu.memory_space<hbm>>
      tpu.wait_dma2 semaphore(%arg20 : memref<!tpu.dma_semaphore, #tpu.memory_space<semaphore_mem>>) src(%dma_wait3A_896 : memref<5x80xi32, #tpu.memory_space<hbm>>) dst(%arg8 : memref<5x80xi32, #tpu.memory_space<vmem>>)
      %dma_wait3A_897 = arith.constant 0 : i32
      %dma_wait3A_898 = arith.constant 0 : i32
      %dma_wait3A_899 = tpu.memref_slice %arg4[%add3A, %scan3A_872, %dma_wait3A_897, %dma_wait3A_898] : memref<32x25x5x80xi32, #tpu.memory_space<hbm>> -> memref<1x1x5x80xi32, #tpu.memory_space<hbm>>
      %dma_wait3A_900 = tpu.memref_squeeze %dma_wait3A_899 : memref<1x1x5x80xi32, #tpu.memory_space<hbm>> -> memref<5x80xi32, #tpu.memory_space<hbm>>
      %dma_wait3A_901 = arith.constant 0 : i32
      %dma_wait3A_902 = arith.constant 0 : i32
      %dma_wait3A_903 = tpu.memref_slice %arg4[%add3A, %scan3A_872, %dma_wait3A_901, %dma_wait3A_902] : memref<32x25x5x80xi32, #tpu.memory_space<hbm>> -> memref<1x1x5x80xi32, #tpu.memory_space<hbm>>
      %dma_wait3A_904 = tpu.memref_squeeze %dma_wait3A_903 : memref<1x1x5x80xi32, #tpu.memory_space<hbm>> -> memref<5x80xi32, #tpu.memory_space<hbm>>
      tpu.wait_dma2 semaphore(%arg21 : memref<!tpu.dma_semaphore, #tpu.memory_space<semaphore_mem>>) src(%dma_wait3A_904 : memref<5x80xi32, #tpu.memory_space<hbm>>) dst(%arg9 : memref<5x80xi32, #tpu.memory_space<vmem>>)
      %dma_wait3A_905 = arith.constant 0 : i32
      %dma_wait3A_906 = arith.constant 0 : i32
      %dma_wait3A_907 = tpu.memref_slice %arg15[%dma_wait3A_905, %dma_wait3A_906] : memref<10000x128xf32, #tpu.memory_space<vmem_shared>> -> memref<10000x128xf32, #tpu.memory_space<vmem_shared>>
      tpu.wait_indirect_dma semaphore(%arg18 : memref<!tpu.dma_semaphore, #tpu.memory_space<semaphore_mem>>) src(%arg12 : memref<80x128xf32, #tpu.memory_space<vmem>>) dst(%dma_wait3A_907 : memref<10000x128xf32, #tpu.memory_space<vmem_shared>>)
      %get3A_908 = arith.constant 0 : i32
      %get3A_909 = arith.index_cast %get3A_908 : i32 to index
      %get3A_910 = arith.constant 0 : index
      %get3A_911 = tpu.vector_load %arg9[%get3A_909, %get3A_910] {strides = array<i32>} : memref<5x80xi32, #tpu.memory_space<vmem>>, vector<1x16xi32>,
      %get3A_912 = vector.shape_cast %get3A_911 : vector<1x16xi32> to vector<16xi32>
      %swap3A_913 = arith.constant 0 : index
      %swap3A_914 = tpu.vector_load %arg10[%swap3A_913] {strides = array<i32>} : memref<80xi32, #tpu.memory_space<vmem>>, vector<16xi32>,
      %swap3A_915 = vector.shape_cast %swap3A_914 : vector<16xi32> to vector<16xi32>
      %swap3A_916 = vector.shape_cast %get3A_912 : vector<16xi32> to vector<16xi32>
      tpu.vector_store %arg10[%swap3A_913], %swap3A_916 {strides = array<i32>} : memref<80xi32, #tpu.memory_space<vmem>>, vector<16xi32>,
      %get3A_917 = arith.constant 0 : i32
      %get3A_918 = arith.index_cast %get3A_917 : i32 to index
      %get3A_919 = arith.constant 16 : index
      %get3A_920 = tpu.vector_load %arg9[%get3A_918, %get3A_919] {strides = array<i32>} : memref<5x80xi32, #tpu.memory_space<vmem>>, vector<1x16xi32>,
      %get3A_921 = vector.shape_cast %get3A_920 : vector<1x16xi32> to vector<16xi32>
      %swap3A_922 = arith.constant 16 : index
      %swap3A_923 = tpu.vector_load %arg10[%swap3A_922] {strides = array<i32>} : memref<80xi32, #tpu.memory_space<vmem>>, vector<16xi32>,
      %swap3A_924 = vector.shape_cast %swap3A_923 : vector<16xi32> to vector<16xi32>
      %swap3A_925 = vector.shape_cast %get3A_921 : vector<16xi32> to vector<16xi32>
      tpu.vector_store %arg10[%swap3A_922], %swap3A_925 {strides = array<i32>} : memref<80xi32, #tpu.memory_space<vmem>>, vector<16xi32>,
      %get3A_926 = arith.constant 0 : i32
      %get3A_927 = arith.index_cast %get3A_926 : i32 to index
      %get3A_928 = arith.constant 32 : index
      %get3A_929 = tpu.vector_load %arg9[%get3A_927, %get3A_928] {strides = array<i32>} : memref<5x80xi32, #tpu.memory_space<vmem>>, vector<1x16xi32>,
      %get3A_930 = vector.shape_cast %get3A_929 : vector<1x16xi32> to vector<16xi32>
      %swap3A_931 = arith.constant 32 : index
      %swap3A_932 = tpu.vector_load %arg10[%swap3A_931] {strides = array<i32>} : memref<80xi32, #tpu.memory_space<vmem>>, vector<16xi32>,
      %swap3A_933 = vector.shape_cast %swap3A_932 : vector<16xi32> to vector<16xi32>
      %swap3A_934 = vector.shape_cast %get3A_930 : vector<16xi32> to vector<16xi32>
      tpu.vector_store %arg10[%swap3A_931], %swap3A_934 {strides = array<i32>} : memref<80xi32, #tpu.memory_space<vmem>>, vector<16xi32>,
      %get3A_935 = arith.constant 0 : i32
      %get3A_936 = arith.index_cast %get3A_935 : i32 to index
      %get3A_937 = arith.constant 48 : index
      %get3A_938 = tpu.vector_load %arg9[%get3A_936, %get3A_937] {strides = array<i32>} : memref<5x80xi32, #tpu.memory_space<vmem>>, vector<1x16xi32>,
      %get3A_939 = vector.shape_cast %get3A_938 : vector<1x16xi32> to vector<16xi32>
      %swap3A_940 = arith.constant 48 : index
      %swap3A_941 = tpu.vector_load %arg10[%swap3A_940] {strides = array<i32>} : memref<80xi32, #tpu.memory_space<vmem>>, vector<16xi32>,
      %swap3A_942 = vector.shape_cast %swap3A_941 : vector<16xi32> to vector<16xi32>
      %swap3A_943 = vector.shape_cast %get3A_939 : vector<16xi32> to vector<16xi32>
      tpu.vector_store %arg10[%swap3A_940], %swap3A_943 {strides = array<i32>} : memref<80xi32, #tpu.memory_space<vmem>>, vector<16xi32>,
      %get3A_944 = arith.constant 0 : i32
      %get3A_945 = arith.index_cast %get3A_944 : i32 to index
      %get3A_946 = arith.constant 64 : index
      %get3A_947 = tpu.vector_load %arg9[%get3A_945, %get3A_946] {strides = array<i32>} : memref<5x80xi32, #tpu.memory_space<vmem>>, vector<1x16xi32>,
      %get3A_948 = vector.shape_cast %get3A_947 : vector<1x16xi32> to vector<16xi32>
      %swap3A_949 = arith.constant 64 : index
      %swap3A_950 = tpu.vector_load %arg10[%swap3A_949] {strides = array<i32>} : memref<80xi32, #tpu.memory_space<vmem>>, vector<16xi32>,
      %swap3A_951 = vector.shape_cast %swap3A_950 : vector<16xi32> to vector<16xi32>
      %swap3A_952 = vector.shape_cast %get3A_948 : vector<16xi32> to vector<16xi32>
      tpu.vector_store %arg10[%swap3A_949], %swap3A_952 {strides = array<i32>} : memref<80xi32, #tpu.memory_space<vmem>>, vector<16xi32>,
      %dma_start3A_953 = arith.constant 0 : i32
      %dma_start3A_954 = arith.constant 0 : i32
      %dma_start3A_955 = tpu.memref_slice %arg8[%dma_start3A_953, %dma_start3A_954] : memref<5x80xi32, #tpu.memory_space<vmem>> -> memref<1x80xi32, #tpu.memory_space<vmem>>
      %dma_start3A_956 = tpu.memref_squeeze %dma_start3A_955 : memref<1x80xi32, #tpu.memory_space<vmem>> -> memref<80xi32, #tpu.memory_space<vmem>>
      %dma_start3A_957 = arith.constant 0 : i32
      %dma_start3A_958 = arith.constant 0 : i32
      %dma_start3A_959 = tpu.memref_slice %arg2[%dma_start3A_957, %dma_start3A_958] : memref<10000x128xf32, #tpu.memory_space<hbm>> -> memref<10000x128xf32, #tpu.memory_space<hbm>>
      tpu.enqueue_indirect_dma source(%dma_start3A_959 : memref<10000x128xf32, #tpu.memory_space<hbm>>) target(%arg12 : memref<80x128xf32, #tpu.memory_space<vmem>>) offsets(%dma_start3A_956 : memref<80xi32, #tpu.memory_space<vmem>>) semaphore(%arg16 : memref<!tpu.dma_semaphore, #tpu.memory_space<semaphore_mem>>)
      %dma_wait3A_960 = arith.constant 0 : i32
      %dma_wait3A_961 = arith.constant 0 : i32
      %dma_wait3A_962 = tpu.memref_slice %arg8[%dma_wait3A_960, %dma_wait3A_961] : memref<5x80xi32, #tpu.memory_space<vmem>> -> memref<1x80xi32, #tpu.memory_space<vmem>>
      %dma_wait3A_963 = tpu.memref_squeeze %dma_wait3A_962 : memref<1x80xi32, #tpu.memory_space<vmem>> -> memref<80xi32, #tpu.memory_space<vmem>>
      %dma_wait3A_964 = arith.constant 0 : i32
      %dma_wait3A_965 = arith.constant 0 : i32
      %dma_wait3A_966 = tpu.memref_slice %arg2[%dma_wait3A_964, %dma_wait3A_965] : memref<10000x128xf32, #tpu.memory_space<hbm>> -> memref<10000x128xf32, #tpu.memory_space<hbm>>
      tpu.wait_indirect_dma semaphore(%arg16 : memref<!tpu.dma_semaphore, #tpu.memory_space<semaphore_mem>>) src(%dma_wait3A_966 : memref<10000x128xf32, #tpu.memory_space<hbm>>) dst(%arg12 : memref<80x128xf32, #tpu.memory_space<vmem>>)
      %dma_start3A_967 = arith.constant 0 : i32
      %dma_start3A_968 = arith.constant 0 : i32
      %dma_start3A_969 = tpu.memref_slice %arg15[%dma_start3A_967, %dma_start3A_968] : memref<10000x128xf32, #tpu.memory_space<vmem_shared>> -> memref<10000x128xf32, #tpu.memory_space<vmem_shared>>
      tpu.enqueue_indirect_dma source(%arg12 : memref<80x128xf32, #tpu.memory_space<vmem>>) target(%dma_start3A_969 : memref<10000x128xf32, #tpu.memory_space<vmem_shared>>) offsets(%arg10 : memref<80xi32, #tpu.memory_space<vmem>>) semaphore(%arg18 : memref<!tpu.dma_semaphore, #tpu.memory_space<semaphore_mem>>) {add = true}
      %dma_wait3A_970 = arith.constant 0 : i32
      %dma_wait3A_971 = arith.constant 0 : i32
      %dma_wait3A_972 = tpu.memref_slice %arg15[%dma_wait3A_970, %dma_wait3A_971] : memref<10000x128xf32, #tpu.memory_space<vmem_shared>> -> memref<10000x128xf32, #tpu.memory_space<vmem_shared>>
      tpu.wait_indirect_dma semaphore(%arg19 : memref<!tpu.dma_semaphore, #tpu.memory_space<semaphore_mem>>) src(%arg13 : memref<80x128xf32, #tpu.memory_space<vmem>>) dst(%dma_wait3A_972 : memref<10000x128xf32, #tpu.memory_space<vmem_shared>>)
      %get3A_973 = arith.constant 1 : i32
      %get3A_974 = arith.index_cast %get3A_973 : i32 to index
      %get3A_975 = arith.constant 0 : index
      %get3A_976 = tpu.vector_load %arg9[%get3A_974, %get3A_975] {strides = array<i32>} : memref<5x80xi32, #tpu.memory_space<vmem>>, vector<1x16xi32>,
      %get3A_977 = vector.shape_cast %get3A_976 : vector<1x16xi32> to vector<16xi32>
      %swap3A_978 = arith.constant 0 : index
      %swap3A_979 = tpu.vector_load %arg11[%swap3A_978] {strides = array<i32>} : memref<80xi32, #tpu.memory_space<vmem>>, vector<16xi32>,
      %swap3A_980 = vector.shape_cast %swap3A_979 : vector<16xi32> to vector<16xi32>
      %swap3A_981 = vector.shape_cast %get3A_977 : vector<16xi32> to vector<16xi32>
      tpu.vector_store %arg11[%swap3A_978], %swap3A_981 {strides = array<i32>} : memref<80xi32, #tpu.memory_space<vmem>>, vector<16xi32>,
      %get3A_982 = arith.constant 1 : i32
      %get3A_983 = arith.index_cast %get3A_982 : i32 to index
      %get3A_984 = arith.constant 16 : index
      %get3A_985 = tpu.vector_load %arg9[%get3A_983, %get3A_984] {strides = array<i32>} : memref<5x80xi32, #tpu.memory_space<vmem>>, vector<1x16xi32>,
      %get3A_986 = vector.shape_cast %get3A_985 : vector<1x16xi32> to vector<16xi32>
      %swap3A_987 = arith.constant 16 : index
      %swap3A_988 = tpu.vector_load %arg11[%swap3A_987] {strides = array<i32>} : memref<80xi32, #tpu.memory_space<vmem>>, vector<16xi32>,
      %swap3A_989 = vector.shape_cast %swap3A_988 : vector<16xi32> to vector<16xi32>
      %swap3A_990 = vector.shape_cast %get3A_986 : vector<16xi32> to vector<16xi32>
      tpu.vector_store %arg11[%swap3A_987], %swap3A_990 {strides = array<i32>} : memref<80xi32, #tpu.memory_space<vmem>>, vector<16xi32>,
      %get3A_991 = arith.constant 1 : i32
      %get3A_992 = arith.index_cast %get3A_991 : i32 to index
      %get3A_993 = arith.constant 32 : index
      %get3A_994 = tpu.vector_load %arg9[%get3A_992, %get3A_993] {strides = array<i32>} : memref<5x80xi32, #tpu.memory_space<vmem>>, vector<1x16xi32>,
      %get3A_995 = vector.shape_cast %get3A_994 : vector<1x16xi32> to vector<16xi32>
      %swap3A_996 = arith.constant 32 : index
      %swap3A_997 = tpu.vector_load %arg11[%swap3A_996] {strides = array<i32>} : memref<80xi32, #tpu.memory_space<vmem>>, vector<16xi32>,
      %swap3A_998 = vector.shape_cast %swap3A_997 : vector<16xi32> to vector<16xi32>
      %swap3A_999 = vector.shape_cast %get3A_995 : vector<16xi32> to vector<16xi32>
      tpu.vector_store %arg11[%swap3A_996], %swap3A_999 {strides = array<i32>} : memref<80xi32, #tpu.memory_space<vmem>>, vector<16xi32>,
      %get3A_1000 = arith.constant 1 : i32
      %get3A_1001 = arith.index_cast %get3A_1000 : i32 to index
      %get3A_1002 = arith.constant 48 : index
      %get3A_1003 = tpu.vector_load %arg9[%get3A_1001, %get3A_1002] {strides = array<i32>} : memref<5x80xi32, #tpu.memory_space<vmem>>, vector<1x16xi32>,
      %get3A_1004 = vector.shape_cast %get3A_1003 : vector<1x16xi32> to vector<16xi32>
      %swap3A_1005 = arith.constant 48 : index
      %swap3A_1006 = tpu.vector_load %arg11[%swap3A_1005] {strides = array<i32>} : memref<80xi32, #tpu.memory_space<vmem>>, vector<16xi32>,
      %swap3A_1007 = vector.shape_cast %swap3A_1006 : vector<16xi32> to vector<16xi32>
      %swap3A_1008 = vector.shape_cast %get3A_1004 : vector<16xi32> to vector<16xi32>
      tpu.vector_store %arg11[%swap3A_1005], %swap3A_1008 {strides = array<i32>} : memref<80xi32, #tpu.memory_space<vmem>>, vector<16xi32>,
      %get3A_1009 = arith.constant 1 : i32
      %get3A_1010 = arith.index_cast %get3A_1009 : i32 to index
      %get3A_1011 = arith.constant 64 : index
      %get3A_1012 = tpu.vector_load %arg9[%get3A_1010, %get3A_1011] {strides = array<i32>} : memref<5x80xi32, #tpu.memory_space<vmem>>, vector<1x16xi32>,
      %get3A_1013 = vector.shape_cast %get3A_1012 : vector<1x16xi32> to vector<16xi32>
      %swap3A_1014 = arith.constant 64 : index
      %swap3A_1015 = tpu.vector_load %arg11[%swap3A_1014] {strides = array<i32>} : memref<80xi32, #tpu.memory_space<vmem>>, vector<16xi32>,
      %swap3A_1016 = vector.shape_cast %swap3A_1015 : vector<16xi32> to vector<16xi32>
      %swap3A_1017 = vector.shape_cast %get3A_1013 : vector<16xi32> to vector<16xi32>
      tpu.vector_store %arg11[%swap3A_1014], %swap3A_1017 {strides = array<i32>} : memref<80xi32, #tpu.memory_space<vmem>>, vector<16xi32>,
      %dma_start3A_1018 = arith.constant 1 : i32
      %dma_start3A_1019 = arith.constant 0 : i32
      %dma_start3A_1020 = tpu.memref_slice %arg8[%dma_start3A_1018, %dma_start3A_1019] : memref<5x80xi32, #tpu.memory_space<vmem>> -> memref<1x80xi32, #tpu.memory_space<vmem>>
      %dma_start3A_1021 = tpu.memref_squeeze %dma_start3A_1020 : memref<1x80xi32, #tpu.memory_space<vmem>> -> memref<80xi32, #tpu.memory_space<vmem>>
      %dma_start3A_1022 = arith.constant 0 : i32
      %dma_start3A_1023 = arith.constant 0 : i32
      %dma_start3A_1024 = tpu.memref_slice %arg2[%dma_start3A_1022, %dma_start3A_1023] : memref<10000x128xf32, #tpu.memory_space<hbm>> -> memref<10000x128xf32, #tpu.memory_space<hbm>>
      tpu.enqueue_indirect_dma source(%dma_start3A_1024 : memref<10000x128xf32, #tpu.memory_space<hbm>>) target(%arg13 : memref<80x128xf32, #tpu.memory_space<vmem>>) offsets(%dma_start3A_1021 : memref<80xi32, #tpu.memory_space<vmem>>) semaphore(%arg17 : memref<!tpu.dma_semaphore, #tpu.memory_space<semaphore_mem>>)
      %dma_wait3A_1025 = arith.constant 1 : i32
      %dma_wait3A_1026 = arith.constant 0 : i32
      %dma_wait3A_1027 = tpu.memref_slice %arg8[%dma_wait3A_1025, %dma_wait3A_1026] : memref<5x80xi32, #tpu.memory_space<vmem>> -> memref<1x80xi32, #tpu.memory_space<vmem>>
      %dma_wait3A_1028 = tpu.memref_squeeze %dma_wait3A_1027 : memref<1x80xi32, #tpu.memory_space<vmem>> -> memref<80xi32, #tpu.memory_space<vmem>>
      %dma_wait3A_1029 = arith.constant 0 : i32
      %dma_wait3A_1030 = arith.constant 0 : i32
      %dma_wait3A_1031 = tpu.memref_slice %arg2[%dma_wait3A_1029, %dma_wait3A_1030] : memref<10000x128xf32, #tpu.memory_space<hbm>> -> memref<10000x128xf32, #tpu.memory_space<hbm>>
      tpu.wait_indirect_dma semaphore(%arg17 : memref<!tpu.dma_semaphore, #tpu.memory_space<semaphore_mem>>) src(%dma_wait3A_1031 : memref<10000x128xf32, #tpu.memory_space<hbm>>) dst(%arg13 : memref<80x128xf32, #tpu.memory_space<vmem>>)
      %dma_start3A_1032 = arith.constant 0 : i32
      %dma_start3A_1033 = arith.constant 0 : i32
      %dma_start3A_1034 = tpu.memref_slice %arg15[%dma_start3A_1032, %dma_start3A_1033] : memref<10000x128xf32, #tpu.memory_space<vmem_shared>> -> memref<10000x128xf32, #tpu.memory_space<vmem_shared>>
      tpu.enqueue_indirect_dma source(%arg13 : memref<80x128xf32, #tpu.memory_space<vmem>>) target(%dma_start3A_1034 : memref<10000x128xf32, #tpu.memory_space<vmem_shared>>) offsets(%arg11 : memref<80xi32, #tpu.memory_space<vmem>>) semaphore(%arg19 : memref<!tpu.dma_semaphore, #tpu.memory_space<semaphore_mem>>) {add = true}
      %dma_wait3A_1035 = arith.constant 0 : i32
      %dma_wait3A_1036 = arith.constant 0 : i32
      %dma_wait3A_1037 = tpu.memref_slice %arg15[%dma_wait3A_1035, %dma_wait3A_1036] : memref<10000x128xf32, #tpu.memory_space<vmem_shared>> -> memref<10000x128xf32, #tpu.memory_space<vmem_shared>>
      tpu.wait_indirect_dma semaphore(%arg18 : memref<!tpu.dma_semaphore, #tpu.memory_space<semaphore_mem>>) src(%arg12 : memref<80x128xf32, #tpu.memory_space<vmem>>) dst(%dma_wait3A_1037 : memref<10000x128xf32, #tpu.memory_space<vmem_shared>>)
      %get3A_1038 = arith.constant 2 : i32
      %get3A_1039 = arith.index_cast %get3A_1038 : i32 to index
      %get3A_1040 = arith.constant 0 : index
      %get3A_1041 = tpu.vector_load %arg9[%get3A_1039, %get3A_1040] {strides = array<i32>} : memref<5x80xi32, #tpu.memory_space<vmem>>, vector<1x16xi32>,
      %get3A_1042 = vector.shape_cast %get3A_1041 : vector<1x16xi32> to vector<16xi32>
      %swap3A_1043 = arith.constant 0 : index
      %swap3A_1044 = tpu.vector_load %arg10[%swap3A_1043] {strides = array<i32>} : memref<80xi32, #tpu.memory_space<vmem>>, vector<16xi32>,
      %swap3A_1045 = vector.shape_cast %swap3A_1044 : vector<16xi32> to vector<16xi32>
      %swap3A_1046 = vector.shape_cast %get3A_1042 : vector<16xi32> to vector<16xi32>
      tpu.vector_store %arg10[%swap3A_1043], %swap3A_1046 {strides = array<i32>} : memref<80xi32, #tpu.memory_space<vmem>>, vector<16xi32>,
      %get3A_1047 = arith.constant 2 : i32
      %get3A_1048 = arith.index_cast %get3A_1047 : i32 to index
      %get3A_1049 = arith.constant 16 : index
      %get3A_1050 = tpu.vector_load %arg9[%get3A_1048, %get3A_1049] {strides = array<i32>} : memref<5x80xi32, #tpu.memory_space<vmem>>, vector<1x16xi32>,
      %get3A_1051 = vector.shape_cast %get3A_1050 : vector<1x16xi32> to vector<16xi32>
      %swap3A_1052 = arith.constant 16 : index
      %swap3A_1053 = tpu.vector_load %arg10[%swap3A_1052] {strides = array<i32>} : memref<80xi32, #tpu.memory_space<vmem>>, vector<16xi32>,
      %swap3A_1054 = vector.shape_cast %swap3A_1053 : vector<16xi32> to vector<16xi32>
      %swap3A_1055 = vector.shape_cast %get3A_1051 : vector<16xi32> to vector<16xi32>
      tpu.vector_store %arg10[%swap3A_1052], %swap3A_1055 {strides = array<i32>} : memref<80xi32, #tpu.memory_space<vmem>>, vector<16xi32>,
      %get3A_1056 = arith.constant 2 : i32
      %get3A_1057 = arith.index_cast %get3A_1056 : i32 to index
      %get3A_1058 = arith.constant 32 : index
      %get3A_1059 = tpu.vector_load %arg9[%get3A_1057, %get3A_1058] {strides = array<i32>} : memref<5x80xi32, #tpu.memory_space<vmem>>, vector<1x16xi32>,
      %get3A_1060 = vector.shape_cast %get3A_1059 : vector<1x16xi32> to vector<16xi32>
      %swap3A_1061 = arith.constant 32 : index
      %swap3A_1062 = tpu.vector_load %arg10[%swap3A_1061] {strides = array<i32>} : memref<80xi32, #tpu.memory_space<vmem>>, vector<16xi32>,
      %swap3A_1063 = vector.shape_cast %swap3A_1062 : vector<16xi32> to vector<16xi32>
      %swap3A_1064 = vector.shape_cast %get3A_1060 : vector<16xi32> to vector<16xi32>
      tpu.vector_store %arg10[%swap3A_1061], %swap3A_1064 {strides = array<i32>} : memref<80xi32, #tpu.memory_space<vmem>>, vector<16xi32>,
      %get3A_1065 = arith.constant 2 : i32
      %get3A_1066 = arith.index_cast %get3A_1065 : i32 to index
      %get3A_1067 = arith.constant 48 : index
      %get3A_1068 = tpu.vector_load %arg9[%get3A_1066, %get3A_1067] {strides = array<i32>} : memref<5x80xi32, #tpu.memory_space<vmem>>, vector<1x16xi32>,
      %get3A_1069 = vector.shape_cast %get3A_1068 : vector<1x16xi32> to vector<16xi32>
      %swap3A_1070 = arith.constant 48 : index
      %swap3A_1071 = tpu.vector_load %arg10[%swap3A_1070] {strides = array<i32>} : memref<80xi32, #tpu.memory_space<vmem>>, vector<16xi32>,
      %swap3A_1072 = vector.shape_cast %swap3A_1071 : vector<16xi32> to vector<16xi32>
      %swap3A_1073 = vector.shape_cast %get3A_1069 : vector<16xi32> to vector<16xi32>
      tpu.vector_store %arg10[%swap3A_1070], %swap3A_1073 {strides = array<i32>} : memref<80xi32, #tpu.memory_space<vmem>>, vector<16xi32>,
      %get3A_1074 = arith.constant 2 : i32
      %get3A_1075 = arith.index_cast %get3A_1074 : i32 to index
      %get3A_1076 = arith.constant 64 : index
      %get3A_1077 = tpu.vector_load %arg9[%get3A_1075, %get3A_1076] {strides = array<i32>} : memref<5x80xi32, #tpu.memory_space<vmem>>, vector<1x16xi32>,
      %get3A_1078 = vector.shape_cast %get3A_1077 : vector<1x16xi32> to vector<16xi32>
      %swap3A_1079 = arith.constant 64 : index
      %swap3A_1080 = tpu.vector_load %arg10[%swap3A_1079] {strides = array<i32>} : memref<80xi32, #tpu.memory_space<vmem>>, vector<16xi32>,
      %swap3A_1081 = vector.shape_cast %swap3A_1080 : vector<16xi32> to vector<16xi32>
      %swap3A_1082 = vector.shape_cast %get3A_1078 : vector<16xi32> to vector<16xi32>
      tpu.vector_store %arg10[%swap3A_1079], %swap3A_1082 {strides = array<i32>} : memref<80xi32, #tpu.memory_space<vmem>>, vector<16xi32>,
      %dma_start3A_1083 = arith.constant 2 : i32
      %dma_start3A_1084 = arith.constant 0 : i32
      %dma_start3A_1085 = tpu.memref_slice %arg8[%dma_start3A_1083, %dma_start3A_1084] : memref<5x80xi32, #tpu.memory_space<vmem>> -> memref<1x80xi32, #tpu.memory_space<vmem>>
      %dma_start3A_1086 = tpu.memref_squeeze %dma_start3A_1085 : memref<1x80xi32, #tpu.memory_space<vmem>> -> memref<80xi32, #tpu.memory_space<vmem>>
      %dma_start3A_1087 = arith.constant 0 : i32
      %dma_start3A_1088 = arith.constant 0 : i32
      %dma_start3A_1089 = tpu.memref_slice %arg2[%dma_start3A_1087, %dma_start3A_1088] : memref<10000x128xf32, #tpu.memory_space<hbm>> -> memref<10000x128xf32, #tpu.memory_space<hbm>>
      tpu.enqueue_indirect_dma source(%dma_start3A_1089 : memref<10000x128xf32, #tpu.memory_space<hbm>>) target(%arg12 : memref<80x128xf32, #tpu.memory_space<vmem>>) offsets(%dma_start3A_1086 : memref<80xi32, #tpu.memory_space<vmem>>) semaphore(%arg16 : memref<!tpu.dma_semaphore, #tpu.memory_space<semaphore_mem>>)
      %dma_wait3A_1090 = arith.constant 2 : i32
      %dma_wait3A_1091 = arith.constant 0 : i32
      %dma_wait3A_1092 = tpu.memref_slice %arg8[%dma_wait3A_1090, %dma_wait3A_1091] : memref<5x80xi32, #tpu.memory_space<vmem>> -> memref<1x80xi32, #tpu.memory_space<vmem>>
      %dma_wait3A_1093 = tpu.memref_squeeze %dma_wait3A_1092 : memref<1x80xi32, #tpu.memory_space<vmem>> -> memref<80xi32, #tpu.memory_space<vmem>>
      %dma_wait3A_1094 = arith.constant 0 : i32
      %dma_wait3A_1095 = arith.constant 0 : i32
      %dma_wait3A_1096 = tpu.memref_slice %arg2[%dma_wait3A_1094, %dma_wait3A_1095] : memref<10000x128xf32, #tpu.memory_space<hbm>> -> memref<10000x128xf32, #tpu.memory_space<hbm>>
      tpu.wait_indirect_dma semaphore(%arg16 : memref<!tpu.dma_semaphore, #tpu.memory_space<semaphore_mem>>) src(%dma_wait3A_1096 : memref<10000x128xf32, #tpu.memory_space<hbm>>) dst(%arg12 : memref<80x128xf32, #tpu.memory_space<vmem>>)
      %dma_start3A_1097 = arith.constant 0 : i32
      %dma_start3A_1098 = arith.constant 0 : i32
      %dma_start3A_1099 = tpu.memref_slice %arg15[%dma_start3A_1097, %dma_start3A_1098] : memref<10000x128xf32, #tpu.memory_space<vmem_shared>> -> memref<10000x128xf32, #tpu.memory_space<vmem_shared>>
      tpu.enqueue_indirect_dma source(%arg12 : memref<80x128xf32, #tpu.memory_space<vmem>>) target(%dma_start3A_1099 : memref<10000x128xf32, #tpu.memory_space<vmem_shared>>) offsets(%arg10 : memref<80xi32, #tpu.memory_space<vmem>>) semaphore(%arg18 : memref<!tpu.dma_semaphore, #tpu.memory_space<semaphore_mem>>) {add = true}
      %dma_wait3A_1100 = arith.constant 0 : i32
      %dma_wait3A_1101 = arith.constant 0 : i32
      %dma_wait3A_1102 = tpu.memref_slice %arg15[%dma_wait3A_1100, %dma_wait3A_1101] : memref<10000x128xf32, #tpu.memory_space<vmem_shared>> -> memref<10000x128xf32, #tpu.memory_space<vmem_shared>>
      tpu.wait_indirect_dma semaphore(%arg19 : memref<!tpu.dma_semaphore, #tpu.memory_space<semaphore_mem>>) src(%arg13 : memref<80x128xf32, #tpu.memory_space<vmem>>) dst(%dma_wait3A_1102 : memref<10000x128xf32, #tpu.memory_space<vmem_shared>>)
      %get3A_1103 = arith.constant 3 : i32
      %get3A_1104 = arith.index_cast %get3A_1103 : i32 to index
      %get3A_1105 = arith.constant 0 : index
      %get3A_1106 = tpu.vector_load %arg9[%get3A_1104, %get3A_1105] {strides = array<i32>} : memref<5x80xi32, #tpu.memory_space<vmem>>, vector<1x16xi32>,
      %get3A_1107 = vector.shape_cast %get3A_1106 : vector<1x16xi32> to vector<16xi32>
      %swap3A_1108 = arith.constant 0 : index
      %swap3A_1109 = tpu.vector_load %arg11[%swap3A_1108] {strides = array<i32>} : memref<80xi32, #tpu.memory_space<vmem>>, vector<16xi32>,
      %swap3A_1110 = vector.shape_cast %swap3A_1109 : vector<16xi32> to vector<16xi32>
      %swap3A_1111 = vector.shape_cast %get3A_1107 : vector<16xi32> to vector<16xi32>
      tpu.vector_store %arg11[%swap3A_1108], %swap3A_1111 {strides = array<i32>} : memref<80xi32, #tpu.memory_space<vmem>>, vector<16xi32>,
      %get3A_1112 = arith.constant 3 : i32
      %get3A_1113 = arith.index_cast %get3A_1112 : i32 to index
      %get3A_1114 = arith.constant 16 : index
      %get3A_1115 = tpu.vector_load %arg9[%get3A_1113, %get3A_1114] {strides = array<i32>} : memref<5x80xi32, #tpu.memory_space<vmem>>, vector<1x16xi32>,
      %get3A_1116 = vector.shape_cast %get3A_1115 : vector<1x16xi32> to vector<16xi32>
      %swap3A_1117 = arith.constant 16 : index
      %swap3A_1118 = tpu.vector_load %arg11[%swap3A_1117] {strides = array<i32>} : memref<80xi32, #tpu.memory_space<vmem>>, vector<16xi32>,
      %swap3A_1119 = vector.shape_cast %swap3A_1118 : vector<16xi32> to vector<16xi32>
      %swap3A_1120 = vector.shape_cast %get3A_1116 : vector<16xi32> to vector<16xi32>
      tpu.vector_store %arg11[%swap3A_1117], %swap3A_1120 {strides = array<i32>} : memref<80xi32, #tpu.memory_space<vmem>>, vector<16xi32>,
      %get3A_1121 = arith.constant 3 : i32
      %get3A_1122 = arith.index_cast %get3A_1121 : i32 to index
      %get3A_1123 = arith.constant 32 : index
      %get3A_1124 = tpu.vector_load %arg9[%get3A_1122, %get3A_1123] {strides = array<i32>} : memref<5x80xi32, #tpu.memory_space<vmem>>, vector<1x16xi32>,
      %get3A_1125 = vector.shape_cast %get3A_1124 : vector<1x16xi32> to vector<16xi32>
      %swap3A_1126 = arith.constant 32 : index
      %swap3A_1127 = tpu.vector_load %arg11[%swap3A_1126] {strides = array<i32>} : memref<80xi32, #tpu.memory_space<vmem>>, vector<16xi32>,
      %swap3A_1128 = vector.shape_cast %swap3A_1127 : vector<16xi32> to vector<16xi32>
      %swap3A_1129 = vector.shape_cast %get3A_1125 : vector<16xi32> to vector<16xi32>
      tpu.vector_store %arg11[%swap3A_1126], %swap3A_1129 {strides = array<i32>} : memref<80xi32, #tpu.memory_space<vmem>>, vector<16xi32>,
      %get3A_1130 = arith.constant 3 : i32
      %get3A_1131 = arith.index_cast %get3A_1130 : i32 to index
      %get3A_1132 = arith.constant 48 : index
      %get3A_1133 = tpu.vector_load %arg9[%get3A_1131, %get3A_1132] {strides = array<i32>} : memref<5x80xi32, #tpu.memory_space<vmem>>, vector<1x16xi32>,
      %get3A_1134 = vector.shape_cast %get3A_1133 : vector<1x16xi32> to vector<16xi32>
      %swap3A_1135 = arith.constant 48 : index
      %swap3A_1136 = tpu.vector_load %arg11[%swap3A_1135] {strides = array<i32>} : memref<80xi32, #tpu.memory_space<vmem>>, vector<16xi32>,
      %swap3A_1137 = vector.shape_cast %swap3A_1136 : vector<16xi32> to vector<16xi32>
      %swap3A_1138 = vector.shape_cast %get3A_1134 : vector<16xi32> to vector<16xi32>
      tpu.vector_store %arg11[%swap3A_1135], %swap3A_1138 {strides = array<i32>} : memref<80xi32, #tpu.memory_space<vmem>>, vector<16xi32>,
      %get3A_1139 = arith.constant 3 : i32
      %get3A_1140 = arith.index_cast %get3A_1139 : i32 to index
      %get3A_1141 = arith.constant 64 : index
      %get3A_1142 = tpu.vector_load %arg9[%get3A_1140, %get3A_1141] {strides = array<i32>} : memref<5x80xi32, #tpu.memory_space<vmem>>, vector<1x16xi32>,
      %get3A_1143 = vector.shape_cast %get3A_1142 : vector<1x16xi32> to vector<16xi32>
      %swap3A_1144 = arith.constant 64 : index
      %swap3A_1145 = tpu.vector_load %arg11[%swap3A_1144] {strides = array<i32>} : memref<80xi32, #tpu.memory_space<vmem>>, vector<16xi32>,
      %swap3A_1146 = vector.shape_cast %swap3A_1145 : vector<16xi32> to vector<16xi32>
      %swap3A_1147 = vector.shape_cast %get3A_1143 : vector<16xi32> to vector<16xi32>
      tpu.vector_store %arg11[%swap3A_1144], %swap3A_1147 {strides = array<i32>} : memref<80xi32, #tpu.memory_space<vmem>>, vector<16xi32>,
      %dma_start3A_1148 = arith.constant 3 : i32
      %dma_start3A_1149 = arith.constant 0 : i32
      %dma_start3A_1150 = tpu.memref_slice %arg8[%dma_start3A_1148, %dma_start3A_1149] : memref<5x80xi32, #tpu.memory_space<vmem>> -> memref<1x80xi32, #tpu.memory_space<vmem>>
      %dma_start3A_1151 = tpu.memref_squeeze %dma_start3A_1150 : memref<1x80xi32, #tpu.memory_space<vmem>> -> memref<80xi32, #tpu.memory_space<vmem>>
      %dma_start3A_1152 = arith.constant 0 : i32
      %dma_start3A_1153 = arith.constant 0 : i32
      %dma_start3A_1154 = tpu.memref_slice %arg2[%dma_start3A_1152, %dma_start3A_1153] : memref<10000x128xf32, #tpu.memory_space<hbm>> -> memref<10000x128xf32, #tpu.memory_space<hbm>>
      tpu.enqueue_indirect_dma source(%dma_start3A_1154 : memref<10000x128xf32, #tpu.memory_space<hbm>>) target(%arg13 : memref<80x128xf32, #tpu.memory_space<vmem>>) offsets(%dma_start3A_1151 : memref<80xi32, #tpu.memory_space<vmem>>) semaphore(%arg17 : memref<!tpu.dma_semaphore, #tpu.memory_space<semaphore_mem>>)
      %dma_wait3A_1155 = arith.constant 3 : i32
      %dma_wait3A_1156 = arith.constant 0 : i32
      %dma_wait3A_1157 = tpu.memref_slice %arg8[%dma_wait3A_1155, %dma_wait3A_1156] : memref<5x80xi32, #tpu.memory_space<vmem>> -> memref<1x80xi32, #tpu.memory_space<vmem>>
      %dma_wait3A_1158 = tpu.memref_squeeze %dma_wait3A_1157 : memref<1x80xi32, #tpu.memory_space<vmem>> -> memref<80xi32, #tpu.memory_space<vmem>>
      %dma_wait3A_1159 = arith.constant 0 : i32
      %dma_wait3A_1160 = arith.constant 0 : i32
      %dma_wait3A_1161 = tpu.memref_slice %arg2[%dma_wait3A_1159, %dma_wait3A_1160] : memref<10000x128xf32, #tpu.memory_space<hbm>> -> memref<10000x128xf32, #tpu.memory_space<hbm>>
      tpu.wait_indirect_dma semaphore(%arg17 : memref<!tpu.dma_semaphore, #tpu.memory_space<semaphore_mem>>) src(%dma_wait3A_1161 : memref<10000x128xf32, #tpu.memory_space<hbm>>) dst(%arg13 : memref<80x128xf32, #tpu.memory_space<vmem>>)
      %dma_start3A_1162 = arith.constant 0 : i32
      %dma_start3A_1163 = arith.constant 0 : i32
      %dma_start3A_1164 = tpu.memref_slice %arg15[%dma_start3A_1162, %dma_start3A_1163] : memref<10000x128xf32, #tpu.memory_space<vmem_shared>> -> memref<10000x128xf32, #tpu.memory_space<vmem_shared>>
      tpu.enqueue_indirect_dma source(%arg13 : memref<80x128xf32, #tpu.memory_space<vmem>>) target(%dma_start3A_1164 : memref<10000x128xf32, #tpu.memory_space<vmem_shared>>) offsets(%arg11 : memref<80xi32, #tpu.memory_space<vmem>>) semaphore(%arg19 : memref<!tpu.dma_semaphore, #tpu.memory_space<semaphore_mem>>) {add = true}
      %dma_wait3A_1165 = arith.constant 0 : i32
      %dma_wait3A_1166 = arith.constant 0 : i32
      %dma_wait3A_1167 = tpu.memref_slice %arg15[%dma_wait3A_1165, %dma_wait3A_1166] : memref<10000x128xf32, #tpu.memory_space<vmem_shared>> -> memref<10000x128xf32, #tpu.memory_space<vmem_shared>>
      tpu.wait_indirect_dma semaphore(%arg18 : memref<!tpu.dma_semaphore, #tpu.memory_space<semaphore_mem>>) src(%arg12 : memref<80x128xf32, #tpu.memory_space<vmem>>) dst(%dma_wait3A_1167 : memref<10000x128xf32, #tpu.memory_space<vmem_shared>>)
      %get3A_1168 = arith.constant 4 : i32
      %get3A_1169 = arith.index_cast %get3A_1168 : i32 to index
      %get3A_1170 = arith.constant 0 : index
      %get3A_1171 = tpu.vector_load %arg9[%get3A_1169, %get3A_1170] {strides = array<i32>} : memref<5x80xi32, #tpu.memory_space<vmem>>, vector<1x16xi32>,
      %get3A_1172 = vector.shape_cast %get3A_1171 : vector<1x16xi32> to vector<16xi32>
      %swap3A_1173 = arith.constant 0 : index
      %swap3A_1174 = tpu.vector_load %arg10[%swap3A_1173] {strides = array<i32>} : memref<80xi32, #tpu.memory_space<vmem>>, vector<16xi32>,
      %swap3A_1175 = vector.shape_cast %swap3A_1174 : vector<16xi32> to vector<16xi32>
      %swap3A_1176 = vector.shape_cast %get3A_1172 : vector<16xi32> to vector<16xi32>
      tpu.vector_store %arg10[%swap3A_1173], %swap3A_1176 {strides = array<i32>} : memref<80xi32, #tpu.memory_space<vmem>>, vector<16xi32>,
      %get3A_1177 = arith.constant 4 : i32
      %get3A_1178 = arith.index_cast %get3A_1177 : i32 to index
      %get3A_1179 = arith.constant 16 : index
      %get3A_1180 = tpu.vector_load %arg9[%get3A_1178, %get3A_1179] {strides = array<i32>} : memref<5x80xi32, #tpu.memory_space<vmem>>, vector<1x16xi32>,
      %get3A_1181 = vector.shape_cast %get3A_1180 : vector<1x16xi32> to vector<16xi32>
      %swap3A_1182 = arith.constant 16 : index
      %swap3A_1183 = tpu.vector_load %arg10[%swap3A_1182] {strides = array<i32>} : memref<80xi32, #tpu.memory_space<vmem>>, vector<16xi32>,
      %swap3A_1184 = vector.shape_cast %swap3A_1183 : vector<16xi32> to vector<16xi32>
      %swap3A_1185 = vector.shape_cast %get3A_1181 : vector<16xi32> to vector<16xi32>
      tpu.vector_store %arg10[%swap3A_1182], %swap3A_1185 {strides = array<i32>} : memref<80xi32, #tpu.memory_space<vmem>>, vector<16xi32>,
      %get3A_1186 = arith.constant 4 : i32
      %get3A_1187 = arith.index_cast %get3A_1186 : i32 to index
      %get3A_1188 = arith.constant 32 : index
      %get3A_1189 = tpu.vector_load %arg9[%get3A_1187, %get3A_1188] {strides = array<i32>} : memref<5x80xi32, #tpu.memory_space<vmem>>, vector<1x16xi32>,
      %get3A_1190 = vector.shape_cast %get3A_1189 : vector<1x16xi32> to vector<16xi32>
      %swap3A_1191 = arith.constant 32 : index
      %swap3A_1192 = tpu.vector_load %arg10[%swap3A_1191] {strides = array<i32>} : memref<80xi32, #tpu.memory_space<vmem>>, vector<16xi32>,
      %swap3A_1193 = vector.shape_cast %swap3A_1192 : vector<16xi32> to vector<16xi32>
      %swap3A_1194 = vector.shape_cast %get3A_1190 : vector<16xi32> to vector<16xi32>
      tpu.vector_store %arg10[%swap3A_1191], %swap3A_1194 {strides = array<i32>} : memref<80xi32, #tpu.memory_space<vmem>>, vector<16xi32>,
      %get3A_1195 = arith.constant 4 : i32
      %get3A_1196 = arith.index_cast %get3A_1195 : i32 to index
      %get3A_1197 = arith.constant 48 : index
      %get3A_1198 = tpu.vector_load %arg9[%get3A_1196, %get3A_1197] {strides = array<i32>} : memref<5x80xi32, #tpu.memory_space<vmem>>, vector<1x16xi32>,
      %get3A_1199 = vector.shape_cast %get3A_1198 : vector<1x16xi32> to vector<16xi32>
      %swap3A_1200 = arith.constant 48 : index
      %swap3A_1201 = tpu.vector_load %arg10[%swap3A_1200] {strides = array<i32>} : memref<80xi32, #tpu.memory_space<vmem>>, vector<16xi32>,
      %swap3A_1202 = vector.shape_cast %swap3A_1201 : vector<16xi32> to vector<16xi32>
      %swap3A_1203 = vector.shape_cast %get3A_1199 : vector<16xi32> to vector<16xi32>
      tpu.vector_store %arg10[%swap3A_1200], %swap3A_1203 {strides = array<i32>} : memref<80xi32, #tpu.memory_space<vmem>>, vector<16xi32>,
      %get3A_1204 = arith.constant 4 : i32
      %get3A_1205 = arith.index_cast %get3A_1204 : i32 to index
      %get3A_1206 = arith.constant 64 : index
      %get3A_1207 = tpu.vector_load %arg9[%get3A_1205, %get3A_1206] {strides = array<i32>} : memref<5x80xi32, #tpu.memory_space<vmem>>, vector<1x16xi32>,
      %get3A_1208 = vector.shape_cast %get3A_1207 : vector<1x16xi32> to vector<16xi32>
      %swap3A_1209 = arith.constant 64 : index
      %swap3A_1210 = tpu.vector_load %arg10[%swap3A_1209] {strides = array<i32>} : memref<80xi32, #tpu.memory_space<vmem>>, vector<16xi32>,
      %swap3A_1211 = vector.shape_cast %swap3A_1210 : vector<16xi32> to vector<16xi32>
      %swap3A_1212 = vector.shape_cast %get3A_1208 : vector<16xi32> to vector<16xi32>
      tpu.vector_store %arg10[%swap3A_1209], %swap3A_1212 {strides = array<i32>} : memref<80xi32, #tpu.memory_space<vmem>>, vector<16xi32>,
      %dma_start3A_1213 = arith.constant 4 : i32
      %dma_start3A_1214 = arith.constant 0 : i32
      %dma_start3A_1215 = tpu.memref_slice %arg8[%dma_start3A_1213, %dma_start3A_1214] : memref<5x80xi32, #tpu.memory_space<vmem>> -> memref<1x80xi32, #tpu.memory_space<vmem>>
      %dma_start3A_1216 = tpu.memref_squeeze %dma_start3A_1215 : memref<1x80xi32, #tpu.memory_space<vmem>> -> memref<80xi32, #tpu.memory_space<vmem>>
      %dma_start3A_1217 = arith.constant 0 : i32
      %dma_start3A_1218 = arith.constant 0 : i32
      %dma_start3A_1219 = tpu.memref_slice %arg2[%dma_start3A_1217, %dma_start3A_1218] : memref<10000x128xf32, #tpu.memory_space<hbm>> -> memref<10000x128xf32, #tpu.memory_space<hbm>>
      tpu.enqueue_indirect_dma source(%dma_start3A_1219 : memref<10000x128xf32, #tpu.memory_space<hbm>>) target(%arg12 : memref<80x128xf32, #tpu.memory_space<vmem>>) offsets(%dma_start3A_1216 : memref<80xi32, #tpu.memory_space<vmem>>) semaphore(%arg16 : memref<!tpu.dma_semaphore, #tpu.memory_space<semaphore_mem>>)
      %dma_wait3A_1220 = arith.constant 4 : i32
      %dma_wait3A_1221 = arith.constant 0 : i32
      %dma_wait3A_1222 = tpu.memref_slice %arg8[%dma_wait3A_1220, %dma_wait3A_1221] : memref<5x80xi32, #tpu.memory_space<vmem>> -> memref<1x80xi32, #tpu.memory_space<vmem>>
      %dma_wait3A_1223 = tpu.memref_squeeze %dma_wait3A_1222 : memref<1x80xi32, #tpu.memory_space<vmem>> -> memref<80xi32, #tpu.memory_space<vmem>>
      %dma_wait3A_1224 = arith.constant 0 : i32
      %dma_wait3A_1225 = arith.constant 0 : i32
      %dma_wait3A_1226 = tpu.memref_slice %arg2[%dma_wait3A_1224, %dma_wait3A_1225] : memref<10000x128xf32, #tpu.memory_space<hbm>> -> memref<10000x128xf32, #tpu.memory_space<hbm>>
      tpu.wait_indirect_dma semaphore(%arg16 : memref<!tpu.dma_semaphore, #tpu.memory_space<semaphore_mem>>) src(%dma_wait3A_1226 : memref<10000x128xf32, #tpu.memory_space<hbm>>) dst(%arg12 : memref<80x128xf32, #tpu.memory_space<vmem>>)
      %dma_start3A_1227 = arith.constant 0 : i32
      %dma_start3A_1228 = arith.constant 0 : i32
      %dma_start3A_1229 = tpu.memref_slice %arg15[%dma_start3A_1227, %dma_start3A_1228] : memref<10000x128xf32, #tpu.memory_space<vmem_shared>> -> memref<10000x128xf32, #tpu.memory_space<vmem_shared>>
      tpu.enqueue_indirect_dma source(%arg12 : memref<80x128xf32, #tpu.memory_space<vmem>>) target(%dma_start3A_1229 : memref<10000x128xf32, #tpu.memory_space<vmem_shared>>) offsets(%arg10 : memref<80xi32, #tpu.memory_space<vmem>>) semaphore(%arg18 : memref<!tpu.dma_semaphore, #tpu.memory_space<semaphore_mem>>) {add = true}
    }
    %scan3A_375 = arith.constant 24 : i32
    %dma_wait3A_376 = arith.constant 0 : i32
    %dma_wait3A_377 = arith.constant 0 : i32
    %dma_wait3A_378 = tpu.memref_slice %arg15[%dma_wait3A_376, %dma_wait3A_377] : memref<10000x128xf32, #tpu.memory_space<vmem_shared>> -> memref<10000x128xf32, #tpu.memory_space<vmem_shared>>
    tpu.wait_indirect_dma semaphore(%arg18 : memref<!tpu.dma_semaphore, #tpu.memory_space<semaphore_mem>>) src(%arg12 : memref<80x128xf32, #tpu.memory_space<vmem>>) dst(%dma_wait3A_378 : memref<10000x128xf32, #tpu.memory_space<vmem_shared>>)
    %dma_wait3A_379 = arith.constant 0 : i32
    %dma_wait3A_380 = arith.constant 0 : i32
    %dma_wait3A_381 = tpu.memref_slice %arg15[%dma_wait3A_379, %dma_wait3A_380] : memref<10000x128xf32, #tpu.memory_space<vmem_shared>> -> memref<10000x128xf32, #tpu.memory_space<vmem_shared>>
    tpu.wait_indirect_dma semaphore(%arg19 : memref<!tpu.dma_semaphore, #tpu.memory_space<semaphore_mem>>) src(%arg13 : memref<80x128xf32, #tpu.memory_space<vmem>>) dst(%dma_wait3A_381 : memref<10000x128xf32, #tpu.memory_space<vmem_shared>>)
    %barrier3A_382 = arith.constant 0 : index
    tpu.barrier barrier_id(%barrier3A_382)
    %add3A_383 = arith.constant 0 : i32
    %add3A_384 = arith.addi %arg1, %add3A_383 : i32
    %lt3A = arith.constant 125 : i32
    %lt3A_385 = arith.cmpi slt, %add3A_384, %lt3A : i32
    %convert_element_type3A = arith.extui %lt3A_385 : i1 to i32
    %cond3A = arith.constant 0 : i32
    %cond3A_386 = arith.cmpi ne, %convert_element_type3A, %cond3A : i32
    scf.if %cond3A_386 {
      %mul3A_872 = arith.constant 80 : i32
      %mul3A_873 = arith.muli %add3A_384, %mul3A_872 : i32
      %dma_start3A_874 = arith.constant 0 : i32
      %dma_start3A_875 = tpu.memref_slice %arg15[%mul3A_873, %dma_start3A_874] : memref<10000x128xf32, #tpu.memory_space<vmem_shared>> -> memref<80x128xf32, #tpu.memory_space<vmem_shared>>
      %dma_start3A_876 = arith.constant 0 : i32
      %dma_start3A_877 = tpu.memref_slice %arg15[%mul3A_873, %dma_start3A_876] : memref<10000x128xf32, #tpu.memory_space<vmem_shared>> -> memref<80x128xf32, #tpu.memory_space<vmem_shared>>
      tpu.enqueue_dma source(%dma_start3A_877 : memref<80x128xf32, #tpu.memory_space<vmem_shared>>) target(%arg12 : memref<80x128xf32, #tpu.memory_space<vmem>>) target_semaphore(%arg16 : memref<!tpu.dma_semaphore, #tpu.memory_space<semaphore_mem>>)
      %dma_wait3A_878 = arith.constant 0 : i32
      %dma_wait3A_879 = tpu.memref_slice %arg15[%mul3A_873, %dma_wait3A_878] : memref<10000x128xf32, #tpu.memory_space<vmem_shared>> -> memref<80x128xf32, #tpu.memory_space<vmem_shared>>
      %dma_wait3A_880 = arith.constant 0 : i32
      %dma_wait3A_881 = tpu.memref_slice %arg15[%mul3A_873, %dma_wait3A_880] : memref<10000x128xf32, #tpu.memory_space<vmem_shared>> -> memref<80x128xf32, #tpu.memory_space<vmem_shared>>
      tpu.wait_dma2 semaphore(%arg16 : memref<!tpu.dma_semaphore, #tpu.memory_space<semaphore_mem>>) src(%dma_wait3A_881 : memref<80x128xf32, #tpu.memory_space<vmem_shared>>) dst(%arg12 : memref<80x128xf32, #tpu.memory_space<vmem>>)
      %dma_start3A_882 = arith.constant 0 : i32
      %dma_start3A_883 = tpu.memref_slice %arg6[%arg0, %mul3A_873, %dma_start3A_882] : memref<2x10000x128xf32, #tpu.memory_space<hbm>> -> memref<1x80x128xf32, #tpu.memory_space<hbm>>
      %dma_start3A_884 = tpu.memref_squeeze %dma_start3A_883 : memref<1x80x128xf32, #tpu.memory_space<hbm>> -> memref<80x128xf32, #tpu.memory_space<hbm>>
      %dma_start3A_885 = arith.constant 0 : i32
      %dma_start3A_886 = tpu.memref_slice %arg6[%arg0, %mul3A_873, %dma_start3A_885] : memref<2x10000x128xf32, #tpu.memory_space<hbm>> -> memref<1x80x128xf32, #tpu.memory_space<hbm>>
      %dma_start3A_887 = tpu.memref_squeeze %dma_start3A_886 : memref<1x80x128xf32, #tpu.memory_space<hbm>> -> memref<80x128xf32, #tpu.memory_space<hbm>>
      tpu.enqueue_dma source(%arg12 : memref<80x128xf32, #tpu.memory_space<vmem>>) target(%dma_start3A_887 : memref<80x128xf32, #tpu.memory_space<hbm>>) target_semaphore(%arg20 : memref<!tpu.dma_semaphore, #tpu.memory_space<semaphore_mem>>)
    } else {
    }
    %add3A_387 = arith.constant 16 : i32
    %add3A_388 = arith.addi %arg1, %add3A_387 : i32
    %lt3A_389 = arith.constant 125 : i32
    %lt3A_390 = arith.cmpi slt, %add3A_388, %lt3A_389 : i32
    %convert_element_type3A_391 = arith.extui %lt3A_390 : i1 to i32
    %cond3A_392 = arith.constant 0 : i32
    %cond3A_393 = arith.cmpi ne, %convert_element_type3A_391, %cond3A_392 : i32
    scf.if %cond3A_393 {
      %mul3A_872 = arith.constant 80 : i32
      %mul3A_873 = arith.muli %add3A_388, %mul3A_872 : i32
      %dma_start3A_874 = arith.constant 0 : i32
      %dma_start3A_875 = tpu.memref_slice %arg15[%mul3A_873, %dma_start3A_874] : memref<10000x128xf32, #tpu.memory_space<vmem_shared>> -> memref<80x128xf32, #tpu.memory_space<vmem_shared>>
      %dma_start3A_876 = arith.constant 0 : i32
      %dma_start3A_877 = tpu.memref_slice %arg15[%mul3A_873, %dma_start3A_876] : memref<10000x128xf32, #tpu.memory_space<vmem_shared>> -> memref<80x128xf32, #tpu.memory_space<vmem_shared>>
      tpu.enqueue_dma source(%dma_start3A_877 : memref<80x128xf32, #tpu.memory_space<vmem_shared>>) target(%arg13 : memref<80x128xf32, #tpu.memory_space<vmem>>) target_semaphore(%arg17 : memref<!tpu.dma_semaphore, #tpu.memory_space<semaphore_mem>>)
      %dma_wait3A_878 = arith.constant 0 : i32
      %dma_wait3A_879 = tpu.memref_slice %arg15[%mul3A_873, %dma_wait3A_878] : memref<10000x128xf32, #tpu.memory_space<vmem_shared>> -> memref<80x128xf32, #tpu.memory_space<vmem_shared>>
      %dma_wait3A_880 = arith.constant 0 : i32
      %dma_wait3A_881 = tpu.memref_slice %arg15[%mul3A_873, %dma_wait3A_880] : memref<10000x128xf32, #tpu.memory_space<vmem_shared>> -> memref<80x128xf32, #tpu.memory_space<vmem_shared>>
      tpu.wait_dma2 semaphore(%arg17 : memref<!tpu.dma_semaphore, #tpu.memory_space<semaphore_mem>>) src(%dma_wait3A_881 : memref<80x128xf32, #tpu.memory_space<vmem_shared>>) dst(%arg13 : memref<80x128xf32, #tpu.memory_space<vmem>>)
      %dma_start3A_882 = arith.constant 0 : i32
      %dma_start3A_883 = tpu.memref_slice %arg6[%arg0, %mul3A_873, %dma_start3A_882] : memref<2x10000x128xf32, #tpu.memory_space<hbm>> -> memref<1x80x128xf32, #tpu.memory_space<hbm>>
      %dma_start3A_884 = tpu.memref_squeeze %dma_start3A_883 : memref<1x80x128xf32, #tpu.memory_space<hbm>> -> memref<80x128xf32, #tpu.memory_space<hbm>>
      %dma_start3A_885 = arith.constant 0 : i32
      %dma_start3A_886 = tpu.memref_slice %arg6[%arg0, %mul3A_873, %dma_start3A_885] : memref<2x10000x128xf32, #tpu.memory_space<hbm>> -> memref<1x80x128xf32, #tpu.memory_space<hbm>>
      %dma_start3A_887 = tpu.memref_squeeze %dma_start3A_886 : memref<1x80x128xf32, #tpu.memory_space<hbm>> -> memref<80x128xf32, #tpu.memory_space<hbm>>
      tpu.enqueue_dma source(%arg13 : memref<80x128xf32, #tpu.memory_space<vmem>>) target(%dma_start3A_887 : memref<80x128xf32, #tpu.memory_space<hbm>>) target_semaphore(%arg21 : memref<!tpu.dma_semaphore, #tpu.memory_space<semaphore_mem>>)
    } else {
    }
    %add3A_394 = arith.constant 32 : i32
    %add3A_395 = arith.addi %arg1, %add3A_394 : i32
    %lt3A_396 = arith.constant 125 : i32
    %lt3A_397 = arith.cmpi slt, %add3A_395, %lt3A_396 : i32
    %convert_element_type3A_398 = arith.extui %lt3A_397 : i1 to i32
    %cond3A_399 = arith.constant 0 : i32
    %cond3A_400 = arith.cmpi ne, %convert_element_type3A_398, %cond3A_399 : i32
    scf.if %cond3A_400 {
      %mul3A_872 = arith.constant 80 : i32
      %mul3A_873 = arith.muli %add3A_395, %mul3A_872 : i32
      %dma_wait3A_874 = arith.constant 0 : i32
      %dma_wait3A_875 = tpu.memref_slice %arg6[%arg0, %mul3A_873, %dma_wait3A_874] : memref<2x10000x128xf32, #tpu.memory_space<hbm>> -> memref<1x80x128xf32, #tpu.memory_space<hbm>>
      %dma_wait3A_876 = tpu.memref_squeeze %dma_wait3A_875 : memref<1x80x128xf32, #tpu.memory_space<hbm>> -> memref<80x128xf32, #tpu.memory_space<hbm>>
      %dma_wait3A_877 = arith.constant 0 : i32
      %dma_wait3A_878 = tpu.memref_slice %arg6[%arg0, %mul3A_873, %dma_wait3A_877] : memref<2x10000x128xf32, #tpu.memory_space<hbm>> -> memref<1x80x128xf32, #tpu.memory_space<hbm>>
      %dma_wait3A_879 = tpu.memref_squeeze %dma_wait3A_878 : memref<1x80x128xf32, #tpu.memory_space<hbm>> -> memref<80x128xf32, #tpu.memory_space<hbm>>
      tpu.wait_dma2 semaphore(%arg20 : memref<!tpu.dma_semaphore, #tpu.memory_space<semaphore_mem>>) src(%arg12 : memref<80x128xf32, #tpu.memory_space<vmem>>) dst(%dma_wait3A_879 : memref<80x128xf32, #tpu.memory_space<hbm>>)
      %dma_start3A_880 = arith.constant 0 : i32
      %dma_start3A_881 = tpu.memref_slice %arg15[%mul3A_873, %dma_start3A_880] : memref<10000x128xf32, #tpu.memory_space<vmem_shared>> -> memref<80x128xf32, #tpu.memory_space<vmem_shared>>
      %dma_start3A_882 = arith.constant 0 : i32
      %dma_start3A_883 = tpu.memref_slice %arg15[%mul3A_873, %dma_start3A_882] : memref<10000x128xf32, #tpu.memory_space<vmem_shared>> -> memref<80x128xf32, #tpu.memory_space<vmem_shared>>
      tpu.enqueue_dma source(%dma_start3A_883 : memref<80x128xf32, #tpu.memory_space<vmem_shared>>) target(%arg12 : memref<80x128xf32, #tpu.memory_space<vmem>>) target_semaphore(%arg16 : memref<!tpu.dma_semaphore, #tpu.memory_space<semaphore_mem>>)
      %dma_wait3A_884 = arith.constant 0 : i32
      %dma_wait3A_885 = tpu.memref_slice %arg15[%mul3A_873, %dma_wait3A_884] : memref<10000x128xf32, #tpu.memory_space<vmem_shared>> -> memref<80x128xf32, #tpu.memory_space<vmem_shared>>
      %dma_wait3A_886 = arith.constant 0 : i32
      %dma_wait3A_887 = tpu.memref_slice %arg15[%mul3A_873, %dma_wait3A_886] : memref<10000x128xf32, #tpu.memory_space<vmem_shared>> -> memref<80x128xf32, #tpu.memory_space<vmem_shared>>
      tpu.wait_dma2 semaphore(%arg16 : memref<!tpu.dma_semaphore, #tpu.memory_space<semaphore_mem>>) src(%dma_wait3A_887 : memref<80x128xf32, #tpu.memory_space<vmem_shared>>) dst(%arg12 : memref<80x128xf32, #tpu.memory_space<vmem>>)
      %dma_start3A_888 = arith.constant 0 : i32
      %dma_start3A_889 = tpu.memref_slice %arg6[%arg0, %mul3A_873, %dma_start3A_888] : memref<2x10000x128xf32, #tpu.memory_space<hbm>> -> memref<1x80x128xf32, #tpu.memory_space<hbm>>
      %dma_start3A_890 = tpu.memref_squeeze %dma_start3A_889 : memref<1x80x128xf32, #tpu.memory_space<hbm>> -> memref<80x128xf32, #tpu.memory_space<hbm>>
      %dma_start3A_891 = arith.constant 0 : i32
      %dma_start3A_892 = tpu.memref_slice %arg6[%arg0, %mul3A_873, %dma_start3A_891] : memref<2x10000x128xf32, #tpu.memory_space<hbm>> -> memref<1x80x128xf32, #tpu.memory_space<hbm>>
      %dma_start3A_893 = tpu.memref_squeeze %dma_start3A_892 : memref<1x80x128xf32, #tpu.memory_space<hbm>> -> memref<80x128xf32, #tpu.memory_space<hbm>>
      tpu.enqueue_dma source(%arg12 : memref<80x128xf32, #tpu.memory_space<vmem>>) target(%dma_start3A_893 : memref<80x128xf32, #tpu.memory_space<hbm>>) target_semaphore(%arg20 : memref<!tpu.dma_semaphore, #tpu.memory_space<semaphore_mem>>)
    } else {
    }
    %add3A_401 = arith.constant 48 : i32
    %add3A_402 = arith.addi %arg1, %add3A_401 : i32
    %lt3A_403 = arith.constant 125 : i32
    %lt3A_404 = arith.cmpi slt, %add3A_402, %lt3A_403 : i32
    %convert_element_type3A_405 = arith.extui %lt3A_404 : i1 to i32
    %cond3A_406 = arith.constant 0 : i32
    %cond3A_407 = arith.cmpi ne, %convert_element_type3A_405, %cond3A_406 : i32
    scf.if %cond3A_407 {
      %mul3A_872 = arith.constant 80 : i32
      %mul3A_873 = arith.muli %add3A_402, %mul3A_872 : i32
      %dma_wait3A_874 = arith.constant 0 : i32
      %dma_wait3A_875 = tpu.memref_slice %arg6[%arg0, %mul3A_873, %dma_wait3A_874] : memref<2x10000x128xf32, #tpu.memory_space<hbm>> -> memref<1x80x128xf32, #tpu.memory_space<hbm>>
      %dma_wait3A_876 = tpu.memref_squeeze %dma_wait3A_875 : memref<1x80x128xf32, #tpu.memory_space<hbm>> -> memref<80x128xf32, #tpu.memory_space<hbm>>
      %dma_wait3A_877 = arith.constant 0 : i32
      %dma_wait3A_878 = tpu.memref_slice %arg6[%arg0, %mul3A_873, %dma_wait3A_877] : memref<2x10000x128xf32, #tpu.memory_space<hbm>> -> memref<1x80x128xf32, #tpu.memory_space<hbm>>
      %dma_wait3A_879 = tpu.memref_squeeze %dma_wait3A_878 : memref<1x80x128xf32, #tpu.memory_space<hbm>> -> memref<80x128xf32, #tpu.memory_space<hbm>>
      tpu.wait_dma2 semaphore(%arg21 : memref<!tpu.dma_semaphore, #tpu.memory_space<semaphore_mem>>) src(%arg13 : memref<80x128xf32, #tpu.memory_space<vmem>>) dst(%dma_wait3A_879 : memref<80x128xf32, #tpu.memory_space<hbm>>)
      %dma_start3A_880 = arith.constant 0 : i32
      %dma_start3A_881 = tpu.memref_slice %arg15[%mul3A_873, %dma_start3A_880] : memref<10000x128xf32, #tpu.memory_space<vmem_shared>> -> memref<80x128xf32, #tpu.memory_space<vmem_shared>>
      %dma_start3A_882 = arith.constant 0 : i32
      %dma_start3A_883 = tpu.memref_slice %arg15[%mul3A_873, %dma_start3A_882] : memref<10000x128xf32, #tpu.memory_space<vmem_shared>> -> memref<80x128xf32, #tpu.memory_space<vmem_shared>>
      tpu.enqueue_dma source(%dma_start3A_883 : memref<80x128xf32, #tpu.memory_space<vmem_shared>>) target(%arg13 : memref<80x128xf32, #tpu.memory_space<vmem>>) target_semaphore(%arg17 : memref<!tpu.dma_semaphore, #tpu.memory_space<semaphore_mem>>)
      %dma_wait3A_884 = arith.constant 0 : i32
      %dma_wait3A_885 = tpu.memref_slice %arg15[%mul3A_873, %dma_wait3A_884] : memref<10000x128xf32, #tpu.memory_space<vmem_shared>> -> memref<80x128xf32, #tpu.memory_space<vmem_shared>>
      %dma_wait3A_886 = arith.constant 0 : i32
      %dma_wait3A_887 = tpu.memref_slice %arg15[%mul3A_873, %dma_wait3A_886] : memref<10000x128xf32, #tpu.memory_space<vmem_shared>> -> memref<80x128xf32, #tpu.memory_space<vmem_shared>>
      tpu.wait_dma2 semaphore(%arg17 : memref<!tpu.dma_semaphore, #tpu.memory_space<semaphore_mem>>) src(%dma_wait3A_887 : memref<80x128xf32, #tpu.memory_space<vmem_shared>>) dst(%arg13 : memref<80x128xf32, #tpu.memory_space<vmem>>)
      %dma_start3A_888 = arith.constant 0 : i32
      %dma_start3A_889 = tpu.memref_slice %arg6[%arg0, %mul3A_873, %dma_start3A_888] : memref<2x10000x128xf32, #tpu.memory_space<hbm>> -> memref<1x80x128xf32, #tpu.memory_space<hbm>>
      %dma_start3A_890 = tpu.memref_squeeze %dma_start3A_889 : memref<1x80x128xf32, #tpu.memory_space<hbm>> -> memref<80x128xf32, #tpu.memory_space<hbm>>
      %dma_start3A_891 = arith.constant 0 : i32
      %dma_start3A_892 = tpu.memref_slice %arg6[%arg0, %mul3A_873, %dma_start3A_891] : memref<2x10000x128xf32, #tpu.memory_space<hbm>> -> memref<1x80x128xf32, #tpu.memory_space<hbm>>
      %dma_start3A_893 = tpu.memref_squeeze %dma_start3A_892 : memref<1x80x128xf32, #tpu.memory_space<hbm>> -> memref<80x128xf32, #tpu.memory_space<hbm>>
      tpu.enqueue_dma source(%arg13 : memref<80x128xf32, #tpu.memory_space<vmem>>) target(%dma_start3A_893 : memref<80x128xf32, #tpu.memory_space<hbm>>) target_semaphore(%arg21 : memref<!tpu.dma_semaphore, #tpu.memory_space<semaphore_mem>>)
    } else {
    }
    %add3A_408 = arith.constant 64 : i32
    %add3A_409 = arith.addi %arg1, %add3A_408 : i32
    %lt3A_410 = arith.constant 125 : i32
    %lt3A_411 = arith.cmpi slt, %add3A_409, %lt3A_410 : i32
    %convert_element_type3A_412 = arith.extui %lt3A_411 : i1 to i32
    %cond3A_413 = arith.constant 0 : i32
    %cond3A_414 = arith.cmpi ne, %convert_element_type3A_412, %cond3A_413 : i32
    scf.if %cond3A_414 {
      %mul3A_872 = arith.constant 80 : i32
      %mul3A_873 = arith.muli %add3A_409, %mul3A_872 : i32
      %dma_wait3A_874 = arith.constant 0 : i32
      %dma_wait3A_875 = tpu.memref_slice %arg6[%arg0, %mul3A_873, %dma_wait3A_874] : memref<2x10000x128xf32, #tpu.memory_space<hbm>> -> memref<1x80x128xf32, #tpu.memory_space<hbm>>
      %dma_wait3A_876 = tpu.memref_squeeze %dma_wait3A_875 : memref<1x80x128xf32, #tpu.memory_space<hbm>> -> memref<80x128xf32, #tpu.memory_space<hbm>>
      %dma_wait3A_877 = arith.constant 0 : i32
      %dma_wait3A_878 = tpu.memref_slice %arg6[%arg0, %mul3A_873, %dma_wait3A_877] : memref<2x10000x128xf32, #tpu.memory_space<hbm>> -> memref<1x80x128xf32, #tpu.memory_space<hbm>>
      %dma_wait3A_879 = tpu.memref_squeeze %dma_wait3A_878 : memref<1x80x128xf32, #tpu.memory_space<hbm>> -> memref<80x128xf32, #tpu.memory_space<hbm>>
      tpu.wait_dma2 semaphore(%arg20 : memref<!tpu.dma_semaphore, #tpu.memory_space<semaphore_mem>>) src(%arg12 : memref<80x128xf32, #tpu.memory_space<vmem>>) dst(%dma_wait3A_879 : memref<80x128xf32, #tpu.memory_space<hbm>>)
      %dma_start3A_880 = arith.constant 0 : i32
      %dma_start3A_881 = tpu.memref_slice %arg15[%mul3A_873, %dma_start3A_880] : memref<10000x128xf32, #tpu.memory_space<vmem_shared>> -> memref<80x128xf32, #tpu.memory_space<vmem_shared>>
      %dma_start3A_882 = arith.constant 0 : i32
      %dma_start3A_883 = tpu.memref_slice %arg15[%mul3A_873, %dma_start3A_882] : memref<10000x128xf32, #tpu.memory_space<vmem_shared>> -> memref<80x128xf32, #tpu.memory_space<vmem_shared>>
      tpu.enqueue_dma source(%dma_start3A_883 : memref<80x128xf32, #tpu.memory_space<vmem_shared>>) target(%arg12 : memref<80x128xf32, #tpu.memory_space<vmem>>) target_semaphore(%arg16 : memref<!tpu.dma_semaphore, #tpu.memory_space<semaphore_mem>>)
      %dma_wait3A_884 = arith.constant 0 : i32
      %dma_wait3A_885 = tpu.memref_slice %arg15[%mul3A_873, %dma_wait3A_884] : memref<10000x128xf32, #tpu.memory_space<vmem_shared>> -> memref<80x128xf32, #tpu.memory_space<vmem_shared>>
      %dma_wait3A_886 = arith.constant 0 : i32
      %dma_wait3A_887 = tpu.memref_slice %arg15[%mul3A_873, %dma_wait3A_886] : memref<10000x128xf32, #tpu.memory_space<vmem_shared>> -> memref<80x128xf32, #tpu.memory_space<vmem_shared>>
      tpu.wait_dma2 semaphore(%arg16 : memref<!tpu.dma_semaphore, #tpu.memory_space<semaphore_mem>>) src(%dma_wait3A_887 : memref<80x128xf32, #tpu.memory_space<vmem_shared>>) dst(%arg12 : memref<80x128xf32, #tpu.memory_space<vmem>>)
      %dma_start3A_888 = arith.constant 0 : i32
      %dma_start3A_889 = tpu.memref_slice %arg6[%arg0, %mul3A_873, %dma_start3A_888] : memref<2x10000x128xf32, #tpu.memory_space<hbm>> -> memref<1x80x128xf32, #tpu.memory_space<hbm>>
      %dma_start3A_890 = tpu.memref_squeeze %dma_start3A_889 : memref<1x80x128xf32, #tpu.memory_space<hbm>> -> memref<80x128xf32, #tpu.memory_space<hbm>>
      %dma_start3A_891 = arith.constant 0 : i32
      %dma_start3A_892 = tpu.memref_slice %arg6[%arg0, %mul3A_873, %dma_start3A_891] : memref<2x10000x128xf32, #tpu.memory_space<hbm>> -> memref<1x80x128xf32, #tpu.memory_space<hbm>>
      %dma_start3A_893 = tpu.memref_squeeze %dma_start3A_892 : memref<1x80x128xf32, #tpu.memory_space<hbm>> -> memref<80x128xf32, #tpu.memory_space<hbm>>
      tpu.enqueue_dma source(%arg12 : memref<80x128xf32, #tpu.memory_space<vmem>>) target(%dma_start3A_893 : memref<80x128xf32, #tpu.memory_space<hbm>>) target_semaphore(%arg20 : memref<!tpu.dma_semaphore, #tpu.memory_space<semaphore_mem>>)
    } else {
    }
    %add3A_415 = arith.constant 80 : i32
    %add3A_416 = arith.addi %arg1, %add3A_415 : i32
    %lt3A_417 = arith.constant 125 : i32
    %lt3A_418 = arith.cmpi slt, %add3A_416, %lt3A_417 : i32
    %convert_element_type3A_419 = arith.extui %lt3A_418 : i1 to i32
    %cond3A_420 = arith.constant 0 : i32
    %cond3A_421 = arith.cmpi ne, %convert_element_type3A_419, %cond3A_420 : i32
    scf.if %cond3A_421 {
      %mul3A_872 = arith.constant 80 : i32
      %mul3A_873 = arith.muli %add3A_416, %mul3A_872 : i32
      %dma_wait3A_874 = arith.constant 0 : i32
      %dma_wait3A_875 = tpu.memref_slice %arg6[%arg0, %mul3A_873, %dma_wait3A_874] : memref<2x10000x128xf32, #tpu.memory_space<hbm>> -> memref<1x80x128xf32, #tpu.memory_space<hbm>>
      %dma_wait3A_876 = tpu.memref_squeeze %dma_wait3A_875 : memref<1x80x128xf32, #tpu.memory_space<hbm>> -> memref<80x128xf32, #tpu.memory_space<hbm>>
      %dma_wait3A_877 = arith.constant 0 : i32
      %dma_wait3A_878 = tpu.memref_slice %arg6[%arg0, %mul3A_873, %dma_wait3A_877] : memref<2x10000x128xf32, #tpu.memory_space<hbm>> -> memref<1x80x128xf32, #tpu.memory_space<hbm>>
      %dma_wait3A_879 = tpu.memref_squeeze %dma_wait3A_878 : memref<1x80x128xf32, #tpu.memory_space<hbm>> -> memref<80x128xf32, #tpu.memory_space<hbm>>
      tpu.wait_dma2 semaphore(%arg21 : memref<!tpu.dma_semaphore, #tpu.memory_space<semaphore_mem>>) src(%arg13 : memref<80x128xf32, #tpu.memory_space<vmem>>) dst(%dma_wait3A_879 : memref<80x128xf32, #tpu.memory_space<hbm>>)
      %dma_start3A_880 = arith.constant 0 : i32
      %dma_start3A_881 = tpu.memref_slice %arg15[%mul3A_873, %dma_start3A_880] : memref<10000x128xf32, #tpu.memory_space<vmem_shared>> -> memref<80x128xf32, #tpu.memory_space<vmem_shared>>
      %dma_start3A_882 = arith.constant 0 : i32
      %dma_start3A_883 = tpu.memref_slice %arg15[%mul3A_873, %dma_start3A_882] : memref<10000x128xf32, #tpu.memory_space<vmem_shared>> -> memref<80x128xf32, #tpu.memory_space<vmem_shared>>
      tpu.enqueue_dma source(%dma_start3A_883 : memref<80x128xf32, #tpu.memory_space<vmem_shared>>) target(%arg13 : memref<80x128xf32, #tpu.memory_space<vmem>>) target_semaphore(%arg17 : memref<!tpu.dma_semaphore, #tpu.memory_space<semaphore_mem>>)
      %dma_wait3A_884 = arith.constant 0 : i32
      %dma_wait3A_885 = tpu.memref_slice %arg15[%mul3A_873, %dma_wait3A_884] : memref<10000x128xf32, #tpu.memory_space<vmem_shared>> -> memref<80x128xf32, #tpu.memory_space<vmem_shared>>
      %dma_wait3A_886 = arith.constant 0 : i32
      %dma_wait3A_887 = tpu.memref_slice %arg15[%mul3A_873, %dma_wait3A_886] : memref<10000x128xf32, #tpu.memory_space<vmem_shared>> -> memref<80x128xf32, #tpu.memory_space<vmem_shared>>
      tpu.wait_dma2 semaphore(%arg17 : memref<!tpu.dma_semaphore, #tpu.memory_space<semaphore_mem>>) src(%dma_wait3A_887 : memref<80x128xf32, #tpu.memory_space<vmem_shared>>) dst(%arg13 : memref<80x128xf32, #tpu.memory_space<vmem>>)
      %dma_start3A_888 = arith.constant 0 : i32
      %dma_start3A_889 = tpu.memref_slice %arg6[%arg0, %mul3A_873, %dma_start3A_888] : memref<2x10000x128xf32, #tpu.memory_space<hbm>> -> memref<1x80x128xf32, #tpu.memory_space<hbm>>
      %dma_start3A_890 = tpu.memref_squeeze %dma_start3A_889 : memref<1x80x128xf32, #tpu.memory_space<hbm>> -> memref<80x128xf32, #tpu.memory_space<hbm>>
      %dma_start3A_891 = arith.constant 0 : i32
      %dma_start3A_892 = tpu.memref_slice %arg6[%arg0, %mul3A_873, %dma_start3A_891] : memref<2x10000x128xf32, #tpu.memory_space<hbm>> -> memref<1x80x128xf32, #tpu.memory_space<hbm>>
      %dma_start3A_893 = tpu.memref_squeeze %dma_start3A_892 : memref<1x80x128xf32, #tpu.memory_space<hbm>> -> memref<80x128xf32, #tpu.memory_space<hbm>>
      tpu.enqueue_dma source(%arg13 : memref<80x128xf32, #tpu.memory_space<vmem>>) target(%dma_start3A_893 : memref<80x128xf32, #tpu.memory_space<hbm>>) target_semaphore(%arg21 : memref<!tpu.dma_semaphore, #tpu.memory_space<semaphore_mem>>)
    } else {
    }
    %add3A_422 = arith.constant 96 : i32
    %add3A_423 = arith.addi %arg1, %add3A_422 : i32
    %lt3A_424 = arith.constant 125 : i32
    %lt3A_425 = arith.cmpi slt, %add3A_423, %lt3A_424 : i32
    %convert_element_type3A_426 = arith.extui %lt3A_425 : i1 to i32
    %cond3A_427 = arith.constant 0 : i32
    %cond3A_428 = arith.cmpi ne, %convert_element_type3A_426, %cond3A_427 : i32
    scf.if %cond3A_428 {
      %mul3A_872 = arith.constant 80 : i32
      %mul3A_873 = arith.muli %add3A_423, %mul3A_872 : i32
      %dma_wait3A_874 = arith.constant 0 : i32
      %dma_wait3A_875 = tpu.memref_slice %arg6[%arg0, %mul3A_873, %dma_wait3A_874] : memref<2x10000x128xf32, #tpu.memory_space<hbm>> -> memref<1x80x128xf32, #tpu.memory_space<hbm>>
      %dma_wait3A_876 = tpu.memref_squeeze %dma_wait3A_875 : memref<1x80x128xf32, #tpu.memory_space<hbm>> -> memref<80x128xf32, #tpu.memory_space<hbm>>
      %dma_wait3A_877 = arith.constant 0 : i32
      %dma_wait3A_878 = tpu.memref_slice %arg6[%arg0, %mul3A_873, %dma_wait3A_877] : memref<2x10000x128xf32, #tpu.memory_space<hbm>> -> memref<1x80x128xf32, #tpu.memory_space<hbm>>
      %dma_wait3A_879 = tpu.memref_squeeze %dma_wait3A_878 : memref<1x80x128xf32, #tpu.memory_space<hbm>> -> memref<80x128xf32, #tpu.memory_space<hbm>>
      tpu.wait_dma2 semaphore(%arg20 : memref<!tpu.dma_semaphore, #tpu.memory_space<semaphore_mem>>) src(%arg12 : memref<80x128xf32, #tpu.memory_space<vmem>>) dst(%dma_wait3A_879 : memref<80x128xf32, #tpu.memory_space<hbm>>)
      %dma_start3A_880 = arith.constant 0 : i32
      %dma_start3A_881 = tpu.memref_slice %arg15[%mul3A_873, %dma_start3A_880] : memref<10000x128xf32, #tpu.memory_space<vmem_shared>> -> memref<80x128xf32, #tpu.memory_space<vmem_shared>>
      %dma_start3A_882 = arith.constant 0 : i32
      %dma_start3A_883 = tpu.memref_slice %arg15[%mul3A_873, %dma_start3A_882] : memref<10000x128xf32, #tpu.memory_space<vmem_shared>> -> memref<80x128xf32, #tpu.memory_space<vmem_shared>>
      tpu.enqueue_dma source(%dma_start3A_883 : memref<80x128xf32, #tpu.memory_space<vmem_shared>>) target(%arg12 : memref<80x128xf32, #tpu.memory_space<vmem>>) target_semaphore(%arg16 : memref<!tpu.dma_semaphore, #tpu.memory_space<semaphore_mem>>)
      %dma_wait3A_884 = arith.constant 0 : i32
      %dma_wait3A_885 = tpu.memref_slice %arg15[%mul3A_873, %dma_wait3A_884] : memref<10000x128xf32, #tpu.memory_space<vmem_shared>> -> memref<80x128xf32, #tpu.memory_space<vmem_shared>>
      %dma_wait3A_886 = arith.constant 0 : i32
      %dma_wait3A_887 = tpu.memref_slice %arg15[%mul3A_873, %dma_wait3A_886] : memref<10000x128xf32, #tpu.memory_space<vmem_shared>> -> memref<80x128xf32, #tpu.memory_space<vmem_shared>>
      tpu.wait_dma2 semaphore(%arg16 : memref<!tpu.dma_semaphore, #tpu.memory_space<semaphore_mem>>) src(%dma_wait3A_887 : memref<80x128xf32, #tpu.memory_space<vmem_shared>>) dst(%arg12 : memref<80x128xf32, #tpu.memory_space<vmem>>)
      %dma_start3A_888 = arith.constant 0 : i32
      %dma_start3A_889 = tpu.memref_slice %arg6[%arg0, %mul3A_873, %dma_start3A_888] : memref<2x10000x128xf32, #tpu.memory_space<hbm>> -> memref<1x80x128xf32, #tpu.memory_space<hbm>>
      %dma_start3A_890 = tpu.memref_squeeze %dma_start3A_889 : memref<1x80x128xf32, #tpu.memory_space<hbm>> -> memref<80x128xf32, #tpu.memory_space<hbm>>
      %dma_start3A_891 = arith.constant 0 : i32
      %dma_start3A_892 = tpu.memref_slice %arg6[%arg0, %mul3A_873, %dma_start3A_891] : memref<2x10000x128xf32, #tpu.memory_space<hbm>> -> memref<1x80x128xf32, #tpu.memory_space<hbm>>
      %dma_start3A_893 = tpu.memref_squeeze %dma_start3A_892 : memref<1x80x128xf32, #tpu.memory_space<hbm>> -> memref<80x128xf32, #tpu.memory_space<hbm>>
      tpu.enqueue_dma source(%arg12 : memref<80x128xf32, #tpu.memory_space<vmem>>) target(%dma_start3A_893 : memref<80x128xf32, #tpu.memory_space<hbm>>) target_semaphore(%arg20 : memref<!tpu.dma_semaphore, #tpu.memory_space<semaphore_mem>>)
    } else {
    }
    %add3A_429 = arith.constant 112 : i32
    %add3A_430 = arith.addi %arg1, %add3A_429 : i32
    %lt3A_431 = arith.constant 125 : i32
    %lt3A_432 = arith.cmpi slt, %add3A_430, %lt3A_431 : i32
    %convert_element_type3A_433 = arith.extui %lt3A_432 : i1 to i32
    %cond3A_434 = arith.constant 0 : i32
    %cond3A_435 = arith.cmpi ne, %convert_element_type3A_433, %cond3A_434 : i32
    scf.if %cond3A_435 {
      %mul3A_872 = arith.constant 80 : i32
      %mul3A_873 = arith.muli %add3A_430, %mul3A_872 : i32
      %dma_wait3A_874 = arith.constant 0 : i32
      %dma_wait3A_875 = tpu.memref_slice %arg6[%arg0, %mul3A_873, %dma_wait3A_874] : memref<2x10000x128xf32, #tpu.memory_space<hbm>> -> memref<1x80x128xf32, #tpu.memory_space<hbm>>
      %dma_wait3A_876 = tpu.memref_squeeze %dma_wait3A_875 : memref<1x80x128xf32, #tpu.memory_space<hbm>> -> memref<80x128xf32, #tpu.memory_space<hbm>>
      %dma_wait3A_877 = arith.constant 0 : i32
      %dma_wait3A_878 = tpu.memref_slice %arg6[%arg0, %mul3A_873, %dma_wait3A_877] : memref<2x10000x128xf32, #tpu.memory_space<hbm>> -> memref<1x80x128xf32, #tpu.memory_space<hbm>>
      %dma_wait3A_879 = tpu.memref_squeeze %dma_wait3A_878 : memref<1x80x128xf32, #tpu.memory_space<hbm>> -> memref<80x128xf32, #tpu.memory_space<hbm>>
      tpu.wait_dma2 semaphore(%arg21 : memref<!tpu.dma_semaphore, #tpu.memory_space<semaphore_mem>>) src(%arg13 : memref<80x128xf32, #tpu.memory_space<vmem>>) dst(%dma_wait3A_879 : memref<80x128xf32, #tpu.memory_space<hbm>>)
      %dma_start3A_880 = arith.constant 0 : i32
      %dma_start3A_881 = tpu.memref_slice %arg15[%mul3A_873, %dma_start3A_880] : memref<10000x128xf32, #tpu.memory_space<vmem_shared>> -> memref<80x128xf32, #tpu.memory_space<vmem_shared>>
      %dma_start3A_882 = arith.constant 0 : i32
      %dma_start3A_883 = tpu.memref_slice %arg15[%mul3A_873, %dma_start3A_882] : memref<10000x128xf32, #tpu.memory_space<vmem_shared>> -> memref<80x128xf32, #tpu.memory_space<vmem_shared>>
      tpu.enqueue_dma source(%dma_start3A_883 : memref<80x128xf32, #tpu.memory_space<vmem_shared>>) target(%arg13 : memref<80x128xf32, #tpu.memory_space<vmem>>) target_semaphore(%arg17 : memref<!tpu.dma_semaphore, #tpu.memory_space<semaphore_mem>>)
      %dma_wait3A_884 = arith.constant 0 : i32
      %dma_wait3A_885 = tpu.memref_slice %arg15[%mul3A_873, %dma_wait3A_884] : memref<10000x128xf32, #tpu.memory_space<vmem_shared>> -> memref<80x128xf32, #tpu.memory_space<vmem_shared>>
      %dma_wait3A_886 = arith.constant 0 : i32
      %dma_wait3A_887 = tpu.memref_slice %arg15[%mul3A_873, %dma_wait3A_886] : memref<10000x128xf32, #tpu.memory_space<vmem_shared>> -> memref<80x128xf32, #tpu.memory_space<vmem_shared>>
      tpu.wait_dma2 semaphore(%arg17 : memref<!tpu.dma_semaphore, #tpu.memory_space<semaphore_mem>>) src(%dma_wait3A_887 : memref<80x128xf32, #tpu.memory_space<vmem_shared>>) dst(%arg13 : memref<80x128xf32, #tpu.memory_space<vmem>>)
      %dma_start3A_888 = arith.constant 0 : i32
      %dma_start3A_889 = tpu.memref_slice %arg6[%arg0, %mul3A_873, %dma_start3A_888] : memref<2x10000x128xf32, #tpu.memory_space<hbm>> -> memref<1x80x128xf32, #tpu.memory_space<hbm>>
      %dma_start3A_890 = tpu.memref_squeeze %dma_start3A_889 : memref<1x80x128xf32, #tpu.memory_space<hbm>> -> memref<80x128xf32, #tpu.memory_space<hbm>>
      %dma_start3A_891 = arith.constant 0 : i32
      %dma_start3A_892 = tpu.memref_slice %arg6[%arg0, %mul3A_873, %dma_start3A_891] : memref<2x10000x128xf32, #tpu.memory_space<hbm>> -> memref<1x80x128xf32, #tpu.memory_space<hbm>>
      %dma_start3A_893 = tpu.memref_squeeze %dma_start3A_892 : memref<1x80x128xf32, #tpu.memory_space<hbm>> -> memref<80x128xf32, #tpu.memory_space<hbm>>
      tpu.enqueue_dma source(%arg13 : memref<80x128xf32, #tpu.memory_space<vmem>>) target(%dma_start3A_893 : memref<80x128xf32, #tpu.memory_space<hbm>>) target_semaphore(%arg21 : memref<!tpu.dma_semaphore, #tpu.memory_space<semaphore_mem>>)
    } else {
    }
    %dma_wait3A_436 = arith.constant 0 : i32
    %dma_wait3A_437 = arith.constant 0 : i32
    %dma_wait3A_438 = tpu.memref_slice %arg6[%arg0, %dma_wait3A_436, %dma_wait3A_437] : memref<2x10000x128xf32, #tpu.memory_space<hbm>> -> memref<1x80x128xf32, #tpu.memory_space<hbm>>
    %dma_wait3A_439 = tpu.memref_squeeze %dma_wait3A_438 : memref<1x80x128xf32, #tpu.memory_space<hbm>> -> memref<80x128xf32, #tpu.memory_space<hbm>>
    %dma_wait3A_440 = arith.constant 0 : i32
    %dma_wait3A_441 = arith.constant 0 : i32
    %dma_wait3A_442 = tpu.memref_slice %arg6[%arg0, %dma_wait3A_440, %dma_wait3A_441] : memref<2x10000x128xf32, #tpu.memory_space<hbm>> -> memref<1x80x128xf32, #tpu.memory_space<hbm>>
    %dma_wait3A_443 = tpu.memref_squeeze %dma_wait3A_442 : memref<1x80x128xf32, #tpu.memory_space<hbm>> -> memref<80x128xf32, #tpu.memory_space<hbm>>
    tpu.wait_dma2 semaphore(%arg20 : memref<!tpu.dma_semaphore, #tpu.memory_space<semaphore_mem>>) src(%arg12 : memref<80x128xf32, #tpu.memory_space<vmem>>) dst(%dma_wait3A_443 : memref<80x128xf32, #tpu.memory_space<hbm>>)
    %dma_wait3A_444 = arith.constant 0 : i32
    %dma_wait3A_445 = arith.constant 0 : i32
    %dma_wait3A_446 = tpu.memref_slice %arg6[%arg0, %dma_wait3A_444, %dma_wait3A_445] : memref<2x10000x128xf32, #tpu.memory_space<hbm>> -> memref<1x80x128xf32, #tpu.memory_space<hbm>>
    %dma_wait3A_447 = tpu.memref_squeeze %dma_wait3A_446 : memref<1x80x128xf32, #tpu.memory_space<hbm>> -> memref<80x128xf32, #tpu.memory_space<hbm>>
    %dma_wait3A_448 = arith.constant 0 : i32
    %dma_wait3A_449 = arith.constant 0 : i32
    %dma_wait3A_450 = tpu.memref_slice %arg6[%arg0, %dma_wait3A_448, %dma_wait3A_449] : memref<2x10000x128xf32, #tpu.memory_space<hbm>> -> memref<1x80x128xf32, #tpu.memory_space<hbm>>
    %dma_wait3A_451 = tpu.memref_squeeze %dma_wait3A_450 : memref<1x80x128xf32, #tpu.memory_space<hbm>> -> memref<80x128xf32, #tpu.memory_space<hbm>>
    tpu.wait_dma2 semaphore(%arg21 : memref<!tpu.dma_semaphore, #tpu.memory_space<semaphore_mem>>) src(%arg13 : memref<80x128xf32, #tpu.memory_space<vmem>>) dst(%dma_wait3A_451 : memref<80x128xf32, #tpu.memory_space<hbm>>)
    %barrier3A_452 = arith.constant 0 : index
    tpu.barrier barrier_id(%barrier3A_452)
    %scan3A_453 = arith.constant 0 : i32
    %scan3A_454 = arith.constant 0 : i32
    %scan3A_455 = arith.constant 640 : i32
    %scan3A_456 = arith.addi %scan3A_454, %scan3A_455 : i32
    %scan3A_457 = arith.constant 1 : i32
    scf.for %scan3A_872 = %scan3A_454 to %scan3A_456 step %scan3A_457  : i32 {
      %jit3A = arith.constant 8 : i32
      %div3A = arith.divsi %scan3A_872, %jit3A : i32
      %sign3A = arith.constant 0 : i32
      %sign3A_873 = arith.cmpi sgt, %scan3A_872, %sign3A : i32
      %sign3A_874 = arith.extui %sign3A_873 : i1 to i32
      %sign3A_875 = arith.constant 0 : i32
      %sign3A_876 = arith.cmpi slt, %scan3A_872, %sign3A_875 : i32
      %sign3A_877 = arith.extui %sign3A_876 : i1 to i32
      %sign3A_878 = arith.subi %sign3A_874, %sign3A_877 : i32
      %sign3A_879 = arith.constant 0 : i32
      %sign3A_880 = arith.cmpi sgt, %jit3A, %sign3A_879 : i32
      %sign3A_881 = arith.extui %sign3A_880 : i1 to i32
      %sign3A_882 = arith.constant 0 : i32
      %sign3A_883 = arith.cmpi slt, %jit3A, %sign3A_882 : i32
      %sign3A_884 = arith.extui %sign3A_883 : i1 to i32
      %sign3A_885 = arith.subi %sign3A_881, %sign3A_884 : i32
      %ne3A = arith.cmpi ne, %sign3A_878, %sign3A_885 : i32
      %rem3A = arith.remsi %scan3A_872, %jit3A : i32
      %ne3A_886 = arith.constant 0 : i32
      %ne3A_887 = arith.cmpi ne, %rem3A, %ne3A_886 : i32
      %and3A = arith.andi %ne3A, %ne3A_887 : i1
      %sub3A = arith.constant 1 : i32
      %sub3A_888 = arith.subi %div3A, %sub3A : i32
      %select_n3A = arith.select %and3A, %sub3A_888, %div3A : i32
      %jit3A_889 = arith.constant 8 : i32
      %eq3A = arith.constant 0 : i32
      %eq3A_890 = arith.cmpi eq, %jit3A_889, %eq3A : i32
      %jit3A_891 = arith.constant 1 : i32
      %select_n3A_892 = arith.select %eq3A_890, %jit3A_891, %jit3A_889 : i32
      %rem3A_893 = arith.remsi %scan3A_872, %select_n3A_892 : i32
      %ne3A_894 = arith.constant 0 : i32
      %ne3A_895 = arith.cmpi ne, %rem3A_893, %ne3A_894 : i32
      %lt3A_896 = arith.constant 0 : i32
      %lt3A_897 = arith.cmpi slt, %rem3A_893, %lt3A_896 : i32
      %lt3A_898 = arith.constant 0 : i32
      %lt3A_899 = arith.cmpi slt, %select_n3A_892, %lt3A_898 : i32
      %ne3A_900 = arith.xori %lt3A_897, %lt3A_899 : i1
      %and3A_901 = arith.andi %ne3A_900, %ne3A_895 : i1
      %add3A_902 = arith.addi %rem3A_893, %select_n3A_892 : i32
      %select_n3A_903 = arith.select %and3A_901, %add3A_902, %rem3A_893 : i32
      %mul3A_904 = arith.constant 16 : i32
      %mul3A_905 = arith.muli %select_n3A_903, %mul3A_904 : i32
      %swap3A_906 = arith.index_cast %select_n3A : i32 to index
      %swap3A_907 = arith.index_cast %mul3A_905 : i32 to index
      %swap3A_908 = tpu.vector_load %arg12[%swap3A_906, %swap3A_907] {strides = array<i32>} : memref<80x128xf32, #tpu.memory_space<vmem>>, vector<1x16xf32>,
      %swap3A_909 = vector.shape_cast %swap3A_908 : vector<1x16xf32> to vector<16xf32>
      %swap3A_910 = vector.shape_cast %broadcast_in_dim3A_1 : vector<16xf32> to vector<1x16xf32>
      tpu.vector_store %arg12[%swap3A_906, %swap3A_907], %swap3A_910 {strides = array<i32>} : memref<80x128xf32, #tpu.memory_space<vmem>>, vector<1x16xf32>,
    }
    %scan3A_458 = arith.constant 640 : i32
    %scan3A_459 = arith.constant 0 : i32
    %scan3A_460 = arith.constant 0 : i32
    %scan3A_461 = arith.constant 640 : i32
    %scan3A_462 = arith.addi %scan3A_460, %scan3A_461 : i32
    %scan3A_463 = arith.constant 1 : i32
    scf.for %scan3A_872 = %scan3A_460 to %scan3A_462 step %scan3A_463  : i32 {
      %jit3A = arith.constant 8 : i32
      %div3A = arith.divsi %scan3A_872, %jit3A : i32
      %sign3A = arith.constant 0 : i32
      %sign3A_873 = arith.cmpi sgt, %scan3A_872, %sign3A : i32
      %sign3A_874 = arith.extui %sign3A_873 : i1 to i32
      %sign3A_875 = arith.constant 0 : i32
      %sign3A_876 = arith.cmpi slt, %scan3A_872, %sign3A_875 : i32
      %sign3A_877 = arith.extui %sign3A_876 : i1 to i32
      %sign3A_878 = arith.subi %sign3A_874, %sign3A_877 : i32
      %sign3A_879 = arith.constant 0 : i32
      %sign3A_880 = arith.cmpi sgt, %jit3A, %sign3A_879 : i32
      %sign3A_881 = arith.extui %sign3A_880 : i1 to i32
      %sign3A_882 = arith.constant 0 : i32
      %sign3A_883 = arith.cmpi slt, %jit3A, %sign3A_882 : i32
      %sign3A_884 = arith.extui %sign3A_883 : i1 to i32
      %sign3A_885 = arith.subi %sign3A_881, %sign3A_884 : i32
      %ne3A = arith.cmpi ne, %sign3A_878, %sign3A_885 : i32
      %rem3A = arith.remsi %scan3A_872, %jit3A : i32
      %ne3A_886 = arith.constant 0 : i32
      %ne3A_887 = arith.cmpi ne, %rem3A, %ne3A_886 : i32
      %and3A = arith.andi %ne3A, %ne3A_887 : i1
      %sub3A = arith.constant 1 : i32
      %sub3A_888 = arith.subi %div3A, %sub3A : i32
      %select_n3A = arith.select %and3A, %sub3A_888, %div3A : i32
      %jit3A_889 = arith.constant 8 : i32
      %eq3A = arith.constant 0 : i32
      %eq3A_890 = arith.cmpi eq, %jit3A_889, %eq3A : i32
      %jit3A_891 = arith.constant 1 : i32
      %select_n3A_892 = arith.select %eq3A_890, %jit3A_891, %jit3A_889 : i32
      %rem3A_893 = arith.remsi %scan3A_872, %select_n3A_892 : i32
      %ne3A_894 = arith.constant 0 : i32
      %ne3A_895 = arith.cmpi ne, %rem3A_893, %ne3A_894 : i32
      %lt3A_896 = arith.constant 0 : i32
      %lt3A_897 = arith.cmpi slt, %rem3A_893, %lt3A_896 : i32
      %lt3A_898 = arith.constant 0 : i32
      %lt3A_899 = arith.cmpi slt, %select_n3A_892, %lt3A_898 : i32
      %ne3A_900 = arith.xori %lt3A_897, %lt3A_899 : i1
      %and3A_901 = arith.andi %ne3A_900, %ne3A_895 : i1
      %add3A_902 = arith.addi %rem3A_893, %select_n3A_892 : i32
      %select_n3A_903 = arith.select %and3A_901, %add3A_902, %rem3A_893 : i32
      %mul3A_904 = arith.constant 16 : i32
      %mul3A_905 = arith.muli %select_n3A_903, %mul3A_904 : i32
      %swap3A_906 = arith.index_cast %select_n3A : i32 to index
      %swap3A_907 = arith.index_cast %mul3A_905 : i32 to index
      %swap3A_908 = tpu.vector_load %arg13[%swap3A_906, %swap3A_907] {strides = array<i32>} : memref<80x128xf32, #tpu.memory_space<vmem>>, vector<1x16xf32>,
      %swap3A_909 = vector.shape_cast %swap3A_908 : vector<1x16xf32> to vector<16xf32>
      %swap3A_910 = vector.shape_cast %broadcast_in_dim3A_1 : vector<16xf32> to vector<1x16xf32>
      tpu.vector_store %arg13[%swap3A_906, %swap3A_907], %swap3A_910 {strides = array<i32>} : memref<80x128xf32, #tpu.memory_space<vmem>>, vector<1x16xf32>,
    }
    %scan3A_464 = arith.constant 640 : i32
    %scan3A_465 = arith.constant 0 : i32
    %scan3A_466 = arith.constant 0 : i32
    %scan3A_467 = arith.constant 8 : i32
    %scan3A_468 = arith.addi %scan3A_466, %scan3A_467 : i32
    %scan3A_469 = arith.constant 1 : i32
    scf.for %scan3A_872 = %scan3A_466 to %scan3A_468 step %scan3A_469  : i32 {
      %mul3A_873 = arith.constant 16 : i32
      %mul3A_874 = arith.muli %scan3A_872, %mul3A_873 : i32
      %add3A_875 = arith.addi %arg1, %mul3A_874 : i32
      %lt3A_876 = arith.constant 125 : i32
      %lt3A_877 = arith.cmpi slt, %add3A_875, %lt3A_876 : i32
      %convert_element_type3A_878 = arith.extui %lt3A_877 : i1 to i32
      %cond3A_879 = arith.constant 0 : i32
      %cond3A_880 = arith.cmpi ne, %convert_element_type3A_878, %cond3A_879 : i32
      scf.if %cond3A_880 {
        %mul3A_881 = arith.constant 80 : i32
        %mul3A_882 = arith.muli %add3A_875, %mul3A_881 : i32
        "tpu.region"() ({
          %run_scoped3A = tpu.sem_alloc : memref<!tpu.dma_semaphore, #tpu.memory_space<semaphore_mem>>
          %dma_start3A_883 = arith.constant 0 : i32
          %dma_start3A_884 = tpu.memref_slice %arg15[%mul3A_882, %dma_start3A_883] : memref<10000x128xf32, #tpu.memory_space<vmem_shared>> -> memref<80x128xf32, #tpu.memory_space<vmem_shared>>
          %dma_start3A_885 = arith.constant 0 : i32
          %dma_start3A_886 = tpu.memref_slice %arg15[%mul3A_882, %dma_start3A_885] : memref<10000x128xf32, #tpu.memory_space<vmem_shared>> -> memref<80x128xf32, #tpu.memory_space<vmem_shared>>
          tpu.enqueue_dma source(%arg12 : memref<80x128xf32, #tpu.memory_space<vmem>>) target(%dma_start3A_886 : memref<80x128xf32, #tpu.memory_space<vmem_shared>>) target_semaphore(%run_scoped3A : memref<!tpu.dma_semaphore, #tpu.memory_space<semaphore_mem>>)
          %dma_wait3A_887 = arith.constant 0 : i32
          %dma_wait3A_888 = tpu.memref_slice %arg15[%mul3A_882, %dma_wait3A_887] : memref<10000x128xf32, #tpu.memory_space<vmem_shared>> -> memref<80x128xf32, #tpu.memory_space<vmem_shared>>
          %dma_wait3A_889 = arith.constant 0 : i32
          %dma_wait3A_890 = tpu.memref_slice %arg15[%mul3A_882, %dma_wait3A_889] : memref<10000x128xf32, #tpu.memory_space<vmem_shared>> -> memref<80x128xf32, #tpu.memory_space<vmem_shared>>
          tpu.wait_dma2 semaphore(%run_scoped3A : memref<!tpu.dma_semaphore, #tpu.memory_space<semaphore_mem>>) src(%arg12 : memref<80x128xf32, #tpu.memory_space<vmem>>) dst(%dma_wait3A_890 : memref<80x128xf32, #tpu.memory_space<vmem_shared>>)
          tpu.yield
        }) : () -> ()
      } else {
      }
    }
    %scan3A_470 = arith.constant 8 : i32
    %barrier3A_471 = arith.constant 0 : index
    tpu.barrier barrier_id(%barrier3A_471)
    %dma_start3A_472 = arith.constant 0 : i32
    %dma_start3A_473 = arith.constant 0 : i32
    %dma_start3A_474 = arith.constant 0 : i32
    %dma_start3A_475 = tpu.memref_slice %arg4[%add3A, %dma_start3A_472, %dma_start3A_473, %dma_start3A_474] : memref<32x25x5x80xi32, #tpu.memory_space<hbm>> -> memref<1x1x5x80xi32, #tpu.memory_space<hbm>>
    %dma_start3A_476 = tpu.memref_squeeze %dma_start3A_475 : memref<1x1x5x80xi32, #tpu.memory_space<hbm>> -> memref<5x80xi32, #tpu.memory_space<hbm>>
    %dma_start3A_477 = arith.constant 0 : i32
    %dma_start3A_478 = arith.constant 0 : i32
    %dma_start3A_479 = tpu.memref_slice %arg4[%add3A, %dma_start3A_472, %dma_start3A_477, %dma_start3A_478] : memref<32x25x5x80xi32, #tpu.memory_space<hbm>> -> memref<1x1x5x80xi32, #tpu.memory_space<hbm>>
    %dma_start3A_480 = tpu.memref_squeeze %dma_start3A_479 : memref<1x1x5x80xi32, #tpu.memory_space<hbm>> -> memref<5x80xi32, #tpu.memory_space<hbm>>
    tpu.enqueue_dma source(%dma_start3A_480 : memref<5x80xi32, #tpu.memory_space<hbm>>) target(%arg9 : memref<5x80xi32, #tpu.memory_space<vmem>>) target_semaphore(%arg20 : memref<!tpu.dma_semaphore, #tpu.memory_space<semaphore_mem>>)
    %dma_start3A_481 = arith.constant 0 : i32
    %dma_start3A_482 = arith.constant 0 : i32
    %dma_start3A_483 = arith.constant 0 : i32
    %dma_start3A_484 = tpu.memref_slice %arg5[%add3A, %dma_start3A_481, %dma_start3A_482, %dma_start3A_483] : memref<32x25x50x128xf32, #tpu.memory_space<hbm>> -> memref<1x1x50x128xf32, #tpu.memory_space<hbm>>
    %dma_start3A_485 = tpu.memref_squeeze %dma_start3A_484 : memref<1x1x50x128xf32, #tpu.memory_space<hbm>> -> memref<50x128xf32, #tpu.memory_space<hbm>>
    %dma_start3A_486 = arith.constant 0 : i32
    %dma_start3A_487 = arith.constant 0 : i32
    %dma_start3A_488 = tpu.memref_slice %arg5[%add3A, %dma_start3A_481, %dma_start3A_486, %dma_start3A_487] : memref<32x25x50x128xf32, #tpu.memory_space<hbm>> -> memref<1x1x50x128xf32, #tpu.memory_space<hbm>>
    %dma_start3A_489 = tpu.memref_squeeze %dma_start3A_488 : memref<1x1x50x128xf32, #tpu.memory_space<hbm>> -> memref<50x128xf32, #tpu.memory_space<hbm>>
    tpu.enqueue_dma source(%dma_start3A_489 : memref<50x128xf32, #tpu.memory_space<hbm>>) target(%arg14 : memref<50x128xf32, #tpu.memory_space<vmem>>) target_semaphore(%arg21 : memref<!tpu.dma_semaphore, #tpu.memory_space<semaphore_mem>>)
    %dma_wait3A_490 = arith.constant 0 : i32
    %dma_wait3A_491 = arith.constant 0 : i32
    %dma_wait3A_492 = arith.constant 0 : i32
    %dma_wait3A_493 = tpu.memref_slice %arg4[%add3A, %dma_wait3A_490, %dma_wait3A_491, %dma_wait3A_492] : memref<32x25x5x80xi32, #tpu.memory_space<hbm>> -> memref<1x1x5x80xi32, #tpu.memory_space<hbm>>
    %dma_wait3A_494 = tpu.memref_squeeze %dma_wait3A_493 : memref<1x1x5x80xi32, #tpu.memory_space<hbm>> -> memref<5x80xi32, #tpu.memory_space<hbm>>
    %dma_wait3A_495 = arith.constant 0 : i32
    %dma_wait3A_496 = arith.constant 0 : i32
    %dma_wait3A_497 = tpu.memref_slice %arg4[%add3A, %dma_wait3A_490, %dma_wait3A_495, %dma_wait3A_496] : memref<32x25x5x80xi32, #tpu.memory_space<hbm>> -> memref<1x1x5x80xi32, #tpu.memory_space<hbm>>
    %dma_wait3A_498 = tpu.memref_squeeze %dma_wait3A_497 : memref<1x1x5x80xi32, #tpu.memory_space<hbm>> -> memref<5x80xi32, #tpu.memory_space<hbm>>
    tpu.wait_dma2 semaphore(%arg20 : memref<!tpu.dma_semaphore, #tpu.memory_space<semaphore_mem>>) src(%dma_wait3A_498 : memref<5x80xi32, #tpu.memory_space<hbm>>) dst(%arg9 : memref<5x80xi32, #tpu.memory_space<vmem>>)
    %dma_wait3A_499 = arith.constant 0 : i32
    %dma_wait3A_500 = arith.constant 0 : i32
    %dma_wait3A_501 = arith.constant 0 : i32
    %dma_wait3A_502 = tpu.memref_slice %arg5[%add3A, %dma_wait3A_499, %dma_wait3A_500, %dma_wait3A_501] : memref<32x25x50x128xf32, #tpu.memory_space<hbm>> -> memref<1x1x50x128xf32, #tpu.memory_space<hbm>>
    %dma_wait3A_503 = tpu.memref_squeeze %dma_wait3A_502 : memref<1x1x50x128xf32, #tpu.memory_space<hbm>> -> memref<50x128xf32, #tpu.memory_space<hbm>>
    %dma_wait3A_504 = arith.constant 0 : i32
    %dma_wait3A_505 = arith.constant 0 : i32
    %dma_wait3A_506 = tpu.memref_slice %arg5[%add3A, %dma_wait3A_499, %dma_wait3A_504, %dma_wait3A_505] : memref<32x25x50x128xf32, #tpu.memory_space<hbm>> -> memref<1x1x50x128xf32, #tpu.memory_space<hbm>>
    %dma_wait3A_507 = tpu.memref_squeeze %dma_wait3A_506 : memref<1x1x50x128xf32, #tpu.memory_space<hbm>> -> memref<50x128xf32, #tpu.memory_space<hbm>>
    tpu.wait_dma2 semaphore(%arg21 : memref<!tpu.dma_semaphore, #tpu.memory_space<semaphore_mem>>) src(%dma_wait3A_507 : memref<50x128xf32, #tpu.memory_space<hbm>>) dst(%arg14 : memref<50x128xf32, #tpu.memory_space<vmem>>)
    %get3A_508 = arith.constant 0 : i32
    %get3A_509 = arith.index_cast %get3A_508 : i32 to index
    %get3A_510 = arith.constant 0 : index
    %get3A_511 = tpu.vector_load %arg9[%get3A_509, %get3A_510] {strides = array<i32>} : memref<5x80xi32, #tpu.memory_space<vmem>>, vector<1x16xi32>,
    %get3A_512 = vector.shape_cast %get3A_511 : vector<1x16xi32> to vector<16xi32>
    %swap3A_513 = arith.constant 0 : index
    %swap3A_514 = tpu.vector_load %arg10[%swap3A_513] {strides = array<i32>} : memref<80xi32, #tpu.memory_space<vmem>>, vector<16xi32>,
    %swap3A_515 = vector.shape_cast %swap3A_514 : vector<16xi32> to vector<16xi32>
    %swap3A_516 = vector.shape_cast %get3A_512 : vector<16xi32> to vector<16xi32>
    tpu.vector_store %arg10[%swap3A_513], %swap3A_516 {strides = array<i32>} : memref<80xi32, #tpu.memory_space<vmem>>, vector<16xi32>,
    %get3A_517 = arith.constant 0 : i32
    %get3A_518 = arith.index_cast %get3A_517 : i32 to index
    %get3A_519 = arith.constant 16 : index
    %get3A_520 = tpu.vector_load %arg9[%get3A_518, %get3A_519] {strides = array<i32>} : memref<5x80xi32, #tpu.memory_space<vmem>>, vector<1x16xi32>,
    %get3A_521 = vector.shape_cast %get3A_520 : vector<1x16xi32> to vector<16xi32>
    %swap3A_522 = arith.constant 16 : index
    %swap3A_523 = tpu.vector_load %arg10[%swap3A_522] {strides = array<i32>} : memref<80xi32, #tpu.memory_space<vmem>>, vector<16xi32>,
    %swap3A_524 = vector.shape_cast %swap3A_523 : vector<16xi32> to vector<16xi32>
    %swap3A_525 = vector.shape_cast %get3A_521 : vector<16xi32> to vector<16xi32>
    tpu.vector_store %arg10[%swap3A_522], %swap3A_525 {strides = array<i32>} : memref<80xi32, #tpu.memory_space<vmem>>, vector<16xi32>,
    %get3A_526 = arith.constant 0 : i32
    %get3A_527 = arith.index_cast %get3A_526 : i32 to index
    %get3A_528 = arith.constant 32 : index
    %get3A_529 = tpu.vector_load %arg9[%get3A_527, %get3A_528] {strides = array<i32>} : memref<5x80xi32, #tpu.memory_space<vmem>>, vector<1x16xi32>,
    %get3A_530 = vector.shape_cast %get3A_529 : vector<1x16xi32> to vector<16xi32>
    %swap3A_531 = arith.constant 32 : index
    %swap3A_532 = tpu.vector_load %arg10[%swap3A_531] {strides = array<i32>} : memref<80xi32, #tpu.memory_space<vmem>>, vector<16xi32>,
    %swap3A_533 = vector.shape_cast %swap3A_532 : vector<16xi32> to vector<16xi32>
    %swap3A_534 = vector.shape_cast %get3A_530 : vector<16xi32> to vector<16xi32>
    tpu.vector_store %arg10[%swap3A_531], %swap3A_534 {strides = array<i32>} : memref<80xi32, #tpu.memory_space<vmem>>, vector<16xi32>,
    %get3A_535 = arith.constant 0 : i32
    %get3A_536 = arith.index_cast %get3A_535 : i32 to index
    %get3A_537 = arith.constant 48 : index
    %get3A_538 = tpu.vector_load %arg9[%get3A_536, %get3A_537] {strides = array<i32>} : memref<5x80xi32, #tpu.memory_space<vmem>>, vector<1x16xi32>,
    %get3A_539 = vector.shape_cast %get3A_538 : vector<1x16xi32> to vector<16xi32>
    %swap3A_540 = arith.constant 48 : index
    %swap3A_541 = tpu.vector_load %arg10[%swap3A_540] {strides = array<i32>} : memref<80xi32, #tpu.memory_space<vmem>>, vector<16xi32>,
    %swap3A_542 = vector.shape_cast %swap3A_541 : vector<16xi32> to vector<16xi32>
    %swap3A_543 = vector.shape_cast %get3A_539 : vector<16xi32> to vector<16xi32>
    tpu.vector_store %arg10[%swap3A_540], %swap3A_543 {strides = array<i32>} : memref<80xi32, #tpu.memory_space<vmem>>, vector<16xi32>,
    %get3A_544 = arith.constant 0 : i32
    %get3A_545 = arith.index_cast %get3A_544 : i32 to index
    %get3A_546 = arith.constant 64 : index
    %get3A_547 = tpu.vector_load %arg9[%get3A_545, %get3A_546] {strides = array<i32>} : memref<5x80xi32, #tpu.memory_space<vmem>>, vector<1x16xi32>,
    %get3A_548 = vector.shape_cast %get3A_547 : vector<1x16xi32> to vector<16xi32>
    %swap3A_549 = arith.constant 64 : index
    %swap3A_550 = tpu.vector_load %arg10[%swap3A_549] {strides = array<i32>} : memref<80xi32, #tpu.memory_space<vmem>>, vector<16xi32>,
    %swap3A_551 = vector.shape_cast %swap3A_550 : vector<16xi32> to vector<16xi32>
    %swap3A_552 = vector.shape_cast %get3A_548 : vector<16xi32> to vector<16xi32>
    tpu.vector_store %arg10[%swap3A_549], %swap3A_552 {strides = array<i32>} : memref<80xi32, #tpu.memory_space<vmem>>, vector<16xi32>,
    %scan3A_553 = arith.constant 0 : i32
    %scan3A_554 = arith.constant 0 : i32
    %scan3A_555 = arith.constant 10 : i32
    %scan3A_556 = arith.addi %scan3A_554, %scan3A_555 : i32
    %scan3A_557 = arith.constant 1 : i32
    scf.for %scan3A_872 = %scan3A_554 to %scan3A_556 step %scan3A_557  : i32 {
      %add3A_873 = arith.constant 0 : i32
      %add3A_874 = arith.addi %add3A_873, %scan3A_872 : i32
      %get3A_875 = arith.index_cast %add3A_874 : i32 to index
      %get3A_876 = arith.constant 0 : index
      %get3A_877 = tpu.vector_load %arg14[%get3A_875, %get3A_876] {strides = array<i32>} : memref<50x128xf32, #tpu.memory_space<vmem>>, vector<1x16xf32>,
      %get3A_878 = vector.shape_cast %get3A_877 : vector<1x16xf32> to vector<16xf32>
      %mul3A_879 = arith.constant 8 : i32
      %mul3A_880 = arith.muli %scan3A_872, %mul3A_879 : i32
      %add3A_881 = arith.constant 0 : i32
      %add3A_882 = arith.addi %mul3A_880, %add3A_881 : i32
      %swap3A_883 = arith.index_cast %add3A_882 : i32 to index
      %swap3A_884 = arith.constant 0 : index
      %swap3A_885 = tpu.vector_load %arg12[%swap3A_883, %swap3A_884] {strides = array<i32>} : memref<80x128xf32, #tpu.memory_space<vmem>>, vector<1x16xf32>,
      %swap3A_886 = vector.shape_cast %swap3A_885 : vector<1x16xf32> to vector<16xf32>
      %swap3A_887 = vector.shape_cast %get3A_878 : vector<16xf32> to vector<1x16xf32>
      tpu.vector_store %arg12[%swap3A_883, %swap3A_884], %swap3A_887 {strides = array<i32>} : memref<80x128xf32, #tpu.memory_space<vmem>>, vector<1x16xf32>,
      %add3A_888 = arith.constant 0 : i32
      %add3A_889 = arith.addi %add3A_888, %scan3A_872 : i32
      %get3A_890 = arith.index_cast %add3A_889 : i32 to index
      %get3A_891 = arith.constant 16 : index
      %get3A_892 = tpu.vector_load %arg14[%get3A_890, %get3A_891] {strides = array<i32>} : memref<50x128xf32, #tpu.memory_space<vmem>>, vector<1x16xf32>,
      %get3A_893 = vector.shape_cast %get3A_892 : vector<1x16xf32> to vector<16xf32>
      %mul3A_894 = arith.constant 8 : i32
      %mul3A_895 = arith.muli %scan3A_872, %mul3A_894 : i32
      %add3A_896 = arith.constant 1 : i32
      %add3A_897 = arith.addi %mul3A_895, %add3A_896 : i32
      %swap3A_898 = arith.index_cast %add3A_897 : i32 to index
      %swap3A_899 = arith.constant 0 : index
      %swap3A_900 = tpu.vector_load %arg12[%swap3A_898, %swap3A_899] {strides = array<i32>} : memref<80x128xf32, #tpu.memory_space<vmem>>, vector<1x16xf32>,
      %swap3A_901 = vector.shape_cast %swap3A_900 : vector<1x16xf32> to vector<16xf32>
      %swap3A_902 = vector.shape_cast %get3A_893 : vector<16xf32> to vector<1x16xf32>
      tpu.vector_store %arg12[%swap3A_898, %swap3A_899], %swap3A_902 {strides = array<i32>} : memref<80x128xf32, #tpu.memory_space<vmem>>, vector<1x16xf32>,
      %add3A_903 = arith.constant 0 : i32
      %add3A_904 = arith.addi %add3A_903, %scan3A_872 : i32
      %get3A_905 = arith.index_cast %add3A_904 : i32 to index
      %get3A_906 = arith.constant 32 : index
      %get3A_907 = tpu.vector_load %arg14[%get3A_905, %get3A_906] {strides = array<i32>} : memref<50x128xf32, #tpu.memory_space<vmem>>, vector<1x16xf32>,
      %get3A_908 = vector.shape_cast %get3A_907 : vector<1x16xf32> to vector<16xf32>
      %mul3A_909 = arith.constant 8 : i32
      %mul3A_910 = arith.muli %scan3A_872, %mul3A_909 : i32
      %add3A_911 = arith.constant 2 : i32
      %add3A_912 = arith.addi %mul3A_910, %add3A_911 : i32
      %swap3A_913 = arith.index_cast %add3A_912 : i32 to index
      %swap3A_914 = arith.constant 0 : index
      %swap3A_915 = tpu.vector_load %arg12[%swap3A_913, %swap3A_914] {strides = array<i32>} : memref<80x128xf32, #tpu.memory_space<vmem>>, vector<1x16xf32>,
      %swap3A_916 = vector.shape_cast %swap3A_915 : vector<1x16xf32> to vector<16xf32>
      %swap3A_917 = vector.shape_cast %get3A_908 : vector<16xf32> to vector<1x16xf32>
      tpu.vector_store %arg12[%swap3A_913, %swap3A_914], %swap3A_917 {strides = array<i32>} : memref<80x128xf32, #tpu.memory_space<vmem>>, vector<1x16xf32>,
      %add3A_918 = arith.constant 0 : i32
      %add3A_919 = arith.addi %add3A_918, %scan3A_872 : i32
      %get3A_920 = arith.index_cast %add3A_919 : i32 to index
      %get3A_921 = arith.constant 48 : index
      %get3A_922 = tpu.vector_load %arg14[%get3A_920, %get3A_921] {strides = array<i32>} : memref<50x128xf32, #tpu.memory_space<vmem>>, vector<1x16xf32>,
      %get3A_923 = vector.shape_cast %get3A_922 : vector<1x16xf32> to vector<16xf32>
      %mul3A_924 = arith.constant 8 : i32
      %mul3A_925 = arith.muli %scan3A_872, %mul3A_924 : i32
      %add3A_926 = arith.constant 3 : i32
      %add3A_927 = arith.addi %mul3A_925, %add3A_926 : i32
      %swap3A_928 = arith.index_cast %add3A_927 : i32 to index
      %swap3A_929 = arith.constant 0 : index
      %swap3A_930 = tpu.vector_load %arg12[%swap3A_928, %swap3A_929] {strides = array<i32>} : memref<80x128xf32, #tpu.memory_space<vmem>>, vector<1x16xf32>,
      %swap3A_931 = vector.shape_cast %swap3A_930 : vector<1x16xf32> to vector<16xf32>
      %swap3A_932 = vector.shape_cast %get3A_923 : vector<16xf32> to vector<1x16xf32>
      tpu.vector_store %arg12[%swap3A_928, %swap3A_929], %swap3A_932 {strides = array<i32>} : memref<80x128xf32, #tpu.memory_space<vmem>>, vector<1x16xf32>,
      %add3A_933 = arith.constant 0 : i32
      %add3A_934 = arith.addi %add3A_933, %scan3A_872 : i32
      %get3A_935 = arith.index_cast %add3A_934 : i32 to index
      %get3A_936 = arith.constant 64 : index
      %get3A_937 = tpu.vector_load %arg14[%get3A_935, %get3A_936] {strides = array<i32>} : memref<50x128xf32, #tpu.memory_space<vmem>>, vector<1x16xf32>,
      %get3A_938 = vector.shape_cast %get3A_937 : vector<1x16xf32> to vector<16xf32>
      %mul3A_939 = arith.constant 8 : i32
      %mul3A_940 = arith.muli %scan3A_872, %mul3A_939 : i32
      %add3A_941 = arith.constant 4 : i32
      %add3A_942 = arith.addi %mul3A_940, %add3A_941 : i32
      %swap3A_943 = arith.index_cast %add3A_942 : i32 to index
      %swap3A_944 = arith.constant 0 : index
      %swap3A_945 = tpu.vector_load %arg12[%swap3A_943, %swap3A_944] {strides = array<i32>} : memref<80x128xf32, #tpu.memory_space<vmem>>, vector<1x16xf32>,
      %swap3A_946 = vector.shape_cast %swap3A_945 : vector<1x16xf32> to vector<16xf32>
      %swap3A_947 = vector.shape_cast %get3A_938 : vector<16xf32> to vector<1x16xf32>
      tpu.vector_store %arg12[%swap3A_943, %swap3A_944], %swap3A_947 {strides = array<i32>} : memref<80x128xf32, #tpu.memory_space<vmem>>, vector<1x16xf32>,
      %add3A_948 = arith.constant 0 : i32
      %add3A_949 = arith.addi %add3A_948, %scan3A_872 : i32
      %get3A_950 = arith.index_cast %add3A_949 : i32 to index
      %get3A_951 = arith.constant 80 : index
      %get3A_952 = tpu.vector_load %arg14[%get3A_950, %get3A_951] {strides = array<i32>} : memref<50x128xf32, #tpu.memory_space<vmem>>, vector<1x16xf32>,
      %get3A_953 = vector.shape_cast %get3A_952 : vector<1x16xf32> to vector<16xf32>
      %mul3A_954 = arith.constant 8 : i32
      %mul3A_955 = arith.muli %scan3A_872, %mul3A_954 : i32
      %add3A_956 = arith.constant 5 : i32
      %add3A_957 = arith.addi %mul3A_955, %add3A_956 : i32
      %swap3A_958 = arith.index_cast %add3A_957 : i32 to index
      %swap3A_959 = arith.constant 0 : index
      %swap3A_960 = tpu.vector_load %arg12[%swap3A_958, %swap3A_959] {strides = array<i32>} : memref<80x128xf32, #tpu.memory_space<vmem>>, vector<1x16xf32>,
      %swap3A_961 = vector.shape_cast %swap3A_960 : vector<1x16xf32> to vector<16xf32>
      %swap3A_962 = vector.shape_cast %get3A_953 : vector<16xf32> to vector<1x16xf32>
      tpu.vector_store %arg12[%swap3A_958, %swap3A_959], %swap3A_962 {strides = array<i32>} : memref<80x128xf32, #tpu.memory_space<vmem>>, vector<1x16xf32>,
      %add3A_963 = arith.constant 0 : i32
      %add3A_964 = arith.addi %add3A_963, %scan3A_872 : i32
      %get3A_965 = arith.index_cast %add3A_964 : i32 to index
      %get3A_966 = arith.constant 96 : index
      %get3A_967 = tpu.vector_load %arg14[%get3A_965, %get3A_966] {strides = array<i32>} : memref<50x128xf32, #tpu.memory_space<vmem>>, vector<1x16xf32>,
      %get3A_968 = vector.shape_cast %get3A_967 : vector<1x16xf32> to vector<16xf32>
      %mul3A_969 = arith.constant 8 : i32
      %mul3A_970 = arith.muli %scan3A_872, %mul3A_969 : i32
      %add3A_971 = arith.constant 6 : i32
      %add3A_972 = arith.addi %mul3A_970, %add3A_971 : i32
      %swap3A_973 = arith.index_cast %add3A_972 : i32 to index
      %swap3A_974 = arith.constant 0 : index
      %swap3A_975 = tpu.vector_load %arg12[%swap3A_973, %swap3A_974] {strides = array<i32>} : memref<80x128xf32, #tpu.memory_space<vmem>>, vector<1x16xf32>,
      %swap3A_976 = vector.shape_cast %swap3A_975 : vector<1x16xf32> to vector<16xf32>
      %swap3A_977 = vector.shape_cast %get3A_968 : vector<16xf32> to vector<1x16xf32>
      tpu.vector_store %arg12[%swap3A_973, %swap3A_974], %swap3A_977 {strides = array<i32>} : memref<80x128xf32, #tpu.memory_space<vmem>>, vector<1x16xf32>,
      %add3A_978 = arith.constant 0 : i32
      %add3A_979 = arith.addi %add3A_978, %scan3A_872 : i32
      %get3A_980 = arith.index_cast %add3A_979 : i32 to index
      %get3A_981 = arith.constant 112 : index
      %get3A_982 = tpu.vector_load %arg14[%get3A_980, %get3A_981] {strides = array<i32>} : memref<50x128xf32, #tpu.memory_space<vmem>>, vector<1x16xf32>,
      %get3A_983 = vector.shape_cast %get3A_982 : vector<1x16xf32> to vector<16xf32>
      %mul3A_984 = arith.constant 8 : i32
      %mul3A_985 = arith.muli %scan3A_872, %mul3A_984 : i32
      %add3A_986 = arith.constant 7 : i32
      %add3A_987 = arith.addi %mul3A_985, %add3A_986 : i32
      %swap3A_988 = arith.index_cast %add3A_987 : i32 to index
      %swap3A_989 = arith.constant 0 : index
      %swap3A_990 = tpu.vector_load %arg12[%swap3A_988, %swap3A_989] {strides = array<i32>} : memref<80x128xf32, #tpu.memory_space<vmem>>, vector<1x16xf32>,
      %swap3A_991 = vector.shape_cast %swap3A_990 : vector<1x16xf32> to vector<16xf32>
      %swap3A_992 = vector.shape_cast %get3A_983 : vector<16xf32> to vector<1x16xf32>
      tpu.vector_store %arg12[%swap3A_988, %swap3A_989], %swap3A_992 {strides = array<i32>} : memref<80x128xf32, #tpu.memory_space<vmem>>, vector<1x16xf32>,
    }
    %scan3A_558 = arith.constant 10 : i32
    %dma_start3A_559 = arith.constant 0 : i32
    %dma_start3A_560 = arith.constant 0 : i32
    %dma_start3A_561 = tpu.memref_slice %arg15[%dma_start3A_559, %dma_start3A_560] : memref<10000x128xf32, #tpu.memory_space<vmem_shared>> -> memref<10000x128xf32, #tpu.memory_space<vmem_shared>>
    tpu.enqueue_indirect_dma source(%arg12 : memref<80x128xf32, #tpu.memory_space<vmem>>) target(%dma_start3A_561 : memref<10000x128xf32, #tpu.memory_space<vmem_shared>>) offsets(%arg10 : memref<80xi32, #tpu.memory_space<vmem>>) semaphore(%arg18 : memref<!tpu.dma_semaphore, #tpu.memory_space<semaphore_mem>>) {add = true}
    %get3A_562 = arith.constant 1 : i32
    %get3A_563 = arith.index_cast %get3A_562 : i32 to index
    %get3A_564 = arith.constant 0 : index
    %get3A_565 = tpu.vector_load %arg9[%get3A_563, %get3A_564] {strides = array<i32>} : memref<5x80xi32, #tpu.memory_space<vmem>>, vector<1x16xi32>,
    %get3A_566 = vector.shape_cast %get3A_565 : vector<1x16xi32> to vector<16xi32>
    %swap3A_567 = arith.constant 0 : index
    %swap3A_568 = tpu.vector_load %arg11[%swap3A_567] {strides = array<i32>} : memref<80xi32, #tpu.memory_space<vmem>>, vector<16xi32>,
    %swap3A_569 = vector.shape_cast %swap3A_568 : vector<16xi32> to vector<16xi32>
    %swap3A_570 = vector.shape_cast %get3A_566 : vector<16xi32> to vector<16xi32>
    tpu.vector_store %arg11[%swap3A_567], %swap3A_570 {strides = array<i32>} : memref<80xi32, #tpu.memory_space<vmem>>, vector<16xi32>,
    %get3A_571 = arith.constant 1 : i32
    %get3A_572 = arith.index_cast %get3A_571 : i32 to index
    %get3A_573 = arith.constant 16 : index
    %get3A_574 = tpu.vector_load %arg9[%get3A_572, %get3A_573] {strides = array<i32>} : memref<5x80xi32, #tpu.memory_space<vmem>>, vector<1x16xi32>,
    %get3A_575 = vector.shape_cast %get3A_574 : vector<1x16xi32> to vector<16xi32>
    %swap3A_576 = arith.constant 16 : index
    %swap3A_577 = tpu.vector_load %arg11[%swap3A_576] {strides = array<i32>} : memref<80xi32, #tpu.memory_space<vmem>>, vector<16xi32>,
    %swap3A_578 = vector.shape_cast %swap3A_577 : vector<16xi32> to vector<16xi32>
    %swap3A_579 = vector.shape_cast %get3A_575 : vector<16xi32> to vector<16xi32>
    tpu.vector_store %arg11[%swap3A_576], %swap3A_579 {strides = array<i32>} : memref<80xi32, #tpu.memory_space<vmem>>, vector<16xi32>,
    %get3A_580 = arith.constant 1 : i32
    %get3A_581 = arith.index_cast %get3A_580 : i32 to index
    %get3A_582 = arith.constant 32 : index
    %get3A_583 = tpu.vector_load %arg9[%get3A_581, %get3A_582] {strides = array<i32>} : memref<5x80xi32, #tpu.memory_space<vmem>>, vector<1x16xi32>,
    %get3A_584 = vector.shape_cast %get3A_583 : vector<1x16xi32> to vector<16xi32>
    %swap3A_585 = arith.constant 32 : index
    %swap3A_586 = tpu.vector_load %arg11[%swap3A_585] {strides = array<i32>} : memref<80xi32, #tpu.memory_space<vmem>>, vector<16xi32>,
    %swap3A_587 = vector.shape_cast %swap3A_586 : vector<16xi32> to vector<16xi32>
    %swap3A_588 = vector.shape_cast %get3A_584 : vector<16xi32> to vector<16xi32>
    tpu.vector_store %arg11[%swap3A_585], %swap3A_588 {strides = array<i32>} : memref<80xi32, #tpu.memory_space<vmem>>, vector<16xi32>,
    %get3A_589 = arith.constant 1 : i32
    %get3A_590 = arith.index_cast %get3A_589 : i32 to index
    %get3A_591 = arith.constant 48 : index
    %get3A_592 = tpu.vector_load %arg9[%get3A_590, %get3A_591] {strides = array<i32>} : memref<5x80xi32, #tpu.memory_space<vmem>>, vector<1x16xi32>,
    %get3A_593 = vector.shape_cast %get3A_592 : vector<1x16xi32> to vector<16xi32>
    %swap3A_594 = arith.constant 48 : index
    %swap3A_595 = tpu.vector_load %arg11[%swap3A_594] {strides = array<i32>} : memref<80xi32, #tpu.memory_space<vmem>>, vector<16xi32>,
    %swap3A_596 = vector.shape_cast %swap3A_595 : vector<16xi32> to vector<16xi32>
    %swap3A_597 = vector.shape_cast %get3A_593 : vector<16xi32> to vector<16xi32>
    tpu.vector_store %arg11[%swap3A_594], %swap3A_597 {strides = array<i32>} : memref<80xi32, #tpu.memory_space<vmem>>, vector<16xi32>,
    %get3A_598 = arith.constant 1 : i32
    %get3A_599 = arith.index_cast %get3A_598 : i32 to index
    %get3A_600 = arith.constant 64 : index
    %get3A_601 = tpu.vector_load %arg9[%get3A_599, %get3A_600] {strides = array<i32>} : memref<5x80xi32, #tpu.memory_space<vmem>>, vector<1x16xi32>,
    %get3A_602 = vector.shape_cast %get3A_601 : vector<1x16xi32> to vector<16xi32>
    %swap3A_603 = arith.constant 64 : index
    %swap3A_604 = tpu.vector_load %arg11[%swap3A_603] {strides = array<i32>} : memref<80xi32, #tpu.memory_space<vmem>>, vector<16xi32>,
    %swap3A_605 = vector.shape_cast %swap3A_604 : vector<16xi32> to vector<16xi32>
    %swap3A_606 = vector.shape_cast %get3A_602 : vector<16xi32> to vector<16xi32>
    tpu.vector_store %arg11[%swap3A_603], %swap3A_606 {strides = array<i32>} : memref<80xi32, #tpu.memory_space<vmem>>, vector<16xi32>,
    %scan3A_607 = arith.constant 0 : i32
    %scan3A_608 = arith.constant 0 : i32
    %scan3A_609 = arith.constant 10 : i32
    %scan3A_610 = arith.addi %scan3A_608, %scan3A_609 : i32
    %scan3A_611 = arith.constant 1 : i32
    scf.for %scan3A_872 = %scan3A_608 to %scan3A_610 step %scan3A_611  : i32 {
      %add3A_873 = arith.constant 10 : i32
      %add3A_874 = arith.addi %add3A_873, %scan3A_872 : i32
      %get3A_875 = arith.index_cast %add3A_874 : i32 to index
      %get3A_876 = arith.constant 0 : index
      %get3A_877 = tpu.vector_load %arg14[%get3A_875, %get3A_876] {strides = array<i32>} : memref<50x128xf32, #tpu.memory_space<vmem>>, vector<1x16xf32>,
      %get3A_878 = vector.shape_cast %get3A_877 : vector<1x16xf32> to vector<16xf32>
      %mul3A_879 = arith.constant 8 : i32
      %mul3A_880 = arith.muli %scan3A_872, %mul3A_879 : i32
      %add3A_881 = arith.constant 0 : i32
      %add3A_882 = arith.addi %mul3A_880, %add3A_881 : i32
      %swap3A_883 = arith.index_cast %add3A_882 : i32 to index
      %swap3A_884 = arith.constant 0 : index
      %swap3A_885 = tpu.vector_load %arg13[%swap3A_883, %swap3A_884] {strides = array<i32>} : memref<80x128xf32, #tpu.memory_space<vmem>>, vector<1x16xf32>,
      %swap3A_886 = vector.shape_cast %swap3A_885 : vector<1x16xf32> to vector<16xf32>
      %swap3A_887 = vector.shape_cast %get3A_878 : vector<16xf32> to vector<1x16xf32>
      tpu.vector_store %arg13[%swap3A_883, %swap3A_884], %swap3A_887 {strides = array<i32>} : memref<80x128xf32, #tpu.memory_space<vmem>>, vector<1x16xf32>,
      %add3A_888 = arith.constant 10 : i32
      %add3A_889 = arith.addi %add3A_888, %scan3A_872 : i32
      %get3A_890 = arith.index_cast %add3A_889 : i32 to index
      %get3A_891 = arith.constant 16 : index
      %get3A_892 = tpu.vector_load %arg14[%get3A_890, %get3A_891] {strides = array<i32>} : memref<50x128xf32, #tpu.memory_space<vmem>>, vector<1x16xf32>,
      %get3A_893 = vector.shape_cast %get3A_892 : vector<1x16xf32> to vector<16xf32>
      %mul3A_894 = arith.constant 8 : i32
      %mul3A_895 = arith.muli %scan3A_872, %mul3A_894 : i32
      %add3A_896 = arith.constant 1 : i32
      %add3A_897 = arith.addi %mul3A_895, %add3A_896 : i32
      %swap3A_898 = arith.index_cast %add3A_897 : i32 to index
      %swap3A_899 = arith.constant 0 : index
      %swap3A_900 = tpu.vector_load %arg13[%swap3A_898, %swap3A_899] {strides = array<i32>} : memref<80x128xf32, #tpu.memory_space<vmem>>, vector<1x16xf32>,
      %swap3A_901 = vector.shape_cast %swap3A_900 : vector<1x16xf32> to vector<16xf32>
      %swap3A_902 = vector.shape_cast %get3A_893 : vector<16xf32> to vector<1x16xf32>
      tpu.vector_store %arg13[%swap3A_898, %swap3A_899], %swap3A_902 {strides = array<i32>} : memref<80x128xf32, #tpu.memory_space<vmem>>, vector<1x16xf32>,
      %add3A_903 = arith.constant 10 : i32
      %add3A_904 = arith.addi %add3A_903, %scan3A_872 : i32
      %get3A_905 = arith.index_cast %add3A_904 : i32 to index
      %get3A_906 = arith.constant 32 : index
      %get3A_907 = tpu.vector_load %arg14[%get3A_905, %get3A_906] {strides = array<i32>} : memref<50x128xf32, #tpu.memory_space<vmem>>, vector<1x16xf32>,
      %get3A_908 = vector.shape_cast %get3A_907 : vector<1x16xf32> to vector<16xf32>
      %mul3A_909 = arith.constant 8 : i32
      %mul3A_910 = arith.muli %scan3A_872, %mul3A_909 : i32
      %add3A_911 = arith.constant 2 : i32
      %add3A_912 = arith.addi %mul3A_910, %add3A_911 : i32
      %swap3A_913 = arith.index_cast %add3A_912 : i32 to index
      %swap3A_914 = arith.constant 0 : index
      %swap3A_915 = tpu.vector_load %arg13[%swap3A_913, %swap3A_914] {strides = array<i32>} : memref<80x128xf32, #tpu.memory_space<vmem>>, vector<1x16xf32>,
      %swap3A_916 = vector.shape_cast %swap3A_915 : vector<1x16xf32> to vector<16xf32>
      %swap3A_917 = vector.shape_cast %get3A_908 : vector<16xf32> to vector<1x16xf32>
      tpu.vector_store %arg13[%swap3A_913, %swap3A_914], %swap3A_917 {strides = array<i32>} : memref<80x128xf32, #tpu.memory_space<vmem>>, vector<1x16xf32>,
      %add3A_918 = arith.constant 10 : i32
      %add3A_919 = arith.addi %add3A_918, %scan3A_872 : i32
      %get3A_920 = arith.index_cast %add3A_919 : i32 to index
      %get3A_921 = arith.constant 48 : index
      %get3A_922 = tpu.vector_load %arg14[%get3A_920, %get3A_921] {strides = array<i32>} : memref<50x128xf32, #tpu.memory_space<vmem>>, vector<1x16xf32>,
      %get3A_923 = vector.shape_cast %get3A_922 : vector<1x16xf32> to vector<16xf32>
      %mul3A_924 = arith.constant 8 : i32
      %mul3A_925 = arith.muli %scan3A_872, %mul3A_924 : i32
      %add3A_926 = arith.constant 3 : i32
      %add3A_927 = arith.addi %mul3A_925, %add3A_926 : i32
      %swap3A_928 = arith.index_cast %add3A_927 : i32 to index
      %swap3A_929 = arith.constant 0 : index
      %swap3A_930 = tpu.vector_load %arg13[%swap3A_928, %swap3A_929] {strides = array<i32>} : memref<80x128xf32, #tpu.memory_space<vmem>>, vector<1x16xf32>,
      %swap3A_931 = vector.shape_cast %swap3A_930 : vector<1x16xf32> to vector<16xf32>
      %swap3A_932 = vector.shape_cast %get3A_923 : vector<16xf32> to vector<1x16xf32>
      tpu.vector_store %arg13[%swap3A_928, %swap3A_929], %swap3A_932 {strides = array<i32>} : memref<80x128xf32, #tpu.memory_space<vmem>>, vector<1x16xf32>,
      %add3A_933 = arith.constant 10 : i32
      %add3A_934 = arith.addi %add3A_933, %scan3A_872 : i32
      %get3A_935 = arith.index_cast %add3A_934 : i32 to index
      %get3A_936 = arith.constant 64 : index
      %get3A_937 = tpu.vector_load %arg14[%get3A_935, %get3A_936] {strides = array<i32>} : memref<50x128xf32, #tpu.memory_space<vmem>>, vector<1x16xf32>,
      %get3A_938 = vector.shape_cast %get3A_937 : vector<1x16xf32> to vector<16xf32>
      %mul3A_939 = arith.constant 8 : i32
      %mul3A_940 = arith.muli %scan3A_872, %mul3A_939 : i32
      %add3A_941 = arith.constant 4 : i32
      %add3A_942 = arith.addi %mul3A_940, %add3A_941 : i32
      %swap3A_943 = arith.index_cast %add3A_942 : i32 to index
      %swap3A_944 = arith.constant 0 : index
      %swap3A_945 = tpu.vector_load %arg13[%swap3A_943, %swap3A_944] {strides = array<i32>} : memref<80x128xf32, #tpu.memory_space<vmem>>, vector<1x16xf32>,
      %swap3A_946 = vector.shape_cast %swap3A_945 : vector<1x16xf32> to vector<16xf32>
      %swap3A_947 = vector.shape_cast %get3A_938 : vector<16xf32> to vector<1x16xf32>
      tpu.vector_store %arg13[%swap3A_943, %swap3A_944], %swap3A_947 {strides = array<i32>} : memref<80x128xf32, #tpu.memory_space<vmem>>, vector<1x16xf32>,
      %add3A_948 = arith.constant 10 : i32
      %add3A_949 = arith.addi %add3A_948, %scan3A_872 : i32
      %get3A_950 = arith.index_cast %add3A_949 : i32 to index
      %get3A_951 = arith.constant 80 : index
      %get3A_952 = tpu.vector_load %arg14[%get3A_950, %get3A_951] {strides = array<i32>} : memref<50x128xf32, #tpu.memory_space<vmem>>, vector<1x16xf32>,
      %get3A_953 = vector.shape_cast %get3A_952 : vector<1x16xf32> to vector<16xf32>
      %mul3A_954 = arith.constant 8 : i32
      %mul3A_955 = arith.muli %scan3A_872, %mul3A_954 : i32
      %add3A_956 = arith.constant 5 : i32
      %add3A_957 = arith.addi %mul3A_955, %add3A_956 : i32
      %swap3A_958 = arith.index_cast %add3A_957 : i32 to index
      %swap3A_959 = arith.constant 0 : index
      %swap3A_960 = tpu.vector_load %arg13[%swap3A_958, %swap3A_959] {strides = array<i32>} : memref<80x128xf32, #tpu.memory_space<vmem>>, vector<1x16xf32>,
      %swap3A_961 = vector.shape_cast %swap3A_960 : vector<1x16xf32> to vector<16xf32>
      %swap3A_962 = vector.shape_cast %get3A_953 : vector<16xf32> to vector<1x16xf32>
      tpu.vector_store %arg13[%swap3A_958, %swap3A_959], %swap3A_962 {strides = array<i32>} : memref<80x128xf32, #tpu.memory_space<vmem>>, vector<1x16xf32>,
      %add3A_963 = arith.constant 10 : i32
      %add3A_964 = arith.addi %add3A_963, %scan3A_872 : i32
      %get3A_965 = arith.index_cast %add3A_964 : i32 to index
      %get3A_966 = arith.constant 96 : index
      %get3A_967 = tpu.vector_load %arg14[%get3A_965, %get3A_966] {strides = array<i32>} : memref<50x128xf32, #tpu.memory_space<vmem>>, vector<1x16xf32>,
      %get3A_968 = vector.shape_cast %get3A_967 : vector<1x16xf32> to vector<16xf32>
      %mul3A_969 = arith.constant 8 : i32
      %mul3A_970 = arith.muli %scan3A_872, %mul3A_969 : i32
      %add3A_971 = arith.constant 6 : i32
      %add3A_972 = arith.addi %mul3A_970, %add3A_971 : i32
      %swap3A_973 = arith.index_cast %add3A_972 : i32 to index
      %swap3A_974 = arith.constant 0 : index
      %swap3A_975 = tpu.vector_load %arg13[%swap3A_973, %swap3A_974] {strides = array<i32>} : memref<80x128xf32, #tpu.memory_space<vmem>>, vector<1x16xf32>,
      %swap3A_976 = vector.shape_cast %swap3A_975 : vector<1x16xf32> to vector<16xf32>
      %swap3A_977 = vector.shape_cast %get3A_968 : vector<16xf32> to vector<1x16xf32>
      tpu.vector_store %arg13[%swap3A_973, %swap3A_974], %swap3A_977 {strides = array<i32>} : memref<80x128xf32, #tpu.memory_space<vmem>>, vector<1x16xf32>,
      %add3A_978 = arith.constant 10 : i32
      %add3A_979 = arith.addi %add3A_978, %scan3A_872 : i32
      %get3A_980 = arith.index_cast %add3A_979 : i32 to index
      %get3A_981 = arith.constant 112 : index
      %get3A_982 = tpu.vector_load %arg14[%get3A_980, %get3A_981] {strides = array<i32>} : memref<50x128xf32, #tpu.memory_space<vmem>>, vector<1x16xf32>,
      %get3A_983 = vector.shape_cast %get3A_982 : vector<1x16xf32> to vector<16xf32>
      %mul3A_984 = arith.constant 8 : i32
      %mul3A_985 = arith.muli %scan3A_872, %mul3A_984 : i32
      %add3A_986 = arith.constant 7 : i32
      %add3A_987 = arith.addi %mul3A_985, %add3A_986 : i32
      %swap3A_988 = arith.index_cast %add3A_987 : i32 to index
      %swap3A_989 = arith.constant 0 : index
      %swap3A_990 = tpu.vector_load %arg13[%swap3A_988, %swap3A_989] {strides = array<i32>} : memref<80x128xf32, #tpu.memory_space<vmem>>, vector<1x16xf32>,
      %swap3A_991 = vector.shape_cast %swap3A_990 : vector<1x16xf32> to vector<16xf32>
      %swap3A_992 = vector.shape_cast %get3A_983 : vector<16xf32> to vector<1x16xf32>
      tpu.vector_store %arg13[%swap3A_988, %swap3A_989], %swap3A_992 {strides = array<i32>} : memref<80x128xf32, #tpu.memory_space<vmem>>, vector<1x16xf32>,
    }
    %scan3A_612 = arith.constant 10 : i32
    %dma_start3A_613 = arith.constant 0 : i32
    %dma_start3A_614 = arith.constant 0 : i32
    %dma_start3A_615 = tpu.memref_slice %arg15[%dma_start3A_613, %dma_start3A_614] : memref<10000x128xf32, #tpu.memory_space<vmem_shared>> -> memref<10000x128xf32, #tpu.memory_space<vmem_shared>>
    tpu.enqueue_indirect_dma source(%arg13 : memref<80x128xf32, #tpu.memory_space<vmem>>) target(%dma_start3A_615 : memref<10000x128xf32, #tpu.memory_space<vmem_shared>>) offsets(%arg11 : memref<80xi32, #tpu.memory_space<vmem>>) semaphore(%arg19 : memref<!tpu.dma_semaphore, #tpu.memory_space<semaphore_mem>>) {add = true}
    %dma_wait3A_616 = arith.constant 0 : i32
    %dma_wait3A_617 = arith.constant 0 : i32
    %dma_wait3A_618 = tpu.memref_slice %arg15[%dma_wait3A_616, %dma_wait3A_617] : memref<10000x128xf32, #tpu.memory_space<vmem_shared>> -> memref<10000x128xf32, #tpu.memory_space<vmem_shared>>
    tpu.wait_indirect_dma semaphore(%arg18 : memref<!tpu.dma_semaphore, #tpu.memory_space<semaphore_mem>>) src(%arg12 : memref<80x128xf32, #tpu.memory_space<vmem>>) dst(%dma_wait3A_618 : memref<10000x128xf32, #tpu.memory_space<vmem_shared>>)
    %get3A_619 = arith.constant 2 : i32
    %get3A_620 = arith.index_cast %get3A_619 : i32 to index
    %get3A_621 = arith.constant 0 : index
    %get3A_622 = tpu.vector_load %arg9[%get3A_620, %get3A_621] {strides = array<i32>} : memref<5x80xi32, #tpu.memory_space<vmem>>, vector<1x16xi32>,
    %get3A_623 = vector.shape_cast %get3A_622 : vector<1x16xi32> to vector<16xi32>
    %swap3A_624 = arith.constant 0 : index
    %swap3A_625 = tpu.vector_load %arg10[%swap3A_624] {strides = array<i32>} : memref<80xi32, #tpu.memory_space<vmem>>, vector<16xi32>,
    %swap3A_626 = vector.shape_cast %swap3A_625 : vector<16xi32> to vector<16xi32>
    %swap3A_627 = vector.shape_cast %get3A_623 : vector<16xi32> to vector<16xi32>
    tpu.vector_store %arg10[%swap3A_624], %swap3A_627 {strides = array<i32>} : memref<80xi32, #tpu.memory_space<vmem>>, vector<16xi32>,
    %get3A_628 = arith.constant 2 : i32
    %get3A_629 = arith.index_cast %get3A_628 : i32 to index
    %get3A_630 = arith.constant 16 : index
    %get3A_631 = tpu.vector_load %arg9[%get3A_629, %get3A_630] {strides = array<i32>} : memref<5x80xi32, #tpu.memory_space<vmem>>, vector<1x16xi32>,
    %get3A_632 = vector.shape_cast %get3A_631 : vector<1x16xi32> to vector<16xi32>
    %swap3A_633 = arith.constant 16 : index
    %swap3A_634 = tpu.vector_load %arg10[%swap3A_633] {strides = array<i32>} : memref<80xi32, #tpu.memory_space<vmem>>, vector<16xi32>,
    %swap3A_635 = vector.shape_cast %swap3A_634 : vector<16xi32> to vector<16xi32>
    %swap3A_636 = vector.shape_cast %get3A_632 : vector<16xi32> to vector<16xi32>
    tpu.vector_store %arg10[%swap3A_633], %swap3A_636 {strides = array<i32>} : memref<80xi32, #tpu.memory_space<vmem>>, vector<16xi32>,
    %get3A_637 = arith.constant 2 : i32
    %get3A_638 = arith.index_cast %get3A_637 : i32 to index
    %get3A_639 = arith.constant 32 : index
    %get3A_640 = tpu.vector_load %arg9[%get3A_638, %get3A_639] {strides = array<i32>} : memref<5x80xi32, #tpu.memory_space<vmem>>, vector<1x16xi32>,
    %get3A_641 = vector.shape_cast %get3A_640 : vector<1x16xi32> to vector<16xi32>
    %swap3A_642 = arith.constant 32 : index
    %swap3A_643 = tpu.vector_load %arg10[%swap3A_642] {strides = array<i32>} : memref<80xi32, #tpu.memory_space<vmem>>, vector<16xi32>,
    %swap3A_644 = vector.shape_cast %swap3A_643 : vector<16xi32> to vector<16xi32>
    %swap3A_645 = vector.shape_cast %get3A_641 : vector<16xi32> to vector<16xi32>
    tpu.vector_store %arg10[%swap3A_642], %swap3A_645 {strides = array<i32>} : memref<80xi32, #tpu.memory_space<vmem>>, vector<16xi32>,
    %get3A_646 = arith.constant 2 : i32
    %get3A_647 = arith.index_cast %get3A_646 : i32 to index
    %get3A_648 = arith.constant 48 : index
    %get3A_649 = tpu.vector_load %arg9[%get3A_647, %get3A_648] {strides = array<i32>} : memref<5x80xi32, #tpu.memory_space<vmem>>, vector<1x16xi32>,
    %get3A_650 = vector.shape_cast %get3A_649 : vector<1x16xi32> to vector<16xi32>
    %swap3A_651 = arith.constant 48 : index
    %swap3A_652 = tpu.vector_load %arg10[%swap3A_651] {strides = array<i32>} : memref<80xi32, #tpu.memory_space<vmem>>, vector<16xi32>,
    %swap3A_653 = vector.shape_cast %swap3A_652 : vector<16xi32> to vector<16xi32>
    %swap3A_654 = vector.shape_cast %get3A_650 : vector<16xi32> to vector<16xi32>
    tpu.vector_store %arg10[%swap3A_651], %swap3A_654 {strides = array<i32>} : memref<80xi32, #tpu.memory_space<vmem>>, vector<16xi32>,
    %get3A_655 = arith.constant 2 : i32
    %get3A_656 = arith.index_cast %get3A_655 : i32 to index
    %get3A_657 = arith.constant 64 : index
    %get3A_658 = tpu.vector_load %arg9[%get3A_656, %get3A_657] {strides = array<i32>} : memref<5x80xi32, #tpu.memory_space<vmem>>, vector<1x16xi32>,
    %get3A_659 = vector.shape_cast %get3A_658 : vector<1x16xi32> to vector<16xi32>
    %swap3A_660 = arith.constant 64 : index
    %swap3A_661 = tpu.vector_load %arg10[%swap3A_660] {strides = array<i32>} : memref<80xi32, #tpu.memory_space<vmem>>, vector<16xi32>,
    %swap3A_662 = vector.shape_cast %swap3A_661 : vector<16xi32> to vector<16xi32>
    %swap3A_663 = vector.shape_cast %get3A_659 : vector<16xi32> to vector<16xi32>
    tpu.vector_store %arg10[%swap3A_660], %swap3A_663 {strides = array<i32>} : memref<80xi32, #tpu.memory_space<vmem>>, vector<16xi32>,
    %scan3A_664 = arith.constant 0 : i32
    %scan3A_665 = arith.constant 0 : i32
    %scan3A_666 = arith.constant 10 : i32
    %scan3A_667 = arith.addi %scan3A_665, %scan3A_666 : i32
    %scan3A_668 = arith.constant 1 : i32
    scf.for %scan3A_872 = %scan3A_665 to %scan3A_667 step %scan3A_668  : i32 {
      %add3A_873 = arith.constant 20 : i32
      %add3A_874 = arith.addi %add3A_873, %scan3A_872 : i32
      %get3A_875 = arith.index_cast %add3A_874 : i32 to index
      %get3A_876 = arith.constant 0 : index
      %get3A_877 = tpu.vector_load %arg14[%get3A_875, %get3A_876] {strides = array<i32>} : memref<50x128xf32, #tpu.memory_space<vmem>>, vector<1x16xf32>,
      %get3A_878 = vector.shape_cast %get3A_877 : vector<1x16xf32> to vector<16xf32>
      %mul3A_879 = arith.constant 8 : i32
      %mul3A_880 = arith.muli %scan3A_872, %mul3A_879 : i32
      %add3A_881 = arith.constant 0 : i32
      %add3A_882 = arith.addi %mul3A_880, %add3A_881 : i32
      %swap3A_883 = arith.index_cast %add3A_882 : i32 to index
      %swap3A_884 = arith.constant 0 : index
      %swap3A_885 = tpu.vector_load %arg12[%swap3A_883, %swap3A_884] {strides = array<i32>} : memref<80x128xf32, #tpu.memory_space<vmem>>, vector<1x16xf32>,
      %swap3A_886 = vector.shape_cast %swap3A_885 : vector<1x16xf32> to vector<16xf32>
      %swap3A_887 = vector.shape_cast %get3A_878 : vector<16xf32> to vector<1x16xf32>
      tpu.vector_store %arg12[%swap3A_883, %swap3A_884], %swap3A_887 {strides = array<i32>} : memref<80x128xf32, #tpu.memory_space<vmem>>, vector<1x16xf32>,
      %add3A_888 = arith.constant 20 : i32
      %add3A_889 = arith.addi %add3A_888, %scan3A_872 : i32
      %get3A_890 = arith.index_cast %add3A_889 : i32 to index
      %get3A_891 = arith.constant 16 : index
      %get3A_892 = tpu.vector_load %arg14[%get3A_890, %get3A_891] {strides = array<i32>} : memref<50x128xf32, #tpu.memory_space<vmem>>, vector<1x16xf32>,
      %get3A_893 = vector.shape_cast %get3A_892 : vector<1x16xf32> to vector<16xf32>
      %mul3A_894 = arith.constant 8 : i32
      %mul3A_895 = arith.muli %scan3A_872, %mul3A_894 : i32
      %add3A_896 = arith.constant 1 : i32
      %add3A_897 = arith.addi %mul3A_895, %add3A_896 : i32
      %swap3A_898 = arith.index_cast %add3A_897 : i32 to index
      %swap3A_899 = arith.constant 0 : index
      %swap3A_900 = tpu.vector_load %arg12[%swap3A_898, %swap3A_899] {strides = array<i32>} : memref<80x128xf32, #tpu.memory_space<vmem>>, vector<1x16xf32>,
      %swap3A_901 = vector.shape_cast %swap3A_900 : vector<1x16xf32> to vector<16xf32>
      %swap3A_902 = vector.shape_cast %get3A_893 : vector<16xf32> to vector<1x16xf32>
      tpu.vector_store %arg12[%swap3A_898, %swap3A_899], %swap3A_902 {strides = array<i32>} : memref<80x128xf32, #tpu.memory_space<vmem>>, vector<1x16xf32>,
      %add3A_903 = arith.constant 20 : i32
      %add3A_904 = arith.addi %add3A_903, %scan3A_872 : i32
      %get3A_905 = arith.index_cast %add3A_904 : i32 to index
      %get3A_906 = arith.constant 32 : index
      %get3A_907 = tpu.vector_load %arg14[%get3A_905, %get3A_906] {strides = array<i32>} : memref<50x128xf32, #tpu.memory_space<vmem>>, vector<1x16xf32>,
      %get3A_908 = vector.shape_cast %get3A_907 : vector<1x16xf32> to vector<16xf32>
      %mul3A_909 = arith.constant 8 : i32
      %mul3A_910 = arith.muli %scan3A_872, %mul3A_909 : i32
      %add3A_911 = arith.constant 2 : i32
      %add3A_912 = arith.addi %mul3A_910, %add3A_911 : i32
      %swap3A_913 = arith.index_cast %add3A_912 : i32 to index
      %swap3A_914 = arith.constant 0 : index
      %swap3A_915 = tpu.vector_load %arg12[%swap3A_913, %swap3A_914] {strides = array<i32>} : memref<80x128xf32, #tpu.memory_space<vmem>>, vector<1x16xf32>,
      %swap3A_916 = vector.shape_cast %swap3A_915 : vector<1x16xf32> to vector<16xf32>
      %swap3A_917 = vector.shape_cast %get3A_908 : vector<16xf32> to vector<1x16xf32>
      tpu.vector_store %arg12[%swap3A_913, %swap3A_914], %swap3A_917 {strides = array<i32>} : memref<80x128xf32, #tpu.memory_space<vmem>>, vector<1x16xf32>,
      %add3A_918 = arith.constant 20 : i32
      %add3A_919 = arith.addi %add3A_918, %scan3A_872 : i32
      %get3A_920 = arith.index_cast %add3A_919 : i32 to index
      %get3A_921 = arith.constant 48 : index
      %get3A_922 = tpu.vector_load %arg14[%get3A_920, %get3A_921] {strides = array<i32>} : memref<50x128xf32, #tpu.memory_space<vmem>>, vector<1x16xf32>,
      %get3A_923 = vector.shape_cast %get3A_922 : vector<1x16xf32> to vector<16xf32>
      %mul3A_924 = arith.constant 8 : i32
      %mul3A_925 = arith.muli %scan3A_872, %mul3A_924 : i32
      %add3A_926 = arith.constant 3 : i32
      %add3A_927 = arith.addi %mul3A_925, %add3A_926 : i32
      %swap3A_928 = arith.index_cast %add3A_927 : i32 to index
      %swap3A_929 = arith.constant 0 : index
      %swap3A_930 = tpu.vector_load %arg12[%swap3A_928, %swap3A_929] {strides = array<i32>} : memref<80x128xf32, #tpu.memory_space<vmem>>, vector<1x16xf32>,
      %swap3A_931 = vector.shape_cast %swap3A_930 : vector<1x16xf32> to vector<16xf32>
      %swap3A_932 = vector.shape_cast %get3A_923 : vector<16xf32> to vector<1x16xf32>
      tpu.vector_store %arg12[%swap3A_928, %swap3A_929], %swap3A_932 {strides = array<i32>} : memref<80x128xf32, #tpu.memory_space<vmem>>, vector<1x16xf32>,
      %add3A_933 = arith.constant 20 : i32
      %add3A_934 = arith.addi %add3A_933, %scan3A_872 : i32
      %get3A_935 = arith.index_cast %add3A_934 : i32 to index
      %get3A_936 = arith.constant 64 : index
      %get3A_937 = tpu.vector_load %arg14[%get3A_935, %get3A_936] {strides = array<i32>} : memref<50x128xf32, #tpu.memory_space<vmem>>, vector<1x16xf32>,
      %get3A_938 = vector.shape_cast %get3A_937 : vector<1x16xf32> to vector<16xf32>
      %mul3A_939 = arith.constant 8 : i32
      %mul3A_940 = arith.muli %scan3A_872, %mul3A_939 : i32
      %add3A_941 = arith.constant 4 : i32
      %add3A_942 = arith.addi %mul3A_940, %add3A_941 : i32
      %swap3A_943 = arith.index_cast %add3A_942 : i32 to index
      %swap3A_944 = arith.constant 0 : index
      %swap3A_945 = tpu.vector_load %arg12[%swap3A_943, %swap3A_944] {strides = array<i32>} : memref<80x128xf32, #tpu.memory_space<vmem>>, vector<1x16xf32>,
      %swap3A_946 = vector.shape_cast %swap3A_945 : vector<1x16xf32> to vector<16xf32>
      %swap3A_947 = vector.shape_cast %get3A_938 : vector<16xf32> to vector<1x16xf32>
      tpu.vector_store %arg12[%swap3A_943, %swap3A_944], %swap3A_947 {strides = array<i32>} : memref<80x128xf32, #tpu.memory_space<vmem>>, vector<1x16xf32>,
      %add3A_948 = arith.constant 20 : i32
      %add3A_949 = arith.addi %add3A_948, %scan3A_872 : i32
      %get3A_950 = arith.index_cast %add3A_949 : i32 to index
      %get3A_951 = arith.constant 80 : index
      %get3A_952 = tpu.vector_load %arg14[%get3A_950, %get3A_951] {strides = array<i32>} : memref<50x128xf32, #tpu.memory_space<vmem>>, vector<1x16xf32>,
      %get3A_953 = vector.shape_cast %get3A_952 : vector<1x16xf32> to vector<16xf32>
      %mul3A_954 = arith.constant 8 : i32
      %mul3A_955 = arith.muli %scan3A_872, %mul3A_954 : i32
      %add3A_956 = arith.constant 5 : i32
      %add3A_957 = arith.addi %mul3A_955, %add3A_956 : i32
      %swap3A_958 = arith.index_cast %add3A_957 : i32 to index
      %swap3A_959 = arith.constant 0 : index
      %swap3A_960 = tpu.vector_load %arg12[%swap3A_958, %swap3A_959] {strides = array<i32>} : memref<80x128xf32, #tpu.memory_space<vmem>>, vector<1x16xf32>,
      %swap3A_961 = vector.shape_cast %swap3A_960 : vector<1x16xf32> to vector<16xf32>
      %swap3A_962 = vector.shape_cast %get3A_953 : vector<16xf32> to vector<1x16xf32>
      tpu.vector_store %arg12[%swap3A_958, %swap3A_959], %swap3A_962 {strides = array<i32>} : memref<80x128xf32, #tpu.memory_space<vmem>>, vector<1x16xf32>,
      %add3A_963 = arith.constant 20 : i32
      %add3A_964 = arith.addi %add3A_963, %scan3A_872 : i32
      %get3A_965 = arith.index_cast %add3A_964 : i32 to index
      %get3A_966 = arith.constant 96 : index
      %get3A_967 = tpu.vector_load %arg14[%get3A_965, %get3A_966] {strides = array<i32>} : memref<50x128xf32, #tpu.memory_space<vmem>>, vector<1x16xf32>,
      %get3A_968 = vector.shape_cast %get3A_967 : vector<1x16xf32> to vector<16xf32>
      %mul3A_969 = arith.constant 8 : i32
      %mul3A_970 = arith.muli %scan3A_872, %mul3A_969 : i32
      %add3A_971 = arith.constant 6 : i32
      %add3A_972 = arith.addi %mul3A_970, %add3A_971 : i32
      %swap3A_973 = arith.index_cast %add3A_972 : i32 to index
      %swap3A_974 = arith.constant 0 : index
      %swap3A_975 = tpu.vector_load %arg12[%swap3A_973, %swap3A_974] {strides = array<i32>} : memref<80x128xf32, #tpu.memory_space<vmem>>, vector<1x16xf32>,
      %swap3A_976 = vector.shape_cast %swap3A_975 : vector<1x16xf32> to vector<16xf32>
      %swap3A_977 = vector.shape_cast %get3A_968 : vector<16xf32> to vector<1x16xf32>
      tpu.vector_store %arg12[%swap3A_973, %swap3A_974], %swap3A_977 {strides = array<i32>} : memref<80x128xf32, #tpu.memory_space<vmem>>, vector<1x16xf32>,
      %add3A_978 = arith.constant 20 : i32
      %add3A_979 = arith.addi %add3A_978, %scan3A_872 : i32
      %get3A_980 = arith.index_cast %add3A_979 : i32 to index
      %get3A_981 = arith.constant 112 : index
      %get3A_982 = tpu.vector_load %arg14[%get3A_980, %get3A_981] {strides = array<i32>} : memref<50x128xf32, #tpu.memory_space<vmem>>, vector<1x16xf32>,
      %get3A_983 = vector.shape_cast %get3A_982 : vector<1x16xf32> to vector<16xf32>
      %mul3A_984 = arith.constant 8 : i32
      %mul3A_985 = arith.muli %scan3A_872, %mul3A_984 : i32
      %add3A_986 = arith.constant 7 : i32
      %add3A_987 = arith.addi %mul3A_985, %add3A_986 : i32
      %swap3A_988 = arith.index_cast %add3A_987 : i32 to index
      %swap3A_989 = arith.constant 0 : index
      %swap3A_990 = tpu.vector_load %arg12[%swap3A_988, %swap3A_989] {strides = array<i32>} : memref<80x128xf32, #tpu.memory_space<vmem>>, vector<1x16xf32>,
      %swap3A_991 = vector.shape_cast %swap3A_990 : vector<1x16xf32> to vector<16xf32>
      %swap3A_992 = vector.shape_cast %get3A_983 : vector<16xf32> to vector<1x16xf32>
      tpu.vector_store %arg12[%swap3A_988, %swap3A_989], %swap3A_992 {strides = array<i32>} : memref<80x128xf32, #tpu.memory_space<vmem>>, vector<1x16xf32>,
    }
    %scan3A_669 = arith.constant 10 : i32
    %dma_start3A_670 = arith.constant 0 : i32
    %dma_start3A_671 = arith.constant 0 : i32
    %dma_start3A_672 = tpu.memref_slice %arg15[%dma_start3A_670, %dma_start3A_671] : memref<10000x128xf32, #tpu.memory_space<vmem_shared>> -> memref<10000x128xf32, #tpu.memory_space<vmem_shared>>
    tpu.enqueue_indirect_dma source(%arg12 : memref<80x128xf32, #tpu.memory_space<vmem>>) target(%dma_start3A_672 : memref<10000x128xf32, #tpu.memory_space<vmem_shared>>) offsets(%arg10 : memref<80xi32, #tpu.memory_space<vmem>>) semaphore(%arg18 : memref<!tpu.dma_semaphore, #tpu.memory_space<semaphore_mem>>) {add = true}
    %dma_wait3A_673 = arith.constant 0 : i32
    %dma_wait3A_674 = arith.constant 0 : i32
    %dma_wait3A_675 = tpu.memref_slice %arg15[%dma_wait3A_673, %dma_wait3A_674] : memref<10000x128xf32, #tpu.memory_space<vmem_shared>> -> memref<10000x128xf32, #tpu.memory_space<vmem_shared>>
    tpu.wait_indirect_dma semaphore(%arg19 : memref<!tpu.dma_semaphore, #tpu.memory_space<semaphore_mem>>) src(%arg13 : memref<80x128xf32, #tpu.memory_space<vmem>>) dst(%dma_wait3A_675 : memref<10000x128xf32, #tpu.memory_space<vmem_shared>>)
    %get3A_676 = arith.constant 3 : i32
    %get3A_677 = arith.index_cast %get3A_676 : i32 to index
    %get3A_678 = arith.constant 0 : index
    %get3A_679 = tpu.vector_load %arg9[%get3A_677, %get3A_678] {strides = array<i32>} : memref<5x80xi32, #tpu.memory_space<vmem>>, vector<1x16xi32>,
    %get3A_680 = vector.shape_cast %get3A_679 : vector<1x16xi32> to vector<16xi32>
    %swap3A_681 = arith.constant 0 : index
    %swap3A_682 = tpu.vector_load %arg11[%swap3A_681] {strides = array<i32>} : memref<80xi32, #tpu.memory_space<vmem>>, vector<16xi32>,
    %swap3A_683 = vector.shape_cast %swap3A_682 : vector<16xi32> to vector<16xi32>
    %swap3A_684 = vector.shape_cast %get3A_680 : vector<16xi32> to vector<16xi32>
    tpu.vector_store %arg11[%swap3A_681], %swap3A_684 {strides = array<i32>} : memref<80xi32, #tpu.memory_space<vmem>>, vector<16xi32>,
    %get3A_685 = arith.constant 3 : i32
    %get3A_686 = arith.index_cast %get3A_685 : i32 to index
    %get3A_687 = arith.constant 16 : index
    %get3A_688 = tpu.vector_load %arg9[%get3A_686, %get3A_687] {strides = array<i32>} : memref<5x80xi32, #tpu.memory_space<vmem>>, vector<1x16xi32>,
    %get3A_689 = vector.shape_cast %get3A_688 : vector<1x16xi32> to vector<16xi32>
    %swap3A_690 = arith.constant 16 : index
    %swap3A_691 = tpu.vector_load %arg11[%swap3A_690] {strides = array<i32>} : memref<80xi32, #tpu.memory_space<vmem>>, vector<16xi32>,
    %swap3A_692 = vector.shape_cast %swap3A_691 : vector<16xi32> to vector<16xi32>
    %swap3A_693 = vector.shape_cast %get3A_689 : vector<16xi32> to vector<16xi32>
    tpu.vector_store %arg11[%swap3A_690], %swap3A_693 {strides = array<i32>} : memref<80xi32, #tpu.memory_space<vmem>>, vector<16xi32>,
    %get3A_694 = arith.constant 3 : i32
    %get3A_695 = arith.index_cast %get3A_694 : i32 to index
    %get3A_696 = arith.constant 32 : index
    %get3A_697 = tpu.vector_load %arg9[%get3A_695, %get3A_696] {strides = array<i32>} : memref<5x80xi32, #tpu.memory_space<vmem>>, vector<1x16xi32>,
    %get3A_698 = vector.shape_cast %get3A_697 : vector<1x16xi32> to vector<16xi32>
    %swap3A_699 = arith.constant 32 : index
    %swap3A_700 = tpu.vector_load %arg11[%swap3A_699] {strides = array<i32>} : memref<80xi32, #tpu.memory_space<vmem>>, vector<16xi32>,
    %swap3A_701 = vector.shape_cast %swap3A_700 : vector<16xi32> to vector<16xi32>
    %swap3A_702 = vector.shape_cast %get3A_698 : vector<16xi32> to vector<16xi32>
    tpu.vector_store %arg11[%swap3A_699], %swap3A_702 {strides = array<i32>} : memref<80xi32, #tpu.memory_space<vmem>>, vector<16xi32>,
    %get3A_703 = arith.constant 3 : i32
    %get3A_704 = arith.index_cast %get3A_703 : i32 to index
    %get3A_705 = arith.constant 48 : index
    %get3A_706 = tpu.vector_load %arg9[%get3A_704, %get3A_705] {strides = array<i32>} : memref<5x80xi32, #tpu.memory_space<vmem>>, vector<1x16xi32>,
    %get3A_707 = vector.shape_cast %get3A_706 : vector<1x16xi32> to vector<16xi32>
    %swap3A_708 = arith.constant 48 : index
    %swap3A_709 = tpu.vector_load %arg11[%swap3A_708] {strides = array<i32>} : memref<80xi32, #tpu.memory_space<vmem>>, vector<16xi32>,
    %swap3A_710 = vector.shape_cast %swap3A_709 : vector<16xi32> to vector<16xi32>
    %swap3A_711 = vector.shape_cast %get3A_707 : vector<16xi32> to vector<16xi32>
    tpu.vector_store %arg11[%swap3A_708], %swap3A_711 {strides = array<i32>} : memref<80xi32, #tpu.memory_space<vmem>>, vector<16xi32>,
    %get3A_712 = arith.constant 3 : i32
    %get3A_713 = arith.index_cast %get3A_712 : i32 to index
    %get3A_714 = arith.constant 64 : index
    %get3A_715 = tpu.vector_load %arg9[%get3A_713, %get3A_714] {strides = array<i32>} : memref<5x80xi32, #tpu.memory_space<vmem>>, vector<1x16xi32>,
    %get3A_716 = vector.shape_cast %get3A_715 : vector<1x16xi32> to vector<16xi32>
    %swap3A_717 = arith.constant 64 : index
    %swap3A_718 = tpu.vector_load %arg11[%swap3A_717] {strides = array<i32>} : memref<80xi32, #tpu.memory_space<vmem>>, vector<16xi32>,
    %swap3A_719 = vector.shape_cast %swap3A_718 : vector<16xi32> to vector<16xi32>
    %swap3A_720 = vector.shape_cast %get3A_716 : vector<16xi32> to vector<16xi32>
    tpu.vector_store %arg11[%swap3A_717], %swap3A_720 {strides = array<i32>} : memref<80xi32, #tpu.memory_space<vmem>>, vector<16xi32>,
    %scan3A_721 = arith.constant 0 : i32
    %scan3A_722 = arith.constant 0 : i32
    %scan3A_723 = arith.constant 10 : i32
    %scan3A_724 = arith.addi %scan3A_722, %scan3A_723 : i32
    %scan3A_725 = arith.constant 1 : i32
    scf.for %scan3A_872 = %scan3A_722 to %scan3A_724 step %scan3A_725  : i32 {
      %add3A_873 = arith.constant 30 : i32
      %add3A_874 = arith.addi %add3A_873, %scan3A_872 : i32
      %get3A_875 = arith.index_cast %add3A_874 : i32 to index
      %get3A_876 = arith.constant 0 : index
      %get3A_877 = tpu.vector_load %arg14[%get3A_875, %get3A_876] {strides = array<i32>} : memref<50x128xf32, #tpu.memory_space<vmem>>, vector<1x16xf32>,
      %get3A_878 = vector.shape_cast %get3A_877 : vector<1x16xf32> to vector<16xf32>
      %mul3A_879 = arith.constant 8 : i32
      %mul3A_880 = arith.muli %scan3A_872, %mul3A_879 : i32
      %add3A_881 = arith.constant 0 : i32
      %add3A_882 = arith.addi %mul3A_880, %add3A_881 : i32
      %swap3A_883 = arith.index_cast %add3A_882 : i32 to index
      %swap3A_884 = arith.constant 0 : index
      %swap3A_885 = tpu.vector_load %arg13[%swap3A_883, %swap3A_884] {strides = array<i32>} : memref<80x128xf32, #tpu.memory_space<vmem>>, vector<1x16xf32>,
      %swap3A_886 = vector.shape_cast %swap3A_885 : vector<1x16xf32> to vector<16xf32>
      %swap3A_887 = vector.shape_cast %get3A_878 : vector<16xf32> to vector<1x16xf32>
      tpu.vector_store %arg13[%swap3A_883, %swap3A_884], %swap3A_887 {strides = array<i32>} : memref<80x128xf32, #tpu.memory_space<vmem>>, vector<1x16xf32>,
      %add3A_888 = arith.constant 30 : i32
      %add3A_889 = arith.addi %add3A_888, %scan3A_872 : i32
      %get3A_890 = arith.index_cast %add3A_889 : i32 to index
      %get3A_891 = arith.constant 16 : index
      %get3A_892 = tpu.vector_load %arg14[%get3A_890, %get3A_891] {strides = array<i32>} : memref<50x128xf32, #tpu.memory_space<vmem>>, vector<1x16xf32>,
      %get3A_893 = vector.shape_cast %get3A_892 : vector<1x16xf32> to vector<16xf32>
      %mul3A_894 = arith.constant 8 : i32
      %mul3A_895 = arith.muli %scan3A_872, %mul3A_894 : i32
      %add3A_896 = arith.constant 1 : i32
      %add3A_897 = arith.addi %mul3A_895, %add3A_896 : i32
      %swap3A_898 = arith.index_cast %add3A_897 : i32 to index
      %swap3A_899 = arith.constant 0 : index
      %swap3A_900 = tpu.vector_load %arg13[%swap3A_898, %swap3A_899] {strides = array<i32>} : memref<80x128xf32, #tpu.memory_space<vmem>>, vector<1x16xf32>,
      %swap3A_901 = vector.shape_cast %swap3A_900 : vector<1x16xf32> to vector<16xf32>
      %swap3A_902 = vector.shape_cast %get3A_893 : vector<16xf32> to vector<1x16xf32>
      tpu.vector_store %arg13[%swap3A_898, %swap3A_899], %swap3A_902 {strides = array<i32>} : memref<80x128xf32, #tpu.memory_space<vmem>>, vector<1x16xf32>,
      %add3A_903 = arith.constant 30 : i32
      %add3A_904 = arith.addi %add3A_903, %scan3A_872 : i32
      %get3A_905 = arith.index_cast %add3A_904 : i32 to index
      %get3A_906 = arith.constant 32 : index
      %get3A_907 = tpu.vector_load %arg14[%get3A_905, %get3A_906] {strides = array<i32>} : memref<50x128xf32, #tpu.memory_space<vmem>>, vector<1x16xf32>,
      %get3A_908 = vector.shape_cast %get3A_907 : vector<1x16xf32> to vector<16xf32>
      %mul3A_909 = arith.constant 8 : i32
      %mul3A_910 = arith.muli %scan3A_872, %mul3A_909 : i32
      %add3A_911 = arith.constant 2 : i32
      %add3A_912 = arith.addi %mul3A_910, %add3A_911 : i32
      %swap3A_913 = arith.index_cast %add3A_912 : i32 to index
      %swap3A_914 = arith.constant 0 : index
      %swap3A_915 = tpu.vector_load %arg13[%swap3A_913, %swap3A_914] {strides = array<i32>} : memref<80x128xf32, #tpu.memory_space<vmem>>, vector<1x16xf32>,
      %swap3A_916 = vector.shape_cast %swap3A_915 : vector<1x16xf32> to vector<16xf32>
      %swap3A_917 = vector.shape_cast %get3A_908 : vector<16xf32> to vector<1x16xf32>
      tpu.vector_store %arg13[%swap3A_913, %swap3A_914], %swap3A_917 {strides = array<i32>} : memref<80x128xf32, #tpu.memory_space<vmem>>, vector<1x16xf32>,
      %add3A_918 = arith.constant 30 : i32
      %add3A_919 = arith.addi %add3A_918, %scan3A_872 : i32
      %get3A_920 = arith.index_cast %add3A_919 : i32 to index
      %get3A_921 = arith.constant 48 : index
      %get3A_922 = tpu.vector_load %arg14[%get3A_920, %get3A_921] {strides = array<i32>} : memref<50x128xf32, #tpu.memory_space<vmem>>, vector<1x16xf32>,
      %get3A_923 = vector.shape_cast %get3A_922 : vector<1x16xf32> to vector<16xf32>
      %mul3A_924 = arith.constant 8 : i32
      %mul3A_925 = arith.muli %scan3A_872, %mul3A_924 : i32
      %add3A_926 = arith.constant 3 : i32
      %add3A_927 = arith.addi %mul3A_925, %add3A_926 : i32
      %swap3A_928 = arith.index_cast %add3A_927 : i32 to index
      %swap3A_929 = arith.constant 0 : index
      %swap3A_930 = tpu.vector_load %arg13[%swap3A_928, %swap3A_929] {strides = array<i32>} : memref<80x128xf32, #tpu.memory_space<vmem>>, vector<1x16xf32>,
      %swap3A_931 = vector.shape_cast %swap3A_930 : vector<1x16xf32> to vector<16xf32>
      %swap3A_932 = vector.shape_cast %get3A_923 : vector<16xf32> to vector<1x16xf32>
      tpu.vector_store %arg13[%swap3A_928, %swap3A_929], %swap3A_932 {strides = array<i32>} : memref<80x128xf32, #tpu.memory_space<vmem>>, vector<1x16xf32>,
      %add3A_933 = arith.constant 30 : i32
      %add3A_934 = arith.addi %add3A_933, %scan3A_872 : i32
      %get3A_935 = arith.index_cast %add3A_934 : i32 to index
      %get3A_936 = arith.constant 64 : index
      %get3A_937 = tpu.vector_load %arg14[%get3A_935, %get3A_936] {strides = array<i32>} : memref<50x128xf32, #tpu.memory_space<vmem>>, vector<1x16xf32>,
      %get3A_938 = vector.shape_cast %get3A_937 : vector<1x16xf32> to vector<16xf32>
      %mul3A_939 = arith.constant 8 : i32
      %mul3A_940 = arith.muli %scan3A_872, %mul3A_939 : i32
      %add3A_941 = arith.constant 4 : i32
      %add3A_942 = arith.addi %mul3A_940, %add3A_941 : i32
      %swap3A_943 = arith.index_cast %add3A_942 : i32 to index
      %swap3A_944 = arith.constant 0 : index
      %swap3A_945 = tpu.vector_load %arg13[%swap3A_943, %swap3A_944] {strides = array<i32>} : memref<80x128xf32, #tpu.memory_space<vmem>>, vector<1x16xf32>,
      %swap3A_946 = vector.shape_cast %swap3A_945 : vector<1x16xf32> to vector<16xf32>
      %swap3A_947 = vector.shape_cast %get3A_938 : vector<16xf32> to vector<1x16xf32>
      tpu.vector_store %arg13[%swap3A_943, %swap3A_944], %swap3A_947 {strides = array<i32>} : memref<80x128xf32, #tpu.memory_space<vmem>>, vector<1x16xf32>,
      %add3A_948 = arith.constant 30 : i32
      %add3A_949 = arith.addi %add3A_948, %scan3A_872 : i32
      %get3A_950 = arith.index_cast %add3A_949 : i32 to index
      %get3A_951 = arith.constant 80 : index
      %get3A_952 = tpu.vector_load %arg14[%get3A_950, %get3A_951] {strides = array<i32>} : memref<50x128xf32, #tpu.memory_space<vmem>>, vector<1x16xf32>,
      %get3A_953 = vector.shape_cast %get3A_952 : vector<1x16xf32> to vector<16xf32>
      %mul3A_954 = arith.constant 8 : i32
      %mul3A_955 = arith.muli %scan3A_872, %mul3A_954 : i32
      %add3A_956 = arith.constant 5 : i32
      %add3A_957 = arith.addi %mul3A_955, %add3A_956 : i32
      %swap3A_958 = arith.index_cast %add3A_957 : i32 to index
      %swap3A_959 = arith.constant 0 : index
      %swap3A_960 = tpu.vector_load %arg13[%swap3A_958, %swap3A_959] {strides = array<i32>} : memref<80x128xf32, #tpu.memory_space<vmem>>, vector<1x16xf32>,
      %swap3A_961 = vector.shape_cast %swap3A_960 : vector<1x16xf32> to vector<16xf32>
      %swap3A_962 = vector.shape_cast %get3A_953 : vector<16xf32> to vector<1x16xf32>
      tpu.vector_store %arg13[%swap3A_958, %swap3A_959], %swap3A_962 {strides = array<i32>} : memref<80x128xf32, #tpu.memory_space<vmem>>, vector<1x16xf32>,
      %add3A_963 = arith.constant 30 : i32
      %add3A_964 = arith.addi %add3A_963, %scan3A_872 : i32
      %get3A_965 = arith.index_cast %add3A_964 : i32 to index
      %get3A_966 = arith.constant 96 : index
      %get3A_967 = tpu.vector_load %arg14[%get3A_965, %get3A_966] {strides = array<i32>} : memref<50x128xf32, #tpu.memory_space<vmem>>, vector<1x16xf32>,
      %get3A_968 = vector.shape_cast %get3A_967 : vector<1x16xf32> to vector<16xf32>
      %mul3A_969 = arith.constant 8 : i32
      %mul3A_970 = arith.muli %scan3A_872, %mul3A_969 : i32
      %add3A_971 = arith.constant 6 : i32
      %add3A_972 = arith.addi %mul3A_970, %add3A_971 : i32
      %swap3A_973 = arith.index_cast %add3A_972 : i32 to index
      %swap3A_974 = arith.constant 0 : index
      %swap3A_975 = tpu.vector_load %arg13[%swap3A_973, %swap3A_974] {strides = array<i32>} : memref<80x128xf32, #tpu.memory_space<vmem>>, vector<1x16xf32>,
      %swap3A_976 = vector.shape_cast %swap3A_975 : vector<1x16xf32> to vector<16xf32>
      %swap3A_977 = vector.shape_cast %get3A_968 : vector<16xf32> to vector<1x16xf32>
      tpu.vector_store %arg13[%swap3A_973, %swap3A_974], %swap3A_977 {strides = array<i32>} : memref<80x128xf32, #tpu.memory_space<vmem>>, vector<1x16xf32>,
      %add3A_978 = arith.constant 30 : i32
      %add3A_979 = arith.addi %add3A_978, %scan3A_872 : i32
      %get3A_980 = arith.index_cast %add3A_979 : i32 to index
      %get3A_981 = arith.constant 112 : index
      %get3A_982 = tpu.vector_load %arg14[%get3A_980, %get3A_981] {strides = array<i32>} : memref<50x128xf32, #tpu.memory_space<vmem>>, vector<1x16xf32>,
      %get3A_983 = vector.shape_cast %get3A_982 : vector<1x16xf32> to vector<16xf32>
      %mul3A_984 = arith.constant 8 : i32
      %mul3A_985 = arith.muli %scan3A_872, %mul3A_984 : i32
      %add3A_986 = arith.constant 7 : i32
      %add3A_987 = arith.addi %mul3A_985, %add3A_986 : i32
      %swap3A_988 = arith.index_cast %add3A_987 : i32 to index
      %swap3A_989 = arith.constant 0 : index
      %swap3A_990 = tpu.vector_load %arg13[%swap3A_988, %swap3A_989] {strides = array<i32>} : memref<80x128xf32, #tpu.memory_space<vmem>>, vector<1x16xf32>,
      %swap3A_991 = vector.shape_cast %swap3A_990 : vector<1x16xf32> to vector<16xf32>
      %swap3A_992 = vector.shape_cast %get3A_983 : vector<16xf32> to vector<1x16xf32>
      tpu.vector_store %arg13[%swap3A_988, %swap3A_989], %swap3A_992 {strides = array<i32>} : memref<80x128xf32, #tpu.memory_space<vmem>>, vector<1x16xf32>,
    }
    %scan3A_726 = arith.constant 10 : i32
    %dma_start3A_727 = arith.constant 0 : i32
    %dma_start3A_728 = arith.constant 0 : i32
    %dma_start3A_729 = tpu.memref_slice %arg15[%dma_start3A_727, %dma_start3A_728] : memref<10000x128xf32, #tpu.memory_space<vmem_shared>> -> memref<10000x128xf32, #tpu.memory_space<vmem_shared>>
    tpu.enqueue_indirect_dma source(%arg13 : memref<80x128xf32, #tpu.memory_space<vmem>>) target(%dma_start3A_729 : memref<10000x128xf32, #tpu.memory_space<vmem_shared>>) offsets(%arg11 : memref<80xi32, #tpu.memory_space<vmem>>) semaphore(%arg19 : memref<!tpu.dma_semaphore, #tpu.memory_space<semaphore_mem>>) {add = true}
    %dma_wait3A_730 = arith.constant 0 : i32
    %dma_wait3A_731 = arith.constant 0 : i32
    %dma_wait3A_732 = tpu.memref_slice %arg15[%dma_wait3A_730, %dma_wait3A_731] : memref<10000x128xf32, #tpu.memory_space<vmem_shared>> -> memref<10000x128xf32, #tpu.memory_space<vmem_shared>>
    tpu.wait_indirect_dma semaphore(%arg18 : memref<!tpu.dma_semaphore, #tpu.memory_space<semaphore_mem>>) src(%arg12 : memref<80x128xf32, #tpu.memory_space<vmem>>) dst(%dma_wait3A_732 : memref<10000x128xf32, #tpu.memory_space<vmem_shared>>)
    %get3A_733 = arith.constant 4 : i32
    %get3A_734 = arith.index_cast %get3A_733 : i32 to index
    %get3A_735 = arith.constant 0 : index
    %get3A_736 = tpu.vector_load %arg9[%get3A_734, %get3A_735] {strides = array<i32>} : memref<5x80xi32, #tpu.memory_space<vmem>>, vector<1x16xi32>,
    %get3A_737 = vector.shape_cast %get3A_736 : vector<1x16xi32> to vector<16xi32>
    %swap3A_738 = arith.constant 0 : index
    %swap3A_739 = tpu.vector_load %arg10[%swap3A_738] {strides = array<i32>} : memref<80xi32, #tpu.memory_space<vmem>>, vector<16xi32>,
    %swap3A_740 = vector.shape_cast %swap3A_739 : vector<16xi32> to vector<16xi32>
    %swap3A_741 = vector.shape_cast %get3A_737 : vector<16xi32> to vector<16xi32>
    tpu.vector_store %arg10[%swap3A_738], %swap3A_741 {strides = array<i32>} : memref<80xi32, #tpu.memory_space<vmem>>, vector<16xi32>,
    %get3A_742 = arith.constant 4 : i32
    %get3A_743 = arith.index_cast %get3A_742 : i32 to index
    %get3A_744 = arith.constant 16 : index
    %get3A_745 = tpu.vector_load %arg9[%get3A_743, %get3A_744] {strides = array<i32>} : memref<5x80xi32, #tpu.memory_space<vmem>>, vector<1x16xi32>,
    %get3A_746 = vector.shape_cast %get3A_745 : vector<1x16xi32> to vector<16xi32>
    %swap3A_747 = arith.constant 16 : index
    %swap3A_748 = tpu.vector_load %arg10[%swap3A_747] {strides = array<i32>} : memref<80xi32, #tpu.memory_space<vmem>>, vector<16xi32>,
    %swap3A_749 = vector.shape_cast %swap3A_748 : vector<16xi32> to vector<16xi32>
    %swap3A_750 = vector.shape_cast %get3A_746 : vector<16xi32> to vector<16xi32>
    tpu.vector_store %arg10[%swap3A_747], %swap3A_750 {strides = array<i32>} : memref<80xi32, #tpu.memory_space<vmem>>, vector<16xi32>,
    %get3A_751 = arith.constant 4 : i32
    %get3A_752 = arith.index_cast %get3A_751 : i32 to index
    %get3A_753 = arith.constant 32 : index
    %get3A_754 = tpu.vector_load %arg9[%get3A_752, %get3A_753] {strides = array<i32>} : memref<5x80xi32, #tpu.memory_space<vmem>>, vector<1x16xi32>,
    %get3A_755 = vector.shape_cast %get3A_754 : vector<1x16xi32> to vector<16xi32>
    %swap3A_756 = arith.constant 32 : index
    %swap3A_757 = tpu.vector_load %arg10[%swap3A_756] {strides = array<i32>} : memref<80xi32, #tpu.memory_space<vmem>>, vector<16xi32>,
    %swap3A_758 = vector.shape_cast %swap3A_757 : vector<16xi32> to vector<16xi32>
    %swap3A_759 = vector.shape_cast %get3A_755 : vector<16xi32> to vector<16xi32>
    tpu.vector_store %arg10[%swap3A_756], %swap3A_759 {strides = array<i32>} : memref<80xi32, #tpu.memory_space<vmem>>, vector<16xi32>,
    %get3A_760 = arith.constant 4 : i32
    %get3A_761 = arith.index_cast %get3A_760 : i32 to index
    %get3A_762 = arith.constant 48 : index
    %get3A_763 = tpu.vector_load %arg9[%get3A_761, %get3A_762] {strides = array<i32>} : memref<5x80xi32, #tpu.memory_space<vmem>>, vector<1x16xi32>,
    %get3A_764 = vector.shape_cast %get3A_763 : vector<1x16xi32> to vector<16xi32>
    %swap3A_765 = arith.constant 48 : index
    %swap3A_766 = tpu.vector_load %arg10[%swap3A_765] {strides = array<i32>} : memref<80xi32, #tpu.memory_space<vmem>>, vector<16xi32>,
    %swap3A_767 = vector.shape_cast %swap3A_766 : vector<16xi32> to vector<16xi32>
    %swap3A_768 = vector.shape_cast %get3A_764 : vector<16xi32> to vector<16xi32>
    tpu.vector_store %arg10[%swap3A_765], %swap3A_768 {strides = array<i32>} : memref<80xi32, #tpu.memory_space<vmem>>, vector<16xi32>,
    %get3A_769 = arith.constant 4 : i32
    %get3A_770 = arith.index_cast %get3A_769 : i32 to index
    %get3A_771 = arith.constant 64 : index
    %get3A_772 = tpu.vector_load %arg9[%get3A_770, %get3A_771] {strides = array<i32>} : memref<5x80xi32, #tpu.memory_space<vmem>>, vector<1x16xi32>,
    %get3A_773 = vector.shape_cast %get3A_772 : vector<1x16xi32> to vector<16xi32>
    %swap3A_774 = arith.constant 64 : index
    %swap3A_775 = tpu.vector_load %arg10[%swap3A_774] {strides = array<i32>} : memref<80xi32, #tpu.memory_space<vmem>>, vector<16xi32>,
    %swap3A_776 = vector.shape_cast %swap3A_775 : vector<16xi32> to vector<16xi32>
    %swap3A_777 = vector.shape_cast %get3A_773 : vector<16xi32> to vector<16xi32>
    tpu.vector_store %arg10[%swap3A_774], %swap3A_777 {strides = array<i32>} : memref<80xi32, #tpu.memory_space<vmem>>, vector<16xi32>,
    %scan3A_778 = arith.constant 0 : i32
    %scan3A_779 = arith.constant 0 : i32
    %scan3A_780 = arith.constant 10 : i32
    %scan3A_781 = arith.addi %scan3A_779, %scan3A_780 : i32
    %scan3A_782 = arith.constant 1 : i32
    scf.for %scan3A_872 = %scan3A_779 to %scan3A_781 step %scan3A_782  : i32 {
      %add3A_873 = arith.constant 40 : i32
      %add3A_874 = arith.addi %add3A_873, %scan3A_872 : i32
      %get3A_875 = arith.index_cast %add3A_874 : i32 to index
      %get3A_876 = arith.constant 0 : index
      %get3A_877 = tpu.vector_load %arg14[%get3A_875, %get3A_876] {strides = array<i32>} : memref<50x128xf32, #tpu.memory_space<vmem>>, vector<1x16xf32>,
      %get3A_878 = vector.shape_cast %get3A_877 : vector<1x16xf32> to vector<16xf32>
      %mul3A_879 = arith.constant 8 : i32
      %mul3A_880 = arith.muli %scan3A_872, %mul3A_879 : i32
      %add3A_881 = arith.constant 0 : i32
      %add3A_882 = arith.addi %mul3A_880, %add3A_881 : i32
      %swap3A_883 = arith.index_cast %add3A_882 : i32 to index
      %swap3A_884 = arith.constant 0 : index
      %swap3A_885 = tpu.vector_load %arg12[%swap3A_883, %swap3A_884] {strides = array<i32>} : memref<80x128xf32, #tpu.memory_space<vmem>>, vector<1x16xf32>,
      %swap3A_886 = vector.shape_cast %swap3A_885 : vector<1x16xf32> to vector<16xf32>
      %swap3A_887 = vector.shape_cast %get3A_878 : vector<16xf32> to vector<1x16xf32>
      tpu.vector_store %arg12[%swap3A_883, %swap3A_884], %swap3A_887 {strides = array<i32>} : memref<80x128xf32, #tpu.memory_space<vmem>>, vector<1x16xf32>,
      %add3A_888 = arith.constant 40 : i32
      %add3A_889 = arith.addi %add3A_888, %scan3A_872 : i32
      %get3A_890 = arith.index_cast %add3A_889 : i32 to index
      %get3A_891 = arith.constant 16 : index
      %get3A_892 = tpu.vector_load %arg14[%get3A_890, %get3A_891] {strides = array<i32>} : memref<50x128xf32, #tpu.memory_space<vmem>>, vector<1x16xf32>,
      %get3A_893 = vector.shape_cast %get3A_892 : vector<1x16xf32> to vector<16xf32>
      %mul3A_894 = arith.constant 8 : i32
      %mul3A_895 = arith.muli %scan3A_872, %mul3A_894 : i32
      %add3A_896 = arith.constant 1 : i32
      %add3A_897 = arith.addi %mul3A_895, %add3A_896 : i32
      %swap3A_898 = arith.index_cast %add3A_897 : i32 to index
      %swap3A_899 = arith.constant 0 : index
      %swap3A_900 = tpu.vector_load %arg12[%swap3A_898, %swap3A_899] {strides = array<i32>} : memref<80x128xf32, #tpu.memory_space<vmem>>, vector<1x16xf32>,
      %swap3A_901 = vector.shape_cast %swap3A_900 : vector<1x16xf32> to vector<16xf32>
      %swap3A_902 = vector.shape_cast %get3A_893 : vector<16xf32> to vector<1x16xf32>
      tpu.vector_store %arg12[%swap3A_898, %swap3A_899], %swap3A_902 {strides = array<i32>} : memref<80x128xf32, #tpu.memory_space<vmem>>, vector<1x16xf32>,
      %add3A_903 = arith.constant 40 : i32
      %add3A_904 = arith.addi %add3A_903, %scan3A_872 : i32
      %get3A_905 = arith.index_cast %add3A_904 : i32 to index
      %get3A_906 = arith.constant 32 : index
      %get3A_907 = tpu.vector_load %arg14[%get3A_905, %get3A_906] {strides = array<i32>} : memref<50x128xf32, #tpu.memory_space<vmem>>, vector<1x16xf32>,
      %get3A_908 = vector.shape_cast %get3A_907 : vector<1x16xf32> to vector<16xf32>
      %mul3A_909 = arith.constant 8 : i32
      %mul3A_910 = arith.muli %scan3A_872, %mul3A_909 : i32
      %add3A_911 = arith.constant 2 : i32
      %add3A_912 = arith.addi %mul3A_910, %add3A_911 : i32
      %swap3A_913 = arith.index_cast %add3A_912 : i32 to index
      %swap3A_914 = arith.constant 0 : index
      %swap3A_915 = tpu.vector_load %arg12[%swap3A_913, %swap3A_914] {strides = array<i32>} : memref<80x128xf32, #tpu.memory_space<vmem>>, vector<1x16xf32>,
      %swap3A_916 = vector.shape_cast %swap3A_915 : vector<1x16xf32> to vector<16xf32>
      %swap3A_917 = vector.shape_cast %get3A_908 : vector<16xf32> to vector<1x16xf32>
      tpu.vector_store %arg12[%swap3A_913, %swap3A_914], %swap3A_917 {strides = array<i32>} : memref<80x128xf32, #tpu.memory_space<vmem>>, vector<1x16xf32>,
      %add3A_918 = arith.constant 40 : i32
      %add3A_919 = arith.addi %add3A_918, %scan3A_872 : i32
      %get3A_920 = arith.index_cast %add3A_919 : i32 to index
      %get3A_921 = arith.constant 48 : index
      %get3A_922 = tpu.vector_load %arg14[%get3A_920, %get3A_921] {strides = array<i32>} : memref<50x128xf32, #tpu.memory_space<vmem>>, vector<1x16xf32>,
      %get3A_923 = vector.shape_cast %get3A_922 : vector<1x16xf32> to vector<16xf32>
      %mul3A_924 = arith.constant 8 : i32
      %mul3A_925 = arith.muli %scan3A_872, %mul3A_924 : i32
      %add3A_926 = arith.constant 3 : i32
      %add3A_927 = arith.addi %mul3A_925, %add3A_926 : i32
      %swap3A_928 = arith.index_cast %add3A_927 : i32 to index
      %swap3A_929 = arith.constant 0 : index
      %swap3A_930 = tpu.vector_load %arg12[%swap3A_928, %swap3A_929] {strides = array<i32>} : memref<80x128xf32, #tpu.memory_space<vmem>>, vector<1x16xf32>,
      %swap3A_931 = vector.shape_cast %swap3A_930 : vector<1x16xf32> to vector<16xf32>
      %swap3A_932 = vector.shape_cast %get3A_923 : vector<16xf32> to vector<1x16xf32>
      tpu.vector_store %arg12[%swap3A_928, %swap3A_929], %swap3A_932 {strides = array<i32>} : memref<80x128xf32, #tpu.memory_space<vmem>>, vector<1x16xf32>,
      %add3A_933 = arith.constant 40 : i32
      %add3A_934 = arith.addi %add3A_933, %scan3A_872 : i32
      %get3A_935 = arith.index_cast %add3A_934 : i32 to index
      %get3A_936 = arith.constant 64 : index
      %get3A_937 = tpu.vector_load %arg14[%get3A_935, %get3A_936] {strides = array<i32>} : memref<50x128xf32, #tpu.memory_space<vmem>>, vector<1x16xf32>,
      %get3A_938 = vector.shape_cast %get3A_937 : vector<1x16xf32> to vector<16xf32>
      %mul3A_939 = arith.constant 8 : i32
      %mul3A_940 = arith.muli %scan3A_872, %mul3A_939 : i32
      %add3A_941 = arith.constant 4 : i32
      %add3A_942 = arith.addi %mul3A_940, %add3A_941 : i32
      %swap3A_943 = arith.index_cast %add3A_942 : i32 to index
      %swap3A_944 = arith.constant 0 : index
      %swap3A_945 = tpu.vector_load %arg12[%swap3A_943, %swap3A_944] {strides = array<i32>} : memref<80x128xf32, #tpu.memory_space<vmem>>, vector<1x16xf32>,
      %swap3A_946 = vector.shape_cast %swap3A_945 : vector<1x16xf32> to vector<16xf32>
      %swap3A_947 = vector.shape_cast %get3A_938 : vector<16xf32> to vector<1x16xf32>
      tpu.vector_store %arg12[%swap3A_943, %swap3A_944], %swap3A_947 {strides = array<i32>} : memref<80x128xf32, #tpu.memory_space<vmem>>, vector<1x16xf32>,
      %add3A_948 = arith.constant 40 : i32
      %add3A_949 = arith.addi %add3A_948, %scan3A_872 : i32
      %get3A_950 = arith.index_cast %add3A_949 : i32 to index
      %get3A_951 = arith.constant 80 : index
      %get3A_952 = tpu.vector_load %arg14[%get3A_950, %get3A_951] {strides = array<i32>} : memref<50x128xf32, #tpu.memory_space<vmem>>, vector<1x16xf32>,
      %get3A_953 = vector.shape_cast %get3A_952 : vector<1x16xf32> to vector<16xf32>
      %mul3A_954 = arith.constant 8 : i32
      %mul3A_955 = arith.muli %scan3A_872, %mul3A_954 : i32
      %add3A_956 = arith.constant 5 : i32
      %add3A_957 = arith.addi %mul3A_955, %add3A_956 : i32
      %swap3A_958 = arith.index_cast %add3A_957 : i32 to index
      %swap3A_959 = arith.constant 0 : index
      %swap3A_960 = tpu.vector_load %arg12[%swap3A_958, %swap3A_959] {strides = array<i32>} : memref<80x128xf32, #tpu.memory_space<vmem>>, vector<1x16xf32>,
      %swap3A_961 = vector.shape_cast %swap3A_960 : vector<1x16xf32> to vector<16xf32>
      %swap3A_962 = vector.shape_cast %get3A_953 : vector<16xf32> to vector<1x16xf32>
      tpu.vector_store %arg12[%swap3A_958, %swap3A_959], %swap3A_962 {strides = array<i32>} : memref<80x128xf32, #tpu.memory_space<vmem>>, vector<1x16xf32>,
      %add3A_963 = arith.constant 40 : i32
      %add3A_964 = arith.addi %add3A_963, %scan3A_872 : i32
      %get3A_965 = arith.index_cast %add3A_964 : i32 to index
      %get3A_966 = arith.constant 96 : index
      %get3A_967 = tpu.vector_load %arg14[%get3A_965, %get3A_966] {strides = array<i32>} : memref<50x128xf32, #tpu.memory_space<vmem>>, vector<1x16xf32>,
      %get3A_968 = vector.shape_cast %get3A_967 : vector<1x16xf32> to vector<16xf32>
      %mul3A_969 = arith.constant 8 : i32
      %mul3A_970 = arith.muli %scan3A_872, %mul3A_969 : i32
      %add3A_971 = arith.constant 6 : i32
      %add3A_972 = arith.addi %mul3A_970, %add3A_971 : i32
      %swap3A_973 = arith.index_cast %add3A_972 : i32 to index
      %swap3A_974 = arith.constant 0 : index
      %swap3A_975 = tpu.vector_load %arg12[%swap3A_973, %swap3A_974] {strides = array<i32>} : memref<80x128xf32, #tpu.memory_space<vmem>>, vector<1x16xf32>,
      %swap3A_976 = vector.shape_cast %swap3A_975 : vector<1x16xf32> to vector<16xf32>
      %swap3A_977 = vector.shape_cast %get3A_968 : vector<16xf32> to vector<1x16xf32>
      tpu.vector_store %arg12[%swap3A_973, %swap3A_974], %swap3A_977 {strides = array<i32>} : memref<80x128xf32, #tpu.memory_space<vmem>>, vector<1x16xf32>,
      %add3A_978 = arith.constant 40 : i32
      %add3A_979 = arith.addi %add3A_978, %scan3A_872 : i32
      %get3A_980 = arith.index_cast %add3A_979 : i32 to index
      %get3A_981 = arith.constant 112 : index
      %get3A_982 = tpu.vector_load %arg14[%get3A_980, %get3A_981] {strides = array<i32>} : memref<50x128xf32, #tpu.memory_space<vmem>>, vector<1x16xf32>,
      %get3A_983 = vector.shape_cast %get3A_982 : vector<1x16xf32> to vector<16xf32>
      %mul3A_984 = arith.constant 8 : i32
      %mul3A_985 = arith.muli %scan3A_872, %mul3A_984 : i32
      %add3A_986 = arith.constant 7 : i32
      %add3A_987 = arith.addi %mul3A_985, %add3A_986 : i32
      %swap3A_988 = arith.index_cast %add3A_987 : i32 to index
      %swap3A_989 = arith.constant 0 : index
      %swap3A_990 = tpu.vector_load %arg12[%swap3A_988, %swap3A_989] {strides = array<i32>} : memref<80x128xf32, #tpu.memory_space<vmem>>, vector<1x16xf32>,
      %swap3A_991 = vector.shape_cast %swap3A_990 : vector<1x16xf32> to vector<16xf32>
      %swap3A_992 = vector.shape_cast %get3A_983 : vector<16xf32> to vector<1x16xf32>
      tpu.vector_store %arg12[%swap3A_988, %swap3A_989], %swap3A_992 {strides = array<i32>} : memref<80x128xf32, #tpu.memory_space<vmem>>, vector<1x16xf32>,
    }
    %scan3A_783 = arith.constant 10 : i32
    %dma_start3A_784 = arith.constant 0 : i32
    %dma_start3A_785 = arith.constant 0 : i32
    %dma_start3A_786 = tpu.memref_slice %arg15[%dma_start3A_784, %dma_start3A_785] : memref<10000x128xf32, #tpu.memory_space<vmem_shared>> -> memref<10000x128xf32, #tpu.memory_space<vmem_shared>>
    tpu.enqueue_indirect_dma source(%arg12 : memref<80x128xf32, #tpu.memory_space<vmem>>) target(%dma_start3A_786 : memref<10000x128xf32, #tpu.memory_space<vmem_shared>>) offsets(%arg10 : memref<80xi32, #tpu.memory_space<vmem>>) semaphore(%arg18 : memref<!tpu.dma_semaphore, #tpu.memory_space<semaphore_mem>>) {add = true}
    %scan3A_787 = arith.constant 0 : i32
    %scan3A_788 = arith.constant 1 : i32
    %scan3A_789 = arith.constant 24 : i32
    %scan3A_790 = arith.addi %scan3A_788, %scan3A_789 : i32
    %scan3A_791 = arith.constant 1 : i32
    scf.for %scan3A_872 = %scan3A_788 to %scan3A_790 step %scan3A_791  : i32 {
      %dma_start3A_873 = arith.constant 0 : i32
      %dma_start3A_874 = arith.constant 0 : i32
      %dma_start3A_875 = tpu.memref_slice %arg4[%add3A, %scan3A_872, %dma_start3A_873, %dma_start3A_874] : memref<32x25x5x80xi32, #tpu.memory_space<hbm>> -> memref<1x1x5x80xi32, #tpu.memory_space<hbm>>
      %dma_start3A_876 = tpu.memref_squeeze %dma_start3A_875 : memref<1x1x5x80xi32, #tpu.memory_space<hbm>> -> memref<5x80xi32, #tpu.memory_space<hbm>>
      %dma_start3A_877 = arith.constant 0 : i32
      %dma_start3A_878 = arith.constant 0 : i32
      %dma_start3A_879 = tpu.memref_slice %arg4[%add3A, %scan3A_872, %dma_start3A_877, %dma_start3A_878] : memref<32x25x5x80xi32, #tpu.memory_space<hbm>> -> memref<1x1x5x80xi32, #tpu.memory_space<hbm>>
      %dma_start3A_880 = tpu.memref_squeeze %dma_start3A_879 : memref<1x1x5x80xi32, #tpu.memory_space<hbm>> -> memref<5x80xi32, #tpu.memory_space<hbm>>
      tpu.enqueue_dma source(%dma_start3A_880 : memref<5x80xi32, #tpu.memory_space<hbm>>) target(%arg9 : memref<5x80xi32, #tpu.memory_space<vmem>>) target_semaphore(%arg20 : memref<!tpu.dma_semaphore, #tpu.memory_space<semaphore_mem>>)
      %dma_start3A_881 = arith.constant 0 : i32
      %dma_start3A_882 = arith.constant 0 : i32
      %dma_start3A_883 = tpu.memref_slice %arg5[%add3A, %scan3A_872, %dma_start3A_881, %dma_start3A_882] : memref<32x25x50x128xf32, #tpu.memory_space<hbm>> -> memref<1x1x50x128xf32, #tpu.memory_space<hbm>>
      %dma_start3A_884 = tpu.memref_squeeze %dma_start3A_883 : memref<1x1x50x128xf32, #tpu.memory_space<hbm>> -> memref<50x128xf32, #tpu.memory_space<hbm>>
      %dma_start3A_885 = arith.constant 0 : i32
      %dma_start3A_886 = arith.constant 0 : i32
      %dma_start3A_887 = tpu.memref_slice %arg5[%add3A, %scan3A_872, %dma_start3A_885, %dma_start3A_886] : memref<32x25x50x128xf32, #tpu.memory_space<hbm>> -> memref<1x1x50x128xf32, #tpu.memory_space<hbm>>
      %dma_start3A_888 = tpu.memref_squeeze %dma_start3A_887 : memref<1x1x50x128xf32, #tpu.memory_space<hbm>> -> memref<50x128xf32, #tpu.memory_space<hbm>>
      tpu.enqueue_dma source(%dma_start3A_888 : memref<50x128xf32, #tpu.memory_space<hbm>>) target(%arg14 : memref<50x128xf32, #tpu.memory_space<vmem>>) target_semaphore(%arg21 : memref<!tpu.dma_semaphore, #tpu.memory_space<semaphore_mem>>)
      %dma_wait3A_889 = arith.constant 0 : i32
      %dma_wait3A_890 = arith.constant 0 : i32
      %dma_wait3A_891 = tpu.memref_slice %arg4[%add3A, %scan3A_872, %dma_wait3A_889, %dma_wait3A_890] : memref<32x25x5x80xi32, #tpu.memory_space<hbm>> -> memref<1x1x5x80xi32, #tpu.memory_space<hbm>>
      %dma_wait3A_892 = tpu.memref_squeeze %dma_wait3A_891 : memref<1x1x5x80xi32, #tpu.memory_space<hbm>> -> memref<5x80xi32, #tpu.memory_space<hbm>>
      %dma_wait3A_893 = arith.constant 0 : i32
      %dma_wait3A_894 = arith.constant 0 : i32
      %dma_wait3A_895 = tpu.memref_slice %arg4[%add3A, %scan3A_872, %dma_wait3A_893, %dma_wait3A_894] : memref<32x25x5x80xi32, #tpu.memory_space<hbm>> -> memref<1x1x5x80xi32, #tpu.memory_space<hbm>>
      %dma_wait3A_896 = tpu.memref_squeeze %dma_wait3A_895 : memref<1x1x5x80xi32, #tpu.memory_space<hbm>> -> memref<5x80xi32, #tpu.memory_space<hbm>>
      tpu.wait_dma2 semaphore(%arg20 : memref<!tpu.dma_semaphore, #tpu.memory_space<semaphore_mem>>) src(%dma_wait3A_896 : memref<5x80xi32, #tpu.memory_space<hbm>>) dst(%arg9 : memref<5x80xi32, #tpu.memory_space<vmem>>)
      %dma_wait3A_897 = arith.constant 0 : i32
      %dma_wait3A_898 = arith.constant 0 : i32
      %dma_wait3A_899 = tpu.memref_slice %arg5[%add3A, %scan3A_872, %dma_wait3A_897, %dma_wait3A_898] : memref<32x25x50x128xf32, #tpu.memory_space<hbm>> -> memref<1x1x50x128xf32, #tpu.memory_space<hbm>>
      %dma_wait3A_900 = tpu.memref_squeeze %dma_wait3A_899 : memref<1x1x50x128xf32, #tpu.memory_space<hbm>> -> memref<50x128xf32, #tpu.memory_space<hbm>>
      %dma_wait3A_901 = arith.constant 0 : i32
      %dma_wait3A_902 = arith.constant 0 : i32
      %dma_wait3A_903 = tpu.memref_slice %arg5[%add3A, %scan3A_872, %dma_wait3A_901, %dma_wait3A_902] : memref<32x25x50x128xf32, #tpu.memory_space<hbm>> -> memref<1x1x50x128xf32, #tpu.memory_space<hbm>>
      %dma_wait3A_904 = tpu.memref_squeeze %dma_wait3A_903 : memref<1x1x50x128xf32, #tpu.memory_space<hbm>> -> memref<50x128xf32, #tpu.memory_space<hbm>>
      tpu.wait_dma2 semaphore(%arg21 : memref<!tpu.dma_semaphore, #tpu.memory_space<semaphore_mem>>) src(%dma_wait3A_904 : memref<50x128xf32, #tpu.memory_space<hbm>>) dst(%arg14 : memref<50x128xf32, #tpu.memory_space<vmem>>)
      %dma_wait3A_905 = arith.constant 0 : i32
      %dma_wait3A_906 = arith.constant 0 : i32
      %dma_wait3A_907 = tpu.memref_slice %arg15[%dma_wait3A_905, %dma_wait3A_906] : memref<10000x128xf32, #tpu.memory_space<vmem_shared>> -> memref<10000x128xf32, #tpu.memory_space<vmem_shared>>
      tpu.wait_indirect_dma semaphore(%arg18 : memref<!tpu.dma_semaphore, #tpu.memory_space<semaphore_mem>>) src(%arg12 : memref<80x128xf32, #tpu.memory_space<vmem>>) dst(%dma_wait3A_907 : memref<10000x128xf32, #tpu.memory_space<vmem_shared>>)
      %get3A_908 = arith.constant 0 : i32
      %get3A_909 = arith.index_cast %get3A_908 : i32 to index
      %get3A_910 = arith.constant 0 : index
      %get3A_911 = tpu.vector_load %arg9[%get3A_909, %get3A_910] {strides = array<i32>} : memref<5x80xi32, #tpu.memory_space<vmem>>, vector<1x16xi32>,
      %get3A_912 = vector.shape_cast %get3A_911 : vector<1x16xi32> to vector<16xi32>
      %swap3A_913 = arith.constant 0 : index
      %swap3A_914 = tpu.vector_load %arg10[%swap3A_913] {strides = array<i32>} : memref<80xi32, #tpu.memory_space<vmem>>, vector<16xi32>,
      %swap3A_915 = vector.shape_cast %swap3A_914 : vector<16xi32> to vector<16xi32>
      %swap3A_916 = vector.shape_cast %get3A_912 : vector<16xi32> to vector<16xi32>
      tpu.vector_store %arg10[%swap3A_913], %swap3A_916 {strides = array<i32>} : memref<80xi32, #tpu.memory_space<vmem>>, vector<16xi32>,
      %get3A_917 = arith.constant 0 : i32
      %get3A_918 = arith.index_cast %get3A_917 : i32 to index
      %get3A_919 = arith.constant 16 : index
      %get3A_920 = tpu.vector_load %arg9[%get3A_918, %get3A_919] {strides = array<i32>} : memref<5x80xi32, #tpu.memory_space<vmem>>, vector<1x16xi32>,
      %get3A_921 = vector.shape_cast %get3A_920 : vector<1x16xi32> to vector<16xi32>
      %swap3A_922 = arith.constant 16 : index
      %swap3A_923 = tpu.vector_load %arg10[%swap3A_922] {strides = array<i32>} : memref<80xi32, #tpu.memory_space<vmem>>, vector<16xi32>,
      %swap3A_924 = vector.shape_cast %swap3A_923 : vector<16xi32> to vector<16xi32>
      %swap3A_925 = vector.shape_cast %get3A_921 : vector<16xi32> to vector<16xi32>
      tpu.vector_store %arg10[%swap3A_922], %swap3A_925 {strides = array<i32>} : memref<80xi32, #tpu.memory_space<vmem>>, vector<16xi32>,
      %get3A_926 = arith.constant 0 : i32
      %get3A_927 = arith.index_cast %get3A_926 : i32 to index
      %get3A_928 = arith.constant 32 : index
      %get3A_929 = tpu.vector_load %arg9[%get3A_927, %get3A_928] {strides = array<i32>} : memref<5x80xi32, #tpu.memory_space<vmem>>, vector<1x16xi32>,
      %get3A_930 = vector.shape_cast %get3A_929 : vector<1x16xi32> to vector<16xi32>
      %swap3A_931 = arith.constant 32 : index
      %swap3A_932 = tpu.vector_load %arg10[%swap3A_931] {strides = array<i32>} : memref<80xi32, #tpu.memory_space<vmem>>, vector<16xi32>,
      %swap3A_933 = vector.shape_cast %swap3A_932 : vector<16xi32> to vector<16xi32>
      %swap3A_934 = vector.shape_cast %get3A_930 : vector<16xi32> to vector<16xi32>
      tpu.vector_store %arg10[%swap3A_931], %swap3A_934 {strides = array<i32>} : memref<80xi32, #tpu.memory_space<vmem>>, vector<16xi32>,
      %get3A_935 = arith.constant 0 : i32
      %get3A_936 = arith.index_cast %get3A_935 : i32 to index
      %get3A_937 = arith.constant 48 : index
      %get3A_938 = tpu.vector_load %arg9[%get3A_936, %get3A_937] {strides = array<i32>} : memref<5x80xi32, #tpu.memory_space<vmem>>, vector<1x16xi32>,
      %get3A_939 = vector.shape_cast %get3A_938 : vector<1x16xi32> to vector<16xi32>
      %swap3A_940 = arith.constant 48 : index
      %swap3A_941 = tpu.vector_load %arg10[%swap3A_940] {strides = array<i32>} : memref<80xi32, #tpu.memory_space<vmem>>, vector<16xi32>,
      %swap3A_942 = vector.shape_cast %swap3A_941 : vector<16xi32> to vector<16xi32>
      %swap3A_943 = vector.shape_cast %get3A_939 : vector<16xi32> to vector<16xi32>
      tpu.vector_store %arg10[%swap3A_940], %swap3A_943 {strides = array<i32>} : memref<80xi32, #tpu.memory_space<vmem>>, vector<16xi32>,
      %get3A_944 = arith.constant 0 : i32
      %get3A_945 = arith.index_cast %get3A_944 : i32 to index
      %get3A_946 = arith.constant 64 : index
      %get3A_947 = tpu.vector_load %arg9[%get3A_945, %get3A_946] {strides = array<i32>} : memref<5x80xi32, #tpu.memory_space<vmem>>, vector<1x16xi32>,
      %get3A_948 = vector.shape_cast %get3A_947 : vector<1x16xi32> to vector<16xi32>
      %swap3A_949 = arith.constant 64 : index
      %swap3A_950 = tpu.vector_load %arg10[%swap3A_949] {strides = array<i32>} : memref<80xi32, #tpu.memory_space<vmem>>, vector<16xi32>,
      %swap3A_951 = vector.shape_cast %swap3A_950 : vector<16xi32> to vector<16xi32>
      %swap3A_952 = vector.shape_cast %get3A_948 : vector<16xi32> to vector<16xi32>
      tpu.vector_store %arg10[%swap3A_949], %swap3A_952 {strides = array<i32>} : memref<80xi32, #tpu.memory_space<vmem>>, vector<16xi32>,
      %scan3A_953 = arith.constant 0 : i32
      %scan3A_954 = arith.constant 0 : i32
      %scan3A_955 = arith.constant 10 : i32
      %scan3A_956 = arith.addi %scan3A_954, %scan3A_955 : i32
      %scan3A_957 = arith.constant 1 : i32
      scf.for %scan3A_1190 = %scan3A_954 to %scan3A_956 step %scan3A_957  : i32 {
        %add3A_1191 = arith.constant 0 : i32
        %add3A_1192 = arith.addi %add3A_1191, %scan3A_1190 : i32
        %get3A_1193 = arith.index_cast %add3A_1192 : i32 to index
        %get3A_1194 = arith.constant 0 : index
        %get3A_1195 = tpu.vector_load %arg14[%get3A_1193, %get3A_1194] {strides = array<i32>} : memref<50x128xf32, #tpu.memory_space<vmem>>, vector<1x16xf32>,
        %get3A_1196 = vector.shape_cast %get3A_1195 : vector<1x16xf32> to vector<16xf32>
        %mul3A_1197 = arith.constant 8 : i32
        %mul3A_1198 = arith.muli %scan3A_1190, %mul3A_1197 : i32
        %add3A_1199 = arith.constant 0 : i32
        %add3A_1200 = arith.addi %mul3A_1198, %add3A_1199 : i32
        %swap3A_1201 = arith.index_cast %add3A_1200 : i32 to index
        %swap3A_1202 = arith.constant 0 : index
        %swap3A_1203 = tpu.vector_load %arg12[%swap3A_1201, %swap3A_1202] {strides = array<i32>} : memref<80x128xf32, #tpu.memory_space<vmem>>, vector<1x16xf32>,
        %swap3A_1204 = vector.shape_cast %swap3A_1203 : vector<1x16xf32> to vector<16xf32>
        %swap3A_1205 = vector.shape_cast %get3A_1196 : vector<16xf32> to vector<1x16xf32>
        tpu.vector_store %arg12[%swap3A_1201, %swap3A_1202], %swap3A_1205 {strides = array<i32>} : memref<80x128xf32, #tpu.memory_space<vmem>>, vector<1x16xf32>,
        %add3A_1206 = arith.constant 0 : i32
        %add3A_1207 = arith.addi %add3A_1206, %scan3A_1190 : i32
        %get3A_1208 = arith.index_cast %add3A_1207 : i32 to index
        %get3A_1209 = arith.constant 16 : index
        %get3A_1210 = tpu.vector_load %arg14[%get3A_1208, %get3A_1209] {strides = array<i32>} : memref<50x128xf32, #tpu.memory_space<vmem>>, vector<1x16xf32>,
        %get3A_1211 = vector.shape_cast %get3A_1210 : vector<1x16xf32> to vector<16xf32>
        %mul3A_1212 = arith.constant 8 : i32
        %mul3A_1213 = arith.muli %scan3A_1190, %mul3A_1212 : i32
        %add3A_1214 = arith.constant 1 : i32
        %add3A_1215 = arith.addi %mul3A_1213, %add3A_1214 : i32
        %swap3A_1216 = arith.index_cast %add3A_1215 : i32 to index
        %swap3A_1217 = arith.constant 0 : index
        %swap3A_1218 = tpu.vector_load %arg12[%swap3A_1216, %swap3A_1217] {strides = array<i32>} : memref<80x128xf32, #tpu.memory_space<vmem>>, vector<1x16xf32>,
        %swap3A_1219 = vector.shape_cast %swap3A_1218 : vector<1x16xf32> to vector<16xf32>
        %swap3A_1220 = vector.shape_cast %get3A_1211 : vector<16xf32> to vector<1x16xf32>
        tpu.vector_store %arg12[%swap3A_1216, %swap3A_1217], %swap3A_1220 {strides = array<i32>} : memref<80x128xf32, #tpu.memory_space<vmem>>, vector<1x16xf32>,
        %add3A_1221 = arith.constant 0 : i32
        %add3A_1222 = arith.addi %add3A_1221, %scan3A_1190 : i32
        %get3A_1223 = arith.index_cast %add3A_1222 : i32 to index
        %get3A_1224 = arith.constant 32 : index
        %get3A_1225 = tpu.vector_load %arg14[%get3A_1223, %get3A_1224] {strides = array<i32>} : memref<50x128xf32, #tpu.memory_space<vmem>>, vector<1x16xf32>,
        %get3A_1226 = vector.shape_cast %get3A_1225 : vector<1x16xf32> to vector<16xf32>
        %mul3A_1227 = arith.constant 8 : i32
        %mul3A_1228 = arith.muli %scan3A_1190, %mul3A_1227 : i32
        %add3A_1229 = arith.constant 2 : i32
        %add3A_1230 = arith.addi %mul3A_1228, %add3A_1229 : i32
        %swap3A_1231 = arith.index_cast %add3A_1230 : i32 to index
        %swap3A_1232 = arith.constant 0 : index
        %swap3A_1233 = tpu.vector_load %arg12[%swap3A_1231, %swap3A_1232] {strides = array<i32>} : memref<80x128xf32, #tpu.memory_space<vmem>>, vector<1x16xf32>,
        %swap3A_1234 = vector.shape_cast %swap3A_1233 : vector<1x16xf32> to vector<16xf32>
        %swap3A_1235 = vector.shape_cast %get3A_1226 : vector<16xf32> to vector<1x16xf32>
        tpu.vector_store %arg12[%swap3A_1231, %swap3A_1232], %swap3A_1235 {strides = array<i32>} : memref<80x128xf32, #tpu.memory_space<vmem>>, vector<1x16xf32>,
        %add3A_1236 = arith.constant 0 : i32
        %add3A_1237 = arith.addi %add3A_1236, %scan3A_1190 : i32
        %get3A_1238 = arith.index_cast %add3A_1237 : i32 to index
        %get3A_1239 = arith.constant 48 : index
        %get3A_1240 = tpu.vector_load %arg14[%get3A_1238, %get3A_1239] {strides = array<i32>} : memref<50x128xf32, #tpu.memory_space<vmem>>, vector<1x16xf32>,
        %get3A_1241 = vector.shape_cast %get3A_1240 : vector<1x16xf32> to vector<16xf32>
        %mul3A_1242 = arith.constant 8 : i32
        %mul3A_1243 = arith.muli %scan3A_1190, %mul3A_1242 : i32
        %add3A_1244 = arith.constant 3 : i32
        %add3A_1245 = arith.addi %mul3A_1243, %add3A_1244 : i32
        %swap3A_1246 = arith.index_cast %add3A_1245 : i32 to index
        %swap3A_1247 = arith.constant 0 : index
        %swap3A_1248 = tpu.vector_load %arg12[%swap3A_1246, %swap3A_1247] {strides = array<i32>} : memref<80x128xf32, #tpu.memory_space<vmem>>, vector<1x16xf32>,
        %swap3A_1249 = vector.shape_cast %swap3A_1248 : vector<1x16xf32> to vector<16xf32>
        %swap3A_1250 = vector.shape_cast %get3A_1241 : vector<16xf32> to vector<1x16xf32>
        tpu.vector_store %arg12[%swap3A_1246, %swap3A_1247], %swap3A_1250 {strides = array<i32>} : memref<80x128xf32, #tpu.memory_space<vmem>>, vector<1x16xf32>,
        %add3A_1251 = arith.constant 0 : i32
        %add3A_1252 = arith.addi %add3A_1251, %scan3A_1190 : i32
        %get3A_1253 = arith.index_cast %add3A_1252 : i32 to index
        %get3A_1254 = arith.constant 64 : index
        %get3A_1255 = tpu.vector_load %arg14[%get3A_1253, %get3A_1254] {strides = array<i32>} : memref<50x128xf32, #tpu.memory_space<vmem>>, vector<1x16xf32>,
        %get3A_1256 = vector.shape_cast %get3A_1255 : vector<1x16xf32> to vector<16xf32>
        %mul3A_1257 = arith.constant 8 : i32
        %mul3A_1258 = arith.muli %scan3A_1190, %mul3A_1257 : i32
        %add3A_1259 = arith.constant 4 : i32
        %add3A_1260 = arith.addi %mul3A_1258, %add3A_1259 : i32
        %swap3A_1261 = arith.index_cast %add3A_1260 : i32 to index
        %swap3A_1262 = arith.constant 0 : index
        %swap3A_1263 = tpu.vector_load %arg12[%swap3A_1261, %swap3A_1262] {strides = array<i32>} : memref<80x128xf32, #tpu.memory_space<vmem>>, vector<1x16xf32>,
        %swap3A_1264 = vector.shape_cast %swap3A_1263 : vector<1x16xf32> to vector<16xf32>
        %swap3A_1265 = vector.shape_cast %get3A_1256 : vector<16xf32> to vector<1x16xf32>
        tpu.vector_store %arg12[%swap3A_1261, %swap3A_1262], %swap3A_1265 {strides = array<i32>} : memref<80x128xf32, #tpu.memory_space<vmem>>, vector<1x16xf32>,
        %add3A_1266 = arith.constant 0 : i32
        %add3A_1267 = arith.addi %add3A_1266, %scan3A_1190 : i32
        %get3A_1268 = arith.index_cast %add3A_1267 : i32 to index
        %get3A_1269 = arith.constant 80 : index
        %get3A_1270 = tpu.vector_load %arg14[%get3A_1268, %get3A_1269] {strides = array<i32>} : memref<50x128xf32, #tpu.memory_space<vmem>>, vector<1x16xf32>,
        %get3A_1271 = vector.shape_cast %get3A_1270 : vector<1x16xf32> to vector<16xf32>
        %mul3A_1272 = arith.constant 8 : i32
        %mul3A_1273 = arith.muli %scan3A_1190, %mul3A_1272 : i32
        %add3A_1274 = arith.constant 5 : i32
        %add3A_1275 = arith.addi %mul3A_1273, %add3A_1274 : i32
        %swap3A_1276 = arith.index_cast %add3A_1275 : i32 to index
        %swap3A_1277 = arith.constant 0 : index
        %swap3A_1278 = tpu.vector_load %arg12[%swap3A_1276, %swap3A_1277] {strides = array<i32>} : memref<80x128xf32, #tpu.memory_space<vmem>>, vector<1x16xf32>,
        %swap3A_1279 = vector.shape_cast %swap3A_1278 : vector<1x16xf32> to vector<16xf32>
        %swap3A_1280 = vector.shape_cast %get3A_1271 : vector<16xf32> to vector<1x16xf32>
        tpu.vector_store %arg12[%swap3A_1276, %swap3A_1277], %swap3A_1280 {strides = array<i32>} : memref<80x128xf32, #tpu.memory_space<vmem>>, vector<1x16xf32>,
        %add3A_1281 = arith.constant 0 : i32
        %add3A_1282 = arith.addi %add3A_1281, %scan3A_1190 : i32
        %get3A_1283 = arith.index_cast %add3A_1282 : i32 to index
        %get3A_1284 = arith.constant 96 : index
        %get3A_1285 = tpu.vector_load %arg14[%get3A_1283, %get3A_1284] {strides = array<i32>} : memref<50x128xf32, #tpu.memory_space<vmem>>, vector<1x16xf32>,
        %get3A_1286 = vector.shape_cast %get3A_1285 : vector<1x16xf32> to vector<16xf32>
        %mul3A_1287 = arith.constant 8 : i32
        %mul3A_1288 = arith.muli %scan3A_1190, %mul3A_1287 : i32
        %add3A_1289 = arith.constant 6 : i32
        %add3A_1290 = arith.addi %mul3A_1288, %add3A_1289 : i32
        %swap3A_1291 = arith.index_cast %add3A_1290 : i32 to index
        %swap3A_1292 = arith.constant 0 : index
        %swap3A_1293 = tpu.vector_load %arg12[%swap3A_1291, %swap3A_1292] {strides = array<i32>} : memref<80x128xf32, #tpu.memory_space<vmem>>, vector<1x16xf32>,
        %swap3A_1294 = vector.shape_cast %swap3A_1293 : vector<1x16xf32> to vector<16xf32>
        %swap3A_1295 = vector.shape_cast %get3A_1286 : vector<16xf32> to vector<1x16xf32>
        tpu.vector_store %arg12[%swap3A_1291, %swap3A_1292], %swap3A_1295 {strides = array<i32>} : memref<80x128xf32, #tpu.memory_space<vmem>>, vector<1x16xf32>,
        %add3A_1296 = arith.constant 0 : i32
        %add3A_1297 = arith.addi %add3A_1296, %scan3A_1190 : i32
        %get3A_1298 = arith.index_cast %add3A_1297 : i32 to index
        %get3A_1299 = arith.constant 112 : index
        %get3A_1300 = tpu.vector_load %arg14[%get3A_1298, %get3A_1299] {strides = array<i32>} : memref<50x128xf32, #tpu.memory_space<vmem>>, vector<1x16xf32>,
        %get3A_1301 = vector.shape_cast %get3A_1300 : vector<1x16xf32> to vector<16xf32>
        %mul3A_1302 = arith.constant 8 : i32
        %mul3A_1303 = arith.muli %scan3A_1190, %mul3A_1302 : i32
        %add3A_1304 = arith.constant 7 : i32
        %add3A_1305 = arith.addi %mul3A_1303, %add3A_1304 : i32
        %swap3A_1306 = arith.index_cast %add3A_1305 : i32 to index
        %swap3A_1307 = arith.constant 0 : index
        %swap3A_1308 = tpu.vector_load %arg12[%swap3A_1306, %swap3A_1307] {strides = array<i32>} : memref<80x128xf32, #tpu.memory_space<vmem>>, vector<1x16xf32>,
        %swap3A_1309 = vector.shape_cast %swap3A_1308 : vector<1x16xf32> to vector<16xf32>
        %swap3A_1310 = vector.shape_cast %get3A_1301 : vector<16xf32> to vector<1x16xf32>
        tpu.vector_store %arg12[%swap3A_1306, %swap3A_1307], %swap3A_1310 {strides = array<i32>} : memref<80x128xf32, #tpu.memory_space<vmem>>, vector<1x16xf32>,
      }
      %scan3A_958 = arith.constant 10 : i32
      %dma_start3A_959 = arith.constant 0 : i32
      %dma_start3A_960 = arith.constant 0 : i32
      %dma_start3A_961 = tpu.memref_slice %arg15[%dma_start3A_959, %dma_start3A_960] : memref<10000x128xf32, #tpu.memory_space<vmem_shared>> -> memref<10000x128xf32, #tpu.memory_space<vmem_shared>>
      tpu.enqueue_indirect_dma source(%arg12 : memref<80x128xf32, #tpu.memory_space<vmem>>) target(%dma_start3A_961 : memref<10000x128xf32, #tpu.memory_space<vmem_shared>>) offsets(%arg10 : memref<80xi32, #tpu.memory_space<vmem>>) semaphore(%arg18 : memref<!tpu.dma_semaphore, #tpu.memory_space<semaphore_mem>>) {add = true}
      %dma_wait3A_962 = arith.constant 0 : i32
      %dma_wait3A_963 = arith.constant 0 : i32
      %dma_wait3A_964 = tpu.memref_slice %arg15[%dma_wait3A_962, %dma_wait3A_963] : memref<10000x128xf32, #tpu.memory_space<vmem_shared>> -> memref<10000x128xf32, #tpu.memory_space<vmem_shared>>
      tpu.wait_indirect_dma semaphore(%arg19 : memref<!tpu.dma_semaphore, #tpu.memory_space<semaphore_mem>>) src(%arg13 : memref<80x128xf32, #tpu.memory_space<vmem>>) dst(%dma_wait3A_964 : memref<10000x128xf32, #tpu.memory_space<vmem_shared>>)
      %get3A_965 = arith.constant 1 : i32
      %get3A_966 = arith.index_cast %get3A_965 : i32 to index
      %get3A_967 = arith.constant 0 : index
      %get3A_968 = tpu.vector_load %arg9[%get3A_966, %get3A_967] {strides = array<i32>} : memref<5x80xi32, #tpu.memory_space<vmem>>, vector<1x16xi32>,
      %get3A_969 = vector.shape_cast %get3A_968 : vector<1x16xi32> to vector<16xi32>
      %swap3A_970 = arith.constant 0 : index
      %swap3A_971 = tpu.vector_load %arg11[%swap3A_970] {strides = array<i32>} : memref<80xi32, #tpu.memory_space<vmem>>, vector<16xi32>,
      %swap3A_972 = vector.shape_cast %swap3A_971 : vector<16xi32> to vector<16xi32>
      %swap3A_973 = vector.shape_cast %get3A_969 : vector<16xi32> to vector<16xi32>
      tpu.vector_store %arg11[%swap3A_970], %swap3A_973 {strides = array<i32>} : memref<80xi32, #tpu.memory_space<vmem>>, vector<16xi32>,
      %get3A_974 = arith.constant 1 : i32
      %get3A_975 = arith.index_cast %get3A_974 : i32 to index
      %get3A_976 = arith.constant 16 : index
      %get3A_977 = tpu.vector_load %arg9[%get3A_975, %get3A_976] {strides = array<i32>} : memref<5x80xi32, #tpu.memory_space<vmem>>, vector<1x16xi32>,
      %get3A_978 = vector.shape_cast %get3A_977 : vector<1x16xi32> to vector<16xi32>
      %swap3A_979 = arith.constant 16 : index
      %swap3A_980 = tpu.vector_load %arg11[%swap3A_979] {strides = array<i32>} : memref<80xi32, #tpu.memory_space<vmem>>, vector<16xi32>,
      %swap3A_981 = vector.shape_cast %swap3A_980 : vector<16xi32> to vector<16xi32>
      %swap3A_982 = vector.shape_cast %get3A_978 : vector<16xi32> to vector<16xi32>
      tpu.vector_store %arg11[%swap3A_979], %swap3A_982 {strides = array<i32>} : memref<80xi32, #tpu.memory_space<vmem>>, vector<16xi32>,
      %get3A_983 = arith.constant 1 : i32
      %get3A_984 = arith.index_cast %get3A_983 : i32 to index
      %get3A_985 = arith.constant 32 : index
      %get3A_986 = tpu.vector_load %arg9[%get3A_984, %get3A_985] {strides = array<i32>} : memref<5x80xi32, #tpu.memory_space<vmem>>, vector<1x16xi32>,
      %get3A_987 = vector.shape_cast %get3A_986 : vector<1x16xi32> to vector<16xi32>
      %swap3A_988 = arith.constant 32 : index
      %swap3A_989 = tpu.vector_load %arg11[%swap3A_988] {strides = array<i32>} : memref<80xi32, #tpu.memory_space<vmem>>, vector<16xi32>,
      %swap3A_990 = vector.shape_cast %swap3A_989 : vector<16xi32> to vector<16xi32>
      %swap3A_991 = vector.shape_cast %get3A_987 : vector<16xi32> to vector<16xi32>
      tpu.vector_store %arg11[%swap3A_988], %swap3A_991 {strides = array<i32>} : memref<80xi32, #tpu.memory_space<vmem>>, vector<16xi32>,
      %get3A_992 = arith.constant 1 : i32
      %get3A_993 = arith.index_cast %get3A_992 : i32 to index
      %get3A_994 = arith.constant 48 : index
      %get3A_995 = tpu.vector_load %arg9[%get3A_993, %get3A_994] {strides = array<i32>} : memref<5x80xi32, #tpu.memory_space<vmem>>, vector<1x16xi32>,
      %get3A_996 = vector.shape_cast %get3A_995 : vector<1x16xi32> to vector<16xi32>
      %swap3A_997 = arith.constant 48 : index
      %swap3A_998 = tpu.vector_load %arg11[%swap3A_997] {strides = array<i32>} : memref<80xi32, #tpu.memory_space<vmem>>, vector<16xi32>,
      %swap3A_999 = vector.shape_cast %swap3A_998 : vector<16xi32> to vector<16xi32>
      %swap3A_1000 = vector.shape_cast %get3A_996 : vector<16xi32> to vector<16xi32>
      tpu.vector_store %arg11[%swap3A_997], %swap3A_1000 {strides = array<i32>} : memref<80xi32, #tpu.memory_space<vmem>>, vector<16xi32>,
      %get3A_1001 = arith.constant 1 : i32
      %get3A_1002 = arith.index_cast %get3A_1001 : i32 to index
      %get3A_1003 = arith.constant 64 : index
      %get3A_1004 = tpu.vector_load %arg9[%get3A_1002, %get3A_1003] {strides = array<i32>} : memref<5x80xi32, #tpu.memory_space<vmem>>, vector<1x16xi32>,
      %get3A_1005 = vector.shape_cast %get3A_1004 : vector<1x16xi32> to vector<16xi32>
      %swap3A_1006 = arith.constant 64 : index
      %swap3A_1007 = tpu.vector_load %arg11[%swap3A_1006] {strides = array<i32>} : memref<80xi32, #tpu.memory_space<vmem>>, vector<16xi32>,
      %swap3A_1008 = vector.shape_cast %swap3A_1007 : vector<16xi32> to vector<16xi32>
      %swap3A_1009 = vector.shape_cast %get3A_1005 : vector<16xi32> to vector<16xi32>
      tpu.vector_store %arg11[%swap3A_1006], %swap3A_1009 {strides = array<i32>} : memref<80xi32, #tpu.memory_space<vmem>>, vector<16xi32>,
      %scan3A_1010 = arith.constant 0 : i32
      %scan3A_1011 = arith.constant 0 : i32
      %scan3A_1012 = arith.constant 10 : i32
      %scan3A_1013 = arith.addi %scan3A_1011, %scan3A_1012 : i32
      %scan3A_1014 = arith.constant 1 : i32
      scf.for %scan3A_1190 = %scan3A_1011 to %scan3A_1013 step %scan3A_1014  : i32 {
        %add3A_1191 = arith.constant 10 : i32
        %add3A_1192 = arith.addi %add3A_1191, %scan3A_1190 : i32
        %get3A_1193 = arith.index_cast %add3A_1192 : i32 to index
        %get3A_1194 = arith.constant 0 : index
        %get3A_1195 = tpu.vector_load %arg14[%get3A_1193, %get3A_1194] {strides = array<i32>} : memref<50x128xf32, #tpu.memory_space<vmem>>, vector<1x16xf32>,
        %get3A_1196 = vector.shape_cast %get3A_1195 : vector<1x16xf32> to vector<16xf32>
        %mul3A_1197 = arith.constant 8 : i32
        %mul3A_1198 = arith.muli %scan3A_1190, %mul3A_1197 : i32
        %add3A_1199 = arith.constant 0 : i32
        %add3A_1200 = arith.addi %mul3A_1198, %add3A_1199 : i32
        %swap3A_1201 = arith.index_cast %add3A_1200 : i32 to index
        %swap3A_1202 = arith.constant 0 : index
        %swap3A_1203 = tpu.vector_load %arg13[%swap3A_1201, %swap3A_1202] {strides = array<i32>} : memref<80x128xf32, #tpu.memory_space<vmem>>, vector<1x16xf32>,
        %swap3A_1204 = vector.shape_cast %swap3A_1203 : vector<1x16xf32> to vector<16xf32>
        %swap3A_1205 = vector.shape_cast %get3A_1196 : vector<16xf32> to vector<1x16xf32>
        tpu.vector_store %arg13[%swap3A_1201, %swap3A_1202], %swap3A_1205 {strides = array<i32>} : memref<80x128xf32, #tpu.memory_space<vmem>>, vector<1x16xf32>,
        %add3A_1206 = arith.constant 10 : i32
        %add3A_1207 = arith.addi %add3A_1206, %scan3A_1190 : i32
        %get3A_1208 = arith.index_cast %add3A_1207 : i32 to index
        %get3A_1209 = arith.constant 16 : index
        %get3A_1210 = tpu.vector_load %arg14[%get3A_1208, %get3A_1209] {strides = array<i32>} : memref<50x128xf32, #tpu.memory_space<vmem>>, vector<1x16xf32>,
        %get3A_1211 = vector.shape_cast %get3A_1210 : vector<1x16xf32> to vector<16xf32>
        %mul3A_1212 = arith.constant 8 : i32
        %mul3A_1213 = arith.muli %scan3A_1190, %mul3A_1212 : i32
        %add3A_1214 = arith.constant 1 : i32
        %add3A_1215 = arith.addi %mul3A_1213, %add3A_1214 : i32
        %swap3A_1216 = arith.index_cast %add3A_1215 : i32 to index
        %swap3A_1217 = arith.constant 0 : index
        %swap3A_1218 = tpu.vector_load %arg13[%swap3A_1216, %swap3A_1217] {strides = array<i32>} : memref<80x128xf32, #tpu.memory_space<vmem>>, vector<1x16xf32>,
        %swap3A_1219 = vector.shape_cast %swap3A_1218 : vector<1x16xf32> to vector<16xf32>
        %swap3A_1220 = vector.shape_cast %get3A_1211 : vector<16xf32> to vector<1x16xf32>
        tpu.vector_store %arg13[%swap3A_1216, %swap3A_1217], %swap3A_1220 {strides = array<i32>} : memref<80x128xf32, #tpu.memory_space<vmem>>, vector<1x16xf32>,
        %add3A_1221 = arith.constant 10 : i32
        %add3A_1222 = arith.addi %add3A_1221, %scan3A_1190 : i32
        %get3A_1223 = arith.index_cast %add3A_1222 : i32 to index
        %get3A_1224 = arith.constant 32 : index
        %get3A_1225 = tpu.vector_load %arg14[%get3A_1223, %get3A_1224] {strides = array<i32>} : memref<50x128xf32, #tpu.memory_space<vmem>>, vector<1x16xf32>,
        %get3A_1226 = vector.shape_cast %get3A_1225 : vector<1x16xf32> to vector<16xf32>
        %mul3A_1227 = arith.constant 8 : i32
        %mul3A_1228 = arith.muli %scan3A_1190, %mul3A_1227 : i32
        %add3A_1229 = arith.constant 2 : i32
        %add3A_1230 = arith.addi %mul3A_1228, %add3A_1229 : i32
        %swap3A_1231 = arith.index_cast %add3A_1230 : i32 to index
        %swap3A_1232 = arith.constant 0 : index
        %swap3A_1233 = tpu.vector_load %arg13[%swap3A_1231, %swap3A_1232] {strides = array<i32>} : memref<80x128xf32, #tpu.memory_space<vmem>>, vector<1x16xf32>,
        %swap3A_1234 = vector.shape_cast %swap3A_1233 : vector<1x16xf32> to vector<16xf32>
        %swap3A_1235 = vector.shape_cast %get3A_1226 : vector<16xf32> to vector<1x16xf32>
        tpu.vector_store %arg13[%swap3A_1231, %swap3A_1232], %swap3A_1235 {strides = array<i32>} : memref<80x128xf32, #tpu.memory_space<vmem>>, vector<1x16xf32>,
        %add3A_1236 = arith.constant 10 : i32
        %add3A_1237 = arith.addi %add3A_1236, %scan3A_1190 : i32
        %get3A_1238 = arith.index_cast %add3A_1237 : i32 to index
        %get3A_1239 = arith.constant 48 : index
        %get3A_1240 = tpu.vector_load %arg14[%get3A_1238, %get3A_1239] {strides = array<i32>} : memref<50x128xf32, #tpu.memory_space<vmem>>, vector<1x16xf32>,
        %get3A_1241 = vector.shape_cast %get3A_1240 : vector<1x16xf32> to vector<16xf32>
        %mul3A_1242 = arith.constant 8 : i32
        %mul3A_1243 = arith.muli %scan3A_1190, %mul3A_1242 : i32
        %add3A_1244 = arith.constant 3 : i32
        %add3A_1245 = arith.addi %mul3A_1243, %add3A_1244 : i32
        %swap3A_1246 = arith.index_cast %add3A_1245 : i32 to index
        %swap3A_1247 = arith.constant 0 : index
        %swap3A_1248 = tpu.vector_load %arg13[%swap3A_1246, %swap3A_1247] {strides = array<i32>} : memref<80x128xf32, #tpu.memory_space<vmem>>, vector<1x16xf32>,
        %swap3A_1249 = vector.shape_cast %swap3A_1248 : vector<1x16xf32> to vector<16xf32>
        %swap3A_1250 = vector.shape_cast %get3A_1241 : vector<16xf32> to vector<1x16xf32>
        tpu.vector_store %arg13[%swap3A_1246, %swap3A_1247], %swap3A_1250 {strides = array<i32>} : memref<80x128xf32, #tpu.memory_space<vmem>>, vector<1x16xf32>,
        %add3A_1251 = arith.constant 10 : i32
        %add3A_1252 = arith.addi %add3A_1251, %scan3A_1190 : i32
        %get3A_1253 = arith.index_cast %add3A_1252 : i32 to index
        %get3A_1254 = arith.constant 64 : index
        %get3A_1255 = tpu.vector_load %arg14[%get3A_1253, %get3A_1254] {strides = array<i32>} : memref<50x128xf32, #tpu.memory_space<vmem>>, vector<1x16xf32>,
        %get3A_1256 = vector.shape_cast %get3A_1255 : vector<1x16xf32> to vector<16xf32>
        %mul3A_1257 = arith.constant 8 : i32
        %mul3A_1258 = arith.muli %scan3A_1190, %mul3A_1257 : i32
        %add3A_1259 = arith.constant 4 : i32
        %add3A_1260 = arith.addi %mul3A_1258, %add3A_1259 : i32
        %swap3A_1261 = arith.index_cast %add3A_1260 : i32 to index
        %swap3A_1262 = arith.constant 0 : index
        %swap3A_1263 = tpu.vector_load %arg13[%swap3A_1261, %swap3A_1262] {strides = array<i32>} : memref<80x128xf32, #tpu.memory_space<vmem>>, vector<1x16xf32>,
        %swap3A_1264 = vector.shape_cast %swap3A_1263 : vector<1x16xf32> to vector<16xf32>
        %swap3A_1265 = vector.shape_cast %get3A_1256 : vector<16xf32> to vector<1x16xf32>
        tpu.vector_store %arg13[%swap3A_1261, %swap3A_1262], %swap3A_1265 {strides = array<i32>} : memref<80x128xf32, #tpu.memory_space<vmem>>, vector<1x16xf32>,
        %add3A_1266 = arith.constant 10 : i32
        %add3A_1267 = arith.addi %add3A_1266, %scan3A_1190 : i32
        %get3A_1268 = arith.index_cast %add3A_1267 : i32 to index
        %get3A_1269 = arith.constant 80 : index
        %get3A_1270 = tpu.vector_load %arg14[%get3A_1268, %get3A_1269] {strides = array<i32>} : memref<50x128xf32, #tpu.memory_space<vmem>>, vector<1x16xf32>,
        %get3A_1271 = vector.shape_cast %get3A_1270 : vector<1x16xf32> to vector<16xf32>
        %mul3A_1272 = arith.constant 8 : i32
        %mul3A_1273 = arith.muli %scan3A_1190, %mul3A_1272 : i32
        %add3A_1274 = arith.constant 5 : i32
        %add3A_1275 = arith.addi %mul3A_1273, %add3A_1274 : i32
        %swap3A_1276 = arith.index_cast %add3A_1275 : i32 to index
        %swap3A_1277 = arith.constant 0 : index
        %swap3A_1278 = tpu.vector_load %arg13[%swap3A_1276, %swap3A_1277] {strides = array<i32>} : memref<80x128xf32, #tpu.memory_space<vmem>>, vector<1x16xf32>,
        %swap3A_1279 = vector.shape_cast %swap3A_1278 : vector<1x16xf32> to vector<16xf32>
        %swap3A_1280 = vector.shape_cast %get3A_1271 : vector<16xf32> to vector<1x16xf32>
        tpu.vector_store %arg13[%swap3A_1276, %swap3A_1277], %swap3A_1280 {strides = array<i32>} : memref<80x128xf32, #tpu.memory_space<vmem>>, vector<1x16xf32>,
        %add3A_1281 = arith.constant 10 : i32
        %add3A_1282 = arith.addi %add3A_1281, %scan3A_1190 : i32
        %get3A_1283 = arith.index_cast %add3A_1282 : i32 to index
        %get3A_1284 = arith.constant 96 : index
        %get3A_1285 = tpu.vector_load %arg14[%get3A_1283, %get3A_1284] {strides = array<i32>} : memref<50x128xf32, #tpu.memory_space<vmem>>, vector<1x16xf32>,
        %get3A_1286 = vector.shape_cast %get3A_1285 : vector<1x16xf32> to vector<16xf32>
        %mul3A_1287 = arith.constant 8 : i32
        %mul3A_1288 = arith.muli %scan3A_1190, %mul3A_1287 : i32
        %add3A_1289 = arith.constant 6 : i32
        %add3A_1290 = arith.addi %mul3A_1288, %add3A_1289 : i32
        %swap3A_1291 = arith.index_cast %add3A_1290 : i32 to index
        %swap3A_1292 = arith.constant 0 : index
        %swap3A_1293 = tpu.vector_load %arg13[%swap3A_1291, %swap3A_1292] {strides = array<i32>} : memref<80x128xf32, #tpu.memory_space<vmem>>, vector<1x16xf32>,
        %swap3A_1294 = vector.shape_cast %swap3A_1293 : vector<1x16xf32> to vector<16xf32>
        %swap3A_1295 = vector.shape_cast %get3A_1286 : vector<16xf32> to vector<1x16xf32>
        tpu.vector_store %arg13[%swap3A_1291, %swap3A_1292], %swap3A_1295 {strides = array<i32>} : memref<80x128xf32, #tpu.memory_space<vmem>>, vector<1x16xf32>,
        %add3A_1296 = arith.constant 10 : i32
        %add3A_1297 = arith.addi %add3A_1296, %scan3A_1190 : i32
        %get3A_1298 = arith.index_cast %add3A_1297 : i32 to index
        %get3A_1299 = arith.constant 112 : index
        %get3A_1300 = tpu.vector_load %arg14[%get3A_1298, %get3A_1299] {strides = array<i32>} : memref<50x128xf32, #tpu.memory_space<vmem>>, vector<1x16xf32>,
        %get3A_1301 = vector.shape_cast %get3A_1300 : vector<1x16xf32> to vector<16xf32>
        %mul3A_1302 = arith.constant 8 : i32
        %mul3A_1303 = arith.muli %scan3A_1190, %mul3A_1302 : i32
        %add3A_1304 = arith.constant 7 : i32
        %add3A_1305 = arith.addi %mul3A_1303, %add3A_1304 : i32
        %swap3A_1306 = arith.index_cast %add3A_1305 : i32 to index
        %swap3A_1307 = arith.constant 0 : index
        %swap3A_1308 = tpu.vector_load %arg13[%swap3A_1306, %swap3A_1307] {strides = array<i32>} : memref<80x128xf32, #tpu.memory_space<vmem>>, vector<1x16xf32>,
        %swap3A_1309 = vector.shape_cast %swap3A_1308 : vector<1x16xf32> to vector<16xf32>
        %swap3A_1310 = vector.shape_cast %get3A_1301 : vector<16xf32> to vector<1x16xf32>
        tpu.vector_store %arg13[%swap3A_1306, %swap3A_1307], %swap3A_1310 {strides = array<i32>} : memref<80x128xf32, #tpu.memory_space<vmem>>, vector<1x16xf32>,
      }
      %scan3A_1015 = arith.constant 10 : i32
      %dma_start3A_1016 = arith.constant 0 : i32
      %dma_start3A_1017 = arith.constant 0 : i32
      %dma_start3A_1018 = tpu.memref_slice %arg15[%dma_start3A_1016, %dma_start3A_1017] : memref<10000x128xf32, #tpu.memory_space<vmem_shared>> -> memref<10000x128xf32, #tpu.memory_space<vmem_shared>>
      tpu.enqueue_indirect_dma source(%arg13 : memref<80x128xf32, #tpu.memory_space<vmem>>) target(%dma_start3A_1018 : memref<10000x128xf32, #tpu.memory_space<vmem_shared>>) offsets(%arg11 : memref<80xi32, #tpu.memory_space<vmem>>) semaphore(%arg19 : memref<!tpu.dma_semaphore, #tpu.memory_space<semaphore_mem>>) {add = true}
      %dma_wait3A_1019 = arith.constant 0 : i32
      %dma_wait3A_1020 = arith.constant 0 : i32
      %dma_wait3A_1021 = tpu.memref_slice %arg15[%dma_wait3A_1019, %dma_wait3A_1020] : memref<10000x128xf32, #tpu.memory_space<vmem_shared>> -> memref<10000x128xf32, #tpu.memory_space<vmem_shared>>
      tpu.wait_indirect_dma semaphore(%arg18 : memref<!tpu.dma_semaphore, #tpu.memory_space<semaphore_mem>>) src(%arg12 : memref<80x128xf32, #tpu.memory_space<vmem>>) dst(%dma_wait3A_1021 : memref<10000x128xf32, #tpu.memory_space<vmem_shared>>)
      %get3A_1022 = arith.constant 2 : i32
      %get3A_1023 = arith.index_cast %get3A_1022 : i32 to index
      %get3A_1024 = arith.constant 0 : index
      %get3A_1025 = tpu.vector_load %arg9[%get3A_1023, %get3A_1024] {strides = array<i32>} : memref<5x80xi32, #tpu.memory_space<vmem>>, vector<1x16xi32>,
      %get3A_1026 = vector.shape_cast %get3A_1025 : vector<1x16xi32> to vector<16xi32>
      %swap3A_1027 = arith.constant 0 : index
      %swap3A_1028 = tpu.vector_load %arg10[%swap3A_1027] {strides = array<i32>} : memref<80xi32, #tpu.memory_space<vmem>>, vector<16xi32>,
      %swap3A_1029 = vector.shape_cast %swap3A_1028 : vector<16xi32> to vector<16xi32>
      %swap3A_1030 = vector.shape_cast %get3A_1026 : vector<16xi32> to vector<16xi32>
      tpu.vector_store %arg10[%swap3A_1027], %swap3A_1030 {strides = array<i32>} : memref<80xi32, #tpu.memory_space<vmem>>, vector<16xi32>,
      %get3A_1031 = arith.constant 2 : i32
      %get3A_1032 = arith.index_cast %get3A_1031 : i32 to index
      %get3A_1033 = arith.constant 16 : index
      %get3A_1034 = tpu.vector_load %arg9[%get3A_1032, %get3A_1033] {strides = array<i32>} : memref<5x80xi32, #tpu.memory_space<vmem>>, vector<1x16xi32>,
      %get3A_1035 = vector.shape_cast %get3A_1034 : vector<1x16xi32> to vector<16xi32>
      %swap3A_1036 = arith.constant 16 : index
      %swap3A_1037 = tpu.vector_load %arg10[%swap3A_1036] {strides = array<i32>} : memref<80xi32, #tpu.memory_space<vmem>>, vector<16xi32>,
      %swap3A_1038 = vector.shape_cast %swap3A_1037 : vector<16xi32> to vector<16xi32>
      %swap3A_1039 = vector.shape_cast %get3A_1035 : vector<16xi32> to vector<16xi32>
      tpu.vector_store %arg10[%swap3A_1036], %swap3A_1039 {strides = array<i32>} : memref<80xi32, #tpu.memory_space<vmem>>, vector<16xi32>,
      %get3A_1040 = arith.constant 2 : i32
      %get3A_1041 = arith.index_cast %get3A_1040 : i32 to index
      %get3A_1042 = arith.constant 32 : index
      %get3A_1043 = tpu.vector_load %arg9[%get3A_1041, %get3A_1042] {strides = array<i32>} : memref<5x80xi32, #tpu.memory_space<vmem>>, vector<1x16xi32>,
      %get3A_1044 = vector.shape_cast %get3A_1043 : vector<1x16xi32> to vector<16xi32>
      %swap3A_1045 = arith.constant 32 : index
      %swap3A_1046 = tpu.vector_load %arg10[%swap3A_1045] {strides = array<i32>} : memref<80xi32, #tpu.memory_space<vmem>>, vector<16xi32>,
      %swap3A_1047 = vector.shape_cast %swap3A_1046 : vector<16xi32> to vector<16xi32>
      %swap3A_1048 = vector.shape_cast %get3A_1044 : vector<16xi32> to vector<16xi32>
      tpu.vector_store %arg10[%swap3A_1045], %swap3A_1048 {strides = array<i32>} : memref<80xi32, #tpu.memory_space<vmem>>, vector<16xi32>,
      %get3A_1049 = arith.constant 2 : i32
      %get3A_1050 = arith.index_cast %get3A_1049 : i32 to index
      %get3A_1051 = arith.constant 48 : index
      %get3A_1052 = tpu.vector_load %arg9[%get3A_1050, %get3A_1051] {strides = array<i32>} : memref<5x80xi32, #tpu.memory_space<vmem>>, vector<1x16xi32>,
      %get3A_1053 = vector.shape_cast %get3A_1052 : vector<1x16xi32> to vector<16xi32>
      %swap3A_1054 = arith.constant 48 : index
      %swap3A_1055 = tpu.vector_load %arg10[%swap3A_1054] {strides = array<i32>} : memref<80xi32, #tpu.memory_space<vmem>>, vector<16xi32>,
      %swap3A_1056 = vector.shape_cast %swap3A_1055 : vector<16xi32> to vector<16xi32>
      %swap3A_1057 = vector.shape_cast %get3A_1053 : vector<16xi32> to vector<16xi32>
      tpu.vector_store %arg10[%swap3A_1054], %swap3A_1057 {strides = array<i32>} : memref<80xi32, #tpu.memory_space<vmem>>, vector<16xi32>,
      %get3A_1058 = arith.constant 2 : i32
      %get3A_1059 = arith.index_cast %get3A_1058 : i32 to index
      %get3A_1060 = arith.constant 64 : index
      %get3A_1061 = tpu.vector_load %arg9[%get3A_1059, %get3A_1060] {strides = array<i32>} : memref<5x80xi32, #tpu.memory_space<vmem>>, vector<1x16xi32>,
      %get3A_1062 = vector.shape_cast %get3A_1061 : vector<1x16xi32> to vector<16xi32>
      %swap3A_1063 = arith.constant 64 : index
      %swap3A_1064 = tpu.vector_load %arg10[%swap3A_1063] {strides = array<i32>} : memref<80xi32, #tpu.memory_space<vmem>>, vector<16xi32>,
      %swap3A_1065 = vector.shape_cast %swap3A_1064 : vector<16xi32> to vector<16xi32>
      %swap3A_1066 = vector.shape_cast %get3A_1062 : vector<16xi32> to vector<16xi32>
      tpu.vector_store %arg10[%swap3A_1063], %swap3A_1066 {strides = array<i32>} : memref<80xi32, #tpu.memory_space<vmem>>, vector<16xi32>,
      %scan3A_1067 = arith.constant 0 : i32
      %scan3A_1068 = arith.constant 0 : i32
      %scan3A_1069 = arith.constant 10 : i32
      %scan3A_1070 = arith.addi %scan3A_1068, %scan3A_1069 : i32
      %scan3A_1071 = arith.constant 1 : i32
      scf.for %scan3A_1190 = %scan3A_1068 to %scan3A_1070 step %scan3A_1071  : i32 {
        %add3A_1191 = arith.constant 20 : i32
        %add3A_1192 = arith.addi %add3A_1191, %scan3A_1190 : i32
        %get3A_1193 = arith.index_cast %add3A_1192 : i32 to index
        %get3A_1194 = arith.constant 0 : index
        %get3A_1195 = tpu.vector_load %arg14[%get3A_1193, %get3A_1194] {strides = array<i32>} : memref<50x128xf32, #tpu.memory_space<vmem>>, vector<1x16xf32>,
        %get3A_1196 = vector.shape_cast %get3A_1195 : vector<1x16xf32> to vector<16xf32>
        %mul3A_1197 = arith.constant 8 : i32
        %mul3A_1198 = arith.muli %scan3A_1190, %mul3A_1197 : i32
        %add3A_1199 = arith.constant 0 : i32
        %add3A_1200 = arith.addi %mul3A_1198, %add3A_1199 : i32
        %swap3A_1201 = arith.index_cast %add3A_1200 : i32 to index
        %swap3A_1202 = arith.constant 0 : index
        %swap3A_1203 = tpu.vector_load %arg12[%swap3A_1201, %swap3A_1202] {strides = array<i32>} : memref<80x128xf32, #tpu.memory_space<vmem>>, vector<1x16xf32>,
        %swap3A_1204 = vector.shape_cast %swap3A_1203 : vector<1x16xf32> to vector<16xf32>
        %swap3A_1205 = vector.shape_cast %get3A_1196 : vector<16xf32> to vector<1x16xf32>
        tpu.vector_store %arg12[%swap3A_1201, %swap3A_1202], %swap3A_1205 {strides = array<i32>} : memref<80x128xf32, #tpu.memory_space<vmem>>, vector<1x16xf32>,
        %add3A_1206 = arith.constant 20 : i32
        %add3A_1207 = arith.addi %add3A_1206, %scan3A_1190 : i32
        %get3A_1208 = arith.index_cast %add3A_1207 : i32 to index
        %get3A_1209 = arith.constant 16 : index
        %get3A_1210 = tpu.vector_load %arg14[%get3A_1208, %get3A_1209] {strides = array<i32>} : memref<50x128xf32, #tpu.memory_space<vmem>>, vector<1x16xf32>,
        %get3A_1211 = vector.shape_cast %get3A_1210 : vector<1x16xf32> to vector<16xf32>
        %mul3A_1212 = arith.constant 8 : i32
        %mul3A_1213 = arith.muli %scan3A_1190, %mul3A_1212 : i32
        %add3A_1214 = arith.constant 1 : i32
        %add3A_1215 = arith.addi %mul3A_1213, %add3A_1214 : i32
        %swap3A_1216 = arith.index_cast %add3A_1215 : i32 to index
        %swap3A_1217 = arith.constant 0 : index
        %swap3A_1218 = tpu.vector_load %arg12[%swap3A_1216, %swap3A_1217] {strides = array<i32>} : memref<80x128xf32, #tpu.memory_space<vmem>>, vector<1x16xf32>,
        %swap3A_1219 = vector.shape_cast %swap3A_1218 : vector<1x16xf32> to vector<16xf32>
        %swap3A_1220 = vector.shape_cast %get3A_1211 : vector<16xf32> to vector<1x16xf32>
        tpu.vector_store %arg12[%swap3A_1216, %swap3A_1217], %swap3A_1220 {strides = array<i32>} : memref<80x128xf32, #tpu.memory_space<vmem>>, vector<1x16xf32>,
        %add3A_1221 = arith.constant 20 : i32
        %add3A_1222 = arith.addi %add3A_1221, %scan3A_1190 : i32
        %get3A_1223 = arith.index_cast %add3A_1222 : i32 to index
        %get3A_1224 = arith.constant 32 : index
        %get3A_1225 = tpu.vector_load %arg14[%get3A_1223, %get3A_1224] {strides = array<i32>} : memref<50x128xf32, #tpu.memory_space<vmem>>, vector<1x16xf32>,
        %get3A_1226 = vector.shape_cast %get3A_1225 : vector<1x16xf32> to vector<16xf32>
        %mul3A_1227 = arith.constant 8 : i32
        %mul3A_1228 = arith.muli %scan3A_1190, %mul3A_1227 : i32
        %add3A_1229 = arith.constant 2 : i32
        %add3A_1230 = arith.addi %mul3A_1228, %add3A_1229 : i32
        %swap3A_1231 = arith.index_cast %add3A_1230 : i32 to index
        %swap3A_1232 = arith.constant 0 : index
        %swap3A_1233 = tpu.vector_load %arg12[%swap3A_1231, %swap3A_1232] {strides = array<i32>} : memref<80x128xf32, #tpu.memory_space<vmem>>, vector<1x16xf32>,
        %swap3A_1234 = vector.shape_cast %swap3A_1233 : vector<1x16xf32> to vector<16xf32>
        %swap3A_1235 = vector.shape_cast %get3A_1226 : vector<16xf32> to vector<1x16xf32>
        tpu.vector_store %arg12[%swap3A_1231, %swap3A_1232], %swap3A_1235 {strides = array<i32>} : memref<80x128xf32, #tpu.memory_space<vmem>>, vector<1x16xf32>,
        %add3A_1236 = arith.constant 20 : i32
        %add3A_1237 = arith.addi %add3A_1236, %scan3A_1190 : i32
        %get3A_1238 = arith.index_cast %add3A_1237 : i32 to index
        %get3A_1239 = arith.constant 48 : index
        %get3A_1240 = tpu.vector_load %arg14[%get3A_1238, %get3A_1239] {strides = array<i32>} : memref<50x128xf32, #tpu.memory_space<vmem>>, vector<1x16xf32>,
        %get3A_1241 = vector.shape_cast %get3A_1240 : vector<1x16xf32> to vector<16xf32>
        %mul3A_1242 = arith.constant 8 : i32
        %mul3A_1243 = arith.muli %scan3A_1190, %mul3A_1242 : i32
        %add3A_1244 = arith.constant 3 : i32
        %add3A_1245 = arith.addi %mul3A_1243, %add3A_1244 : i32
        %swap3A_1246 = arith.index_cast %add3A_1245 : i32 to index
        %swap3A_1247 = arith.constant 0 : index
        %swap3A_1248 = tpu.vector_load %arg12[%swap3A_1246, %swap3A_1247] {strides = array<i32>} : memref<80x128xf32, #tpu.memory_space<vmem>>, vector<1x16xf32>,
        %swap3A_1249 = vector.shape_cast %swap3A_1248 : vector<1x16xf32> to vector<16xf32>
        %swap3A_1250 = vector.shape_cast %get3A_1241 : vector<16xf32> to vector<1x16xf32>
        tpu.vector_store %arg12[%swap3A_1246, %swap3A_1247], %swap3A_1250 {strides = array<i32>} : memref<80x128xf32, #tpu.memory_space<vmem>>, vector<1x16xf32>,
        %add3A_1251 = arith.constant 20 : i32
        %add3A_1252 = arith.addi %add3A_1251, %scan3A_1190 : i32
        %get3A_1253 = arith.index_cast %add3A_1252 : i32 to index
        %get3A_1254 = arith.constant 64 : index
        %get3A_1255 = tpu.vector_load %arg14[%get3A_1253, %get3A_1254] {strides = array<i32>} : memref<50x128xf32, #tpu.memory_space<vmem>>, vector<1x16xf32>,
        %get3A_1256 = vector.shape_cast %get3A_1255 : vector<1x16xf32> to vector<16xf32>
        %mul3A_1257 = arith.constant 8 : i32
        %mul3A_1258 = arith.muli %scan3A_1190, %mul3A_1257 : i32
        %add3A_1259 = arith.constant 4 : i32
        %add3A_1260 = arith.addi %mul3A_1258, %add3A_1259 : i32
        %swap3A_1261 = arith.index_cast %add3A_1260 : i32 to index
        %swap3A_1262 = arith.constant 0 : index
        %swap3A_1263 = tpu.vector_load %arg12[%swap3A_1261, %swap3A_1262] {strides = array<i32>} : memref<80x128xf32, #tpu.memory_space<vmem>>, vector<1x16xf32>,
        %swap3A_1264 = vector.shape_cast %swap3A_1263 : vector<1x16xf32> to vector<16xf32>
        %swap3A_1265 = vector.shape_cast %get3A_1256 : vector<16xf32> to vector<1x16xf32>
        tpu.vector_store %arg12[%swap3A_1261, %swap3A_1262], %swap3A_1265 {strides = array<i32>} : memref<80x128xf32, #tpu.memory_space<vmem>>, vector<1x16xf32>,
        %add3A_1266 = arith.constant 20 : i32
        %add3A_1267 = arith.addi %add3A_1266, %scan3A_1190 : i32
        %get3A_1268 = arith.index_cast %add3A_1267 : i32 to index
        %get3A_1269 = arith.constant 80 : index
        %get3A_1270 = tpu.vector_load %arg14[%get3A_1268, %get3A_1269] {strides = array<i32>} : memref<50x128xf32, #tpu.memory_space<vmem>>, vector<1x16xf32>,
        %get3A_1271 = vector.shape_cast %get3A_1270 : vector<1x16xf32> to vector<16xf32>
        %mul3A_1272 = arith.constant 8 : i32
        %mul3A_1273 = arith.muli %scan3A_1190, %mul3A_1272 : i32
        %add3A_1274 = arith.constant 5 : i32
        %add3A_1275 = arith.addi %mul3A_1273, %add3A_1274 : i32
        %swap3A_1276 = arith.index_cast %add3A_1275 : i32 to index
        %swap3A_1277 = arith.constant 0 : index
        %swap3A_1278 = tpu.vector_load %arg12[%swap3A_1276, %swap3A_1277] {strides = array<i32>} : memref<80x128xf32, #tpu.memory_space<vmem>>, vector<1x16xf32>,
        %swap3A_1279 = vector.shape_cast %swap3A_1278 : vector<1x16xf32> to vector<16xf32>
        %swap3A_1280 = vector.shape_cast %get3A_1271 : vector<16xf32> to vector<1x16xf32>
        tpu.vector_store %arg12[%swap3A_1276, %swap3A_1277], %swap3A_1280 {strides = array<i32>} : memref<80x128xf32, #tpu.memory_space<vmem>>, vector<1x16xf32>,
        %add3A_1281 = arith.constant 20 : i32
        %add3A_1282 = arith.addi %add3A_1281, %scan3A_1190 : i32
        %get3A_1283 = arith.index_cast %add3A_1282 : i32 to index
        %get3A_1284 = arith.constant 96 : index
        %get3A_1285 = tpu.vector_load %arg14[%get3A_1283, %get3A_1284] {strides = array<i32>} : memref<50x128xf32, #tpu.memory_space<vmem>>, vector<1x16xf32>,
        %get3A_1286 = vector.shape_cast %get3A_1285 : vector<1x16xf32> to vector<16xf32>
        %mul3A_1287 = arith.constant 8 : i32
        %mul3A_1288 = arith.muli %scan3A_1190, %mul3A_1287 : i32
        %add3A_1289 = arith.constant 6 : i32
        %add3A_1290 = arith.addi %mul3A_1288, %add3A_1289 : i32
        %swap3A_1291 = arith.index_cast %add3A_1290 : i32 to index
        %swap3A_1292 = arith.constant 0 : index
        %swap3A_1293 = tpu.vector_load %arg12[%swap3A_1291, %swap3A_1292] {strides = array<i32>} : memref<80x128xf32, #tpu.memory_space<vmem>>, vector<1x16xf32>,
        %swap3A_1294 = vector.shape_cast %swap3A_1293 : vector<1x16xf32> to vector<16xf32>
        %swap3A_1295 = vector.shape_cast %get3A_1286 : vector<16xf32> to vector<1x16xf32>
        tpu.vector_store %arg12[%swap3A_1291, %swap3A_1292], %swap3A_1295 {strides = array<i32>} : memref<80x128xf32, #tpu.memory_space<vmem>>, vector<1x16xf32>,
        %add3A_1296 = arith.constant 20 : i32
        %add3A_1297 = arith.addi %add3A_1296, %scan3A_1190 : i32
        %get3A_1298 = arith.index_cast %add3A_1297 : i32 to index
        %get3A_1299 = arith.constant 112 : index
        %get3A_1300 = tpu.vector_load %arg14[%get3A_1298, %get3A_1299] {strides = array<i32>} : memref<50x128xf32, #tpu.memory_space<vmem>>, vector<1x16xf32>,
        %get3A_1301 = vector.shape_cast %get3A_1300 : vector<1x16xf32> to vector<16xf32>
        %mul3A_1302 = arith.constant 8 : i32
        %mul3A_1303 = arith.muli %scan3A_1190, %mul3A_1302 : i32
        %add3A_1304 = arith.constant 7 : i32
        %add3A_1305 = arith.addi %mul3A_1303, %add3A_1304 : i32
        %swap3A_1306 = arith.index_cast %add3A_1305 : i32 to index
        %swap3A_1307 = arith.constant 0 : index
        %swap3A_1308 = tpu.vector_load %arg12[%swap3A_1306, %swap3A_1307] {strides = array<i32>} : memref<80x128xf32, #tpu.memory_space<vmem>>, vector<1x16xf32>,
        %swap3A_1309 = vector.shape_cast %swap3A_1308 : vector<1x16xf32> to vector<16xf32>
        %swap3A_1310 = vector.shape_cast %get3A_1301 : vector<16xf32> to vector<1x16xf32>
        tpu.vector_store %arg12[%swap3A_1306, %swap3A_1307], %swap3A_1310 {strides = array<i32>} : memref<80x128xf32, #tpu.memory_space<vmem>>, vector<1x16xf32>,
      }
      %scan3A_1072 = arith.constant 10 : i32
      %dma_start3A_1073 = arith.constant 0 : i32
      %dma_start3A_1074 = arith.constant 0 : i32
      %dma_start3A_1075 = tpu.memref_slice %arg15[%dma_start3A_1073, %dma_start3A_1074] : memref<10000x128xf32, #tpu.memory_space<vmem_shared>> -> memref<10000x128xf32, #tpu.memory_space<vmem_shared>>
      tpu.enqueue_indirect_dma source(%arg12 : memref<80x128xf32, #tpu.memory_space<vmem>>) target(%dma_start3A_1075 : memref<10000x128xf32, #tpu.memory_space<vmem_shared>>) offsets(%arg10 : memref<80xi32, #tpu.memory_space<vmem>>) semaphore(%arg18 : memref<!tpu.dma_semaphore, #tpu.memory_space<semaphore_mem>>) {add = true}
      %dma_wait3A_1076 = arith.constant 0 : i32
      %dma_wait3A_1077 = arith.constant 0 : i32
      %dma_wait3A_1078 = tpu.memref_slice %arg15[%dma_wait3A_1076, %dma_wait3A_1077] : memref<10000x128xf32, #tpu.memory_space<vmem_shared>> -> memref<10000x128xf32, #tpu.memory_space<vmem_shared>>
      tpu.wait_indirect_dma semaphore(%arg19 : memref<!tpu.dma_semaphore, #tpu.memory_space<semaphore_mem>>) src(%arg13 : memref<80x128xf32, #tpu.memory_space<vmem>>) dst(%dma_wait3A_1078 : memref<10000x128xf32, #tpu.memory_space<vmem_shared>>)
      %get3A_1079 = arith.constant 3 : i32
      %get3A_1080 = arith.index_cast %get3A_1079 : i32 to index
      %get3A_1081 = arith.constant 0 : index
      %get3A_1082 = tpu.vector_load %arg9[%get3A_1080, %get3A_1081] {strides = array<i32>} : memref<5x80xi32, #tpu.memory_space<vmem>>, vector<1x16xi32>,
      %get3A_1083 = vector.shape_cast %get3A_1082 : vector<1x16xi32> to vector<16xi32>
      %swap3A_1084 = arith.constant 0 : index
      %swap3A_1085 = tpu.vector_load %arg11[%swap3A_1084] {strides = array<i32>} : memref<80xi32, #tpu.memory_space<vmem>>, vector<16xi32>,
      %swap3A_1086 = vector.shape_cast %swap3A_1085 : vector<16xi32> to vector<16xi32>
      %swap3A_1087 = vector.shape_cast %get3A_1083 : vector<16xi32> to vector<16xi32>
      tpu.vector_store %arg11[%swap3A_1084], %swap3A_1087 {strides = array<i32>} : memref<80xi32, #tpu.memory_space<vmem>>, vector<16xi32>,
      %get3A_1088 = arith.constant 3 : i32
      %get3A_1089 = arith.index_cast %get3A_1088 : i32 to index
      %get3A_1090 = arith.constant 16 : index
      %get3A_1091 = tpu.vector_load %arg9[%get3A_1089, %get3A_1090] {strides = array<i32>} : memref<5x80xi32, #tpu.memory_space<vmem>>, vector<1x16xi32>,
      %get3A_1092 = vector.shape_cast %get3A_1091 : vector<1x16xi32> to vector<16xi32>
      %swap3A_1093 = arith.constant 16 : index
      %swap3A_1094 = tpu.vector_load %arg11[%swap3A_1093] {strides = array<i32>} : memref<80xi32, #tpu.memory_space<vmem>>, vector<16xi32>,
      %swap3A_1095 = vector.shape_cast %swap3A_1094 : vector<16xi32> to vector<16xi32>
      %swap3A_1096 = vector.shape_cast %get3A_1092 : vector<16xi32> to vector<16xi32>
      tpu.vector_store %arg11[%swap3A_1093], %swap3A_1096 {strides = array<i32>} : memref<80xi32, #tpu.memory_space<vmem>>, vector<16xi32>,
      %get3A_1097 = arith.constant 3 : i32
      %get3A_1098 = arith.index_cast %get3A_1097 : i32 to index
      %get3A_1099 = arith.constant 32 : index
      %get3A_1100 = tpu.vector_load %arg9[%get3A_1098, %get3A_1099] {strides = array<i32>} : memref<5x80xi32, #tpu.memory_space<vmem>>, vector<1x16xi32>,
      %get3A_1101 = vector.shape_cast %get3A_1100 : vector<1x16xi32> to vector<16xi32>
      %swap3A_1102 = arith.constant 32 : index
      %swap3A_1103 = tpu.vector_load %arg11[%swap3A_1102] {strides = array<i32>} : memref<80xi32, #tpu.memory_space<vmem>>, vector<16xi32>,
      %swap3A_1104 = vector.shape_cast %swap3A_1103 : vector<16xi32> to vector<16xi32>
      %swap3A_1105 = vector.shape_cast %get3A_1101 : vector<16xi32> to vector<16xi32>
      tpu.vector_store %arg11[%swap3A_1102], %swap3A_1105 {strides = array<i32>} : memref<80xi32, #tpu.memory_space<vmem>>, vector<16xi32>,
      %get3A_1106 = arith.constant 3 : i32
      %get3A_1107 = arith.index_cast %get3A_1106 : i32 to index
      %get3A_1108 = arith.constant 48 : index
      %get3A_1109 = tpu.vector_load %arg9[%get3A_1107, %get3A_1108] {strides = array<i32>} : memref<5x80xi32, #tpu.memory_space<vmem>>, vector<1x16xi32>,
      %get3A_1110 = vector.shape_cast %get3A_1109 : vector<1x16xi32> to vector<16xi32>
      %swap3A_1111 = arith.constant 48 : index
      %swap3A_1112 = tpu.vector_load %arg11[%swap3A_1111] {strides = array<i32>} : memref<80xi32, #tpu.memory_space<vmem>>, vector<16xi32>,
      %swap3A_1113 = vector.shape_cast %swap3A_1112 : vector<16xi32> to vector<16xi32>
      %swap3A_1114 = vector.shape_cast %get3A_1110 : vector<16xi32> to vector<16xi32>
      tpu.vector_store %arg11[%swap3A_1111], %swap3A_1114 {strides = array<i32>} : memref<80xi32, #tpu.memory_space<vmem>>, vector<16xi32>,
      %get3A_1115 = arith.constant 3 : i32
      %get3A_1116 = arith.index_cast %get3A_1115 : i32 to index
      %get3A_1117 = arith.constant 64 : index
      %get3A_1118 = tpu.vector_load %arg9[%get3A_1116, %get3A_1117] {strides = array<i32>} : memref<5x80xi32, #tpu.memory_space<vmem>>, vector<1x16xi32>,
      %get3A_1119 = vector.shape_cast %get3A_1118 : vector<1x16xi32> to vector<16xi32>
      %swap3A_1120 = arith.constant 64 : index
      %swap3A_1121 = tpu.vector_load %arg11[%swap3A_1120] {strides = array<i32>} : memref<80xi32, #tpu.memory_space<vmem>>, vector<16xi32>,
      %swap3A_1122 = vector.shape_cast %swap3A_1121 : vector<16xi32> to vector<16xi32>
      %swap3A_1123 = vector.shape_cast %get3A_1119 : vector<16xi32> to vector<16xi32>
      tpu.vector_store %arg11[%swap3A_1120], %swap3A_1123 {strides = array<i32>} : memref<80xi32, #tpu.memory_space<vmem>>, vector<16xi32>,
      %scan3A_1124 = arith.constant 0 : i32
      %scan3A_1125 = arith.constant 0 : i32
      %scan3A_1126 = arith.constant 10 : i32
      %scan3A_1127 = arith.addi %scan3A_1125, %scan3A_1126 : i32
      %scan3A_1128 = arith.constant 1 : i32
      scf.for %scan3A_1190 = %scan3A_1125 to %scan3A_1127 step %scan3A_1128  : i32 {
        %add3A_1191 = arith.constant 30 : i32
        %add3A_1192 = arith.addi %add3A_1191, %scan3A_1190 : i32
        %get3A_1193 = arith.index_cast %add3A_1192 : i32 to index
        %get3A_1194 = arith.constant 0 : index
        %get3A_1195 = tpu.vector_load %arg14[%get3A_1193, %get3A_1194] {strides = array<i32>} : memref<50x128xf32, #tpu.memory_space<vmem>>, vector<1x16xf32>,
        %get3A_1196 = vector.shape_cast %get3A_1195 : vector<1x16xf32> to vector<16xf32>
        %mul3A_1197 = arith.constant 8 : i32
        %mul3A_1198 = arith.muli %scan3A_1190, %mul3A_1197 : i32
        %add3A_1199 = arith.constant 0 : i32
        %add3A_1200 = arith.addi %mul3A_1198, %add3A_1199 : i32
        %swap3A_1201 = arith.index_cast %add3A_1200 : i32 to index
        %swap3A_1202 = arith.constant 0 : index
        %swap3A_1203 = tpu.vector_load %arg13[%swap3A_1201, %swap3A_1202] {strides = array<i32>} : memref<80x128xf32, #tpu.memory_space<vmem>>, vector<1x16xf32>,
        %swap3A_1204 = vector.shape_cast %swap3A_1203 : vector<1x16xf32> to vector<16xf32>
        %swap3A_1205 = vector.shape_cast %get3A_1196 : vector<16xf32> to vector<1x16xf32>
        tpu.vector_store %arg13[%swap3A_1201, %swap3A_1202], %swap3A_1205 {strides = array<i32>} : memref<80x128xf32, #tpu.memory_space<vmem>>, vector<1x16xf32>,
        %add3A_1206 = arith.constant 30 : i32
        %add3A_1207 = arith.addi %add3A_1206, %scan3A_1190 : i32
        %get3A_1208 = arith.index_cast %add3A_1207 : i32 to index
        %get3A_1209 = arith.constant 16 : index
        %get3A_1210 = tpu.vector_load %arg14[%get3A_1208, %get3A_1209] {strides = array<i32>} : memref<50x128xf32, #tpu.memory_space<vmem>>, vector<1x16xf32>,
        %get3A_1211 = vector.shape_cast %get3A_1210 : vector<1x16xf32> to vector<16xf32>
        %mul3A_1212 = arith.constant 8 : i32
        %mul3A_1213 = arith.muli %scan3A_1190, %mul3A_1212 : i32
        %add3A_1214 = arith.constant 1 : i32
        %add3A_1215 = arith.addi %mul3A_1213, %add3A_1214 : i32
        %swap3A_1216 = arith.index_cast %add3A_1215 : i32 to index
        %swap3A_1217 = arith.constant 0 : index
        %swap3A_1218 = tpu.vector_load %arg13[%swap3A_1216, %swap3A_1217] {strides = array<i32>} : memref<80x128xf32, #tpu.memory_space<vmem>>, vector<1x16xf32>,
        %swap3A_1219 = vector.shape_cast %swap3A_1218 : vector<1x16xf32> to vector<16xf32>
        %swap3A_1220 = vector.shape_cast %get3A_1211 : vector<16xf32> to vector<1x16xf32>
        tpu.vector_store %arg13[%swap3A_1216, %swap3A_1217], %swap3A_1220 {strides = array<i32>} : memref<80x128xf32, #tpu.memory_space<vmem>>, vector<1x16xf32>,
        %add3A_1221 = arith.constant 30 : i32
        %add3A_1222 = arith.addi %add3A_1221, %scan3A_1190 : i32
        %get3A_1223 = arith.index_cast %add3A_1222 : i32 to index
        %get3A_1224 = arith.constant 32 : index
        %get3A_1225 = tpu.vector_load %arg14[%get3A_1223, %get3A_1224] {strides = array<i32>} : memref<50x128xf32, #tpu.memory_space<vmem>>, vector<1x16xf32>,
        %get3A_1226 = vector.shape_cast %get3A_1225 : vector<1x16xf32> to vector<16xf32>
        %mul3A_1227 = arith.constant 8 : i32
        %mul3A_1228 = arith.muli %scan3A_1190, %mul3A_1227 : i32
        %add3A_1229 = arith.constant 2 : i32
        %add3A_1230 = arith.addi %mul3A_1228, %add3A_1229 : i32
        %swap3A_1231 = arith.index_cast %add3A_1230 : i32 to index
        %swap3A_1232 = arith.constant 0 : index
        %swap3A_1233 = tpu.vector_load %arg13[%swap3A_1231, %swap3A_1232] {strides = array<i32>} : memref<80x128xf32, #tpu.memory_space<vmem>>, vector<1x16xf32>,
        %swap3A_1234 = vector.shape_cast %swap3A_1233 : vector<1x16xf32> to vector<16xf32>
        %swap3A_1235 = vector.shape_cast %get3A_1226 : vector<16xf32> to vector<1x16xf32>
        tpu.vector_store %arg13[%swap3A_1231, %swap3A_1232], %swap3A_1235 {strides = array<i32>} : memref<80x128xf32, #tpu.memory_space<vmem>>, vector<1x16xf32>,
        %add3A_1236 = arith.constant 30 : i32
        %add3A_1237 = arith.addi %add3A_1236, %scan3A_1190 : i32
        %get3A_1238 = arith.index_cast %add3A_1237 : i32 to index
        %get3A_1239 = arith.constant 48 : index
        %get3A_1240 = tpu.vector_load %arg14[%get3A_1238, %get3A_1239] {strides = array<i32>} : memref<50x128xf32, #tpu.memory_space<vmem>>, vector<1x16xf32>,
        %get3A_1241 = vector.shape_cast %get3A_1240 : vector<1x16xf32> to vector<16xf32>
        %mul3A_1242 = arith.constant 8 : i32
        %mul3A_1243 = arith.muli %scan3A_1190, %mul3A_1242 : i32
        %add3A_1244 = arith.constant 3 : i32
        %add3A_1245 = arith.addi %mul3A_1243, %add3A_1244 : i32
        %swap3A_1246 = arith.index_cast %add3A_1245 : i32 to index
        %swap3A_1247 = arith.constant 0 : index
        %swap3A_1248 = tpu.vector_load %arg13[%swap3A_1246, %swap3A_1247] {strides = array<i32>} : memref<80x128xf32, #tpu.memory_space<vmem>>, vector<1x16xf32>,
        %swap3A_1249 = vector.shape_cast %swap3A_1248 : vector<1x16xf32> to vector<16xf32>
        %swap3A_1250 = vector.shape_cast %get3A_1241 : vector<16xf32> to vector<1x16xf32>
        tpu.vector_store %arg13[%swap3A_1246, %swap3A_1247], %swap3A_1250 {strides = array<i32>} : memref<80x128xf32, #tpu.memory_space<vmem>>, vector<1x16xf32>,
        %add3A_1251 = arith.constant 30 : i32
        %add3A_1252 = arith.addi %add3A_1251, %scan3A_1190 : i32
        %get3A_1253 = arith.index_cast %add3A_1252 : i32 to index
        %get3A_1254 = arith.constant 64 : index
        %get3A_1255 = tpu.vector_load %arg14[%get3A_1253, %get3A_1254] {strides = array<i32>} : memref<50x128xf32, #tpu.memory_space<vmem>>, vector<1x16xf32>,
        %get3A_1256 = vector.shape_cast %get3A_1255 : vector<1x16xf32> to vector<16xf32>
        %mul3A_1257 = arith.constant 8 : i32
        %mul3A_1258 = arith.muli %scan3A_1190, %mul3A_1257 : i32
        %add3A_1259 = arith.constant 4 : i32
        %add3A_1260 = arith.addi %mul3A_1258, %add3A_1259 : i32
        %swap3A_1261 = arith.index_cast %add3A_1260 : i32 to index
        %swap3A_1262 = arith.constant 0 : index
        %swap3A_1263 = tpu.vector_load %arg13[%swap3A_1261, %swap3A_1262] {strides = array<i32>} : memref<80x128xf32, #tpu.memory_space<vmem>>, vector<1x16xf32>,
        %swap3A_1264 = vector.shape_cast %swap3A_1263 : vector<1x16xf32> to vector<16xf32>
        %swap3A_1265 = vector.shape_cast %get3A_1256 : vector<16xf32> to vector<1x16xf32>
        tpu.vector_store %arg13[%swap3A_1261, %swap3A_1262], %swap3A_1265 {strides = array<i32>} : memref<80x128xf32, #tpu.memory_space<vmem>>, vector<1x16xf32>,
        %add3A_1266 = arith.constant 30 : i32
        %add3A_1267 = arith.addi %add3A_1266, %scan3A_1190 : i32
        %get3A_1268 = arith.index_cast %add3A_1267 : i32 to index
        %get3A_1269 = arith.constant 80 : index
        %get3A_1270 = tpu.vector_load %arg14[%get3A_1268, %get3A_1269] {strides = array<i32>} : memref<50x128xf32, #tpu.memory_space<vmem>>, vector<1x16xf32>,
        %get3A_1271 = vector.shape_cast %get3A_1270 : vector<1x16xf32> to vector<16xf32>
        %mul3A_1272 = arith.constant 8 : i32
        %mul3A_1273 = arith.muli %scan3A_1190, %mul3A_1272 : i32
        %add3A_1274 = arith.constant 5 : i32
        %add3A_1275 = arith.addi %mul3A_1273, %add3A_1274 : i32
        %swap3A_1276 = arith.index_cast %add3A_1275 : i32 to index
        %swap3A_1277 = arith.constant 0 : index
        %swap3A_1278 = tpu.vector_load %arg13[%swap3A_1276, %swap3A_1277] {strides = array<i32>} : memref<80x128xf32, #tpu.memory_space<vmem>>, vector<1x16xf32>,
        %swap3A_1279 = vector.shape_cast %swap3A_1278 : vector<1x16xf32> to vector<16xf32>
        %swap3A_1280 = vector.shape_cast %get3A_1271 : vector<16xf32> to vector<1x16xf32>
        tpu.vector_store %arg13[%swap3A_1276, %swap3A_1277], %swap3A_1280 {strides = array<i32>} : memref<80x128xf32, #tpu.memory_space<vmem>>, vector<1x16xf32>,
        %add3A_1281 = arith.constant 30 : i32
        %add3A_1282 = arith.addi %add3A_1281, %scan3A_1190 : i32
        %get3A_1283 = arith.index_cast %add3A_1282 : i32 to index
        %get3A_1284 = arith.constant 96 : index
        %get3A_1285 = tpu.vector_load %arg14[%get3A_1283, %get3A_1284] {strides = array<i32>} : memref<50x128xf32, #tpu.memory_space<vmem>>, vector<1x16xf32>,
        %get3A_1286 = vector.shape_cast %get3A_1285 : vector<1x16xf32> to vector<16xf32>
        %mul3A_1287 = arith.constant 8 : i32
        %mul3A_1288 = arith.muli %scan3A_1190, %mul3A_1287 : i32
        %add3A_1289 = arith.constant 6 : i32
        %add3A_1290 = arith.addi %mul3A_1288, %add3A_1289 : i32
        %swap3A_1291 = arith.index_cast %add3A_1290 : i32 to index
        %swap3A_1292 = arith.constant 0 : index
        %swap3A_1293 = tpu.vector_load %arg13[%swap3A_1291, %swap3A_1292] {strides = array<i32>} : memref<80x128xf32, #tpu.memory_space<vmem>>, vector<1x16xf32>,
        %swap3A_1294 = vector.shape_cast %swap3A_1293 : vector<1x16xf32> to vector<16xf32>
        %swap3A_1295 = vector.shape_cast %get3A_1286 : vector<16xf32> to vector<1x16xf32>
        tpu.vector_store %arg13[%swap3A_1291, %swap3A_1292], %swap3A_1295 {strides = array<i32>} : memref<80x128xf32, #tpu.memory_space<vmem>>, vector<1x16xf32>,
        %add3A_1296 = arith.constant 30 : i32
        %add3A_1297 = arith.addi %add3A_1296, %scan3A_1190 : i32
        %get3A_1298 = arith.index_cast %add3A_1297 : i32 to index
        %get3A_1299 = arith.constant 112 : index
        %get3A_1300 = tpu.vector_load %arg14[%get3A_1298, %get3A_1299] {strides = array<i32>} : memref<50x128xf32, #tpu.memory_space<vmem>>, vector<1x16xf32>,
        %get3A_1301 = vector.shape_cast %get3A_1300 : vector<1x16xf32> to vector<16xf32>
        %mul3A_1302 = arith.constant 8 : i32
        %mul3A_1303 = arith.muli %scan3A_1190, %mul3A_1302 : i32
        %add3A_1304 = arith.constant 7 : i32
        %add3A_1305 = arith.addi %mul3A_1303, %add3A_1304 : i32
        %swap3A_1306 = arith.index_cast %add3A_1305 : i32 to index
        %swap3A_1307 = arith.constant 0 : index
        %swap3A_1308 = tpu.vector_load %arg13[%swap3A_1306, %swap3A_1307] {strides = array<i32>} : memref<80x128xf32, #tpu.memory_space<vmem>>, vector<1x16xf32>,
        %swap3A_1309 = vector.shape_cast %swap3A_1308 : vector<1x16xf32> to vector<16xf32>
        %swap3A_1310 = vector.shape_cast %get3A_1301 : vector<16xf32> to vector<1x16xf32>
        tpu.vector_store %arg13[%swap3A_1306, %swap3A_1307], %swap3A_1310 {strides = array<i32>} : memref<80x128xf32, #tpu.memory_space<vmem>>, vector<1x16xf32>,
      }
      %scan3A_1129 = arith.constant 10 : i32
      %dma_start3A_1130 = arith.constant 0 : i32
      %dma_start3A_1131 = arith.constant 0 : i32
      %dma_start3A_1132 = tpu.memref_slice %arg15[%dma_start3A_1130, %dma_start3A_1131] : memref<10000x128xf32, #tpu.memory_space<vmem_shared>> -> memref<10000x128xf32, #tpu.memory_space<vmem_shared>>
      tpu.enqueue_indirect_dma source(%arg13 : memref<80x128xf32, #tpu.memory_space<vmem>>) target(%dma_start3A_1132 : memref<10000x128xf32, #tpu.memory_space<vmem_shared>>) offsets(%arg11 : memref<80xi32, #tpu.memory_space<vmem>>) semaphore(%arg19 : memref<!tpu.dma_semaphore, #tpu.memory_space<semaphore_mem>>) {add = true}
      %dma_wait3A_1133 = arith.constant 0 : i32
      %dma_wait3A_1134 = arith.constant 0 : i32
      %dma_wait3A_1135 = tpu.memref_slice %arg15[%dma_wait3A_1133, %dma_wait3A_1134] : memref<10000x128xf32, #tpu.memory_space<vmem_shared>> -> memref<10000x128xf32, #tpu.memory_space<vmem_shared>>
      tpu.wait_indirect_dma semaphore(%arg18 : memref<!tpu.dma_semaphore, #tpu.memory_space<semaphore_mem>>) src(%arg12 : memref<80x128xf32, #tpu.memory_space<vmem>>) dst(%dma_wait3A_1135 : memref<10000x128xf32, #tpu.memory_space<vmem_shared>>)
      %get3A_1136 = arith.constant 4 : i32
      %get3A_1137 = arith.index_cast %get3A_1136 : i32 to index
      %get3A_1138 = arith.constant 0 : index
      %get3A_1139 = tpu.vector_load %arg9[%get3A_1137, %get3A_1138] {strides = array<i32>} : memref<5x80xi32, #tpu.memory_space<vmem>>, vector<1x16xi32>,
      %get3A_1140 = vector.shape_cast %get3A_1139 : vector<1x16xi32> to vector<16xi32>
      %swap3A_1141 = arith.constant 0 : index
      %swap3A_1142 = tpu.vector_load %arg10[%swap3A_1141] {strides = array<i32>} : memref<80xi32, #tpu.memory_space<vmem>>, vector<16xi32>,
      %swap3A_1143 = vector.shape_cast %swap3A_1142 : vector<16xi32> to vector<16xi32>
      %swap3A_1144 = vector.shape_cast %get3A_1140 : vector<16xi32> to vector<16xi32>
      tpu.vector_store %arg10[%swap3A_1141], %swap3A_1144 {strides = array<i32>} : memref<80xi32, #tpu.memory_space<vmem>>, vector<16xi32>,
      %get3A_1145 = arith.constant 4 : i32
      %get3A_1146 = arith.index_cast %get3A_1145 : i32 to index
      %get3A_1147 = arith.constant 16 : index
      %get3A_1148 = tpu.vector_load %arg9[%get3A_1146, %get3A_1147] {strides = array<i32>} : memref<5x80xi32, #tpu.memory_space<vmem>>, vector<1x16xi32>,
      %get3A_1149 = vector.shape_cast %get3A_1148 : vector<1x16xi32> to vector<16xi32>
      %swap3A_1150 = arith.constant 16 : index
      %swap3A_1151 = tpu.vector_load %arg10[%swap3A_1150] {strides = array<i32>} : memref<80xi32, #tpu.memory_space<vmem>>, vector<16xi32>,
      %swap3A_1152 = vector.shape_cast %swap3A_1151 : vector<16xi32> to vector<16xi32>
      %swap3A_1153 = vector.shape_cast %get3A_1149 : vector<16xi32> to vector<16xi32>
      tpu.vector_store %arg10[%swap3A_1150], %swap3A_1153 {strides = array<i32>} : memref<80xi32, #tpu.memory_space<vmem>>, vector<16xi32>,
      %get3A_1154 = arith.constant 4 : i32
      %get3A_1155 = arith.index_cast %get3A_1154 : i32 to index
      %get3A_1156 = arith.constant 32 : index
      %get3A_1157 = tpu.vector_load %arg9[%get3A_1155, %get3A_1156] {strides = array<i32>} : memref<5x80xi32, #tpu.memory_space<vmem>>, vector<1x16xi32>,
      %get3A_1158 = vector.shape_cast %get3A_1157 : vector<1x16xi32> to vector<16xi32>
      %swap3A_1159 = arith.constant 32 : index
      %swap3A_1160 = tpu.vector_load %arg10[%swap3A_1159] {strides = array<i32>} : memref<80xi32, #tpu.memory_space<vmem>>, vector<16xi32>,
      %swap3A_1161 = vector.shape_cast %swap3A_1160 : vector<16xi32> to vector<16xi32>
      %swap3A_1162 = vector.shape_cast %get3A_1158 : vector<16xi32> to vector<16xi32>
      tpu.vector_store %arg10[%swap3A_1159], %swap3A_1162 {strides = array<i32>} : memref<80xi32, #tpu.memory_space<vmem>>, vector<16xi32>,
      %get3A_1163 = arith.constant 4 : i32
      %get3A_1164 = arith.index_cast %get3A_1163 : i32 to index
      %get3A_1165 = arith.constant 48 : index
      %get3A_1166 = tpu.vector_load %arg9[%get3A_1164, %get3A_1165] {strides = array<i32>} : memref<5x80xi32, #tpu.memory_space<vmem>>, vector<1x16xi32>,
      %get3A_1167 = vector.shape_cast %get3A_1166 : vector<1x16xi32> to vector<16xi32>
      %swap3A_1168 = arith.constant 48 : index
      %swap3A_1169 = tpu.vector_load %arg10[%swap3A_1168] {strides = array<i32>} : memref<80xi32, #tpu.memory_space<vmem>>, vector<16xi32>,
      %swap3A_1170 = vector.shape_cast %swap3A_1169 : vector<16xi32> to vector<16xi32>
      %swap3A_1171 = vector.shape_cast %get3A_1167 : vector<16xi32> to vector<16xi32>
      tpu.vector_store %arg10[%swap3A_1168], %swap3A_1171 {strides = array<i32>} : memref<80xi32, #tpu.memory_space<vmem>>, vector<16xi32>,
      %get3A_1172 = arith.constant 4 : i32
      %get3A_1173 = arith.index_cast %get3A_1172 : i32 to index
      %get3A_1174 = arith.constant 64 : index
      %get3A_1175 = tpu.vector_load %arg9[%get3A_1173, %get3A_1174] {strides = array<i32>} : memref<5x80xi32, #tpu.memory_space<vmem>>, vector<1x16xi32>,
      %get3A_1176 = vector.shape_cast %get3A_1175 : vector<1x16xi32> to vector<16xi32>
      %swap3A_1177 = arith.constant 64 : index
      %swap3A_1178 = tpu.vector_load %arg10[%swap3A_1177] {strides = array<i32>} : memref<80xi32, #tpu.memory_space<vmem>>, vector<16xi32>,
      %swap3A_1179 = vector.shape_cast %swap3A_1178 : vector<16xi32> to vector<16xi32>
      %swap3A_1180 = vector.shape_cast %get3A_1176 : vector<16xi32> to vector<16xi32>
      tpu.vector_store %arg10[%swap3A_1177], %swap3A_1180 {strides = array<i32>} : memref<80xi32, #tpu.memory_space<vmem>>, vector<16xi32>,
      %scan3A_1181 = arith.constant 0 : i32
      %scan3A_1182 = arith.constant 0 : i32
      %scan3A_1183 = arith.constant 10 : i32
      %scan3A_1184 = arith.addi %scan3A_1182, %scan3A_1183 : i32
      %scan3A_1185 = arith.constant 1 : i32
      scf.for %scan3A_1190 = %scan3A_1182 to %scan3A_1184 step %scan3A_1185  : i32 {
        %add3A_1191 = arith.constant 40 : i32
        %add3A_1192 = arith.addi %add3A_1191, %scan3A_1190 : i32
        %get3A_1193 = arith.index_cast %add3A_1192 : i32 to index
        %get3A_1194 = arith.constant 0 : index
        %get3A_1195 = tpu.vector_load %arg14[%get3A_1193, %get3A_1194] {strides = array<i32>} : memref<50x128xf32, #tpu.memory_space<vmem>>, vector<1x16xf32>,
        %get3A_1196 = vector.shape_cast %get3A_1195 : vector<1x16xf32> to vector<16xf32>
        %mul3A_1197 = arith.constant 8 : i32
        %mul3A_1198 = arith.muli %scan3A_1190, %mul3A_1197 : i32
        %add3A_1199 = arith.constant 0 : i32
        %add3A_1200 = arith.addi %mul3A_1198, %add3A_1199 : i32
        %swap3A_1201 = arith.index_cast %add3A_1200 : i32 to index
        %swap3A_1202 = arith.constant 0 : index
        %swap3A_1203 = tpu.vector_load %arg12[%swap3A_1201, %swap3A_1202] {strides = array<i32>} : memref<80x128xf32, #tpu.memory_space<vmem>>, vector<1x16xf32>,
        %swap3A_1204 = vector.shape_cast %swap3A_1203 : vector<1x16xf32> to vector<16xf32>
        %swap3A_1205 = vector.shape_cast %get3A_1196 : vector<16xf32> to vector<1x16xf32>
        tpu.vector_store %arg12[%swap3A_1201, %swap3A_1202], %swap3A_1205 {strides = array<i32>} : memref<80x128xf32, #tpu.memory_space<vmem>>, vector<1x16xf32>,
        %add3A_1206 = arith.constant 40 : i32
        %add3A_1207 = arith.addi %add3A_1206, %scan3A_1190 : i32
        %get3A_1208 = arith.index_cast %add3A_1207 : i32 to index
        %get3A_1209 = arith.constant 16 : index
        %get3A_1210 = tpu.vector_load %arg14[%get3A_1208, %get3A_1209] {strides = array<i32>} : memref<50x128xf32, #tpu.memory_space<vmem>>, vector<1x16xf32>,
        %get3A_1211 = vector.shape_cast %get3A_1210 : vector<1x16xf32> to vector<16xf32>
        %mul3A_1212 = arith.constant 8 : i32
        %mul3A_1213 = arith.muli %scan3A_1190, %mul3A_1212 : i32
        %add3A_1214 = arith.constant 1 : i32
        %add3A_1215 = arith.addi %mul3A_1213, %add3A_1214 : i32
        %swap3A_1216 = arith.index_cast %add3A_1215 : i32 to index
        %swap3A_1217 = arith.constant 0 : index
        %swap3A_1218 = tpu.vector_load %arg12[%swap3A_1216, %swap3A_1217] {strides = array<i32>} : memref<80x128xf32, #tpu.memory_space<vmem>>, vector<1x16xf32>,
        %swap3A_1219 = vector.shape_cast %swap3A_1218 : vector<1x16xf32> to vector<16xf32>
        %swap3A_1220 = vector.shape_cast %get3A_1211 : vector<16xf32> to vector<1x16xf32>
        tpu.vector_store %arg12[%swap3A_1216, %swap3A_1217], %swap3A_1220 {strides = array<i32>} : memref<80x128xf32, #tpu.memory_space<vmem>>, vector<1x16xf32>,
        %add3A_1221 = arith.constant 40 : i32
        %add3A_1222 = arith.addi %add3A_1221, %scan3A_1190 : i32
        %get3A_1223 = arith.index_cast %add3A_1222 : i32 to index
        %get3A_1224 = arith.constant 32 : index
        %get3A_1225 = tpu.vector_load %arg14[%get3A_1223, %get3A_1224] {strides = array<i32>} : memref<50x128xf32, #tpu.memory_space<vmem>>, vector<1x16xf32>,
        %get3A_1226 = vector.shape_cast %get3A_1225 : vector<1x16xf32> to vector<16xf32>
        %mul3A_1227 = arith.constant 8 : i32
        %mul3A_1228 = arith.muli %scan3A_1190, %mul3A_1227 : i32
        %add3A_1229 = arith.constant 2 : i32
        %add3A_1230 = arith.addi %mul3A_1228, %add3A_1229 : i32
        %swap3A_1231 = arith.index_cast %add3A_1230 : i32 to index
        %swap3A_1232 = arith.constant 0 : index
        %swap3A_1233 = tpu.vector_load %arg12[%swap3A_1231, %swap3A_1232] {strides = array<i32>} : memref<80x128xf32, #tpu.memory_space<vmem>>, vector<1x16xf32>,
        %swap3A_1234 = vector.shape_cast %swap3A_1233 : vector<1x16xf32> to vector<16xf32>
        %swap3A_1235 = vector.shape_cast %get3A_1226 : vector<16xf32> to vector<1x16xf32>
        tpu.vector_store %arg12[%swap3A_1231, %swap3A_1232], %swap3A_1235 {strides = array<i32>} : memref<80x128xf32, #tpu.memory_space<vmem>>, vector<1x16xf32>,
        %add3A_1236 = arith.constant 40 : i32
        %add3A_1237 = arith.addi %add3A_1236, %scan3A_1190 : i32
        %get3A_1238 = arith.index_cast %add3A_1237 : i32 to index
        %get3A_1239 = arith.constant 48 : index
        %get3A_1240 = tpu.vector_load %arg14[%get3A_1238, %get3A_1239] {strides = array<i32>} : memref<50x128xf32, #tpu.memory_space<vmem>>, vector<1x16xf32>,
        %get3A_1241 = vector.shape_cast %get3A_1240 : vector<1x16xf32> to vector<16xf32>
        %mul3A_1242 = arith.constant 8 : i32
        %mul3A_1243 = arith.muli %scan3A_1190, %mul3A_1242 : i32
        %add3A_1244 = arith.constant 3 : i32
        %add3A_1245 = arith.addi %mul3A_1243, %add3A_1244 : i32
        %swap3A_1246 = arith.index_cast %add3A_1245 : i32 to index
        %swap3A_1247 = arith.constant 0 : index
        %swap3A_1248 = tpu.vector_load %arg12[%swap3A_1246, %swap3A_1247] {strides = array<i32>} : memref<80x128xf32, #tpu.memory_space<vmem>>, vector<1x16xf32>,
        %swap3A_1249 = vector.shape_cast %swap3A_1248 : vector<1x16xf32> to vector<16xf32>
        %swap3A_1250 = vector.shape_cast %get3A_1241 : vector<16xf32> to vector<1x16xf32>
        tpu.vector_store %arg12[%swap3A_1246, %swap3A_1247], %swap3A_1250 {strides = array<i32>} : memref<80x128xf32, #tpu.memory_space<vmem>>, vector<1x16xf32>,
        %add3A_1251 = arith.constant 40 : i32
        %add3A_1252 = arith.addi %add3A_1251, %scan3A_1190 : i32
        %get3A_1253 = arith.index_cast %add3A_1252 : i32 to index
        %get3A_1254 = arith.constant 64 : index
        %get3A_1255 = tpu.vector_load %arg14[%get3A_1253, %get3A_1254] {strides = array<i32>} : memref<50x128xf32, #tpu.memory_space<vmem>>, vector<1x16xf32>,
        %get3A_1256 = vector.shape_cast %get3A_1255 : vector<1x16xf32> to vector<16xf32>
        %mul3A_1257 = arith.constant 8 : i32
        %mul3A_1258 = arith.muli %scan3A_1190, %mul3A_1257 : i32
        %add3A_1259 = arith.constant 4 : i32
        %add3A_1260 = arith.addi %mul3A_1258, %add3A_1259 : i32
        %swap3A_1261 = arith.index_cast %add3A_1260 : i32 to index
        %swap3A_1262 = arith.constant 0 : index
        %swap3A_1263 = tpu.vector_load %arg12[%swap3A_1261, %swap3A_1262] {strides = array<i32>} : memref<80x128xf32, #tpu.memory_space<vmem>>, vector<1x16xf32>,
        %swap3A_1264 = vector.shape_cast %swap3A_1263 : vector<1x16xf32> to vector<16xf32>
        %swap3A_1265 = vector.shape_cast %get3A_1256 : vector<16xf32> to vector<1x16xf32>
        tpu.vector_store %arg12[%swap3A_1261, %swap3A_1262], %swap3A_1265 {strides = array<i32>} : memref<80x128xf32, #tpu.memory_space<vmem>>, vector<1x16xf32>,
        %add3A_1266 = arith.constant 40 : i32
        %add3A_1267 = arith.addi %add3A_1266, %scan3A_1190 : i32
        %get3A_1268 = arith.index_cast %add3A_1267 : i32 to index
        %get3A_1269 = arith.constant 80 : index
        %get3A_1270 = tpu.vector_load %arg14[%get3A_1268, %get3A_1269] {strides = array<i32>} : memref<50x128xf32, #tpu.memory_space<vmem>>, vector<1x16xf32>,
        %get3A_1271 = vector.shape_cast %get3A_1270 : vector<1x16xf32> to vector<16xf32>
        %mul3A_1272 = arith.constant 8 : i32
        %mul3A_1273 = arith.muli %scan3A_1190, %mul3A_1272 : i32
        %add3A_1274 = arith.constant 5 : i32
        %add3A_1275 = arith.addi %mul3A_1273, %add3A_1274 : i32
        %swap3A_1276 = arith.index_cast %add3A_1275 : i32 to index
        %swap3A_1277 = arith.constant 0 : index
        %swap3A_1278 = tpu.vector_load %arg12[%swap3A_1276, %swap3A_1277] {strides = array<i32>} : memref<80x128xf32, #tpu.memory_space<vmem>>, vector<1x16xf32>,
        %swap3A_1279 = vector.shape_cast %swap3A_1278 : vector<1x16xf32> to vector<16xf32>
        %swap3A_1280 = vector.shape_cast %get3A_1271 : vector<16xf32> to vector<1x16xf32>
        tpu.vector_store %arg12[%swap3A_1276, %swap3A_1277], %swap3A_1280 {strides = array<i32>} : memref<80x128xf32, #tpu.memory_space<vmem>>, vector<1x16xf32>,
        %add3A_1281 = arith.constant 40 : i32
        %add3A_1282 = arith.addi %add3A_1281, %scan3A_1190 : i32
        %get3A_1283 = arith.index_cast %add3A_1282 : i32 to index
        %get3A_1284 = arith.constant 96 : index
        %get3A_1285 = tpu.vector_load %arg14[%get3A_1283, %get3A_1284] {strides = array<i32>} : memref<50x128xf32, #tpu.memory_space<vmem>>, vector<1x16xf32>,
        %get3A_1286 = vector.shape_cast %get3A_1285 : vector<1x16xf32> to vector<16xf32>
        %mul3A_1287 = arith.constant 8 : i32
        %mul3A_1288 = arith.muli %scan3A_1190, %mul3A_1287 : i32
        %add3A_1289 = arith.constant 6 : i32
        %add3A_1290 = arith.addi %mul3A_1288, %add3A_1289 : i32
        %swap3A_1291 = arith.index_cast %add3A_1290 : i32 to index
        %swap3A_1292 = arith.constant 0 : index
        %swap3A_1293 = tpu.vector_load %arg12[%swap3A_1291, %swap3A_1292] {strides = array<i32>} : memref<80x128xf32, #tpu.memory_space<vmem>>, vector<1x16xf32>,
        %swap3A_1294 = vector.shape_cast %swap3A_1293 : vector<1x16xf32> to vector<16xf32>
        %swap3A_1295 = vector.shape_cast %get3A_1286 : vector<16xf32> to vector<1x16xf32>
        tpu.vector_store %arg12[%swap3A_1291, %swap3A_1292], %swap3A_1295 {strides = array<i32>} : memref<80x128xf32, #tpu.memory_space<vmem>>, vector<1x16xf32>,
        %add3A_1296 = arith.constant 40 : i32
        %add3A_1297 = arith.addi %add3A_1296, %scan3A_1190 : i32
        %get3A_1298 = arith.index_cast %add3A_1297 : i32 to index
        %get3A_1299 = arith.constant 112 : index
        %get3A_1300 = tpu.vector_load %arg14[%get3A_1298, %get3A_1299] {strides = array<i32>} : memref<50x128xf32, #tpu.memory_space<vmem>>, vector<1x16xf32>,
        %get3A_1301 = vector.shape_cast %get3A_1300 : vector<1x16xf32> to vector<16xf32>
        %mul3A_1302 = arith.constant 8 : i32
        %mul3A_1303 = arith.muli %scan3A_1190, %mul3A_1302 : i32
        %add3A_1304 = arith.constant 7 : i32
        %add3A_1305 = arith.addi %mul3A_1303, %add3A_1304 : i32
        %swap3A_1306 = arith.index_cast %add3A_1305 : i32 to index
        %swap3A_1307 = arith.constant 0 : index
        %swap3A_1308 = tpu.vector_load %arg12[%swap3A_1306, %swap3A_1307] {strides = array<i32>} : memref<80x128xf32, #tpu.memory_space<vmem>>, vector<1x16xf32>,
        %swap3A_1309 = vector.shape_cast %swap3A_1308 : vector<1x16xf32> to vector<16xf32>
        %swap3A_1310 = vector.shape_cast %get3A_1301 : vector<16xf32> to vector<1x16xf32>
        tpu.vector_store %arg12[%swap3A_1306, %swap3A_1307], %swap3A_1310 {strides = array<i32>} : memref<80x128xf32, #tpu.memory_space<vmem>>, vector<1x16xf32>,
      }
      %scan3A_1186 = arith.constant 10 : i32
      %dma_start3A_1187 = arith.constant 0 : i32
      %dma_start3A_1188 = arith.constant 0 : i32
      %dma_start3A_1189 = tpu.memref_slice %arg15[%dma_start3A_1187, %dma_start3A_1188] : memref<10000x128xf32, #tpu.memory_space<vmem_shared>> -> memref<10000x128xf32, #tpu.memory_space<vmem_shared>>
      tpu.enqueue_indirect_dma source(%arg12 : memref<80x128xf32, #tpu.memory_space<vmem>>) target(%dma_start3A_1189 : memref<10000x128xf32, #tpu.memory_space<vmem_shared>>) offsets(%arg10 : memref<80xi32, #tpu.memory_space<vmem>>) semaphore(%arg18 : memref<!tpu.dma_semaphore, #tpu.memory_space<semaphore_mem>>) {add = true}
    }
    %scan3A_792 = arith.constant 24 : i32
    %dma_wait3A_793 = arith.constant 0 : i32
    %dma_wait3A_794 = arith.constant 0 : i32
    %dma_wait3A_795 = tpu.memref_slice %arg15[%dma_wait3A_793, %dma_wait3A_794] : memref<10000x128xf32, #tpu.memory_space<vmem_shared>> -> memref<10000x128xf32, #tpu.memory_space<vmem_shared>>
    tpu.wait_indirect_dma semaphore(%arg18 : memref<!tpu.dma_semaphore, #tpu.memory_space<semaphore_mem>>) src(%arg12 : memref<80x128xf32, #tpu.memory_space<vmem>>) dst(%dma_wait3A_795 : memref<10000x128xf32, #tpu.memory_space<vmem_shared>>)
    %dma_wait3A_796 = arith.constant 0 : i32
    %dma_wait3A_797 = arith.constant 0 : i32
    %dma_wait3A_798 = tpu.memref_slice %arg15[%dma_wait3A_796, %dma_wait3A_797] : memref<10000x128xf32, #tpu.memory_space<vmem_shared>> -> memref<10000x128xf32, #tpu.memory_space<vmem_shared>>
    tpu.wait_indirect_dma semaphore(%arg19 : memref<!tpu.dma_semaphore, #tpu.memory_space<semaphore_mem>>) src(%arg13 : memref<80x128xf32, #tpu.memory_space<vmem>>) dst(%dma_wait3A_798 : memref<10000x128xf32, #tpu.memory_space<vmem_shared>>)
    %barrier3A_799 = arith.constant 0 : index
    tpu.barrier barrier_id(%barrier3A_799)
    %add3A_800 = arith.constant 0 : i32
    %add3A_801 = arith.addi %arg1, %add3A_800 : i32
    %lt3A_802 = arith.constant 125 : i32
    %lt3A_803 = arith.cmpi slt, %add3A_801, %lt3A_802 : i32
    %convert_element_type3A_804 = arith.extui %lt3A_803 : i1 to i32
    %cond3A_805 = arith.constant 0 : i32
    %cond3A_806 = arith.cmpi ne, %convert_element_type3A_804, %cond3A_805 : i32
    scf.if %cond3A_806 {
      %mul3A_872 = arith.constant 80 : i32
      %mul3A_873 = arith.muli %add3A_801, %mul3A_872 : i32
      %dma_start3A_874 = arith.constant 0 : i32
      %dma_start3A_875 = tpu.memref_slice %arg15[%mul3A_873, %dma_start3A_874] : memref<10000x128xf32, #tpu.memory_space<vmem_shared>> -> memref<80x128xf32, #tpu.memory_space<vmem_shared>>
      %dma_start3A_876 = arith.constant 0 : i32
      %dma_start3A_877 = tpu.memref_slice %arg15[%mul3A_873, %dma_start3A_876] : memref<10000x128xf32, #tpu.memory_space<vmem_shared>> -> memref<80x128xf32, #tpu.memory_space<vmem_shared>>
      tpu.enqueue_dma source(%dma_start3A_877 : memref<80x128xf32, #tpu.memory_space<vmem_shared>>) target(%arg12 : memref<80x128xf32, #tpu.memory_space<vmem>>) target_semaphore(%arg16 : memref<!tpu.dma_semaphore, #tpu.memory_space<semaphore_mem>>)
      %dma_wait3A_878 = arith.constant 0 : i32
      %dma_wait3A_879 = tpu.memref_slice %arg15[%mul3A_873, %dma_wait3A_878] : memref<10000x128xf32, #tpu.memory_space<vmem_shared>> -> memref<80x128xf32, #tpu.memory_space<vmem_shared>>
      %dma_wait3A_880 = arith.constant 0 : i32
      %dma_wait3A_881 = tpu.memref_slice %arg15[%mul3A_873, %dma_wait3A_880] : memref<10000x128xf32, #tpu.memory_space<vmem_shared>> -> memref<80x128xf32, #tpu.memory_space<vmem_shared>>
      tpu.wait_dma2 semaphore(%arg16 : memref<!tpu.dma_semaphore, #tpu.memory_space<semaphore_mem>>) src(%dma_wait3A_881 : memref<80x128xf32, #tpu.memory_space<vmem_shared>>) dst(%arg12 : memref<80x128xf32, #tpu.memory_space<vmem>>)
      %dma_start3A_882 = arith.constant 0 : i32
      %dma_start3A_883 = tpu.memref_slice %arg7[%arg0, %mul3A_873, %dma_start3A_882] : memref<2x10000x128xf32, #tpu.memory_space<hbm>> -> memref<1x80x128xf32, #tpu.memory_space<hbm>>
      %dma_start3A_884 = tpu.memref_squeeze %dma_start3A_883 : memref<1x80x128xf32, #tpu.memory_space<hbm>> -> memref<80x128xf32, #tpu.memory_space<hbm>>
      %dma_start3A_885 = arith.constant 0 : i32
      %dma_start3A_886 = tpu.memref_slice %arg7[%arg0, %mul3A_873, %dma_start3A_885] : memref<2x10000x128xf32, #tpu.memory_space<hbm>> -> memref<1x80x128xf32, #tpu.memory_space<hbm>>
      %dma_start3A_887 = tpu.memref_squeeze %dma_start3A_886 : memref<1x80x128xf32, #tpu.memory_space<hbm>> -> memref<80x128xf32, #tpu.memory_space<hbm>>
      tpu.enqueue_dma source(%arg12 : memref<80x128xf32, #tpu.memory_space<vmem>>) target(%dma_start3A_887 : memref<80x128xf32, #tpu.memory_space<hbm>>) target_semaphore(%arg20 : memref<!tpu.dma_semaphore, #tpu.memory_space<semaphore_mem>>)
    } else {
    }
    %add3A_807 = arith.constant 16 : i32
    %add3A_808 = arith.addi %arg1, %add3A_807 : i32
    %lt3A_809 = arith.constant 125 : i32
    %lt3A_810 = arith.cmpi slt, %add3A_808, %lt3A_809 : i32
    %convert_element_type3A_811 = arith.extui %lt3A_810 : i1 to i32
    %cond3A_812 = arith.constant 0 : i32
    %cond3A_813 = arith.cmpi ne, %convert_element_type3A_811, %cond3A_812 : i32
    scf.if %cond3A_813 {
      %mul3A_872 = arith.constant 80 : i32
      %mul3A_873 = arith.muli %add3A_808, %mul3A_872 : i32
      %dma_start3A_874 = arith.constant 0 : i32
      %dma_start3A_875 = tpu.memref_slice %arg15[%mul3A_873, %dma_start3A_874] : memref<10000x128xf32, #tpu.memory_space<vmem_shared>> -> memref<80x128xf32, #tpu.memory_space<vmem_shared>>
      %dma_start3A_876 = arith.constant 0 : i32
      %dma_start3A_877 = tpu.memref_slice %arg15[%mul3A_873, %dma_start3A_876] : memref<10000x128xf32, #tpu.memory_space<vmem_shared>> -> memref<80x128xf32, #tpu.memory_space<vmem_shared>>
      tpu.enqueue_dma source(%dma_start3A_877 : memref<80x128xf32, #tpu.memory_space<vmem_shared>>) target(%arg13 : memref<80x128xf32, #tpu.memory_space<vmem>>) target_semaphore(%arg17 : memref<!tpu.dma_semaphore, #tpu.memory_space<semaphore_mem>>)
      %dma_wait3A_878 = arith.constant 0 : i32
      %dma_wait3A_879 = tpu.memref_slice %arg15[%mul3A_873, %dma_wait3A_878] : memref<10000x128xf32, #tpu.memory_space<vmem_shared>> -> memref<80x128xf32, #tpu.memory_space<vmem_shared>>
      %dma_wait3A_880 = arith.constant 0 : i32
      %dma_wait3A_881 = tpu.memref_slice %arg15[%mul3A_873, %dma_wait3A_880] : memref<10000x128xf32, #tpu.memory_space<vmem_shared>> -> memref<80x128xf32, #tpu.memory_space<vmem_shared>>
      tpu.wait_dma2 semaphore(%arg17 : memref<!tpu.dma_semaphore, #tpu.memory_space<semaphore_mem>>) src(%dma_wait3A_881 : memref<80x128xf32, #tpu.memory_space<vmem_shared>>) dst(%arg13 : memref<80x128xf32, #tpu.memory_space<vmem>>)
      %dma_start3A_882 = arith.constant 0 : i32
      %dma_start3A_883 = tpu.memref_slice %arg7[%arg0, %mul3A_873, %dma_start3A_882] : memref<2x10000x128xf32, #tpu.memory_space<hbm>> -> memref<1x80x128xf32, #tpu.memory_space<hbm>>
      %dma_start3A_884 = tpu.memref_squeeze %dma_start3A_883 : memref<1x80x128xf32, #tpu.memory_space<hbm>> -> memref<80x128xf32, #tpu.memory_space<hbm>>
      %dma_start3A_885 = arith.constant 0 : i32
      %dma_start3A_886 = tpu.memref_slice %arg7[%arg0, %mul3A_873, %dma_start3A_885] : memref<2x10000x128xf32, #tpu.memory_space<hbm>> -> memref<1x80x128xf32, #tpu.memory_space<hbm>>
      %dma_start3A_887 = tpu.memref_squeeze %dma_start3A_886 : memref<1x80x128xf32, #tpu.memory_space<hbm>> -> memref<80x128xf32, #tpu.memory_space<hbm>>
      tpu.enqueue_dma source(%arg13 : memref<80x128xf32, #tpu.memory_space<vmem>>) target(%dma_start3A_887 : memref<80x128xf32, #tpu.memory_space<hbm>>) target_semaphore(%arg21 : memref<!tpu.dma_semaphore, #tpu.memory_space<semaphore_mem>>)
    } else {
    }
    %add3A_814 = arith.constant 32 : i32
    %add3A_815 = arith.addi %arg1, %add3A_814 : i32
    %lt3A_816 = arith.constant 125 : i32
    %lt3A_817 = arith.cmpi slt, %add3A_815, %lt3A_816 : i32
    %convert_element_type3A_818 = arith.extui %lt3A_817 : i1 to i32
    %cond3A_819 = arith.constant 0 : i32
    %cond3A_820 = arith.cmpi ne, %convert_element_type3A_818, %cond3A_819 : i32
    scf.if %cond3A_820 {
      %mul3A_872 = arith.constant 80 : i32
      %mul3A_873 = arith.muli %add3A_815, %mul3A_872 : i32
      %dma_wait3A_874 = arith.constant 0 : i32
      %dma_wait3A_875 = tpu.memref_slice %arg7[%arg0, %mul3A_873, %dma_wait3A_874] : memref<2x10000x128xf32, #tpu.memory_space<hbm>> -> memref<1x80x128xf32, #tpu.memory_space<hbm>>
      %dma_wait3A_876 = tpu.memref_squeeze %dma_wait3A_875 : memref<1x80x128xf32, #tpu.memory_space<hbm>> -> memref<80x128xf32, #tpu.memory_space<hbm>>
      %dma_wait3A_877 = arith.constant 0 : i32
      %dma_wait3A_878 = tpu.memref_slice %arg7[%arg0, %mul3A_873, %dma_wait3A_877] : memref<2x10000x128xf32, #tpu.memory_space<hbm>> -> memref<1x80x128xf32, #tpu.memory_space<hbm>>
      %dma_wait3A_879 = tpu.memref_squeeze %dma_wait3A_878 : memref<1x80x128xf32, #tpu.memory_space<hbm>> -> memref<80x128xf32, #tpu.memory_space<hbm>>
      tpu.wait_dma2 semaphore(%arg20 : memref<!tpu.dma_semaphore, #tpu.memory_space<semaphore_mem>>) src(%arg12 : memref<80x128xf32, #tpu.memory_space<vmem>>) dst(%dma_wait3A_879 : memref<80x128xf32, #tpu.memory_space<hbm>>)
      %dma_start3A_880 = arith.constant 0 : i32
      %dma_start3A_881 = tpu.memref_slice %arg15[%mul3A_873, %dma_start3A_880] : memref<10000x128xf32, #tpu.memory_space<vmem_shared>> -> memref<80x128xf32, #tpu.memory_space<vmem_shared>>
      %dma_start3A_882 = arith.constant 0 : i32
      %dma_start3A_883 = tpu.memref_slice %arg15[%mul3A_873, %dma_start3A_882] : memref<10000x128xf32, #tpu.memory_space<vmem_shared>> -> memref<80x128xf32, #tpu.memory_space<vmem_shared>>
      tpu.enqueue_dma source(%dma_start3A_883 : memref<80x128xf32, #tpu.memory_space<vmem_shared>>) target(%arg12 : memref<80x128xf32, #tpu.memory_space<vmem>>) target_semaphore(%arg16 : memref<!tpu.dma_semaphore, #tpu.memory_space<semaphore_mem>>)
      %dma_wait3A_884 = arith.constant 0 : i32
      %dma_wait3A_885 = tpu.memref_slice %arg15[%mul3A_873, %dma_wait3A_884] : memref<10000x128xf32, #tpu.memory_space<vmem_shared>> -> memref<80x128xf32, #tpu.memory_space<vmem_shared>>
      %dma_wait3A_886 = arith.constant 0 : i32
      %dma_wait3A_887 = tpu.memref_slice %arg15[%mul3A_873, %dma_wait3A_886] : memref<10000x128xf32, #tpu.memory_space<vmem_shared>> -> memref<80x128xf32, #tpu.memory_space<vmem_shared>>
      tpu.wait_dma2 semaphore(%arg16 : memref<!tpu.dma_semaphore, #tpu.memory_space<semaphore_mem>>) src(%dma_wait3A_887 : memref<80x128xf32, #tpu.memory_space<vmem_shared>>) dst(%arg12 : memref<80x128xf32, #tpu.memory_space<vmem>>)
      %dma_start3A_888 = arith.constant 0 : i32
      %dma_start3A_889 = tpu.memref_slice %arg7[%arg0, %mul3A_873, %dma_start3A_888] : memref<2x10000x128xf32, #tpu.memory_space<hbm>> -> memref<1x80x128xf32, #tpu.memory_space<hbm>>
      %dma_start3A_890 = tpu.memref_squeeze %dma_start3A_889 : memref<1x80x128xf32, #tpu.memory_space<hbm>> -> memref<80x128xf32, #tpu.memory_space<hbm>>
      %dma_start3A_891 = arith.constant 0 : i32
      %dma_start3A_892 = tpu.memref_slice %arg7[%arg0, %mul3A_873, %dma_start3A_891] : memref<2x10000x128xf32, #tpu.memory_space<hbm>> -> memref<1x80x128xf32, #tpu.memory_space<hbm>>
      %dma_start3A_893 = tpu.memref_squeeze %dma_start3A_892 : memref<1x80x128xf32, #tpu.memory_space<hbm>> -> memref<80x128xf32, #tpu.memory_space<hbm>>
      tpu.enqueue_dma source(%arg12 : memref<80x128xf32, #tpu.memory_space<vmem>>) target(%dma_start3A_893 : memref<80x128xf32, #tpu.memory_space<hbm>>) target_semaphore(%arg20 : memref<!tpu.dma_semaphore, #tpu.memory_space<semaphore_mem>>)
    } else {
    }
    %add3A_821 = arith.constant 48 : i32
    %add3A_822 = arith.addi %arg1, %add3A_821 : i32
    %lt3A_823 = arith.constant 125 : i32
    %lt3A_824 = arith.cmpi slt, %add3A_822, %lt3A_823 : i32
    %convert_element_type3A_825 = arith.extui %lt3A_824 : i1 to i32
    %cond3A_826 = arith.constant 0 : i32
    %cond3A_827 = arith.cmpi ne, %convert_element_type3A_825, %cond3A_826 : i32
    scf.if %cond3A_827 {
      %mul3A_872 = arith.constant 80 : i32
      %mul3A_873 = arith.muli %add3A_822, %mul3A_872 : i32
      %dma_wait3A_874 = arith.constant 0 : i32
      %dma_wait3A_875 = tpu.memref_slice %arg7[%arg0, %mul3A_873, %dma_wait3A_874] : memref<2x10000x128xf32, #tpu.memory_space<hbm>> -> memref<1x80x128xf32, #tpu.memory_space<hbm>>
      %dma_wait3A_876 = tpu.memref_squeeze %dma_wait3A_875 : memref<1x80x128xf32, #tpu.memory_space<hbm>> -> memref<80x128xf32, #tpu.memory_space<hbm>>
      %dma_wait3A_877 = arith.constant 0 : i32
      %dma_wait3A_878 = tpu.memref_slice %arg7[%arg0, %mul3A_873, %dma_wait3A_877] : memref<2x10000x128xf32, #tpu.memory_space<hbm>> -> memref<1x80x128xf32, #tpu.memory_space<hbm>>
      %dma_wait3A_879 = tpu.memref_squeeze %dma_wait3A_878 : memref<1x80x128xf32, #tpu.memory_space<hbm>> -> memref<80x128xf32, #tpu.memory_space<hbm>>
      tpu.wait_dma2 semaphore(%arg21 : memref<!tpu.dma_semaphore, #tpu.memory_space<semaphore_mem>>) src(%arg13 : memref<80x128xf32, #tpu.memory_space<vmem>>) dst(%dma_wait3A_879 : memref<80x128xf32, #tpu.memory_space<hbm>>)
      %dma_start3A_880 = arith.constant 0 : i32
      %dma_start3A_881 = tpu.memref_slice %arg15[%mul3A_873, %dma_start3A_880] : memref<10000x128xf32, #tpu.memory_space<vmem_shared>> -> memref<80x128xf32, #tpu.memory_space<vmem_shared>>
      %dma_start3A_882 = arith.constant 0 : i32
      %dma_start3A_883 = tpu.memref_slice %arg15[%mul3A_873, %dma_start3A_882] : memref<10000x128xf32, #tpu.memory_space<vmem_shared>> -> memref<80x128xf32, #tpu.memory_space<vmem_shared>>
      tpu.enqueue_dma source(%dma_start3A_883 : memref<80x128xf32, #tpu.memory_space<vmem_shared>>) target(%arg13 : memref<80x128xf32, #tpu.memory_space<vmem>>) target_semaphore(%arg17 : memref<!tpu.dma_semaphore, #tpu.memory_space<semaphore_mem>>)
      %dma_wait3A_884 = arith.constant 0 : i32
      %dma_wait3A_885 = tpu.memref_slice %arg15[%mul3A_873, %dma_wait3A_884] : memref<10000x128xf32, #tpu.memory_space<vmem_shared>> -> memref<80x128xf32, #tpu.memory_space<vmem_shared>>
      %dma_wait3A_886 = arith.constant 0 : i32
      %dma_wait3A_887 = tpu.memref_slice %arg15[%mul3A_873, %dma_wait3A_886] : memref<10000x128xf32, #tpu.memory_space<vmem_shared>> -> memref<80x128xf32, #tpu.memory_space<vmem_shared>>
      tpu.wait_dma2 semaphore(%arg17 : memref<!tpu.dma_semaphore, #tpu.memory_space<semaphore_mem>>) src(%dma_wait3A_887 : memref<80x128xf32, #tpu.memory_space<vmem_shared>>) dst(%arg13 : memref<80x128xf32, #tpu.memory_space<vmem>>)
      %dma_start3A_888 = arith.constant 0 : i32
      %dma_start3A_889 = tpu.memref_slice %arg7[%arg0, %mul3A_873, %dma_start3A_888] : memref<2x10000x128xf32, #tpu.memory_space<hbm>> -> memref<1x80x128xf32, #tpu.memory_space<hbm>>
      %dma_start3A_890 = tpu.memref_squeeze %dma_start3A_889 : memref<1x80x128xf32, #tpu.memory_space<hbm>> -> memref<80x128xf32, #tpu.memory_space<hbm>>
      %dma_start3A_891 = arith.constant 0 : i32
      %dma_start3A_892 = tpu.memref_slice %arg7[%arg0, %mul3A_873, %dma_start3A_891] : memref<2x10000x128xf32, #tpu.memory_space<hbm>> -> memref<1x80x128xf32, #tpu.memory_space<hbm>>
      %dma_start3A_893 = tpu.memref_squeeze %dma_start3A_892 : memref<1x80x128xf32, #tpu.memory_space<hbm>> -> memref<80x128xf32, #tpu.memory_space<hbm>>
      tpu.enqueue_dma source(%arg13 : memref<80x128xf32, #tpu.memory_space<vmem>>) target(%dma_start3A_893 : memref<80x128xf32, #tpu.memory_space<hbm>>) target_semaphore(%arg21 : memref<!tpu.dma_semaphore, #tpu.memory_space<semaphore_mem>>)
    } else {
    }
    %add3A_828 = arith.constant 64 : i32
    %add3A_829 = arith.addi %arg1, %add3A_828 : i32
    %lt3A_830 = arith.constant 125 : i32
    %lt3A_831 = arith.cmpi slt, %add3A_829, %lt3A_830 : i32
    %convert_element_type3A_832 = arith.extui %lt3A_831 : i1 to i32
    %cond3A_833 = arith.constant 0 : i32
    %cond3A_834 = arith.cmpi ne, %convert_element_type3A_832, %cond3A_833 : i32
    scf.if %cond3A_834 {
      %mul3A_872 = arith.constant 80 : i32
      %mul3A_873 = arith.muli %add3A_829, %mul3A_872 : i32
      %dma_wait3A_874 = arith.constant 0 : i32
      %dma_wait3A_875 = tpu.memref_slice %arg7[%arg0, %mul3A_873, %dma_wait3A_874] : memref<2x10000x128xf32, #tpu.memory_space<hbm>> -> memref<1x80x128xf32, #tpu.memory_space<hbm>>
      %dma_wait3A_876 = tpu.memref_squeeze %dma_wait3A_875 : memref<1x80x128xf32, #tpu.memory_space<hbm>> -> memref<80x128xf32, #tpu.memory_space<hbm>>
      %dma_wait3A_877 = arith.constant 0 : i32
      %dma_wait3A_878 = tpu.memref_slice %arg7[%arg0, %mul3A_873, %dma_wait3A_877] : memref<2x10000x128xf32, #tpu.memory_space<hbm>> -> memref<1x80x128xf32, #tpu.memory_space<hbm>>
      %dma_wait3A_879 = tpu.memref_squeeze %dma_wait3A_878 : memref<1x80x128xf32, #tpu.memory_space<hbm>> -> memref<80x128xf32, #tpu.memory_space<hbm>>
      tpu.wait_dma2 semaphore(%arg20 : memref<!tpu.dma_semaphore, #tpu.memory_space<semaphore_mem>>) src(%arg12 : memref<80x128xf32, #tpu.memory_space<vmem>>) dst(%dma_wait3A_879 : memref<80x128xf32, #tpu.memory_space<hbm>>)
      %dma_start3A_880 = arith.constant 0 : i32
      %dma_start3A_881 = tpu.memref_slice %arg15[%mul3A_873, %dma_start3A_880] : memref<10000x128xf32, #tpu.memory_space<vmem_shared>> -> memref<80x128xf32, #tpu.memory_space<vmem_shared>>
      %dma_start3A_882 = arith.constant 0 : i32
      %dma_start3A_883 = tpu.memref_slice %arg15[%mul3A_873, %dma_start3A_882] : memref<10000x128xf32, #tpu.memory_space<vmem_shared>> -> memref<80x128xf32, #tpu.memory_space<vmem_shared>>
      tpu.enqueue_dma source(%dma_start3A_883 : memref<80x128xf32, #tpu.memory_space<vmem_shared>>) target(%arg12 : memref<80x128xf32, #tpu.memory_space<vmem>>) target_semaphore(%arg16 : memref<!tpu.dma_semaphore, #tpu.memory_space<semaphore_mem>>)
      %dma_wait3A_884 = arith.constant 0 : i32
      %dma_wait3A_885 = tpu.memref_slice %arg15[%mul3A_873, %dma_wait3A_884] : memref<10000x128xf32, #tpu.memory_space<vmem_shared>> -> memref<80x128xf32, #tpu.memory_space<vmem_shared>>
      %dma_wait3A_886 = arith.constant 0 : i32
      %dma_wait3A_887 = tpu.memref_slice %arg15[%mul3A_873, %dma_wait3A_886] : memref<10000x128xf32, #tpu.memory_space<vmem_shared>> -> memref<80x128xf32, #tpu.memory_space<vmem_shared>>
      tpu.wait_dma2 semaphore(%arg16 : memref<!tpu.dma_semaphore, #tpu.memory_space<semaphore_mem>>) src(%dma_wait3A_887 : memref<80x128xf32, #tpu.memory_space<vmem_shared>>) dst(%arg12 : memref<80x128xf32, #tpu.memory_space<vmem>>)
      %dma_start3A_888 = arith.constant 0 : i32
      %dma_start3A_889 = tpu.memref_slice %arg7[%arg0, %mul3A_873, %dma_start3A_888] : memref<2x10000x128xf32, #tpu.memory_space<hbm>> -> memref<1x80x128xf32, #tpu.memory_space<hbm>>
      %dma_start3A_890 = tpu.memref_squeeze %dma_start3A_889 : memref<1x80x128xf32, #tpu.memory_space<hbm>> -> memref<80x128xf32, #tpu.memory_space<hbm>>
      %dma_start3A_891 = arith.constant 0 : i32
      %dma_start3A_892 = tpu.memref_slice %arg7[%arg0, %mul3A_873, %dma_start3A_891] : memref<2x10000x128xf32, #tpu.memory_space<hbm>> -> memref<1x80x128xf32, #tpu.memory_space<hbm>>
      %dma_start3A_893 = tpu.memref_squeeze %dma_start3A_892 : memref<1x80x128xf32, #tpu.memory_space<hbm>> -> memref<80x128xf32, #tpu.memory_space<hbm>>
      tpu.enqueue_dma source(%arg12 : memref<80x128xf32, #tpu.memory_space<vmem>>) target(%dma_start3A_893 : memref<80x128xf32, #tpu.memory_space<hbm>>) target_semaphore(%arg20 : memref<!tpu.dma_semaphore, #tpu.memory_space<semaphore_mem>>)
    } else {
    }
    %add3A_835 = arith.constant 80 : i32
    %add3A_836 = arith.addi %arg1, %add3A_835 : i32
    %lt3A_837 = arith.constant 125 : i32
    %lt3A_838 = arith.cmpi slt, %add3A_836, %lt3A_837 : i32
    %convert_element_type3A_839 = arith.extui %lt3A_838 : i1 to i32
    %cond3A_840 = arith.constant 0 : i32
    %cond3A_841 = arith.cmpi ne, %convert_element_type3A_839, %cond3A_840 : i32
    scf.if %cond3A_841 {
      %mul3A_872 = arith.constant 80 : i32
      %mul3A_873 = arith.muli %add3A_836, %mul3A_872 : i32
      %dma_wait3A_874 = arith.constant 0 : i32
      %dma_wait3A_875 = tpu.memref_slice %arg7[%arg0, %mul3A_873, %dma_wait3A_874] : memref<2x10000x128xf32, #tpu.memory_space<hbm>> -> memref<1x80x128xf32, #tpu.memory_space<hbm>>
      %dma_wait3A_876 = tpu.memref_squeeze %dma_wait3A_875 : memref<1x80x128xf32, #tpu.memory_space<hbm>> -> memref<80x128xf32, #tpu.memory_space<hbm>>
      %dma_wait3A_877 = arith.constant 0 : i32
      %dma_wait3A_878 = tpu.memref_slice %arg7[%arg0, %mul3A_873, %dma_wait3A_877] : memref<2x10000x128xf32, #tpu.memory_space<hbm>> -> memref<1x80x128xf32, #tpu.memory_space<hbm>>
      %dma_wait3A_879 = tpu.memref_squeeze %dma_wait3A_878 : memref<1x80x128xf32, #tpu.memory_space<hbm>> -> memref<80x128xf32, #tpu.memory_space<hbm>>
      tpu.wait_dma2 semaphore(%arg21 : memref<!tpu.dma_semaphore, #tpu.memory_space<semaphore_mem>>) src(%arg13 : memref<80x128xf32, #tpu.memory_space<vmem>>) dst(%dma_wait3A_879 : memref<80x128xf32, #tpu.memory_space<hbm>>)
      %dma_start3A_880 = arith.constant 0 : i32
      %dma_start3A_881 = tpu.memref_slice %arg15[%mul3A_873, %dma_start3A_880] : memref<10000x128xf32, #tpu.memory_space<vmem_shared>> -> memref<80x128xf32, #tpu.memory_space<vmem_shared>>
      %dma_start3A_882 = arith.constant 0 : i32
      %dma_start3A_883 = tpu.memref_slice %arg15[%mul3A_873, %dma_start3A_882] : memref<10000x128xf32, #tpu.memory_space<vmem_shared>> -> memref<80x128xf32, #tpu.memory_space<vmem_shared>>
      tpu.enqueue_dma source(%dma_start3A_883 : memref<80x128xf32, #tpu.memory_space<vmem_shared>>) target(%arg13 : memref<80x128xf32, #tpu.memory_space<vmem>>) target_semaphore(%arg17 : memref<!tpu.dma_semaphore, #tpu.memory_space<semaphore_mem>>)
      %dma_wait3A_884 = arith.constant 0 : i32
      %dma_wait3A_885 = tpu.memref_slice %arg15[%mul3A_873, %dma_wait3A_884] : memref<10000x128xf32, #tpu.memory_space<vmem_shared>> -> memref<80x128xf32, #tpu.memory_space<vmem_shared>>
      %dma_wait3A_886 = arith.constant 0 : i32
      %dma_wait3A_887 = tpu.memref_slice %arg15[%mul3A_873, %dma_wait3A_886] : memref<10000x128xf32, #tpu.memory_space<vmem_shared>> -> memref<80x128xf32, #tpu.memory_space<vmem_shared>>
      tpu.wait_dma2 semaphore(%arg17 : memref<!tpu.dma_semaphore, #tpu.memory_space<semaphore_mem>>) src(%dma_wait3A_887 : memref<80x128xf32, #tpu.memory_space<vmem_shared>>) dst(%arg13 : memref<80x128xf32, #tpu.memory_space<vmem>>)
      %dma_start3A_888 = arith.constant 0 : i32
      %dma_start3A_889 = tpu.memref_slice %arg7[%arg0, %mul3A_873, %dma_start3A_888] : memref<2x10000x128xf32, #tpu.memory_space<hbm>> -> memref<1x80x128xf32, #tpu.memory_space<hbm>>
      %dma_start3A_890 = tpu.memref_squeeze %dma_start3A_889 : memref<1x80x128xf32, #tpu.memory_space<hbm>> -> memref<80x128xf32, #tpu.memory_space<hbm>>
      %dma_start3A_891 = arith.constant 0 : i32
      %dma_start3A_892 = tpu.memref_slice %arg7[%arg0, %mul3A_873, %dma_start3A_891] : memref<2x10000x128xf32, #tpu.memory_space<hbm>> -> memref<1x80x128xf32, #tpu.memory_space<hbm>>
      %dma_start3A_893 = tpu.memref_squeeze %dma_start3A_892 : memref<1x80x128xf32, #tpu.memory_space<hbm>> -> memref<80x128xf32, #tpu.memory_space<hbm>>
      tpu.enqueue_dma source(%arg13 : memref<80x128xf32, #tpu.memory_space<vmem>>) target(%dma_start3A_893 : memref<80x128xf32, #tpu.memory_space<hbm>>) target_semaphore(%arg21 : memref<!tpu.dma_semaphore, #tpu.memory_space<semaphore_mem>>)
    } else {
    }
    %add3A_842 = arith.constant 96 : i32
    %add3A_843 = arith.addi %arg1, %add3A_842 : i32
    %lt3A_844 = arith.constant 125 : i32
    %lt3A_845 = arith.cmpi slt, %add3A_843, %lt3A_844 : i32
    %convert_element_type3A_846 = arith.extui %lt3A_845 : i1 to i32
    %cond3A_847 = arith.constant 0 : i32
    %cond3A_848 = arith.cmpi ne, %convert_element_type3A_846, %cond3A_847 : i32
    scf.if %cond3A_848 {
      %mul3A_872 = arith.constant 80 : i32
      %mul3A_873 = arith.muli %add3A_843, %mul3A_872 : i32
      %dma_wait3A_874 = arith.constant 0 : i32
      %dma_wait3A_875 = tpu.memref_slice %arg7[%arg0, %mul3A_873, %dma_wait3A_874] : memref<2x10000x128xf32, #tpu.memory_space<hbm>> -> memref<1x80x128xf32, #tpu.memory_space<hbm>>
      %dma_wait3A_876 = tpu.memref_squeeze %dma_wait3A_875 : memref<1x80x128xf32, #tpu.memory_space<hbm>> -> memref<80x128xf32, #tpu.memory_space<hbm>>
      %dma_wait3A_877 = arith.constant 0 : i32
      %dma_wait3A_878 = tpu.memref_slice %arg7[%arg0, %mul3A_873, %dma_wait3A_877] : memref<2x10000x128xf32, #tpu.memory_space<hbm>> -> memref<1x80x128xf32, #tpu.memory_space<hbm>>
      %dma_wait3A_879 = tpu.memref_squeeze %dma_wait3A_878 : memref<1x80x128xf32, #tpu.memory_space<hbm>> -> memref<80x128xf32, #tpu.memory_space<hbm>>
      tpu.wait_dma2 semaphore(%arg20 : memref<!tpu.dma_semaphore, #tpu.memory_space<semaphore_mem>>) src(%arg12 : memref<80x128xf32, #tpu.memory_space<vmem>>) dst(%dma_wait3A_879 : memref<80x128xf32, #tpu.memory_space<hbm>>)
      %dma_start3A_880 = arith.constant 0 : i32
      %dma_start3A_881 = tpu.memref_slice %arg15[%mul3A_873, %dma_start3A_880] : memref<10000x128xf32, #tpu.memory_space<vmem_shared>> -> memref<80x128xf32, #tpu.memory_space<vmem_shared>>
      %dma_start3A_882 = arith.constant 0 : i32
      %dma_start3A_883 = tpu.memref_slice %arg15[%mul3A_873, %dma_start3A_882] : memref<10000x128xf32, #tpu.memory_space<vmem_shared>> -> memref<80x128xf32, #tpu.memory_space<vmem_shared>>
      tpu.enqueue_dma source(%dma_start3A_883 : memref<80x128xf32, #tpu.memory_space<vmem_shared>>) target(%arg12 : memref<80x128xf32, #tpu.memory_space<vmem>>) target_semaphore(%arg16 : memref<!tpu.dma_semaphore, #tpu.memory_space<semaphore_mem>>)
      %dma_wait3A_884 = arith.constant 0 : i32
      %dma_wait3A_885 = tpu.memref_slice %arg15[%mul3A_873, %dma_wait3A_884] : memref<10000x128xf32, #tpu.memory_space<vmem_shared>> -> memref<80x128xf32, #tpu.memory_space<vmem_shared>>
      %dma_wait3A_886 = arith.constant 0 : i32
      %dma_wait3A_887 = tpu.memref_slice %arg15[%mul3A_873, %dma_wait3A_886] : memref<10000x128xf32, #tpu.memory_space<vmem_shared>> -> memref<80x128xf32, #tpu.memory_space<vmem_shared>>
      tpu.wait_dma2 semaphore(%arg16 : memref<!tpu.dma_semaphore, #tpu.memory_space<semaphore_mem>>) src(%dma_wait3A_887 : memref<80x128xf32, #tpu.memory_space<vmem_shared>>) dst(%arg12 : memref<80x128xf32, #tpu.memory_space<vmem>>)
      %dma_start3A_888 = arith.constant 0 : i32
      %dma_start3A_889 = tpu.memref_slice %arg7[%arg0, %mul3A_873, %dma_start3A_888] : memref<2x10000x128xf32, #tpu.memory_space<hbm>> -> memref<1x80x128xf32, #tpu.memory_space<hbm>>
      %dma_start3A_890 = tpu.memref_squeeze %dma_start3A_889 : memref<1x80x128xf32, #tpu.memory_space<hbm>> -> memref<80x128xf32, #tpu.memory_space<hbm>>
      %dma_start3A_891 = arith.constant 0 : i32
      %dma_start3A_892 = tpu.memref_slice %arg7[%arg0, %mul3A_873, %dma_start3A_891] : memref<2x10000x128xf32, #tpu.memory_space<hbm>> -> memref<1x80x128xf32, #tpu.memory_space<hbm>>
      %dma_start3A_893 = tpu.memref_squeeze %dma_start3A_892 : memref<1x80x128xf32, #tpu.memory_space<hbm>> -> memref<80x128xf32, #tpu.memory_space<hbm>>
      tpu.enqueue_dma source(%arg12 : memref<80x128xf32, #tpu.memory_space<vmem>>) target(%dma_start3A_893 : memref<80x128xf32, #tpu.memory_space<hbm>>) target_semaphore(%arg20 : memref<!tpu.dma_semaphore, #tpu.memory_space<semaphore_mem>>)
    } else {
    }
    %add3A_849 = arith.constant 112 : i32
    %add3A_850 = arith.addi %arg1, %add3A_849 : i32
    %lt3A_851 = arith.constant 125 : i32
    %lt3A_852 = arith.cmpi slt, %add3A_850, %lt3A_851 : i32
    %convert_element_type3A_853 = arith.extui %lt3A_852 : i1 to i32
    %cond3A_854 = arith.constant 0 : i32
    %cond3A_855 = arith.cmpi ne, %convert_element_type3A_853, %cond3A_854 : i32
    scf.if %cond3A_855 {
      %mul3A_872 = arith.constant 80 : i32
      %mul3A_873 = arith.muli %add3A_850, %mul3A_872 : i32
      %dma_wait3A_874 = arith.constant 0 : i32
      %dma_wait3A_875 = tpu.memref_slice %arg7[%arg0, %mul3A_873, %dma_wait3A_874] : memref<2x10000x128xf32, #tpu.memory_space<hbm>> -> memref<1x80x128xf32, #tpu.memory_space<hbm>>
      %dma_wait3A_876 = tpu.memref_squeeze %dma_wait3A_875 : memref<1x80x128xf32, #tpu.memory_space<hbm>> -> memref<80x128xf32, #tpu.memory_space<hbm>>
      %dma_wait3A_877 = arith.constant 0 : i32
      %dma_wait3A_878 = tpu.memref_slice %arg7[%arg0, %mul3A_873, %dma_wait3A_877] : memref<2x10000x128xf32, #tpu.memory_space<hbm>> -> memref<1x80x128xf32, #tpu.memory_space<hbm>>
      %dma_wait3A_879 = tpu.memref_squeeze %dma_wait3A_878 : memref<1x80x128xf32, #tpu.memory_space<hbm>> -> memref<80x128xf32, #tpu.memory_space<hbm>>
      tpu.wait_dma2 semaphore(%arg21 : memref<!tpu.dma_semaphore, #tpu.memory_space<semaphore_mem>>) src(%arg13 : memref<80x128xf32, #tpu.memory_space<vmem>>) dst(%dma_wait3A_879 : memref<80x128xf32, #tpu.memory_space<hbm>>)
      %dma_start3A_880 = arith.constant 0 : i32
      %dma_start3A_881 = tpu.memref_slice %arg15[%mul3A_873, %dma_start3A_880] : memref<10000x128xf32, #tpu.memory_space<vmem_shared>> -> memref<80x128xf32, #tpu.memory_space<vmem_shared>>
      %dma_start3A_882 = arith.constant 0 : i32
      %dma_start3A_883 = tpu.memref_slice %arg15[%mul3A_873, %dma_start3A_882] : memref<10000x128xf32, #tpu.memory_space<vmem_shared>> -> memref<80x128xf32, #tpu.memory_space<vmem_shared>>
      tpu.enqueue_dma source(%dma_start3A_883 : memref<80x128xf32, #tpu.memory_space<vmem_shared>>) target(%arg13 : memref<80x128xf32, #tpu.memory_space<vmem>>) target_semaphore(%arg17 : memref<!tpu.dma_semaphore, #tpu.memory_space<semaphore_mem>>)
      %dma_wait3A_884 = arith.constant 0 : i32
      %dma_wait3A_885 = tpu.memref_slice %arg15[%mul3A_873, %dma_wait3A_884] : memref<10000x128xf32, #tpu.memory_space<vmem_shared>> -> memref<80x128xf32, #tpu.memory_space<vmem_shared>>
      %dma_wait3A_886 = arith.constant 0 : i32
      %dma_wait3A_887 = tpu.memref_slice %arg15[%mul3A_873, %dma_wait3A_886] : memref<10000x128xf32, #tpu.memory_space<vmem_shared>> -> memref<80x128xf32, #tpu.memory_space<vmem_shared>>
      tpu.wait_dma2 semaphore(%arg17 : memref<!tpu.dma_semaphore, #tpu.memory_space<semaphore_mem>>) src(%dma_wait3A_887 : memref<80x128xf32, #tpu.memory_space<vmem_shared>>) dst(%arg13 : memref<80x128xf32, #tpu.memory_space<vmem>>)
      %dma_start3A_888 = arith.constant 0 : i32
      %dma_start3A_889 = tpu.memref_slice %arg7[%arg0, %mul3A_873, %dma_start3A_888] : memref<2x10000x128xf32, #tpu.memory_space<hbm>> -> memref<1x80x128xf32, #tpu.memory_space<hbm>>
      %dma_start3A_890 = tpu.memref_squeeze %dma_start3A_889 : memref<1x80x128xf32, #tpu.memory_space<hbm>> -> memref<80x128xf32, #tpu.memory_space<hbm>>
      %dma_start3A_891 = arith.constant 0 : i32
      %dma_start3A_892 = tpu.memref_slice %arg7[%arg0, %mul3A_873, %dma_start3A_891] : memref<2x10000x128xf32, #tpu.memory_space<hbm>> -> memref<1x80x128xf32, #tpu.memory_space<hbm>>
      %dma_start3A_893 = tpu.memref_squeeze %dma_start3A_892 : memref<1x80x128xf32, #tpu.memory_space<hbm>> -> memref<80x128xf32, #tpu.memory_space<hbm>>
      tpu.enqueue_dma source(%arg13 : memref<80x128xf32, #tpu.memory_space<vmem>>) target(%dma_start3A_893 : memref<80x128xf32, #tpu.memory_space<hbm>>) target_semaphore(%arg21 : memref<!tpu.dma_semaphore, #tpu.memory_space<semaphore_mem>>)
    } else {
    }
    %dma_wait3A_856 = arith.constant 0 : i32
    %dma_wait3A_857 = arith.constant 0 : i32
    %dma_wait3A_858 = tpu.memref_slice %arg7[%arg0, %dma_wait3A_856, %dma_wait3A_857] : memref<2x10000x128xf32, #tpu.memory_space<hbm>> -> memref<1x80x128xf32, #tpu.memory_space<hbm>>
    %dma_wait3A_859 = tpu.memref_squeeze %dma_wait3A_858 : memref<1x80x128xf32, #tpu.memory_space<hbm>> -> memref<80x128xf32, #tpu.memory_space<hbm>>
    %dma_wait3A_860 = arith.constant 0 : i32
    %dma_wait3A_861 = arith.constant 0 : i32
    %dma_wait3A_862 = tpu.memref_slice %arg7[%arg0, %dma_wait3A_860, %dma_wait3A_861] : memref<2x10000x128xf32, #tpu.memory_space<hbm>> -> memref<1x80x128xf32, #tpu.memory_space<hbm>>
    %dma_wait3A_863 = tpu.memref_squeeze %dma_wait3A_862 : memref<1x80x128xf32, #tpu.memory_space<hbm>> -> memref<80x128xf32, #tpu.memory_space<hbm>>
    tpu.wait_dma2 semaphore(%arg20 : memref<!tpu.dma_semaphore, #tpu.memory_space<semaphore_mem>>) src(%arg12 : memref<80x128xf32, #tpu.memory_space<vmem>>) dst(%dma_wait3A_863 : memref<80x128xf32, #tpu.memory_space<hbm>>)
    %dma_wait3A_864 = arith.constant 0 : i32
    %dma_wait3A_865 = arith.constant 0 : i32
    %dma_wait3A_866 = tpu.memref_slice %arg7[%arg0, %dma_wait3A_864, %dma_wait3A_865] : memref<2x10000x128xf32, #tpu.memory_space<hbm>> -> memref<1x80x128xf32, #tpu.memory_space<hbm>>
    %dma_wait3A_867 = tpu.memref_squeeze %dma_wait3A_866 : memref<1x80x128xf32, #tpu.memory_space<hbm>> -> memref<80x128xf32, #tpu.memory_space<hbm>>
    %dma_wait3A_868 = arith.constant 0 : i32
    %dma_wait3A_869 = arith.constant 0 : i32
    %dma_wait3A_870 = tpu.memref_slice %arg7[%arg0, %dma_wait3A_868, %dma_wait3A_869] : memref<2x10000x128xf32, #tpu.memory_space<hbm>> -> memref<1x80x128xf32, #tpu.memory_space<hbm>>
    %dma_wait3A_871 = tpu.memref_squeeze %dma_wait3A_870 : memref<1x80x128xf32, #tpu.memory_space<hbm>> -> memref<80x128xf32, #tpu.memory_space<hbm>>
    tpu.wait_dma2 semaphore(%arg21 : memref<!tpu.dma_semaphore, #tpu.memory_space<semaphore_mem>>) src(%arg13 : memref<80x128xf32, #tpu.memory_space<vmem>>) dst(%dma_wait3A_871 : memref<80x128xf32, #tpu.memory_space<hbm>>)
    return
  }
}

module attributes {stable_mosaic.version = 14 : i64} {
  func.func @_tc_body(%arg0: i32, %arg1: memref<2x1000x128xf32, #tpu.memory_space<vmem>>, %arg2: memref<2x1000x128xf32, #tpu.memory_space<vmem>>, %arg3: memref<128x128xf32, #tpu.memory_space<vmem>>, %arg4: memref<128x128xf32, #tpu.memory_space<vmem>>, %arg5: memref<1000x128xf32, #tpu.memory_space<vmem>>) attributes {dimension_semantics = [#tpu.dimension_semantics<arbitrary>], iteration_bounds = array<i64: 10>, scalar_prefetch = 0 : i64, scratch_operands = 0 : i64, tpu.core_type = #tpu.core_type<tc>, window_params = [{transform_indices = @transform_0, window_bounds = array<i64: 2, 1000, 128>}, {transform_indices = @transform_1, window_bounds = array<i64: 2, 1000, 128>}, {pipeline_mode = #tpu.pipeline_mode<synchronous>, transform_indices = @transform_2, window_bounds = array<i64: 128, 128>}, {pipeline_mode = #tpu.pipeline_mode<synchronous>, transform_indices = @transform_3, window_bounds = array<i64: 128, 128>}, {transform_indices = @transform_4, window_bounds = array<i64: 1000, 128>}]} {
    %get3A = arith.constant 0 : index
    %get3A_0 = arith.constant 0 : index
    %get3A_1 = arith.constant 0 : index
    %get3A_2 = vector.load %arg1[%get3A, %get3A_0, %get3A_1] : memref<2x1000x128xf32, #tpu.memory_space<vmem>>, vector<1x1000x128xf32>
    %get3A_3 = vector.shape_cast %get3A_2 : vector<1x1000x128xf32> to vector<1000x128xf32>
    %get3A_4 = arith.constant 1 : index
    %get3A_5 = arith.constant 0 : index
    %get3A_6 = arith.constant 0 : index
    %get3A_7 = vector.load %arg1[%get3A_4, %get3A_5, %get3A_6] : memref<2x1000x128xf32, #tpu.memory_space<vmem>>, vector<1x1000x128xf32>
    %get3A_8 = vector.shape_cast %get3A_7 : vector<1x1000x128xf32> to vector<1000x128xf32>
    %add3A = arith.addf %get3A_3, %get3A_8 : vector<1000x128xf32>
    %get3A_9 = arith.constant 0 : index
    %get3A_10 = arith.constant 0 : index
    %get3A_11 = arith.constant 0 : index
    %get3A_12 = vector.load %arg2[%get3A_9, %get3A_10, %get3A_11] : memref<2x1000x128xf32, #tpu.memory_space<vmem>>, vector<1x1000x128xf32>
    %get3A_13 = vector.shape_cast %get3A_12 : vector<1x1000x128xf32> to vector<1000x128xf32>
    %get3A_14 = arith.constant 1 : index
    %get3A_15 = arith.constant 0 : index
    %get3A_16 = arith.constant 0 : index
    %get3A_17 = vector.load %arg2[%get3A_14, %get3A_15, %get3A_16] : memref<2x1000x128xf32, #tpu.memory_space<vmem>>, vector<1x1000x128xf32>
    %get3A_18 = vector.shape_cast %get3A_17 : vector<1x1000x128xf32> to vector<1000x128xf32>
    %add3A_19 = arith.addf %get3A_13, %get3A_18 : vector<1000x128xf32>
    %get3A_20 = arith.constant 0 : index
    %get3A_21 = arith.constant 0 : index
    %get3A_22 = vector.load %arg3[%get3A_20, %get3A_21] : memref<128x128xf32, #tpu.memory_space<vmem>>, vector<128x128xf32>
    %dot_general3A = arith.constant dense<0.000000e+00> : vector<1000x128xf32>
    %dot_general3A_23 = tpu.matmul %add3A, %get3A_22, %dot_general3A {dimension_numbers = #tpu.dot_dimension_numbers<[1], [0], [0], [1], [0, 0, 1, 1], [], []>, precision = #tpu.contract_precision<fp32>, transpose_lhs_hint = false} : vector<1000x128xf32>, vector<128x128xf32>, vector<1000x128xf32> -> vector<1000x128xf32>
    %get3A_24 = arith.constant 0 : index
    %get3A_25 = arith.constant 0 : index
    %get3A_26 = vector.load %arg4[%get3A_24, %get3A_25] : memref<128x128xf32, #tpu.memory_space<vmem>>, vector<128x128xf32>
    %dot_general3A_27 = arith.constant dense<0.000000e+00> : vector<1000x128xf32>
    %dot_general3A_28 = tpu.matmul %add3A_19, %get3A_26, %dot_general3A_27 {dimension_numbers = #tpu.dot_dimension_numbers<[1], [0], [0], [1], [0, 0, 1, 1], [], []>, precision = #tpu.contract_precision<fp32>, transpose_lhs_hint = false} : vector<1000x128xf32>, vector<128x128xf32>, vector<1000x128xf32> -> vector<1000x128xf32>
    %add3A_29 = arith.addf %dot_general3A_23, %dot_general3A_28 : vector<1000x128xf32>
    %max3A = arith.constant 0.000000e+00 : f32
    %max3A_30 = vector.broadcast %max3A : f32 to vector<1000x128xf32>
    %max3A_31 = arith.maximumf %add3A_29, %max3A_30 : vector<1000x128xf32>
    %swap3A = arith.constant 0 : index
    %swap3A_32 = arith.constant 0 : index
    %swap3A_33 = vector.load %arg5[%swap3A, %swap3A_32] : memref<1000x128xf32, #tpu.memory_space<vmem>>, vector<1000x128xf32>
    tpu.vector_store %arg5[%swap3A, %swap3A_32], %max3A_31 {strides = array<i32>} : memref<1000x128xf32, #tpu.memory_space<vmem>>, vector<1000x128xf32>,
    return
  }
  func.func @transform_0(%arg0: i32) -> (i32, i32, i32) {
    %c0_i32 = arith.constant 0 : i32
    %c0_i32_0 = arith.constant 0 : i32
    %c0_i32_1 = arith.constant 0 : i32
    return %c0_i32, %arg0, %c0_i32_0 : i32, i32, i32
  }
  func.func @transform_1(%arg0: i32) -> (i32, i32, i32) {
    %c0_i32 = arith.constant 0 : i32
    %c0_i32_0 = arith.constant 0 : i32
    %c0_i32_1 = arith.constant 0 : i32
    return %c0_i32, %arg0, %c0_i32_0 : i32, i32, i32
  }
  func.func @transform_2(%arg0: i32) -> (i32, i32) {
    %c0_i32 = arith.constant 0 : i32
    %c0_i32_0 = arith.constant 0 : i32
    %c0_i32_1 = arith.constant 0 : i32
    return %c0_i32, %c0_i32_0 : i32, i32
  }
  func.func @transform_3(%arg0: i32) -> (i32, i32) {
    %c0_i32 = arith.constant 0 : i32
    %c0_i32_0 = arith.constant 0 : i32
    %c0_i32_1 = arith.constant 0 : i32
    return %c0_i32, %c0_i32_0 : i32, i32
  }
  func.func @transform_4(%arg0: i32) -> (i32, i32) {
    %c0_i32 = arith.constant 0 : i32
    %c0_i32_0 = arith.constant 0 : i32
    return %arg0, %c0_i32 : i32, i32
  }
}

</mosaic_0001>

<sc_bundles>
// kernel: kernel.4.cloned.1.call-start
scs
__scs_entry_jumppad:
0x0: {  	(pc) =	sbr.rel $0x88, $3  }
0x1: {  	(tag) =	ssettag $0x0;
	lr =	simm.s32 $0x1  }
0x2: {  	[smem:$0x3F9A] =	sst lr;
	_ =	strace $0xD0000000  }
0x3: {  	_ = 	snop  }
0x4: {  	_ = 	snop  }
0x5: {  	_ = 	snop  }
0x6: {  	_ = 	snop  }
0x7: {  	_ = 	snop  }
__scs_overlays_trampoline_lowered:
0x8: {  	[smem:$0x3FA9] =	sst s0  }
0x9: {  	[smem:$0x3FAA] =	sst s1  }
0xa: {  	[smem:$0x3FAB] =	sst s2  }
0xb: {  	[smem:$0x3FAC] =	sst s3  }
0xc: {  	[smem:$0x3FAD] =	sst s4  }
0xd: {  	[smem:$0x3FAE] =	sst s5  }
0xe: {  	[smem:$0x3FAF] =	sst s6  }
0xf: {  	[smem:$0x3FB0] =	sst s7  }
0x10: {  	[smem:$0x3FB1] =	sst s8  }
0x11: {  	[smem:$0x3FB2] =	sst s9;
	s0 =	simm.s32 @!p0 $0x0  }
0x12: {  	s1 =	sld [smem:$0x3F98];
	s0 =	simm.s32 @p0 $0x1  }
0x13: {  	[smem:$0x3FB3] =	sst s0;
	s0 =	simm.s32 @!p1 $0x0  }
0x14: {  	s2 =	sld [smem:$0x3F97];
	s0 =	simm.s32 @p1 $0x1  }
0x15: {  	[smem:$0x3FB4] =	sst s0;
	s0 =	simm.s32 @!p2 $0x0  }
0x16: {  	s3 =	sld [smem:$0x3FDB];
	s0 =	simm.s32 @p2 $0x1  }
0x17: {  	s4 =	simm.s32 $0x1BF5;
	[smem:$0x3FB6] =	sst s0  }
0x18: {  	s0 =	sld [smem:$0x3F99];
	_ =	swait.ge [sflag:s4], $0x0  }
0x19: {  	s7 =	sld [smem:$0x3F9A]  }
0x1a: {  	s8 =	sadd.s32 $0xFFFFE003, lr  }
0x1b: {  	s9 =	sadd.s32 $0xFFFFFEF7, lr;
	s5 =	simm.s32 $0xFFFFFFFF;
	p2 =	slt.u32 s8, $0xFFFFF086  }
0x1c: {  	p1 =	slt.u32 s9, $0xF7A;
	s5 =	simm.s32 @!p2 $0x0  }
0x1d: {  	s5 =	simm.s32 @p1 $0x1;
	p0 =	seq.s32 s7, s2  }
0x1e: {  	s7 =	smul.u32 @!p0 $0xF7A, s2;
	p2 =	seq.s32 @!p0 s5, $0x0  }
0x1f: {  	s9 =	smul.u32 $0xF7A, s1;
	s8 =	simm.s32 @!p0 $0x1BF5;
	p2 =	por !p2, p0  }
0x20: {  	[sflag:s8] =	ssyncset.s32 @!p0 $0xFFFFF086;
	s6 =	sadd.s32 @!p0 s3, s7;
	s7 =	simm.s32 @!p0 $0x108  }
0x21: {  	s3 =	sadd.s32 s3, s9;
	s6 =	sadd.s32 @!p0 $0x88, s6;
	s7 =	simm.s32 @p2 $0x1082  }
0x22: {  	[simem:s7], [sflag:s8] =	dma.local @!p0 [hbm:s6], $0xF7A  }
0x23: {  	s9 =	sor.u32 $0xD0000000, s2;
	s6 =	simm.s32 $0x108;
	_ =	swait.ge @!p0 [sflag:s8], $0x0  }
0x24: {  	s3 =	sadd.s32 $0x88, s3;
	s6 =	simm.s32 @!p1 $0x1082;
	[sflag:s4] =	ssyncset.s32 $0xFFFFF086  }
0x25: {  	[simem:s6], [sflag:s4] =	dma.local [hbm:s3], $0xF7A  }
0x26: {  	[smem:$0x3F9A] =	sst s1;
	(tag) =	ssettag s2;
	_ =	strace s9  }
0x27: {  	s1 =	sld [smem:$0x3FAA]  }
0x28: {  	s2 =	sld [smem:$0x3FAB]  }
0x29: {  	s4 =	sld [smem:$0x3FAD]  }
0x2a: {  	p0 =	seq.s32 s5, $0x0;
	s5 =	sld [smem:$0x3FAE]  }
0x2b: {  	s6 =	sld [smem:$0x3FAF]  }
0x2c: {  	s7 =	sld [smem:$0x3FB0]  }
0x2d: {  	s3 =	simm.s32 $0x108;
	s8 =	sld [smem:$0x3FB1]  }
0x2e: {  	s3 =	simm.s32 @!p0 $0x1082;
	s9 =	sld [smem:$0x3FB2]  }
0x2f: {  	lr =	sadd.s32 s0, s3;
	s0 =	sld [smem:$0x3FA9]  }
0x30: {  	s3 =	sld [smem:$0x3FAC]  }
0x31: {  	[smem:$0x3FB5] =	sst s10  }
0x32: {  	s10 =	sld [smem:$0x3FB3];
	_ =	sdelay $0x3  }
0x33: {  	p0 =	seq.s32 s10, $0x1;
	s10 =	sld [smem:$0x3FB5];
	_ =	sdelay $0x3  }
0x34: {  	[smem:$0x3FB5] =	sst s10  }
0x35: {  	s10 =	sld [smem:$0x3FB4];
	_ =	sdelay $0x3  }
0x36: {  	p1 =	seq.s32 s10, $0x1;
	s10 =	sld [smem:$0x3FB5];
	_ =	sdelay $0x3  }
0x37: {  	[smem:$0x3FB5] =	sst s10  }
0x38: {  	s10 =	sld [smem:$0x3FB6]  }
0x39: {  	_ = 	snop;
	(pc) =	sbr.ind lr, $3  }
0x3a: {  	_ = 	snop  }
0x3b: {  	_ = 	snop  }
0x3c: {  	p2 =	seq.s32 s10, $0x1;
	s10 =	sld [smem:$0x3FB5]  }
0x3d: {  	_ =	shalt  }
0x3e: {  	_ =	shalt  }
0x3f: {  	_ =	shalt  }
0x40: {  	_ =	shalt  }
0x41: {  	_ =	shalt  }
0x42: {  	_ =	shalt  }
0x43: {  	_ =	shalt  }
0x44: {  	_ =	shalt  }
0x45: {  	_ =	shalt  }
0x46: {  	_ =	shalt  }
0x47: {  	_ =	shalt  }
0x48: {  	_ =	shalt  }
0x49: {  	_ =	shalt  }
0x4a: {  	_ =	shalt  }
0x4b: {  	_ =	shalt  }
0x4c: {  	_ =	shalt  }
0x4d: {  	_ =	shalt  }
0x4e: {  	_ =	shalt  }
0x4f: {  	_ =	shalt  }
0x50: {  	_ =	shalt  }
0x51: {  	_ =	shalt  }
0x52: {  	_ =	shalt  }
0x53: {  	_ =	shalt  }
0x54: {  	_ =	shalt  }
0x55: {  	_ =	shalt  }
0x56: {  	_ =	shalt  }
0x57: {  	_ =	shalt  }
0x58: {  	_ =	shalt  }
0x59: {  	_ =	shalt  }
0x5a: {  	_ =	shalt  }
0x5b: {  	_ =	shalt  }
0x5c: {  	_ =	shalt  }
0x5d: {  	_ =	shalt  }
0x5e: {  	_ =	shalt  }
0x5f: {  	_ =	shalt  }
0x60: {  	_ =	shalt  }
0x61: {  	_ =	shalt  }
0x62: {  	_ =	shalt  }
0x63: {  	_ =	shalt  }
0x64: {  	_ =	shalt  }
0x65: {  	_ =	shalt  }
0x66: {  	_ =	shalt  }
0x67: {  	_ =	shalt  }
0x68: {  	_ =	shalt  }
0x69: {  	_ =	shalt  }
0x6a: {  	_ =	shalt  }
0x6b: {  	_ =	shalt  }
0x6c: {  	_ =	shalt  }
0x6d: {  	_ =	shalt  }
0x6e: {  	_ =	shalt  }
0x6f: {  	_ =	shalt  }
0x70: {  	_ =	shalt  }
0x71: {  	_ =	shalt  }
0x72: {  	_ =	shalt  }
0x73: {  	_ =	shalt  }
0x74: {  	_ =	shalt  }
0x75: {  	_ =	shalt  }
0x76: {  	_ =	shalt  }
0x77: {  	_ =	shalt  }
0x78: {  	_ =	shalt  }
0x79: {  	_ =	shalt  }
0x7a: {  	_ =	shalt  }
0x7b: {  	_ =	shalt  }
0x7c: {  	_ =	shalt  }
0x7d: {  	_ =	shalt  }
0x7e: {  	_ =	shalt  }
0x7f: {  	_ =	shalt  }
0x80: {  	_ =	shalt  }
0x81: {  	_ =	shalt  }
0x82: {  	_ =	shalt  }
0x83: {  	_ =	shalt  }
0x84: {  	_ =	shalt  }
0x85: {  	_ =	shalt  }
0x86: {  	_ =	shalt  }
0x87: {  	_ =	shalt  }
.Lfunc_end0:
.L_simem_size_0:
called_computation_lowered:
.L_overlay_start_0:
0x88: {  	s2 =	sld [smem:$0x3FD9]  }
0x89: {  	s3 =	sld [smem:$0x3FFE];
	_ =	sdelay $0x1  }
0x8a: {  	s1 =	srdreg.scid  }
0x8b: {  	s0 =	sand.u32 $0x1, s1  }
0x8c: {  	s17 =	sshll.u32 s0, $0xA;
	s2 =	sadd.s32 s3, s2  }
0x8d: {  	s2 =	sadd.s32 s2, s17  }
0x8e: {  	[smem:$0x3FC1] =	sst s2  }
0x8f: {  	_ = 	snop  }
0x90: {  	s2 =	sld [smem:$0x3FC9]  }
0x91: {  	s18 =	sld [smem:$0x3FD0];
	(tm) =	ssettm $0x1  }
0x92: {  	s4 =	sld [smem:$0x3FFB];
	_ =	sdelay $0x3  }
0x93: {  	_ =	strace s4  }
0x94: {  	s4 =	sld [smem:$0x3FFC];
	_ =	sdelay $0x3  }
0x95: {  	_ =	strace s4  }
0x96: {  	s4 =	sld [smem:$0x3FFD];
	_ =	sdelay $0x3  }
0x97: {  	_ =	strace s4  }
0x98: {  	_ =	strace $0x8FFFFFFF  }
0x99: {  	s19 =	sld [smem:$0x3FDB];
	_ =	sdelay $0x1  }
0x9a: {  	s5 =	simm.s32 $_scs_section_size  }
0x9b: {  	s6 =	simm.s32 $_size__tile_overlayer_lowered;
	s7 =	simm.s32 $_tile_overlayer_lowered  }
0x9c: {  	s22 =	simm.s32 $0x1BFF;
	s21 =	sshll.u32 s7, $0x1;
	s4 =	sadd.s32 s5, s19  }
0x9d: {  	s8 =	simm.s32 $0x0;
	s20 =	sshll.u32 s6, $0x1;
	s6 =	sadd.s32 s21, s4  }
0x9e: {  	[timem:s8], [sflag:s22] =	dma.local [hbm:s6], s20  }
0x9f: {  	_ =	swait.ge [sflag:s22], s20  }
0xa0: {  	s5 =	ssub.s32 $0x0, s20;
	[sflag:s22] =	ssyncset.done $0x0  }
0xa1: {  	[sflag:s22] =	ssyncadd.s32 s5;
	_ =	sdelay $0x1  }
0xa2: {  	s23 =	simm.s32 $0x1B8B  }
0xa3: {  	_ =	swait.ge [sflag:s23], $0x1  }
0xa4: {  	[sflag:s23] =	ssyncset.done $0x0  }
0xa5: {  	s25 =	simm.s32 $0x1B8E;
	s24 =	sld [smem:$0x3FFE];
	[sflag:s23] =	ssyncadd.s32 $0xFFFFFFFF  }
0xa6: {  	s26 =	simm.s32 $execute0_lowered;
	[smem:$0x3FD2] =	sst s25  }
0xa7: {  	s6 =	sshll.u32 s26, $0x1;
	_ =	strace $0x80000046;
	[dreg:$0x1] =	wrdreg $0xFFFFFFFF  }
0xa8: {  	s28 =	simm.s32 $_size_execute0_lowered;
	s4 =	sadd.s32 s4, s6;
	[dreg:$0x0] =	wrdreg $0x0  }
0xa9: {  	s6 =	sshll.u32 s28, $0x1;
	[dreg:$0x2] =	wrdreg s4  }
0xaa: {  	[dreg:$0x3] =	wrdreg s6  }
0xab: {  	[dreg:$0x4] =	wrdreg $0xC0  }
0xac: {  	_ =	task [dreg:s8], $0x5FFFF  }
0xad: {  	[dreg:$0x1] =	wrdreg $0xFFFFFFFF  }
0xae: {  	[dreg:$0x0] =	wrdreg $0x60  }
0xaf: {  	[dreg:$0x2] =	wrdreg s2  }
0xb0: {  	[dreg:$0x3] =	wrdreg s18  }
0xb1: {  	[dreg:$0x4] =	wrdreg s24  }
0xb2: {  	[dreg:$0x5] =	wrdreg $0x75000  }
0xb3: {  	[dreg:$0x6] =	wrdreg $0x9  }
0xb4: {  	_ =	task.clear_ibuf [dreg:s8], $0x7FFFF;
	_ =	strace $0x90000046  }
0xb5: {  	s29 =	simm.s32 $0x9;
	_ =	strace $0x80000048  }
0xb6: {  	_ =	swait.ge [sflag:s29], $0x1  }
0xb7: {  	[sflag:s29] =	ssyncadd.s32 $0xFFFFFFFF  }
0xb8: {  	_ =	strace $0x90000048  }
0xb9: {  	_ =	sfence  }
0xba: {  	s30 =	sld [smem:$0x0];
	_ =	sdelay $0x2  }
0xbb: {  	s31 =	sshll.u32 s1, $0xD;
	s1 =	sshrl.u32 s1, $0x2  }
0xbc: {  	s3 =	sand.u32 $0x4000, s31;
	s1 =	sadd.s32 s1, s30  }
0xbd: {  	s0 =	sor.u32 s3, s0;
	s1 =	sshll.u32 s1, $0x11  }
0xbe: {  	s0 =	sor.u32 s1, s0  }
0xbf: {  	s0 =	sadd.s32 $0x8F2B, s0  }
0xc0: {  	[sflag:s0] =	ssyncadd.remote.s32 $0x1  }
0xc1: {  	_ =	sfence.sel $0xFFFF  }
0xc2: {  	[dreg:$0x0] =	wrdreg $0xFFFFFFFF;
	(pc) =	sbr.abs _section_cstart, $3  }
0xc3: {  	[dreg:$0x1] =	wrdreg $0xFFFFFFFF  }
0xc4: {  	_ =	task.clear_ibuf [dreg:s8], $0x2FFFF;
	_ =	strace $0x9FFFFFFF  }
0xc5: {  	(tm) =	ssettm $0x7FFFFFFF  }
tec
execute0_lowered:
.L_overlay_start_1:
0x0: {  	(tag) =	ssettag $0x1  }
0x1: {  	s1 =	srdreg.scid;
	s26 =	stileid.u32  }
0x2: {  	s3 =	sand.u32 $0x1, s1;
	s4 =	smul.u32 $0x2800, s26  }
0x3: {  	s2 =	sor.u32 $0x10, s26;
	s5 =	smul.u32 $0x138800, s3  }
0x4: {  	s0 =	rddreg [dreg:$0x2];
	s12 =	sor.u32 $0x30, s26;
	s10 =	smul.u32 $0x2800, s2  }
0x5: {  	s28 =	simm.s32 $0x400;
	s14 =	sor.u32 $0x40, s26;
	s23 =	smul.u32 $0x2800, s12  }
0x6: {  	s1 =	simm.s32 $0x0;
	s16 =	sor.u32 $0x50, s26;
	s15 =	smul.u32 $0x2800, s14  }
0x7: {  	s6 =	sadd.s32 $0x19E00, s0;
	s19 =	sor.u32 $0x60, s26;
	s17 =	smul.u32 $0x2800, s16  }
0x8: {  	s11 =	sadd.s32 $0x68000, s0;
	s25 =	sor.u32 $0x70, s26;
	s18 =	smul.u32 $0x2800, s19  }
0x9: {  	p1 =	sgt.u32 s26, $0xC;
	s7 =	ssub.s32 $0x2, s3;
	s24 =	smul.u32 $0x2800, s25  }
0xa: {  	[smem:$0x7FF] =	sst s1;
	s2 =	smul.u32 $0xA000, s2;
	s8 =	sshrl.u32 s7, $0x1  }
0xb: {  	p0 =	sgt.u32 s25, $0x7C;
	s9 =	sadd.s32 s4, s5;
	s4 =	ssub.s32 s7, s8  }
0xc: {  	s21 =	sadd.s32 s5, s10;
	s15 =	sadd.s32 s5, s15;
	s17 =	sadd.s32 s5, s17  }
0xd: {  	s18 =	sadd.s32 s5, s18;
	s2 =	sshrl.u32 s2, $0x2;
	s7 =	sshrl.u32 s9, $0x3  }
0xe: {  	s9 =	sor.u32 $0x20, s26;
	s8 =	sshrl.u32 s21, $0x3;
	s15 =	sshrl.u32 s15, $0x3  }
0xf: {  	s17 =	sshrl.u32 s17, $0x3;
	s18 =	sshrl.u32 s18, $0x3;
	s20 =	sadd.s32 s6, s7  }
0x10: {  	s22 =	smul.u32 $0x2800, s9;
	s13 =	sadd.s32 s6, s8;
	[dreg:$0x5] =	wrdreg s20  }
0x11: {  	s7 =	sadd.s32 s11, s7;
	s8 =	sadd.s32 s11, s8;
	[dreg:$0x6] =	wrdreg s13  }
0x12: {  	s13 =	sadd.s32 s5, s23;
	s23 =	sadd.s32 s6, s17;
	[dreg:$0xd] =	wrdreg s7  }
0x13: {  	[dreg:$0xe] =	wrdreg s8;
	s8 =	smul.u32 $0x6400, s26;
	s10 =	sadd.s32 s5, s22  }
0x14: {  	s13 =	sshrl.u32 s13, $0x3;
	s22 =	sadd.s32 s6, s15;
	[dreg:$0xa] =	wrdreg s23  }
0x15: {  	s5 =	sadd.s32 s5, s24;
	s24 =	sadd.s32 s6, s18;
	[dreg:$0x9] =	wrdreg s22  }
0x16: {  	s23 =	smul.u32 $0x64000, s3;
	s10 =	sshrl.u32 s10, $0x3;
	[dreg:$0xb] =	wrdreg s24  }
0x17: {  	s21 =	sadd.s32 s6, s13;
	s22 =	sadd.s32 s11, s18;
	s18 =	rddreg [dreg:$0x0]  }
0x18: {  	s5 =	sshrl.u32 s5, $0x3;
	s13 =	sadd.s32 s11, s13;
	[dreg:$0x8] =	wrdreg s21  }
0x19: {  	s24 =	smul.u32 $0x2BC000, s3;
	s3 =	sshll.u32 s3, $0x4;
	[dreg:$0x10] =	wrdreg s13  }
0x1a: {  	s20 =	sadd.s32 s6, s10;
	s6 =	sadd.s32 s6, s5;
	[dreg:$0x13] =	wrdreg s22  }
0x1b: {  	s10 =	sadd.s32 s11, s10;
	s21 =	sadd.s32 s11, s17;
	[dreg:$0x7] =	wrdreg s20  }
0x1c: {  	s5 =	sadd.s32 s11, s5;
	s13 =	smul.u32 $0xA000, s26;
	[dreg:$0xc] =	wrdreg s6  }
0x1d: {  	s3 =	sor.u32 s26, s3;
	[dreg:$0xf] =	wrdreg s10;
	s10 =	smul.u32 $0x2BC00, s26  }
0x1e: {  	s20 =	sadd.s32 s11, s15;
	[dreg:$0x12] =	wrdreg s21;
	s11 =	smul.u32 $0x6400, s3  }
0x1f: {  	s7 =	simm.s32 $0x900;
	[dreg:$0x14] =	wrdreg s5;
	s15 =	smul.u32 $0xA000, s9  }
0x20: {  	s22 =	sadd.s32 s8, s23;
	s21 =	rddreg [dreg:$0x3];
	s9 =	smul.u32 $0xA000, s12  }
0x21: {  	s23 =	sadd.s32 $0xE00, s0;
	s3 =	smul.u32 $0x2BC00, s3;
	[dreg:$0x11] =	wrdreg s20  }
0x22: {  	s26 =	simm.s32 $0x200;
	s20 =	rddreg [dreg:$0x1];
	s8 =	sshrl.u32 s13, $0x2  }
0x23: {  	s13 =	smul.u32 $0xA000, s19;
	s19 =	smax.u32 s4, $0x1;
	s4 =	simm.s32 $0x100  }
0x24: {  	s5 =	sadd.s32 s10, s24;
	_ =	strace $0x80000047;
	s6 =	sshrl.u32 s11, $0x3  }
0x25: {  	s24 =	sadd.s32 $0x4FBE00, s0;
	s30 =	sadd.s32 s8, s21;
	s10 =	smul.u32 $0xA000, s14  }
0x26: {  	s8 =	sadd.s32 s2, s21;
	s0 =	sshrl.u32 s15, $0x2;
	s11 =	smul.u32 $0xA000, s16  }
0x27: {  	s12 =	sshrl.u32 s9, $0x2;
	s14 =	smul.u32 $0xA000, s25;
	s16 =	sshrl.u32 s3, $0x3  }
0x28: {  	[dreg:$0x1f] =	wrdreg s19;
	s9 =	simm.s32 $0x5;
	s17 =	sadd.s32 s20, s6  }
0x29: {  	s29 =	sadd.s32 s23, s6;
	s31 =	sadd.s32 s0, s21;
	s0 =	sadd.s32 s12, s21  }
0x2a: {  	s15 =	sshrl.u32 s13, $0x2;
	s25 =	sadd.s32 $0x1C00, s5;
	[dreg:$0x17] =	wrdreg s8  }
0x2b: {  	s12 =	simm.s32 $0x1;
	s13 =	simm.s32 $0x800;
	[dreg:$0x15] =	wrdreg s17  }
0x2c: {  	s5 =	simm.s32 $0x4;
	[dreg:$0x19] =	wrdreg s0;
	s6 =	sshrl.u32 s10, $0x2  }
0x2d: {  	s2 =	sshrl.u32 s11, $0x2;
	s0 =	sshrl.u32 s14, $0x2;
	[smem:$0x7FD] =	sst s25  }
0x2e: {  	s17 =	sadd.s32 s24, s16;
	s10 =	simm.s32 $0x6;
	[dreg:$0x16] =	wrdreg s29  }
0x2f: {  	s11 =	simm.s32 $0x50;
	s14 =	simm.s32 $0x80;
	[dreg:$0x18] =	wrdreg s31  }
0x30: {  	s16 =	simm.s32 $0x2;
	s6 =	sadd.s32 s6, s21;
	[dreg:$0x1e] =	wrdreg s17  }
0x31: {  	s25 =	simm.s32 $0x3;
	s2 =	sadd.s32 s2, s21;
	[dreg:$0x1a] =	wrdreg s6  }
0x32: {  	s0 =	sadd.s32 s0, s21;
	s17 =	simm.s32 $0x880;
	[dreg:$0x1b] =	wrdreg s2  }
0x33: {  	s2 =	sadd.s32 s15, s21;
	[dreg:$0x1d] =	wrdreg s0;
	s15 =	simm.s32 $0x3100  }
0x34: {  	v0 =	vimm.f32 $0.0e+00;
	s6 =	simm.s32 $0x180;
	[dreg:$0x1c] =	wrdreg s2;
	s2 =	simm.s32 $0x0  }
.LBB2_1:
0x35: {  	[smem:$0x7FC] =	sst s2;
	s0 =	simm.s32 $0x0;
	s2 =	simm.s32 $0x0  }
.LBB2_2:
0x36: {  	p2 =	sne.s32 s2, $0x9FC0  }
.Ltmp0:
0x37: {  	_ = 	snop;
	(pc) =	sbr.rel @p2 .LBB2_2-.Ltmp0, $4  }
0x38: {  	s3 =	sand.u32 $0xFE00, s2  }
0x39: {  	s19 =	sand.u32 $0x70, s0;
	s3 =	sshrl.u32 s3, $0x2  }
0x3a: {  	s3 =	sor.u32 s19, s3  }
0x3b: {  	s0 =	sadd.s32 $0x10, s0;
	s2 =	sadd.s32 $0x40, s2;
	[tilespmem:s3+$0x900] =	vst v0  }
0x3c: {  	s0 =	simm.s32 $0x0  }
0x3d: {  	s2 =	sand.u32 $0xFE00, s0  }
0x3e: {  	s3 =	sand.u32 $0x70, s0;
	s19 =	sshrl.u32 s2, $0x2  }
0x3f: {  	s2 =	simm.s32 $0x40;
	s3 =	sor.u32 s3, s19  }
.LBB2_4:
0x40: {  	p2 =	sne.s32 s2, $0x9FC0  }
0x41: {  	[tilespmem:s3+$0x3100] =	vst v0;
	s0 =	sadd.s32 $0x10, s0;
	s3 =	smov.u32 s2;
	s2 =	sadd.s32 $0x40, s2  }
.Ltmp1:
0x42: {  	(pc) =	sbr.rel @p2 .LBB2_4-.Ltmp1, $4  }
0x43: {  	_ = 	snop  }
0x44: {  	s3 =	sand.u32 $0xFE00, s3  }
0x45: {  	s19 =	sand.u32 $0x70, s0;
	s3 =	sshrl.u32 s3, $0x2  }
0x46: {  	s3 =	sor.u32 s19, s3  }
0x47: {  	[tilespmem:s3+$0x3100] =	vst v0;
	s2 =	simm.s32 $0x7  }
0x48: {  	[spmem:s30] =	stream.linear.scatter [tilespmem:s7], [sflag:$0x7], $0x2800, $0x38;
	[tilespmem:$0x1AD80] =	vst v63  }
0x49: {  	_ =	swait.ge [sflag:s2], $0x2800  }
0x4a: {  	[sflag:s2] =	ssyncset.done $0x0  }
0x4b: {  	[sflag:s2] =	ssyncadd.s32 $0xFFFFD800  }
0x4c: {  	[spmem:s8] =	stream.linear.scatter [tilespmem:s7], [sflag:$0x7], $0x2800, $0x38;
	[tilespmem:$0x1AD80] =	vst v63  }
0x4d: {  	_ =	swait.ge [sflag:s2], $0x2800  }
0x4e: {  	[sflag:s2] =	ssyncset.done $0x0  }
0x4f: {  	[sflag:s2] =	ssyncadd.s32 $0xFFFFD800  }
0x50: {  	[spmem:s31] =	stream.linear.scatter [tilespmem:s7], [sflag:$0x7], $0x2800, $0x38;
	[tilespmem:$0x1AD80] =	vst v63  }
0x51: {  	_ =	swait.ge [sflag:s2], $0x2800  }
0x52: {  	[sflag:s2] =	ssyncset.done $0x0  }
0x53: {  	s0 =	rddreg [dreg:$0x19];
	[sflag:s2] =	ssyncadd.s32 $0xFFFFD800  }
0x54: {  	[spmem:s0] =	stream.linear.scatter [tilespmem:s7], [sflag:$0x7], $0x2800, $0x38;
	[tilespmem:$0x1AD80] =	vst v63  }
0x55: {  	_ =	swait.ge [sflag:s2], $0x2800  }
0x56: {  	[sflag:s2] =	ssyncset.done $0x0  }
0x57: {  	s3 =	rddreg [dreg:$0x1a];
	[sflag:s2] =	ssyncadd.s32 $0xFFFFD800  }
0x58: {  	[spmem:s3] =	stream.linear.scatter [tilespmem:s7], [sflag:$0x7], $0x2800, $0x38;
	[tilespmem:$0x1AD80] =	vst v63  }
0x59: {  	_ =	swait.ge [sflag:s2], $0x2800  }
0x5a: {  	[sflag:s2] =	ssyncset.done $0x0  }
0x5b: {  	s8 =	rddreg [dreg:$0x1b];
	[sflag:s2] =	ssyncadd.s32 $0xFFFFD800  }
0x5c: {  	[spmem:s8] =	stream.linear.scatter [tilespmem:s7], [sflag:$0x7], $0x2800, $0x38;
	[tilespmem:$0x1AD80] =	vst v63  }
0x5d: {  	_ =	swait.ge [sflag:s2], $0x2800  }
0x5e: {  	[sflag:s2] =	ssyncset.done $0x0  }
0x5f: {  	s19 =	rddreg [dreg:$0x1c];
	[sflag:s2] =	ssyncadd.s32 $0xFFFFD800  }
0x60: {  	[spmem:s19] =	stream.linear.scatter [tilespmem:s7], [sflag:$0x7], $0x2800, $0x38;
	[tilespmem:$0x1AD80] =	vst v63  }
0x61: {  	_ =	swait.ge [sflag:s2], $0x2800  }
0x62: {  	[sflag:s2] =	ssyncset.done $0x0  }
0x63: {  	s0 =	simm.s32 @!p0 $0x900;
	[sflag:s2] =	ssyncadd.s32 $0xFFFFD800;
	s2 =	rddreg [dreg:$0x1d]  }
0x64: {  	[spmem:s2] =	stream.linear.scatter @!p0 [tilespmem:s0], [sflag:$0x7], $0x2800, $0x38;
	[tilespmem:$0x1AD80] =	vst v63  }
0x65: {  	s0 =	simm.s32 @!p0 $0x7  }
0x66: {  	_ =	swait.ge @!p0 [sflag:s0], $0x2800  }
0x67: {  	[sflag:s0] =	ssyncset.done @!p0 $0x0  }
0x68: {  	[sflag:s0] =	ssyncadd.s32 @!p0 $0xFFFFD800  }
0x69: {  	[bflag:$0x0] =	sbarrier.arrive $0xFFFF  }
0x6a: {  	s3 =	rddreg [dreg:$0x15]  }
0x6b: {  	[tilespmem:s1], [sflag:$0x5] =	stream.linear.gather [hbm4b:s3+s1], $0x280, $0x38;
	[tilespmem:$0x1AD80] =	vst v63  }
0x6c: {  	s8 =	simm.s32 $0x400  }
0x6d: {  	[tilespmem:s8], [sflag:$0x6] =	stream.linear.gather [hbm4b:s29+s1], $0x280, $0x38;
	[tilespmem:$0x1AD80] =	vst v63  }
0x6e: {  	_ =	swait.ge [sflag:s9], $0x280  }
0x6f: {  	[sflag:s9] =	ssyncset.done $0x0  }
0x70: {  	[sflag:s9] =	ssyncadd.s32 $0xFFFFFD80  }
0x71: {  	_ =	swait.ge [sflag:s10], $0x280  }
0x72: {  	[sflag:s10] =	ssyncset.done $0x0  }
0x73: {  	[sflag:s10] =	ssyncadd.s32 $0xFFFFFD80  }
0x74: {  	v1 =	vld [tilespmem:$0x400]  }
0x75: {  	v2 =	vld [tilespmem:$0x410]  }
0x76: {  	v3 =	vld [tilespmem:$0x420]  }
0x77: {  	v4 =	vld [tilespmem:$0x430]  }
0x78: {  	v5 =	vld [tilespmem:$0x440]  }
0x79: {  	[tilespmem:$0x800] =	vst v1  }
0x7a: {  	[tilespmem:$0x810] =	vst v2  }
0x7b: {  	[tilespmem:$0x820] =	vst v3  }
0x7c: {  	[tilespmem:$0x830] =	vst v4  }
0x7d: {  	[tilespmem:$0x840] =	vst v5  }
0x7e: {  	[tilespmem:s7], [sflag:$0x1] =	stream.indirect.gather [hbm4b:s18+s11], $0x80, s1, s11, $0xb8;
	[tilespmem:$0x1AD80] =	vst v63  }
0x7f: {  	_ =	swait.ge [sflag:s12], $0x2800  }
0x80: {  	[sflag:s12] =	ssyncset.done $0x0  }
0x81: {  	[sflag:s12] =	ssyncadd.s32 $0xFFFFD800  }
0x82: {  	[spmem:s21] =	stream.indirect.scatter.add.f32 [tilespmem:s7], [sflag:$0x3], $0x80, s13, s11, $0xb8;
	[tilespmem:$0x1AD80] =	vst v63  }
0x83: {  	v1 =	vld [tilespmem:$0x480]  }
0x84: {  	v2 =	vld [tilespmem:$0x490]  }
0x85: {  	v3 =	vld [tilespmem:$0x4A0]  }
0x86: {  	v4 =	vld [tilespmem:$0x4B0]  }
0x87: {  	v5 =	vld [tilespmem:$0x4C0]  }
0x88: {  	[tilespmem:$0x880] =	vst v1  }
0x89: {  	[tilespmem:$0x890] =	vst v2  }
0x8a: {  	[tilespmem:$0x8A0] =	vst v3  }
0x8b: {  	[tilespmem:$0x8B0] =	vst v4  }
0x8c: {  	[tilespmem:$0x8C0] =	vst v5  }
0x8d: {  	[tilespmem:s15], [sflag:$0x2] =	stream.indirect.gather [hbm4b:s18+s11], $0x80, s14, s11, $0xb8;
	[tilespmem:$0x1AD80] =	vst v63  }
0x8e: {  	_ =	swait.ge [sflag:s16], $0x2800  }
0x8f: {  	[sflag:s16] =	ssyncset.done $0x0  }
0x90: {  	[sflag:s16] =	ssyncadd.s32 $0xFFFFD800  }
0x91: {  	[spmem:s21] =	stream.indirect.scatter.add.f32 [tilespmem:s15], [sflag:$0x4], $0x80, s17, s11, $0xb8;
	[tilespmem:$0x1AD80] =	vst v63  }
0x92: {  	_ =	swait.ge [sflag:s25], $0x2800  }
0x93: {  	[sflag:s25] =	ssyncset.done $0x0  }
0x94: {  	[sflag:s25] =	ssyncadd.s32 $0xFFFFD800  }
0x95: {  	v1 =	vld [tilespmem:$0x500]  }
0x96: {  	v2 =	vld [tilespmem:$0x510]  }
0x97: {  	v3 =	vld [tilespmem:$0x520]  }
0x98: {  	v4 =	vld [tilespmem:$0x530]  }
0x99: {  	v5 =	vld [tilespmem:$0x540]  }
0x9a: {  	[tilespmem:$0x800] =	vst v1  }
0x9b: {  	[tilespmem:$0x810] =	vst v2  }
0x9c: {  	[tilespmem:$0x820] =	vst v3  }
0x9d: {  	[tilespmem:$0x830] =	vst v4  }
0x9e: {  	[tilespmem:$0x840] =	vst v5  }
0x9f: {  	[tilespmem:s7], [sflag:$0x1] =	stream.indirect.gather [hbm4b:s18+s11], $0x80, s4, s11, $0xb8;
	[tilespmem:$0x1AD80] =	vst v63  }
0xa0: {  	_ =	swait.ge [sflag:s12], $0x2800  }
0xa1: {  	[sflag:s12] =	ssyncset.done $0x0  }
0xa2: {  	[sflag:s12] =	ssyncadd.s32 $0xFFFFD800  }
0xa3: {  	[spmem:s21] =	stream.indirect.scatter.add.f32 [tilespmem:s7], [sflag:$0x3], $0x80, s13, s11, $0xb8;
	[tilespmem:$0x1AD80] =	vst v63  }
0xa4: {  	_ =	swait.ge [sflag:s5], $0x2800  }
0xa5: {  	[sflag:s5] =	ssyncset.done $0x0  }
0xa6: {  	[sflag:s5] =	ssyncadd.s32 $0xFFFFD800  }
0xa7: {  	v1 =	vld [tilespmem:$0x580]  }
0xa8: {  	v2 =	vld [tilespmem:$0x590]  }
0xa9: {  	v3 =	vld [tilespmem:$0x5A0]  }
0xaa: {  	v4 =	vld [tilespmem:$0x5B0]  }
0xab: {  	v5 =	vld [tilespmem:$0x5C0]  }
0xac: {  	[tilespmem:$0x880] =	vst v1  }
0xad: {  	[tilespmem:$0x890] =	vst v2  }
0xae: {  	[tilespmem:$0x8A0] =	vst v3  }
0xaf: {  	[tilespmem:$0x8B0] =	vst v4  }
0xb0: {  	[tilespmem:$0x8C0] =	vst v5  }
0xb1: {  	[tilespmem:s15], [sflag:$0x2] =	stream.indirect.gather [hbm4b:s18+s11], $0x80, s6, s11, $0xb8;
	[tilespmem:$0x1AD80] =	vst v63  }
0xb2: {  	_ =	swait.ge [sflag:s16], $0x2800  }
0xb3: {  	[sflag:s16] =	ssyncset.done $0x0  }
0xb4: {  	[sflag:s16] =	ssyncadd.s32 $0xFFFFD800  }
0xb5: {  	[spmem:s21] =	stream.indirect.scatter.add.f32 [tilespmem:s15], [sflag:$0x4], $0x80, s17, s11, $0xb8;
	[tilespmem:$0x1AD80] =	vst v63  }
0xb6: {  	_ =	swait.ge [sflag:s25], $0x2800  }
0xb7: {  	[sflag:s25] =	ssyncset.done $0x0  }
0xb8: {  	[sflag:s25] =	ssyncadd.s32 $0xFFFFD800  }
0xb9: {  	v1 =	vld [tilespmem:$0x600]  }
0xba: {  	v2 =	vld [tilespmem:$0x610]  }
0xbb: {  	v3 =	vld [tilespmem:$0x620]  }
0xbc: {  	v4 =	vld [tilespmem:$0x630]  }
0xbd: {  	v5 =	vld [tilespmem:$0x640]  }
0xbe: {  	[tilespmem:$0x800] =	vst v1  }
0xbf: {  	[tilespmem:$0x810] =	vst v2  }
0xc0: {  	[tilespmem:$0x820] =	vst v3  }
0xc1: {  	[tilespmem:$0x830] =	vst v4  }
0xc2: {  	[tilespmem:$0x840] =	vst v5  }
0xc3: {  	[tilespmem:s7], [sflag:$0x1] =	stream.indirect.gather [hbm4b:s18+s11], $0x80, s26, s11, $0xb8;
	[tilespmem:$0x1AD80] =	vst v63  }
0xc4: {  	_ =	swait.ge [sflag:s12], $0x2800  }
0xc5: {  	s19 =	sadd.s32 $0x400, s22;
	[sflag:s12] =	ssyncset.done $0x0  }
0xc6: {  	s0 =	sshrl.u32 s19, $0x3;
	[sflag:s12] =	ssyncadd.s32 $0xFFFFD800  }
0xc7: {  	[spmem:s21] =	stream.indirect.scatter.add.f32 [tilespmem:s7], [sflag:$0x3], $0x80, s13, s11, $0xb8;
	[tilespmem:$0x1AD80] =	vst v63  }
0xc8: {  	s29 =	sadd.s32 s20, s0  }
0xc9: {  	[tilespmem:s1], [sflag:$0x5] =	stream.linear.gather [hbm4b:s29+s1], $0x280, $0x38;
	[tilespmem:$0x1AD80] =	vst v63  }
0xca: {  	s0 =	sadd.s32 s23, s0  }
0xcb: {  	[tilespmem:s28], [sflag:$0x6] =	stream.linear.gather [hbm4b:s0+s1], $0x280, $0x38;
	[tilespmem:$0x1AD80] =	vst v63  }
0xcc: {  	_ =	swait.ge [sflag:s9], $0x280  }
0xcd: {  	[sflag:s9] =	ssyncset.done $0x0  }
0xce: {  	[sflag:s9] =	ssyncadd.s32 $0xFFFFFD80  }
0xcf: {  	_ =	swait.ge [sflag:s10], $0x280  }
0xd0: {  	[sflag:s10] =	ssyncset.done $0x0  }
0xd1: {  	[sflag:s10] =	ssyncadd.s32 $0xFFFFFD80  }
0xd2: {  	_ =	swait.ge [sflag:s25], $0x2800  }
0xd3: {  	[sflag:s25] =	ssyncset.done $0x0  }
0xd4: {  	[sflag:s25] =	ssyncadd.s32 $0xFFFFD800  }
0xd5: {  	v1 =	vld [tilespmem:$0x440]  }
0xd6: {  	v2 =	vld [tilespmem:$0x420]  }
0xd7: {  	v3 =	vld [tilespmem:$0x400]  }
0xd8: {  	v4 =	vld [tilespmem:$0x430]  }
0xd9: {  	v5 =	vld [tilespmem:$0x410]  }
0xda: {  	[tilespmem:$0x840] =	vst v1  }
0xdb: {  	[tilespmem:$0x820] =	vst v2  }
0xdc: {  	[tilespmem:$0x800] =	vst v3  }
0xdd: {  	[tilespmem:$0x830] =	vst v4  }
0xde: {  	[tilespmem:$0x810] =	vst v5  }
0xdf: {  	[tilespmem:s7], [sflag:$0x1] =	stream.indirect.gather [hbm4b:s18+s11], $0x80, s1, s11, $0xb8;
	[tilespmem:$0x1AD80] =	vst v63  }
0xe0: {  	_ =	swait.ge [sflag:s12], $0x2800  }
0xe1: {  	[sflag:s12] =	ssyncset.done $0x0  }
0xe2: {  	[sflag:s12] =	ssyncadd.s32 $0xFFFFD800  }
0xe3: {  	[spmem:s21] =	stream.indirect.scatter.add.f32 [tilespmem:s7], [sflag:$0x3], $0x80, s13, s11, $0xb8;
	[tilespmem:$0x1AD80] =	vst v63  }
0xe4: {  	_ =	swait.ge [sflag:s5], $0x2800  }
0xe5: {  	[sflag:s5] =	ssyncset.done $0x0  }
0xe6: {  	[sflag:s5] =	ssyncadd.s32 $0xFFFFD800  }
0xe7: {  	v1 =	vld [tilespmem:$0x4C0]  }
0xe8: {  	v2 =	vld [tilespmem:$0x4A0]  }
0xe9: {  	v3 =	vld [tilespmem:$0x490]  }
0xea: {  	v4 =	vld [tilespmem:$0x4B0]  }
0xeb: {  	v5 =	vld [tilespmem:$0x480]  }
0xec: {  	[tilespmem:$0x8C0] =	vst v1  }
0xed: {  	[tilespmem:$0x8A0] =	vst v2  }
0xee: {  	[tilespmem:$0x890] =	vst v3  }
0xef: {  	[tilespmem:$0x8B0] =	vst v4  }
0xf0: {  	[tilespmem:$0x880] =	vst v5  }
0xf1: {  	[tilespmem:s15], [sflag:$0x2] =	stream.indirect.gather [hbm4b:s18+s11], $0x80, s14, s11, $0xb8;
	[tilespmem:$0x1AD80] =	vst v63  }
0xf2: {  	_ =	swait.ge [sflag:s16], $0x2800  }
0xf3: {  	[sflag:s16] =	ssyncset.done $0x0  }
0xf4: {  	[sflag:s16] =	ssyncadd.s32 $0xFFFFD800  }
0xf5: {  	[spmem:s21] =	stream.indirect.scatter.add.f32 [tilespmem:s15], [sflag:$0x4], $0x80, s17, s11, $0xb8;
	[tilespmem:$0x1AD80] =	vst v63  }
0xf6: {  	_ =	swait.ge [sflag:s25], $0x2800  }
0xf7: {  	[sflag:s25] =	ssyncset.done $0x0  }
0xf8: {  	[sflag:s25] =	ssyncadd.s32 $0xFFFFD800  }
0xf9: {  	v1 =	vld [tilespmem:$0x510]  }
0xfa: {  	v2 =	vld [tilespmem:$0x500]  }
0xfb: {  	v3 =	vld [tilespmem:$0x530]  }
0xfc: {  	v4 =	vld [tilespmem:$0x520]  }
0xfd: {  	v5 =	vld [tilespmem:$0x540]  }
0xfe: {  	[tilespmem:$0x810] =	vst v1  }
0xff: {  	[tilespmem:$0x800] =	vst v2  }
0x100: {  	[tilespmem:$0x830] =	vst v3  }
0x101: {  	[tilespmem:$0x820] =	vst v4  }
0x102: {  	[tilespmem:$0x840] =	vst v5  }
0x103: {  	[tilespmem:s7], [sflag:$0x1] =	stream.indirect.gather [hbm4b:s18+s11], $0x80, s4, s11, $0xb8;
	[tilespmem:$0x1AD80] =	vst v63  }
0x104: {  	_ =	swait.ge [sflag:s12], $0x2800  }
0x105: {  	[sflag:s12] =	ssyncset.done $0x0  }
0x106: {  	[sflag:s12] =	ssyncadd.s32 $0xFFFFD800  }
0x107: {  	[spmem:s21] =	stream.indirect.scatter.add.f32 [tilespmem:s7], [sflag:$0x3], $0x80, s13, s11, $0xb8;
	[tilespmem:$0x1AD80] =	vst v63  }
0x108: {  	_ =	swait.ge [sflag:s5], $0x2800  }
0x109: {  	[sflag:s5] =	ssyncset.done $0x0  }
0x10a: {  	[sflag:s5] =	ssyncadd.s32 $0xFFFFD800  }
0x10b: {  	v1 =	vld [tilespmem:$0x5B0]  }
0x10c: {  	v2 =	vld [tilespmem:$0x580]  }
0x10d: {  	v3 =	vld [tilespmem:$0x5C0]  }
0x10e: {  	s19 =	simm.s32 $0x800;
	v4 =	vld [tilespmem:$0x590]  }
.LBB2_6:
0x10f: {  	p2 =	sne.s32 s19, $0x6000;
	v5 =	vld [tilespmem:$0x5A0];
	s0 =	smov.u32 s19;
	s19 =	sadd.s32 $0x400, s19  }
0x110: {  	[tilespmem:$0x8B0] =	vst v1  }
0x111: {  	[tilespmem:$0x880] =	vst v2  }
0x112: {  	[tilespmem:$0x8C0] =	vst v3  }
0x113: {  	[tilespmem:$0x890] =	vst v4  }
0x114: {  	[tilespmem:$0x8A0] =	vst v5  }
0x115: {  	[tilespmem:s15], [sflag:$0x2] =	stream.indirect.gather [hbm4b:s18+s11], $0x80, s6, s11, $0xb8;
	[tilespmem:$0x1AD80] =	vst v63  }
0x116: {  	_ =	swait.ge [sflag:s16], $0x2800  }
0x117: {  	[sflag:s16] =	ssyncset.done $0x0  }
0x118: {  	[sflag:s16] =	ssyncadd.s32 $0xFFFFD800  }
0x119: {  	[spmem:s21] =	stream.indirect.scatter.add.f32 [tilespmem:s15], [sflag:$0x4], $0x80, s17, s11, $0xb8;
	[tilespmem:$0x1AD80] =	vst v63  }
0x11a: {  	_ =	swait.ge [sflag:s25], $0x2800  }
0x11b: {  	[sflag:s25] =	ssyncset.done $0x0  }
0x11c: {  	[sflag:s25] =	ssyncadd.s32 $0xFFFFD800  }
0x11d: {  	v1 =	vld [tilespmem:$0x600]  }
0x11e: {  	v2 =	vld [tilespmem:$0x610]  }
0x11f: {  	v3 =	vld [tilespmem:$0x620]  }
0x120: {  	v4 =	vld [tilespmem:$0x640]  }
0x121: {  	v5 =	vld [tilespmem:$0x630]  }
0x122: {  	[tilespmem:$0x800] =	vst v1  }
0x123: {  	[tilespmem:$0x810] =	vst v2  }
0x124: {  	[tilespmem:$0x820] =	vst v3  }
0x125: {  	[tilespmem:$0x840] =	vst v4  }
0x126: {  	s0 =	sadd.s32 s0, s22;
	[tilespmem:$0x830] =	vst v5  }
0x127: {  	[tilespmem:s7], [sflag:$0x1] =	stream.indirect.gather [hbm4b:s18+s11], $0x80, s26, s11, $0xb8;
	[tilespmem:$0x1AD80] =	vst v63  }
0x128: {  	s0 =	sshrl.u32 s0, $0x3;
	_ =	swait.ge [sflag:s12], $0x2800  }
0x129: {  	[sflag:s12] =	ssyncset.done $0x0  }
0x12a: {  	[sflag:s12] =	ssyncadd.s32 $0xFFFFD800  }
0x12b: {  	[spmem:s21] =	stream.indirect.scatter.add.f32 [tilespmem:s7], [sflag:$0x3], $0x80, s13, s11, $0xb8;
	[tilespmem:$0x1AD80] =	vst v63  }
0x12c: {  	s2 =	sadd.s32 s20, s0;
	_ =	sdelay $0x1  }
0x12d: {  	[tilespmem:s1], [sflag:$0x5] =	stream.linear.gather [hbm4b:s2+s1], $0x280, $0x38;
	[tilespmem:$0x1AD80] =	vst v63  }
0x12e: {  	s0 =	sadd.s32 s23, s0  }
0x12f: {  	[tilespmem:s28], [sflag:$0x6] =	stream.linear.gather [hbm4b:s0+s1], $0x280, $0x38;
	[tilespmem:$0x1AD80] =	vst v63  }
0x130: {  	_ =	swait.ge [sflag:s9], $0x280  }
0x131: {  	[sflag:s9] =	ssyncset.done $0x0  }
0x132: {  	[sflag:s9] =	ssyncadd.s32 $0xFFFFFD80  }
0x133: {  	_ =	swait.ge [sflag:s10], $0x280  }
0x134: {  	[sflag:s10] =	ssyncset.done $0x0  }
0x135: {  	[sflag:s10] =	ssyncadd.s32 $0xFFFFFD80  }
0x136: {  	_ =	swait.ge [sflag:s25], $0x2800  }
0x137: {  	[sflag:s25] =	ssyncset.done $0x0  }
0x138: {  	[sflag:s25] =	ssyncadd.s32 $0xFFFFD800  }
0x139: {  	v1 =	vld [tilespmem:$0x440]  }
0x13a: {  	v2 =	vld [tilespmem:$0x420]  }
0x13b: {  	v3 =	vld [tilespmem:$0x400]  }
0x13c: {  	v4 =	vld [tilespmem:$0x430]  }
0x13d: {  	v5 =	vld [tilespmem:$0x410]  }
0x13e: {  	[tilespmem:$0x840] =	vst v1  }
0x13f: {  	[tilespmem:$0x820] =	vst v2  }
0x140: {  	[tilespmem:$0x800] =	vst v3  }
0x141: {  	[tilespmem:$0x830] =	vst v4  }
0x142: {  	[tilespmem:$0x810] =	vst v5  }
0x143: {  	[tilespmem:s7], [sflag:$0x1] =	stream.indirect.gather [hbm4b:s18+s11], $0x80, s1, s11, $0xb8;
	[tilespmem:$0x1AD80] =	vst v63  }
0x144: {  	_ =	swait.ge [sflag:s12], $0x2800  }
0x145: {  	[sflag:s12] =	ssyncset.done $0x0  }
0x146: {  	[sflag:s12] =	ssyncadd.s32 $0xFFFFD800  }
0x147: {  	[spmem:s21] =	stream.indirect.scatter.add.f32 [tilespmem:s7], [sflag:$0x3], $0x80, s13, s11, $0xb8;
	[tilespmem:$0x1AD80] =	vst v63  }
0x148: {  	_ =	swait.ge [sflag:s5], $0x2800  }
0x149: {  	[sflag:s5] =	ssyncset.done $0x0  }
0x14a: {  	[sflag:s5] =	ssyncadd.s32 $0xFFFFD800  }
0x14b: {  	v1 =	vld [tilespmem:$0x4C0]  }
0x14c: {  	v2 =	vld [tilespmem:$0x4A0]  }
0x14d: {  	v3 =	vld [tilespmem:$0x490]  }
0x14e: {  	v4 =	vld [tilespmem:$0x4B0]  }
0x14f: {  	v5 =	vld [tilespmem:$0x480]  }
0x150: {  	[tilespmem:$0x8C0] =	vst v1  }
0x151: {  	[tilespmem:$0x8A0] =	vst v2  }
0x152: {  	[tilespmem:$0x890] =	vst v3  }
0x153: {  	[tilespmem:$0x8B0] =	vst v4  }
0x154: {  	[tilespmem:$0x880] =	vst v5  }
0x155: {  	[tilespmem:s15], [sflag:$0x2] =	stream.indirect.gather [hbm4b:s18+s11], $0x80, s14, s11, $0xb8;
	[tilespmem:$0x1AD80] =	vst v63  }
0x156: {  	_ =	swait.ge [sflag:s16], $0x2800  }
0x157: {  	[sflag:s16] =	ssyncset.done $0x0  }
0x158: {  	[sflag:s16] =	ssyncadd.s32 $0xFFFFD800  }
0x159: {  	[spmem:s21] =	stream.indirect.scatter.add.f32 [tilespmem:s15], [sflag:$0x4], $0x80, s17, s11, $0xb8;
	[tilespmem:$0x1AD80] =	vst v63  }
0x15a: {  	_ =	swait.ge [sflag:s25], $0x2800  }
0x15b: {  	[sflag:s25] =	ssyncset.done $0x0  }
0x15c: {  	[sflag:s25] =	ssyncadd.s32 $0xFFFFD800  }
0x15d: {  	v1 =	vld [tilespmem:$0x510]  }
0x15e: {  	v2 =	vld [tilespmem:$0x500]  }
0x15f: {  	v3 =	vld [tilespmem:$0x530]  }
0x160: {  	v4 =	vld [tilespmem:$0x520]  }
0x161: {  	v5 =	vld [tilespmem:$0x540]  }
0x162: {  	[tilespmem:$0x810] =	vst v1  }
0x163: {  	[tilespmem:$0x800] =	vst v2  }
0x164: {  	[tilespmem:$0x830] =	vst v3  }
0x165: {  	[tilespmem:$0x820] =	vst v4  }
0x166: {  	[tilespmem:$0x840] =	vst v5  }
0x167: {  	[tilespmem:s7], [sflag:$0x1] =	stream.indirect.gather [hbm4b:s18+s11], $0x80, s4, s11, $0xb8;
	[tilespmem:$0x1AD80] =	vst v63  }
0x168: {  	_ =	swait.ge [sflag:s12], $0x2800  }
0x169: {  	[sflag:s12] =	ssyncset.done $0x0  }
0x16a: {  	[sflag:s12] =	ssyncadd.s32 $0xFFFFD800  }
0x16b: {  	[spmem:s21] =	stream.indirect.scatter.add.f32 [tilespmem:s7], [sflag:$0x3], $0x80, s13, s11, $0xb8;
	[tilespmem:$0x1AD80] =	vst v63  }
0x16c: {  	_ =	swait.ge [sflag:s5], $0x2800  }
0x16d: {  	[sflag:s5] =	ssyncset.done $0x0  }
.Ltmp2:
0x16e: {  	[sflag:s5] =	ssyncadd.s32 $0xFFFFD800;
	(pc) =	sbr.rel @p2 .LBB2_6-.Ltmp2, $4  }
0x16f: {  	v1 =	vld [tilespmem:$0x5B0]  }
0x170: {  	v2 =	vld [tilespmem:$0x580]  }
0x171: {  	v3 =	vld [tilespmem:$0x5C0]  }
0x172: {  	v4 =	vld [tilespmem:$0x590]  }
0x173: {  	v5 =	vld [tilespmem:$0x5A0]  }
0x174: {  	[tilespmem:$0x8B0] =	vst v1  }
0x175: {  	[tilespmem:$0x880] =	vst v2  }
0x176: {  	[tilespmem:$0x8C0] =	vst v3  }
0x177: {  	[tilespmem:$0x890] =	vst v4  }
0x178: {  	[tilespmem:$0x8A0] =	vst v5  }
0x179: {  	[tilespmem:s15], [sflag:$0x2] =	stream.indirect.gather [hbm4b:s18+s11], $0x80, s6, s11, $0xb8;
	[tilespmem:$0x1AD80] =	vst v63  }
0x17a: {  	_ =	swait.ge [sflag:s16], $0x2800  }
0x17b: {  	[sflag:s16] =	ssyncset.done $0x0  }
0x17c: {  	[sflag:s16] =	ssyncadd.s32 $0xFFFFD800  }
0x17d: {  	[spmem:s21] =	stream.indirect.scatter.add.f32 [tilespmem:s15], [sflag:$0x4], $0x80, s17, s11, $0xb8;
	[tilespmem:$0x1AD80] =	vst v63  }
0x17e: {  	_ =	swait.ge [sflag:s25], $0x2800  }
0x17f: {  	[sflag:s25] =	ssyncset.done $0x0  }
0x180: {  	[sflag:s25] =	ssyncadd.s32 $0xFFFFD800  }
0x181: {  	v1 =	vld [tilespmem:$0x600]  }
0x182: {  	v2 =	vld [tilespmem:$0x610]  }
0x183: {  	v3 =	vld [tilespmem:$0x620]  }
0x184: {  	v62 =	vld [tilespmem:$0x640]  }
0x185: {  	v63 =	vld [tilespmem:$0x630]  }
0x186: {  	[tilespmem:$0x800] =	vst v1  }
0x187: {  	[tilespmem:$0x810] =	vst v2  }
0x188: {  	[tilespmem:$0x820] =	vst v3  }
0x189: {  	[tilespmem:$0x840] =	vst v62  }
0x18a: {  	[tilespmem:$0x830] =	vst v63  }
0x18b: {  	[tilespmem:s7], [sflag:$0x1] =	stream.indirect.gather [hbm4b:s18+s11], $0x80, s26, s11, $0xb8;
	[tilespmem:$0x1AD80] =	vst v63  }
0x18c: {  	_ =	swait.ge [sflag:s12], $0x2800  }
0x18d: {  	[sflag:s12] =	ssyncset.done $0x0  }
0x18e: {  	[sflag:s12] =	ssyncadd.s32 $0xFFFFD800  }
0x18f: {  	[spmem:s21] =	stream.indirect.scatter.add.f32 [tilespmem:s7], [sflag:$0x3], $0x80, s13, s11, $0xb8;
	[tilespmem:$0x1AD80] =	vst v63  }
0x190: {  	_ =	swait.ge [sflag:s25], $0x2800  }
0x191: {  	[sflag:s25] =	ssyncset.done $0x0  }
0x192: {  	[sflag:s25] =	ssyncadd.s32 $0xFFFFD800  }
0x193: {  	_ =	swait.ge [sflag:s5], $0x2800  }
0x194: {  	[sflag:s5] =	ssyncset.done $0x0  }
0x195: {  	[sflag:s5] =	ssyncadd.s32 $0xFFFFD800  }
0x196: {  	[bflag:$0x0] =	sbarrier.arrive $0xFFFF  }
0x197: {  	[tilespmem:s7], [sflag:$0x1] =	stream.linear.gather [spmem:s30], $0x2800, $0x38;
	[tilespmem:$0x1AD80] =	vst v63  }
0x198: {  	_ =	swait.ge [sflag:s12], $0x2800  }
0x199: {  	[sflag:s12] =	ssyncset.done $0x0  }
0x19a: {  	s0 =	rddreg [dreg:$0x5];
	[sflag:s12] =	ssyncadd.s32 $0xFFFFD800  }
0x19b: {  	[hbm4b:s0+s1] =	stream.linear.scatter [tilespmem:s7], [sflag:$0x5], $0x2800, $0x38;
	[tilespmem:$0x1AD80] =	vst v63  }
0x19c: {  	s2 =	rddreg [dreg:$0x17]  }
0x19d: {  	[tilespmem:s15], [sflag:$0x2] =	stream.linear.gather [spmem:s2], $0x2800, $0x38;
	[tilespmem:$0x1AD80] =	vst v63  }
0x19e: {  	_ =	swait.ge [sflag:s16], $0x2800  }
0x19f: {  	[sflag:s16] =	ssyncset.done $0x0  }
0x1a0: {  	s3 =	rddreg [dreg:$0x6];
	[sflag:s16] =	ssyncadd.s32 $0xFFFFD800  }
0x1a1: {  	[hbm4b:s3+s1] =	stream.linear.scatter [tilespmem:s15], [sflag:$0x6], $0x2800, $0x38;
	[tilespmem:$0x1AD80] =	vst v63  }
0x1a2: {  	_ =	swait.ge [sflag:s9], $0x2800  }
0x1a3: {  	[sflag:s9] =	ssyncset.done $0x0  }
0x1a4: {  	[sflag:s9] =	ssyncadd.s32 $0xFFFFD800  }
0x1a5: {  	[tilespmem:s7], [sflag:$0x1] =	stream.linear.gather [spmem:s31], $0x2800, $0x38;
	[tilespmem:$0x1AD80] =	vst v63  }
0x1a6: {  	_ =	swait.ge [sflag:s12], $0x2800  }
0x1a7: {  	[sflag:s12] =	ssyncset.done $0x0  }
0x1a8: {  	s19 =	rddreg [dreg:$0x7];
	[sflag:s12] =	ssyncadd.s32 $0xFFFFD800  }
0x1a9: {  	[hbm4b:s19+s1] =	stream.linear.scatter [tilespmem:s7], [sflag:$0x5], $0x2800, $0x38;
	[tilespmem:$0x1AD80] =	vst v63  }
0x1aa: {  	_ =	swait.ge [sflag:s10], $0x2800  }
0x1ab: {  	[sflag:s10] =	ssyncset.done $0x0  }
0x1ac: {  	s29 =	rddreg [dreg:$0x19];
	[sflag:s10] =	ssyncadd.s32 $0xFFFFD800  }
0x1ad: {  	[tilespmem:s15], [sflag:$0x2] =	stream.linear.gather [spmem:s29], $0x2800, $0x38;
	[tilespmem:$0x1AD80] =	vst v63  }
0x1ae: {  	_ =	swait.ge [sflag:s16], $0x2800  }
0x1af: {  	[sflag:s16] =	ssyncset.done $0x0  }
0x1b0: {  	s2 =	rddreg [dreg:$0x8];
	[sflag:s16] =	ssyncadd.s32 $0xFFFFD800  }
0x1b1: {  	[hbm4b:s2+s1] =	stream.linear.scatter [tilespmem:s15], [sflag:$0x6], $0x2800, $0x38;
	[tilespmem:$0x1AD80] =	vst v63  }
0x1b2: {  	_ =	swait.ge [sflag:s9], $0x2800  }
0x1b3: {  	[sflag:s9] =	ssyncset.done $0x0  }
0x1b4: {  	s3 =	rddreg [dreg:$0x1a];
	[sflag:s9] =	ssyncadd.s32 $0xFFFFD800  }
0x1b5: {  	[tilespmem:s7], [sflag:$0x1] =	stream.linear.gather [spmem:s3], $0x2800, $0x38;
	[tilespmem:$0x1AD80] =	vst v63  }
0x1b6: {  	_ =	swait.ge [sflag:s12], $0x2800  }
0x1b7: {  	[sflag:s12] =	ssyncset.done $0x0  }
0x1b8: {  	s19 =	rddreg [dreg:$0x9];
	[sflag:s12] =	ssyncadd.s32 $0xFFFFD800  }
0x1b9: {  	[hbm4b:s19+s1] =	stream.linear.scatter [tilespmem:s7], [sflag:$0x5], $0x2800, $0x38;
	[tilespmem:$0x1AD80] =	vst v63  }
0x1ba: {  	_ =	swait.ge [sflag:s10], $0x2800  }
0x1bb: {  	[sflag:s10] =	ssyncset.done $0x0  }
0x1bc: {  	s29 =	rddreg [dreg:$0x1b];
	[sflag:s10] =	ssyncadd.s32 $0xFFFFD800  }
0x1bd: {  	[tilespmem:s15], [sflag:$0x2] =	stream.linear.gather [spmem:s29], $0x2800, $0x38;
	[tilespmem:$0x1AD80] =	vst v63  }
0x1be: {  	_ =	swait.ge [sflag:s16], $0x2800  }
0x1bf: {  	[sflag:s16] =	ssyncset.done $0x0  }
0x1c0: {  	s2 =	rddreg [dreg:$0xa];
	[sflag:s16] =	ssyncadd.s32 $0xFFFFD800  }
0x1c1: {  	[hbm4b:s2+s1] =	stream.linear.scatter [tilespmem:s15], [sflag:$0x6], $0x2800, $0x38;
	[tilespmem:$0x1AD80] =	vst v63  }
0x1c2: {  	_ =	swait.ge [sflag:s9], $0x2800  }
0x1c3: {  	[sflag:s9] =	ssyncset.done $0x0  }
0x1c4: {  	s3 =	rddreg [dreg:$0x1c];
	[sflag:s9] =	ssyncadd.s32 $0xFFFFD800  }
0x1c5: {  	[tilespmem:s7], [sflag:$0x1] =	stream.linear.gather [spmem:s3], $0x2800, $0x38;
	[tilespmem:$0x1AD80] =	vst v63  }
0x1c6: {  	_ =	swait.ge [sflag:s12], $0x2800  }
0x1c7: {  	[sflag:s12] =	ssyncset.done $0x0  }
0x1c8: {  	s0 =	simm.s32 @!p1 $0x6;
	s19 =	rddreg [dreg:$0xb];
	[sflag:s12] =	ssyncadd.s32 $0xFFFFD800  }
0x1c9: {  	[hbm4b:s19+s1] =	stream.linear.scatter [tilespmem:s7], [sflag:$0x5], $0x2800, $0x38;
	[tilespmem:$0x1AD80] =	vst v63  }
0x1ca: {  	_ =	swait.ge @!p1 [sflag:s0], $0x2800  }
0x1cb: {  	[sflag:s0] =	ssyncset.done @!p1 $0x0  }
0x1cc: {  	s2 =	rddreg [dreg:$0x1d];
	[sflag:s0] =	ssyncadd.s32 @!p1 $0xFFFFD800;
	s0 =	simm.s32 @!p1 $0x3100  }
0x1cd: {  	[tilespmem:s0], [sflag:$0x2] =	stream.linear.gather @!p1 [spmem:s2], $0x2800, $0x38;
	[tilespmem:$0x1AD80] =	vst v63  }
0x1ce: {  	s2 =	simm.s32 @!p1 $0x2  }
0x1cf: {  	_ =	swait.ge @!p1 [sflag:s2], $0x2800  }
0x1d0: {  	[sflag:s2] =	ssyncset.done @!p1 $0x0  }
0x1d1: {  	s3 =	rddreg [dreg:$0xc];
	[sflag:s2] =	ssyncadd.s32 @!p1 $0xFFFFD800;
	s2 =	simm.s32 @!p1 $0x0  }
0x1d2: {  	[hbm4b:s3+s2] =	stream.linear.scatter @!p1 [tilespmem:s0], [sflag:$0x6], $0x2800, $0x38;
	[tilespmem:$0x1AD80] =	vst v63  }
0x1d3: {  	_ =	swait.ge [sflag:s9], $0x2800  }
0x1d4: {  	[sflag:s9] =	ssyncset.done $0x0  }
0x1d5: {  	[sflag:s9] =	ssyncadd.s32 $0xFFFFD800  }
0x1d6: {  	s8 =	smov.u32 s30;
	s19 =	simm.s32 $0x0;
	_ =	swait.ge [sflag:s10], $0x2800  }
0x1d7: {  	s29 =	sand.u32 $0xFE00, s19;
	s31 =	sand.u32 $0x70, s19;
	[sflag:s10] =	ssyncset.done $0x0  }
0x1d8: {  	s0 =	sshrl.u32 s29, $0x2;
	s2 =	simm.s32 $0x40;
	[sflag:s10] =	ssyncadd.s32 $0xFFFFD800  }
0x1d9: {  	s3 =	simm.s32 $0x0;
	s30 =	sor.u32 s31, s0;
	[bflag:$0x0] =	sbarrier.arrive $0xFFFF  }
.LBB2_8:
0x1da: {  	p2 =	sne.s32 s2, $0x9FC0  }
0x1db: {  	[tilespmem:s30+$0x900] =	vst v0;
	s3 =	sadd.s32 $0x10, s3;
	s30 =	smov.u32 s2;
	s2 =	sadd.s32 $0x40, s2  }
.Ltmp3:
0x1dc: {  	(pc) =	sbr.rel @p2 .LBB2_8-.Ltmp3, $4  }
0x1dd: {  	_ = 	snop  }
0x1de: {  	s30 =	sand.u32 $0xFE00, s30  }
0x1df: {  	s29 =	sand.u32 $0x70, s3;
	s30 =	sshrl.u32 s30, $0x2  }
0x1e0: {  	s30 =	sor.u32 s29, s30  }
0x1e1: {  	[tilespmem:s30+$0x900] =	vst v0;
	s2 =	simm.s32 $0x40;
	s0 =	sor.u32 s31, s0  }
.LBB2_10:
0x1e2: {  	p2 =	sne.s32 s2, $0x9FC0  }
0x1e3: {  	[tilespmem:s0+$0x3100] =	vst v0;
	s19 =	sadd.s32 $0x10, s19;
	s0 =	smov.u32 s2;
	s2 =	sadd.s32 $0x40, s2  }
.Ltmp4:
0x1e4: {  	(pc) =	sbr.rel @p2 .LBB2_10-.Ltmp4, $4  }
0x1e5: {  	_ = 	snop  }
0x1e6: {  	s0 =	sand.u32 $0xFE00, s0  }
0x1e7: {  	s3 =	sand.u32 $0x70, s19;
	s0 =	sshrl.u32 s0, $0x2  }
0x1e8: {  	s0 =	sor.u32 s3, s0  }
0x1e9: {  	[tilespmem:s0+$0x3100] =	vst v0;
	s2 =	simm.s32 $0x7  }
0x1ea: {  	[spmem:s8] =	stream.linear.scatter [tilespmem:s7], [sflag:$0x7], $0x2800, $0x38;
	[tilespmem:$0x1AD80] =	vst v63  }
0x1eb: {  	_ =	swait.ge [sflag:s2], $0x2800  }
0x1ec: {  	[sflag:s2] =	ssyncset.done $0x0  }
0x1ed: {  	s30 =	smov.u32 s8;
	s8 =	rddreg [dreg:$0x17];
	[sflag:s2] =	ssyncadd.s32 $0xFFFFD800  }
0x1ee: {  	[spmem:s8] =	stream.linear.scatter [tilespmem:s7], [sflag:$0x7], $0x2800, $0x38;
	[tilespmem:$0x1AD80] =	vst v63  }
0x1ef: {  	_ =	swait.ge [sflag:s2], $0x2800  }
0x1f0: {  	[sflag:s2] =	ssyncset.done $0x0  }
0x1f1: {  	s3 =	rddreg [dreg:$0x18];
	[sflag:s2] =	ssyncadd.s32 $0xFFFFD800  }
0x1f2: {  	[spmem:s3] =	stream.linear.scatter [tilespmem:s7], [sflag:$0x7], $0x2800, $0x38;
	[tilespmem:$0x1AD80] =	vst v63  }
0x1f3: {  	_ =	swait.ge [sflag:s2], $0x2800  }
0x1f4: {  	[sflag:s2] =	ssyncset.done $0x0  }
0x1f5: {  	s19 =	rddreg [dreg:$0x19];
	[sflag:s2] =	ssyncadd.s32 $0xFFFFD800  }
0x1f6: {  	[spmem:s19] =	stream.linear.scatter [tilespmem:s7], [sflag:$0x7], $0x2800, $0x38;
	[tilespmem:$0x1AD80] =	vst v63  }
0x1f7: {  	_ =	swait.ge [sflag:s2], $0x2800  }
0x1f8: {  	[sflag:s2] =	ssyncset.done $0x0  }
0x1f9: {  	s3 =	rddreg [dreg:$0x1a];
	[sflag:s2] =	ssyncadd.s32 $0xFFFFD800  }
0x1fa: {  	[spmem:s3] =	stream.linear.scatter [tilespmem:s7], [sflag:$0x7], $0x2800, $0x38;
	[tilespmem:$0x1AD80] =	vst v63  }
0x1fb: {  	_ =	swait.ge [sflag:s2], $0x2800  }
0x1fc: {  	[sflag:s2] =	ssyncset.done $0x0  }
0x1fd: {  	s19 =	rddreg [dreg:$0x1b];
	[sflag:s2] =	ssyncadd.s32 $0xFFFFD800  }
0x1fe: {  	[spmem:s19] =	stream.linear.scatter [tilespmem:s7], [sflag:$0x7], $0x2800, $0x38;
	[tilespmem:$0x1AD80] =	vst v63  }
0x1ff: {  	_ =	swait.ge [sflag:s2], $0x2800  }
0x200: {  	[sflag:s2] =	ssyncset.done $0x0  }
0x201: {  	s3 =	rddreg [dreg:$0x1c];
	[sflag:s2] =	ssyncadd.s32 $0xFFFFD800  }
0x202: {  	[spmem:s3] =	stream.linear.scatter [tilespmem:s7], [sflag:$0x7], $0x2800, $0x38;
	[tilespmem:$0x1AD80] =	vst v63  }
0x203: {  	_ =	swait.ge [sflag:s2], $0x2800  }
0x204: {  	[sflag:s2] =	ssyncset.done $0x0  }
0x205: {  	s0 =	simm.s32 @!p0 $0x900;
	[sflag:s2] =	ssyncadd.s32 $0xFFFFD800;
	s2 =	rddreg [dreg:$0x1d]  }
0x206: {  	[spmem:s2] =	stream.linear.scatter @!p0 [tilespmem:s0], [sflag:$0x7], $0x2800, $0x38;
	[tilespmem:$0x1AD80] =	vst v63  }
0x207: {  	s0 =	simm.s32 @!p0 $0x7  }
0x208: {  	_ =	swait.ge @!p0 [sflag:s0], $0x2800  }
0x209: {  	[sflag:s0] =	ssyncset.done @!p0 $0x0  }
0x20a: {  	[sflag:s0] =	ssyncadd.s32 @!p0 $0xFFFFD800  }
0x20b: {  	[bflag:$0x0] =	sbarrier.arrive $0xFFFF  }
0x20c: {  	s31 =	simm.s32 $0x400;
	s29 =	rddreg [dreg:$0x16]  }
0x20d: {  	[tilespmem:s31], [sflag:$0x5] =	stream.linear.gather [hbm4b:s29+s1], $0x280, $0x38;
	[tilespmem:$0x1AD80] =	vst v63  }
0x20e: {  	s2 =	simm.s32 $0x5900;
	s19 =	rddreg [dreg:$0x1e]  }
0x20f: {  	[tilespmem:s2], [sflag:$0x6] =	stream.linear.gather [hbm4b:s19+s1], $0x1900, $0x38;
	[tilespmem:$0x1AD80] =	vst v63  }
0x210: {  	_ =	swait.ge [sflag:s9], $0x280  }
0x211: {  	[sflag:s9] =	ssyncset.done $0x0  }
0x212: {  	[sflag:s9] =	ssyncadd.s32 $0xFFFFFD80  }
0x213: {  	_ =	swait.ge [sflag:s10], $0x1900  }
0x214: {  	[sflag:s10] =	ssyncset.done $0x0  }
0x215: {  	[sflag:s10] =	ssyncadd.s32 $0xFFFFE700  }
0x216: {  	v1 =	vld [tilespmem:$0x400]  }
0x217: {  	v2 =	vld [tilespmem:$0x410]  }
0x218: {  	v3 =	vld [tilespmem:$0x420]  }
0x219: {  	v4 =	vld [tilespmem:$0x430]  }
0x21a: {  	v5 =	vld [tilespmem:$0x440]  }
0x21b: {  	v9 =	vld [tilespmem:$0x5930];
	[tilespmem:$0x800] =	vst v1  }
0x21c: {  	v10 =	vld [tilespmem:$0x5940];
	[tilespmem:$0x810] =	vst v2  }
0x21d: {  	v1 =	vld [tilespmem:$0x5900];
	[tilespmem:$0x820] =	vst v3  }
0x21e: {  	v2 =	vld [tilespmem:$0x5910];
	[tilespmem:$0x830] =	vst v4  }
0x21f: {  	v3 =	vld [tilespmem:$0x5920];
	[tilespmem:$0x840] =	vst v5  }
0x220: {  	v11 =	vld [tilespmem:$0x5980];
	[tilespmem:$0xA80] =	vst v9  }
0x221: {  	v12 =	vld [tilespmem:$0x5990];
	[tilespmem:$0xB00] =	vst v10  }
0x222: {  	[tilespmem:$0x900] =	vst v1;
	v1 =	vld [tilespmem:$0x5950]  }
0x223: {  	[tilespmem:$0x980] =	vst v2;
	v2 =	vld [tilespmem:$0x5960]  }
0x224: {  	[tilespmem:$0xA00] =	vst v3;
	v3 =	vld [tilespmem:$0x5970]  }
0x225: {  	v13 =	vld [tilespmem:$0x59D0];
	[tilespmem:$0xD00] =	vst v11  }
0x226: {  	v14 =	vld [tilespmem:$0x59E0];
	[tilespmem:$0xD80] =	vst v12  }
0x227: {  	[tilespmem:$0xB80] =	vst v1;
	v1 =	vld [tilespmem:$0x59A0]  }
0x228: {  	[tilespmem:$0xC00] =	vst v2;
	v2 =	vld [tilespmem:$0x59B0]  }
0x229: {  	[tilespmem:$0xC80] =	vst v3;
	v3 =	vld [tilespmem:$0x59C0]  }
0x22a: {  	v15 =	vld [tilespmem:$0x5A20];
	[tilespmem:$0xF80] =	vst v13  }
0x22b: {  	v16 =	vld [tilespmem:$0x5A30];
	[tilespmem:$0x1000] =	vst v14  }
0x22c: {  	[tilespmem:$0xE00] =	vst v1;
	v1 =	vld [tilespmem:$0x59F0]  }
0x22d: {  	[tilespmem:$0xE80] =	vst v2;
	v2 =	vld [tilespmem:$0x5A00]  }
0x22e: {  	[tilespmem:$0xF00] =	vst v3;
	v3 =	vld [tilespmem:$0x5A10]  }
0x22f: {  	v17 =	vld [tilespmem:$0x5A70];
	[tilespmem:$0x1200] =	vst v15  }
0x230: {  	v18 =	vld [tilespmem:$0x5A80];
	[tilespmem:$0x1280] =	vst v16  }
0x231: {  	[tilespmem:$0x1080] =	vst v1;
	v1 =	vld [tilespmem:$0x5A40]  }
0x232: {  	[tilespmem:$0x1100] =	vst v2;
	v2 =	vld [tilespmem:$0x5A50]  }
0x233: {  	[tilespmem:$0x1180] =	vst v3;
	v3 =	vld [tilespmem:$0x5A60]  }
0x234: {  	v19 =	vld [tilespmem:$0x5AC0];
	[tilespmem:$0x1480] =	vst v17  }
0x235: {  	v20 =	vld [tilespmem:$0x5AD0];
	[tilespmem:$0x1500] =	vst v18  }
0x236: {  	[tilespmem:$0x1300] =	vst v1;
	v1 =	vld [tilespmem:$0x5A90]  }
0x237: {  	[tilespmem:$0x1380] =	vst v2;
	v2 =	vld [tilespmem:$0x5AA0]  }
0x238: {  	[tilespmem:$0x1400] =	vst v3;
	v3 =	vld [tilespmem:$0x5AB0]  }
0x239: {  	v21 =	vld [tilespmem:$0x5B10];
	[tilespmem:$0x1700] =	vst v19  }
0x23a: {  	v22 =	vld [tilespmem:$0x5B20];
	[tilespmem:$0x1780] =	vst v20  }
0x23b: {  	[tilespmem:$0x1580] =	vst v1;
	v1 =	vld [tilespmem:$0x5AE0]  }
0x23c: {  	[tilespmem:$0x1600] =	vst v2;
	v2 =	vld [tilespmem:$0x5AF0]  }
0x23d: {  	[tilespmem:$0x1680] =	vst v3;
	v3 =	vld [tilespmem:$0x5B00]  }
0x23e: {  	v23 =	vld [tilespmem:$0x5B60];
	[tilespmem:$0x1980] =	vst v21  }
0x23f: {  	v24 =	vld [tilespmem:$0x5B70];
	[tilespmem:$0x1A00] =	vst v22  }
0x240: {  	[tilespmem:$0x1800] =	vst v1;
	v1 =	vld [tilespmem:$0x5B30]  }
0x241: {  	[tilespmem:$0x1880] =	vst v2;
	v2 =	vld [tilespmem:$0x5B40]  }
0x242: {  	[tilespmem:$0x1900] =	vst v3;
	v3 =	vld [tilespmem:$0x5B50]  }
0x243: {  	v25 =	vld [tilespmem:$0x5BB0];
	[tilespmem:$0x1C00] =	vst v23  }
0x244: {  	v26 =	vld [tilespmem:$0x5BC0];
	[tilespmem:$0x1C80] =	vst v24  }
0x245: {  	[tilespmem:$0x1A80] =	vst v1;
	v1 =	vld [tilespmem:$0x5B80]  }
0x246: {  	[tilespmem:$0x1B00] =	vst v2;
	v2 =	vld [tilespmem:$0x5B90]  }
0x247: {  	[tilespmem:$0x1B80] =	vst v3;
	v3 =	vld [tilespmem:$0x5BA0]  }
0x248: {  	v27 =	vld [tilespmem:$0x5C00];
	[tilespmem:$0x1E80] =	vst v25  }
0x249: {  	v28 =	vld [tilespmem:$0x5C10];
	[tilespmem:$0x1F00] =	vst v26  }
0x24a: {  	[tilespmem:$0x1D00] =	vst v1;
	v1 =	vld [tilespmem:$0x5BD0]  }
0x24b: {  	[tilespmem:$0x1D80] =	vst v2;
	v2 =	vld [tilespmem:$0x5BE0]  }
0x24c: {  	[tilespmem:$0x1E00] =	vst v3;
	v3 =	vld [tilespmem:$0x5BF0]  }
0x24d: {  	v29 =	vld [tilespmem:$0x5C50];
	[tilespmem:$0x2100] =	vst v27  }
0x24e: {  	v30 =	vld [tilespmem:$0x5C60];
	[tilespmem:$0x2180] =	vst v28  }
0x24f: {  	[tilespmem:$0x1F80] =	vst v1;
	v1 =	vld [tilespmem:$0x5C20]  }
0x250: {  	[tilespmem:$0x2000] =	vst v2;
	v2 =	vld [tilespmem:$0x5C30]  }
0x251: {  	[tilespmem:$0x2080] =	vst v3;
	v3 =	vld [tilespmem:$0x5C40]  }
0x252: {  	v31 =	vld [tilespmem:$0x5CA0];
	[tilespmem:$0x2380] =	vst v29  }
0x253: {  	v32 =	vld [tilespmem:$0x5CB0];
	[tilespmem:$0x2400] =	vst v30  }
0x254: {  	[tilespmem:$0x2200] =	vst v1;
	v1 =	vld [tilespmem:$0x5C70]  }
0x255: {  	[tilespmem:$0x2280] =	vst v2;
	v2 =	vld [tilespmem:$0x5C80]  }
0x256: {  	[tilespmem:$0x2300] =	vst v3;
	v3 =	vld [tilespmem:$0x5C90]  }
0x257: {  	v33 =	vld [tilespmem:$0x5CF0];
	[tilespmem:$0x2600] =	vst v31  }
0x258: {  	v34 =	vld [tilespmem:$0x5D00];
	[tilespmem:$0x2680] =	vst v32  }
0x259: {  	[tilespmem:$0x2480] =	vst v1;
	v1 =	vld [tilespmem:$0x5CC0]  }
0x25a: {  	[tilespmem:$0x2500] =	vst v2;
	v2 =	vld [tilespmem:$0x5CD0]  }
0x25b: {  	[tilespmem:$0x2580] =	vst v3;
	v3 =	vld [tilespmem:$0x5CE0]  }
0x25c: {  	v35 =	vld [tilespmem:$0x5D40];
	[tilespmem:$0x2880] =	vst v33  }
0x25d: {  	v36 =	vld [tilespmem:$0x5D50];
	[tilespmem:$0x2900] =	vst v34  }
0x25e: {  	[tilespmem:$0x2700] =	vst v1;
	v1 =	vld [tilespmem:$0x5D10]  }
0x25f: {  	[tilespmem:$0x2780] =	vst v2;
	v2 =	vld [tilespmem:$0x5D20]  }
0x260: {  	[tilespmem:$0x2800] =	vst v3;
	v3 =	vld [tilespmem:$0x5D30]  }
0x261: {  	v37 =	vld [tilespmem:$0x5D90];
	[tilespmem:$0x2B00] =	vst v35  }
0x262: {  	v38 =	vld [tilespmem:$0x5DA0];
	[tilespmem:$0x2B80] =	vst v36  }
0x263: {  	[tilespmem:$0x2980] =	vst v1;
	v1 =	vld [tilespmem:$0x5D60]  }
0x264: {  	[tilespmem:$0x2A00] =	vst v2;
	v2 =	vld [tilespmem:$0x5D70]  }
0x265: {  	[tilespmem:$0x2A80] =	vst v3;
	v3 =	vld [tilespmem:$0x5D80]  }
0x266: {  	v39 =	vld [tilespmem:$0x5DE0];
	[tilespmem:$0x2D80] =	vst v37  }
0x267: {  	v40 =	vld [tilespmem:$0x5DF0];
	[tilespmem:$0x2E00] =	vst v38  }
0x268: {  	[tilespmem:$0x2C00] =	vst v1;
	v1 =	vld [tilespmem:$0x5DB0]  }
0x269: {  	[tilespmem:$0x2C80] =	vst v2;
	v2 =	vld [tilespmem:$0x5DC0]  }
0x26a: {  	[tilespmem:$0x2D00] =	vst v3;
	v3 =	vld [tilespmem:$0x5DD0]  }
0x26b: {  	[tilespmem:$0x3000] =	vst v39  }
0x26c: {  	[tilespmem:$0x3080] =	vst v40  }
0x26d: {  	[tilespmem:$0x2E80] =	vst v1  }
0x26e: {  	[tilespmem:$0x2F00] =	vst v2  }
0x26f: {  	[tilespmem:$0x2F80] =	vst v3  }
0x270: {  	[spmem:s21] =	stream.indirect.scatter.add.f32 [tilespmem:s7], [sflag:$0x3], $0x80, s13, s11, $0xb8;
	[tilespmem:$0x1AD80] =	vst v63  }
0x271: {  	v1 =	vld [tilespmem:$0x480]  }
0x272: {  	v2 =	vld [tilespmem:$0x490]  }
0x273: {  	v3 =	vld [tilespmem:$0x4A0]  }
0x274: {  	v41 =	vld [tilespmem:$0x4B0]  }
0x275: {  	v42 =	vld [tilespmem:$0x4C0]  }
0x276: {  	v43 =	vld [tilespmem:$0x5E30];
	[tilespmem:$0x880] =	vst v1  }
0x277: {  	v44 =	vld [tilespmem:$0x5E40];
	[tilespmem:$0x890] =	vst v2  }
0x278: {  	v1 =	vld [tilespmem:$0x5E00];
	[tilespmem:$0x8A0] =	vst v3  }
0x279: {  	v2 =	vld [tilespmem:$0x5E10];
	[tilespmem:$0x8B0] =	vst v41  }
0x27a: {  	v3 =	vld [tilespmem:$0x5E20];
	[tilespmem:$0x8C0] =	vst v42  }
0x27b: {  	v45 =	vld [tilespmem:$0x5E80];
	[tilespmem:$0x3280] =	vst v43  }
0x27c: {  	v46 =	vld [tilespmem:$0x5E90];
	[tilespmem:$0x3300] =	vst v44  }
0x27d: {  	[tilespmem:$0x3100] =	vst v1;
	v1 =	vld [tilespmem:$0x5E50]  }
0x27e: {  	[tilespmem:$0x3180] =	vst v2;
	v2 =	vld [tilespmem:$0x5E60]  }
0x27f: {  	[tilespmem:$0x3200] =	vst v3;
	v3 =	vld [tilespmem:$0x5E70]  }
0x280: {  	v47 =	vld [tilespmem:$0x5ED0];
	[tilespmem:$0x3500] =	vst v45  }
0x281: {  	v48 =	vld [tilespmem:$0x5EE0];
	[tilespmem:$0x3580] =	vst v46  }
0x282: {  	[tilespmem:$0x3380] =	vst v1;
	v1 =	vld [tilespmem:$0x5EA0]  }
0x283: {  	[tilespmem:$0x3400] =	vst v2;
	v2 =	vld [tilespmem:$0x5EB0]  }
0x284: {  	[tilespmem:$0x3480] =	vst v3;
	v3 =	vld [tilespmem:$0x5EC0]  }
0x285: {  	v49 =	vld [tilespmem:$0x5F20];
	[tilespmem:$0x3780] =	vst v47  }
0x286: {  	v50 =	vld [tilespmem:$0x5F30];
	[tilespmem:$0x3800] =	vst v48  }
0x287: {  	[tilespmem:$0x3600] =	vst v1;
	v1 =	vld [tilespmem:$0x5EF0]  }
0x288: {  	[tilespmem:$0x3680] =	vst v2;
	v2 =	vld [tilespmem:$0x5F00]  }
0x289: {  	[tilespmem:$0x3700] =	vst v3;
	v3 =	vld [tilespmem:$0x5F10]  }
0x28a: {  	v51 =	vld [tilespmem:$0x5F70];
	[tilespmem:$0x3A00] =	vst v49  }
0x28b: {  	v52 =	vld [tilespmem:$0x5F80];
	[tilespmem:$0x3A80] =	vst v50  }
0x28c: {  	[tilespmem:$0x3880] =	vst v1;
	v1 =	vld [tilespmem:$0x5F40]  }
0x28d: {  	[tilespmem:$0x3900] =	vst v2;
	v2 =	vld [tilespmem:$0x5F50]  }
0x28e: {  	[tilespmem:$0x3980] =	vst v3;
	v3 =	vld [tilespmem:$0x5F60]  }
0x28f: {  	v53 =	vld [tilespmem:$0x5FC0];
	[tilespmem:$0x3C80] =	vst v51  }
0x290: {  	v54 =	vld [tilespmem:$0x5FD0];
	[tilespmem:$0x3D00] =	vst v52  }
0x291: {  	[tilespmem:$0x3B00] =	vst v1;
	v1 =	vld [tilespmem:$0x5F90]  }
0x292: {  	[tilespmem:$0x3B80] =	vst v2;
	v2 =	vld [tilespmem:$0x5FA0]  }
0x293: {  	[tilespmem:$0x3C00] =	vst v3;
	v3 =	vld [tilespmem:$0x5FB0]  }
0x294: {  	v55 =	vld [tilespmem:$0x6010];
	[tilespmem:$0x3F00] =	vst v53  }
0x295: {  	v56 =	vld [tilespmem:$0x6020];
	[tilespmem:$0x3F80] =	vst v54  }
0x296: {  	[tilespmem:$0x3D80] =	vst v1;
	v1 =	vld [tilespmem:$0x5FE0]  }
0x297: {  	[tilespmem:$0x3E00] =	vst v2;
	v2 =	vld [tilespmem:$0x5FF0]  }
0x298: {  	[tilespmem:$0x3E80] =	vst v3;
	v3 =	vld [tilespmem:$0x6000]  }
0x299: {  	v57 =	vld [tilespmem:$0x6060];
	[tilespmem:$0x4180] =	vst v55  }
0x29a: {  	v58 =	vld [tilespmem:$0x6070];
	[tilespmem:$0x4200] =	vst v56  }
0x29b: {  	[tilespmem:$0x4000] =	vst v1;
	v1 =	vld [tilespmem:$0x6030]  }
0x29c: {  	[tilespmem:$0x4080] =	vst v2;
	v2 =	vld [tilespmem:$0x6040]  }
0x29d: {  	[tilespmem:$0x4100] =	vst v3;
	v3 =	vld [tilespmem:$0x6050]  }
0x29e: {  	v59 =	vld [tilespmem:$0x60B0];
	[tilespmem:$0x4400] =	vst v57  }
0x29f: {  	v60 =	vld [tilespmem:$0x60C0];
	[tilespmem:$0x4480] =	vst v58  }
0x2a0: {  	[tilespmem:$0x4280] =	vst v1;
	v1 =	vld [tilespmem:$0x6080]  }
0x2a1: {  	[tilespmem:$0x4300] =	vst v2;
	v2 =	vld [tilespmem:$0x6090]  }
0x2a2: {  	[tilespmem:$0x4380] =	vst v3;
	v3 =	vld [tilespmem:$0x60A0]  }
0x2a3: {  	v61 =	vld [tilespmem:$0x6100];
	[tilespmem:$0x4680] =	vst v59  }
0x2a4: {  	v62 =	vld [tilespmem:$0x6110];
	[tilespmem:$0x4700] =	vst v60  }
0x2a5: {  	[tilespmem:$0x4500] =	vst v1;
	v1 =	vld [tilespmem:$0x60D0]  }
0x2a6: {  	[tilespmem:$0x4580] =	vst v2;
	v2 =	vld [tilespmem:$0x60E0]  }
0x2a7: {  	[tilespmem:$0x4600] =	vst v3;
	v3 =	vld [tilespmem:$0x60F0]  }
0x2a8: {  	v63 =	vld [tilespmem:$0x6150];
	[tilespmem:$0x4900] =	vst v61  }
0x2a9: {  	v8 =	vld [tilespmem:$0x6160];
	[tilespmem:$0x4980] =	vst v62  }
0x2aa: {  	[tilespmem:$0x4780] =	vst v1;
	v1 =	vld [tilespmem:$0x6120]  }
0x2ab: {  	[tilespmem:$0x4800] =	vst v2;
	v2 =	vld [tilespmem:$0x6130]  }
0x2ac: {  	[tilespmem:$0x4880] =	vst v3;
	v3 =	vld [tilespmem:$0x6140]  }
0x2ad: {  	v9 =	vld [tilespmem:$0x61A0];
	[tilespmem:$0x4B80] =	vst v63  }
0x2ae: {  	v10 =	vld [tilespmem:$0x61B0];
	[tilespmem:$0x4C00] =	vst v8  }
0x2af: {  	[tilespmem:$0x4A00] =	vst v1;
	v1 =	vld [tilespmem:$0x6170]  }
0x2b0: {  	[tilespmem:$0x4A80] =	vst v2;
	v2 =	vld [tilespmem:$0x6180]  }
0x2b1: {  	[tilespmem:$0x4B00] =	vst v3;
	v3 =	vld [tilespmem:$0x6190]  }
0x2b2: {  	v11 =	vld [tilespmem:$0x61F0];
	[tilespmem:$0x4E00] =	vst v9  }
0x2b3: {  	v12 =	vld [tilespmem:$0x6200];
	[tilespmem:$0x4E80] =	vst v10  }
0x2b4: {  	[tilespmem:$0x4C80] =	vst v1;
	v1 =	vld [tilespmem:$0x61C0]  }
0x2b5: {  	[tilespmem:$0x4D00] =	vst v2;
	v2 =	vld [tilespmem:$0x61D0]  }
0x2b6: {  	[tilespmem:$0x4D80] =	vst v3;
	v3 =	vld [tilespmem:$0x61E0]  }
0x2b7: {  	v13 =	vld [tilespmem:$0x6240];
	[tilespmem:$0x5080] =	vst v11  }
0x2b8: {  	v14 =	vld [tilespmem:$0x6250];
	[tilespmem:$0x5100] =	vst v12  }
0x2b9: {  	[tilespmem:$0x4F00] =	vst v1;
	v1 =	vld [tilespmem:$0x6210]  }
0x2ba: {  	[tilespmem:$0x4F80] =	vst v2;
	v2 =	vld [tilespmem:$0x6220]  }
0x2bb: {  	[tilespmem:$0x5000] =	vst v3;
	v3 =	vld [tilespmem:$0x6230]  }
0x2bc: {  	v15 =	vld [tilespmem:$0x6290];
	[tilespmem:$0x5300] =	vst v13  }
0x2bd: {  	v16 =	vld [tilespmem:$0x62A0];
	[tilespmem:$0x5380] =	vst v14  }
0x2be: {  	[tilespmem:$0x5180] =	vst v1;
	v1 =	vld [tilespmem:$0x6260]  }
0x2bf: {  	[tilespmem:$0x5200] =	vst v2;
	v2 =	vld [tilespmem:$0x6270]  }
0x2c0: {  	[tilespmem:$0x5280] =	vst v3;
	v3 =	vld [tilespmem:$0x6280]  }
0x2c1: {  	v17 =	vld [tilespmem:$0x62E0];
	[tilespmem:$0x5580] =	vst v15  }
0x2c2: {  	v18 =	vld [tilespmem:$0x62F0];
	[tilespmem:$0x5600] =	vst v16  }
0x2c3: {  	[tilespmem:$0x5400] =	vst v1;
	v1 =	vld [tilespmem:$0x62B0]  }
0x2c4: {  	[tilespmem:$0x5480] =	vst v2;
	v2 =	vld [tilespmem:$0x62C0]  }
0x2c5: {  	[tilespmem:$0x5500] =	vst v3;
	v3 =	vld [tilespmem:$0x62D0]  }
0x2c6: {  	[tilespmem:$0x5800] =	vst v17  }
0x2c7: {  	[tilespmem:$0x5880] =	vst v18  }
0x2c8: {  	[tilespmem:$0x5680] =	vst v1  }
0x2c9: {  	[tilespmem:$0x5700] =	vst v2  }
0x2ca: {  	[tilespmem:$0x5780] =	vst v3  }
0x2cb: {  	[spmem:s21] =	stream.indirect.scatter.add.f32 [tilespmem:s15], [sflag:$0x4], $0x80, s17, s11, $0xb8;
	[tilespmem:$0x1AD80] =	vst v63  }
0x2cc: {  	_ =	swait.ge [sflag:s25], $0x2800  }
0x2cd: {  	[sflag:s25] =	ssyncset.done $0x0  }
0x2ce: {  	[sflag:s25] =	ssyncadd.s32 $0xFFFFD800  }
0x2cf: {  	v1 =	vld [tilespmem:$0x500]  }
0x2d0: {  	v2 =	vld [tilespmem:$0x510]  }
0x2d1: {  	v3 =	vld [tilespmem:$0x520]  }
0x2d2: {  	v19 =	vld [tilespmem:$0x530]  }
0x2d3: {  	v20 =	vld [tilespmem:$0x540]  }
0x2d4: {  	v21 =	vld [tilespmem:$0x6330];
	[tilespmem:$0x800] =	vst v1  }
0x2d5: {  	v1 =	vld [tilespmem:$0x6300];
	[tilespmem:$0x810] =	vst v2  }
0x2d6: {  	v2 =	vld [tilespmem:$0x6310];
	[tilespmem:$0x820] =	vst v3  }
0x2d7: {  	v3 =	vld [tilespmem:$0x6320];
	[tilespmem:$0x830] =	vst v19  }
0x2d8: {  	[tilespmem:$0x840] =	vst v20  }
0x2d9: {  	[tilespmem:$0xA80] =	vst v21  }
0x2da: {  	[tilespmem:$0x900] =	vst v1  }
0x2db: {  	[tilespmem:$0x980] =	vst v2  }
0x2dc: {  	[tilespmem:$0xA00] =	vst v3  }
0x2dd: {  	v1 =	vld [tilespmem:$0x6340]  }
0x2de: {  	v2 =	vld [tilespmem:$0x6350]  }
0x2df: {  	v3 =	vld [tilespmem:$0x6360]  }
0x2e0: {  	v22 =	vld [tilespmem:$0x6370]  }
0x2e1: {  	v23 =	vld [tilespmem:$0x6380]  }
0x2e2: {  	[tilespmem:$0xB00] =	vst v1;
	v1 =	vld [tilespmem:$0x6390]  }
0x2e3: {  	v24 =	vld [tilespmem:$0x63C0];
	[tilespmem:$0xB80] =	vst v2  }
0x2e4: {  	v25 =	vld [tilespmem:$0x63D0];
	[tilespmem:$0xC00] =	vst v3  }
0x2e5: {  	v2 =	vld [tilespmem:$0x63A0];
	[tilespmem:$0xC80] =	vst v22  }
0x2e6: {  	v3 =	vld [tilespmem:$0x63B0];
	[tilespmem:$0xD00] =	vst v23  }
0x2e7: {  	[tilespmem:$0xD80] =	vst v1;
	v1 =	vld [tilespmem:$0x63E0]  }
0x2e8: {  	v26 =	vld [tilespmem:$0x6410];
	[tilespmem:$0xF00] =	vst v24  }
0x2e9: {  	v27 =	vld [tilespmem:$0x6420];
	[tilespmem:$0xF80] =	vst v25  }
0x2ea: {  	[tilespmem:$0xE00] =	vst v2;
	v2 =	vld [tilespmem:$0x63F0]  }
0x2eb: {  	[tilespmem:$0xE80] =	vst v3;
	v3 =	vld [tilespmem:$0x6400]  }
0x2ec: {  	[tilespmem:$0x1000] =	vst v1;
	v1 =	vld [tilespmem:$0x6430]  }
0x2ed: {  	v28 =	vld [tilespmem:$0x6460];
	[tilespmem:$0x1180] =	vst v26  }
0x2ee: {  	v29 =	vld [tilespmem:$0x6470];
	[tilespmem:$0x1200] =	vst v27  }
0x2ef: {  	[tilespmem:$0x1080] =	vst v2;
	v2 =	vld [tilespmem:$0x6440]  }
0x2f0: {  	[tilespmem:$0x1100] =	vst v3;
	v3 =	vld [tilespmem:$0x6450]  }
0x2f1: {  	[tilespmem:$0x1280] =	vst v1;
	v1 =	vld [tilespmem:$0x6480]  }
0x2f2: {  	v30 =	vld [tilespmem:$0x64B0];
	[tilespmem:$0x1400] =	vst v28  }
0x2f3: {  	v31 =	vld [tilespmem:$0x64C0];
	[tilespmem:$0x1480] =	vst v29  }
0x2f4: {  	[tilespmem:$0x1300] =	vst v2;
	v2 =	vld [tilespmem:$0x6490]  }
0x2f5: {  	[tilespmem:$0x1380] =	vst v3;
	v3 =	vld [tilespmem:$0x64A0]  }
0x2f6: {  	[tilespmem:$0x1500] =	vst v1;
	v1 =	vld [tilespmem:$0x64D0]  }
0x2f7: {  	v32 =	vld [tilespmem:$0x6500];
	[tilespmem:$0x1680] =	vst v30  }
0x2f8: {  	v33 =	vld [tilespmem:$0x6510];
	[tilespmem:$0x1700] =	vst v31  }
0x2f9: {  	[tilespmem:$0x1580] =	vst v2;
	v2 =	vld [tilespmem:$0x64E0]  }
0x2fa: {  	[tilespmem:$0x1600] =	vst v3;
	v3 =	vld [tilespmem:$0x64F0]  }
0x2fb: {  	[tilespmem:$0x1780] =	vst v1;
	v1 =	vld [tilespmem:$0x6520]  }
0x2fc: {  	v34 =	vld [tilespmem:$0x6550];
	[tilespmem:$0x1900] =	vst v32  }
0x2fd: {  	v35 =	vld [tilespmem:$0x6560];
	[tilespmem:$0x1980] =	vst v33  }
0x2fe: {  	[tilespmem:$0x1800] =	vst v2;
	v2 =	vld [tilespmem:$0x6530]  }
0x2ff: {  	[tilespmem:$0x1880] =	vst v3;
	v3 =	vld [tilespmem:$0x6540]  }
0x300: {  	[tilespmem:$0x1A00] =	vst v1;
	v1 =	vld [tilespmem:$0x6570]  }
0x301: {  	v36 =	vld [tilespmem:$0x65A0];
	[tilespmem:$0x1B80] =	vst v34  }
0x302: {  	v37 =	vld [tilespmem:$0x65B0];
	[tilespmem:$0x1C00] =	vst v35  }
0x303: {  	[tilespmem:$0x1A80] =	vst v2;
	v2 =	vld [tilespmem:$0x6580]  }
0x304: {  	[tilespmem:$0x1B00] =	vst v3;
	v3 =	vld [tilespmem:$0x6590]  }
0x305: {  	[tilespmem:$0x1C80] =	vst v1;
	v1 =	vld [tilespmem:$0x65C0]  }
0x306: {  	v38 =	vld [tilespmem:$0x65F0];
	[tilespmem:$0x1E00] =	vst v36  }
0x307: {  	v39 =	vld [tilespmem:$0x6600];
	[tilespmem:$0x1E80] =	vst v37  }
0x308: {  	[tilespmem:$0x1D00] =	vst v2;
	v2 =	vld [tilespmem:$0x65D0]  }
0x309: {  	[tilespmem:$0x1D80] =	vst v3;
	v3 =	vld [tilespmem:$0x65E0]  }
0x30a: {  	[tilespmem:$0x1F00] =	vst v1;
	v1 =	vld [tilespmem:$0x6610]  }
0x30b: {  	v40 =	vld [tilespmem:$0x6640];
	[tilespmem:$0x2080] =	vst v38  }
0x30c: {  	v41 =	vld [tilespmem:$0x6650];
	[tilespmem:$0x2100] =	vst v39  }
0x30d: {  	[tilespmem:$0x1F80] =	vst v2;
	v2 =	vld [tilespmem:$0x6620]  }
0x30e: {  	[tilespmem:$0x2000] =	vst v3;
	v3 =	vld [tilespmem:$0x6630]  }
0x30f: {  	[tilespmem:$0x2180] =	vst v1;
	v1 =	vld [tilespmem:$0x6660]  }
0x310: {  	v42 =	vld [tilespmem:$0x6690];
	[tilespmem:$0x2300] =	vst v40  }
0x311: {  	v43 =	vld [tilespmem:$0x66A0];
	[tilespmem:$0x2380] =	vst v41  }
0x312: {  	[tilespmem:$0x2200] =	vst v2;
	v2 =	vld [tilespmem:$0x6670]  }
0x313: {  	[tilespmem:$0x2280] =	vst v3;
	v3 =	vld [tilespmem:$0x6680]  }
0x314: {  	[tilespmem:$0x2400] =	vst v1;
	v1 =	vld [tilespmem:$0x66B0]  }
0x315: {  	v44 =	vld [tilespmem:$0x66E0];
	[tilespmem:$0x2580] =	vst v42  }
0x316: {  	v45 =	vld [tilespmem:$0x66F0];
	[tilespmem:$0x2600] =	vst v43  }
0x317: {  	[tilespmem:$0x2480] =	vst v2;
	v2 =	vld [tilespmem:$0x66C0]  }
0x318: {  	[tilespmem:$0x2500] =	vst v3;
	v3 =	vld [tilespmem:$0x66D0]  }
0x319: {  	[tilespmem:$0x2680] =	vst v1;
	v1 =	vld [tilespmem:$0x6700]  }
0x31a: {  	v46 =	vld [tilespmem:$0x6730];
	[tilespmem:$0x2800] =	vst v44  }
0x31b: {  	v47 =	vld [tilespmem:$0x6740];
	[tilespmem:$0x2880] =	vst v45  }
0x31c: {  	[tilespmem:$0x2700] =	vst v2;
	v2 =	vld [tilespmem:$0x6710]  }
0x31d: {  	[tilespmem:$0x2780] =	vst v3;
	v3 =	vld [tilespmem:$0x6720]  }
0x31e: {  	[tilespmem:$0x2900] =	vst v1;
	v1 =	vld [tilespmem:$0x6750]  }
0x31f: {  	v48 =	vld [tilespmem:$0x6780];
	[tilespmem:$0x2A80] =	vst v46  }
0x320: {  	v49 =	vld [tilespmem:$0x6790];
	[tilespmem:$0x2B00] =	vst v47  }
0x321: {  	[tilespmem:$0x2980] =	vst v2;
	v2 =	vld [tilespmem:$0x6760]  }
0x322: {  	[tilespmem:$0x2A00] =	vst v3;
	v3 =	vld [tilespmem:$0x6770]  }
0x323: {  	[tilespmem:$0x2B80] =	vst v1;
	v1 =	vld [tilespmem:$0x67A0]  }
0x324: {  	v50 =	vld [tilespmem:$0x67D0];
	[tilespmem:$0x2D00] =	vst v48  }
0x325: {  	v51 =	vld [tilespmem:$0x67E0];
	[tilespmem:$0x2D80] =	vst v49  }
0x326: {  	[tilespmem:$0x2C00] =	vst v2;
	v2 =	vld [tilespmem:$0x67B0]  }
0x327: {  	[tilespmem:$0x2C80] =	vst v3;
	v3 =	vld [tilespmem:$0x67C0]  }
0x328: {  	[tilespmem:$0x2E00] =	vst v1;
	v1 =	vld [tilespmem:$0x67F0]  }
0x329: {  	[tilespmem:$0x2F80] =	vst v50  }
0x32a: {  	[tilespmem:$0x3000] =	vst v51  }
0x32b: {  	[tilespmem:$0x2E80] =	vst v2  }
0x32c: {  	[tilespmem:$0x2F00] =	vst v3  }
0x32d: {  	[tilespmem:$0x3080] =	vst v1  }
0x32e: {  	[spmem:s21] =	stream.indirect.scatter.add.f32 [tilespmem:s7], [sflag:$0x3], $0x80, s13, s11, $0xb8;
	[tilespmem:$0x1AD80] =	vst v63  }
0x32f: {  	_ =	swait.ge [sflag:s5], $0x2800  }
0x330: {  	[sflag:s5] =	ssyncset.done $0x0  }
0x331: {  	[sflag:s5] =	ssyncadd.s32 $0xFFFFD800  }
0x332: {  	v1 =	vld [tilespmem:$0x580]  }
0x333: {  	v2 =	vld [tilespmem:$0x590]  }
0x334: {  	v3 =	vld [tilespmem:$0x5A0]  }
0x335: {  	v52 =	vld [tilespmem:$0x5B0]  }
0x336: {  	v53 =	vld [tilespmem:$0x5C0]  }
0x337: {  	v54 =	vld [tilespmem:$0x6830];
	[tilespmem:$0x880] =	vst v1  }
0x338: {  	v55 =	vld [tilespmem:$0x6840];
	[tilespmem:$0x890] =	vst v2  }
0x339: {  	v1 =	vld [tilespmem:$0x6800];
	[tilespmem:$0x8A0] =	vst v3  }
0x33a: {  	v2 =	vld [tilespmem:$0x6810];
	[tilespmem:$0x8B0] =	vst v52  }
0x33b: {  	v3 =	vld [tilespmem:$0x6820];
	[tilespmem:$0x8C0] =	vst v53  }
0x33c: {  	v56 =	vld [tilespmem:$0x6880];
	[tilespmem:$0x3280] =	vst v54  }
0x33d: {  	v57 =	vld [tilespmem:$0x6890];
	[tilespmem:$0x3300] =	vst v55  }
0x33e: {  	[tilespmem:$0x3100] =	vst v1;
	v1 =	vld [tilespmem:$0x6850]  }
0x33f: {  	[tilespmem:$0x3180] =	vst v2;
	v2 =	vld [tilespmem:$0x6860]  }
0x340: {  	[tilespmem:$0x3200] =	vst v3;
	v3 =	vld [tilespmem:$0x6870]  }
0x341: {  	v58 =	vld [tilespmem:$0x68D0];
	[tilespmem:$0x3500] =	vst v56  }
0x342: {  	v59 =	vld [tilespmem:$0x68E0];
	[tilespmem:$0x3580] =	vst v57  }
0x343: {  	[tilespmem:$0x3380] =	vst v1;
	v1 =	vld [tilespmem:$0x68A0]  }
0x344: {  	[tilespmem:$0x3400] =	vst v2;
	v2 =	vld [tilespmem:$0x68B0]  }
0x345: {  	[tilespmem:$0x3480] =	vst v3;
	v3 =	vld [tilespmem:$0x68C0]  }
0x346: {  	v60 =	vld [tilespmem:$0x6920];
	[tilespmem:$0x3780] =	vst v58  }
0x347: {  	v61 =	vld [tilespmem:$0x6930];
	[tilespmem:$0x3800] =	vst v59  }
0x348: {  	[tilespmem:$0x3600] =	vst v1;
	v1 =	vld [tilespmem:$0x68F0]  }
0x349: {  	[tilespmem:$0x3680] =	vst v2;
	v2 =	vld [tilespmem:$0x6900]  }
0x34a: {  	[tilespmem:$0x3700] =	vst v3;
	v3 =	vld [tilespmem:$0x6910]  }
0x34b: {  	v62 =	vld [tilespmem:$0x6970];
	[tilespmem:$0x3A00] =	vst v60  }
0x34c: {  	v63 =	vld [tilespmem:$0x6980];
	[tilespmem:$0x3A80] =	vst v61  }
0x34d: {  	[tilespmem:$0x3880] =	vst v1;
	v1 =	vld [tilespmem:$0x6940]  }
0x34e: {  	[tilespmem:$0x3900] =	vst v2;
	v2 =	vld [tilespmem:$0x6950]  }
0x34f: {  	[tilespmem:$0x3980] =	vst v3;
	v3 =	vld [tilespmem:$0x6960]  }
0x350: {  	v8 =	vld [tilespmem:$0x69C0];
	[tilespmem:$0x3C80] =	vst v62  }
0x351: {  	v9 =	vld [tilespmem:$0x69D0];
	[tilespmem:$0x3D00] =	vst v63  }
0x352: {  	[tilespmem:$0x3B00] =	vst v1;
	v1 =	vld [tilespmem:$0x6990]  }
0x353: {  	[tilespmem:$0x3B80] =	vst v2;
	v2 =	vld [tilespmem:$0x69A0]  }
0x354: {  	[tilespmem:$0x3C00] =	vst v3;
	v3 =	vld [tilespmem:$0x69B0]  }
0x355: {  	v10 =	vld [tilespmem:$0x6A10];
	[tilespmem:$0x3F00] =	vst v8  }
0x356: {  	v11 =	vld [tilespmem:$0x6A20];
	[tilespmem:$0x3F80] =	vst v9  }
0x357: {  	[tilespmem:$0x3D80] =	vst v1;
	v1 =	vld [tilespmem:$0x69E0]  }
0x358: {  	[tilespmem:$0x3E00] =	vst v2;
	v2 =	vld [tilespmem:$0x69F0]  }
0x359: {  	[tilespmem:$0x3E80] =	vst v3;
	v3 =	vld [tilespmem:$0x6A00]  }
0x35a: {  	v12 =	vld [tilespmem:$0x6A60];
	[tilespmem:$0x4180] =	vst v10  }
0x35b: {  	v13 =	vld [tilespmem:$0x6A70];
	[tilespmem:$0x4200] =	vst v11  }
0x35c: {  	[tilespmem:$0x4000] =	vst v1;
	v1 =	vld [tilespmem:$0x6A30]  }
0x35d: {  	[tilespmem:$0x4080] =	vst v2;
	v2 =	vld [tilespmem:$0x6A40]  }
0x35e: {  	[tilespmem:$0x4100] =	vst v3;
	v3 =	vld [tilespmem:$0x6A50]  }
0x35f: {  	v14 =	vld [tilespmem:$0x6AB0];
	[tilespmem:$0x4400] =	vst v12  }
0x360: {  	v15 =	vld [tilespmem:$0x6AC0];
	[tilespmem:$0x4480] =	vst v13  }
0x361: {  	[tilespmem:$0x4280] =	vst v1;
	v1 =	vld [tilespmem:$0x6A80]  }
0x362: {  	[tilespmem:$0x4300] =	vst v2;
	v2 =	vld [tilespmem:$0x6A90]  }
0x363: {  	[tilespmem:$0x4380] =	vst v3;
	v3 =	vld [tilespmem:$0x6AA0]  }
0x364: {  	v16 =	vld [tilespmem:$0x6B00];
	[tilespmem:$0x4680] =	vst v14  }
0x365: {  	v17 =	vld [tilespmem:$0x6B10];
	[tilespmem:$0x4700] =	vst v15  }
0x366: {  	[tilespmem:$0x4500] =	vst v1;
	v1 =	vld [tilespmem:$0x6AD0]  }
0x367: {  	[tilespmem:$0x4580] =	vst v2;
	v2 =	vld [tilespmem:$0x6AE0]  }
0x368: {  	[tilespmem:$0x4600] =	vst v3;
	v3 =	vld [tilespmem:$0x6AF0]  }
0x369: {  	v18 =	vld [tilespmem:$0x6B50];
	[tilespmem:$0x4900] =	vst v16  }
0x36a: {  	v19 =	vld [tilespmem:$0x6B60];
	[tilespmem:$0x4980] =	vst v17  }
0x36b: {  	[tilespmem:$0x4780] =	vst v1;
	v1 =	vld [tilespmem:$0x6B20]  }
0x36c: {  	[tilespmem:$0x4800] =	vst v2;
	v2 =	vld [tilespmem:$0x6B30]  }
0x36d: {  	[tilespmem:$0x4880] =	vst v3;
	v3 =	vld [tilespmem:$0x6B40]  }
0x36e: {  	v20 =	vld [tilespmem:$0x6BA0];
	[tilespmem:$0x4B80] =	vst v18  }
0x36f: {  	v21 =	vld [tilespmem:$0x6BB0];
	[tilespmem:$0x4C00] =	vst v19  }
0x370: {  	[tilespmem:$0x4A00] =	vst v1;
	v1 =	vld [tilespmem:$0x6B70]  }
0x371: {  	[tilespmem:$0x4A80] =	vst v2;
	v2 =	vld [tilespmem:$0x6B80]  }
0x372: {  	[tilespmem:$0x4B00] =	vst v3;
	v3 =	vld [tilespmem:$0x6B90]  }
0x373: {  	v22 =	vld [tilespmem:$0x6BF0];
	[tilespmem:$0x4E00] =	vst v20  }
0x374: {  	v23 =	vld [tilespmem:$0x6C00];
	[tilespmem:$0x4E80] =	vst v21  }
0x375: {  	[tilespmem:$0x4C80] =	vst v1;
	v1 =	vld [tilespmem:$0x6BC0]  }
0x376: {  	[tilespmem:$0x4D00] =	vst v2;
	v2 =	vld [tilespmem:$0x6BD0]  }
0x377: {  	[tilespmem:$0x4D80] =	vst v3;
	v3 =	vld [tilespmem:$0x6BE0]  }
0x378: {  	v24 =	vld [tilespmem:$0x6C40];
	[tilespmem:$0x5080] =	vst v22  }
0x379: {  	v25 =	vld [tilespmem:$0x6C50];
	[tilespmem:$0x5100] =	vst v23  }
0x37a: {  	[tilespmem:$0x4F00] =	vst v1;
	v1 =	vld [tilespmem:$0x6C10]  }
0x37b: {  	[tilespmem:$0x4F80] =	vst v2;
	v2 =	vld [tilespmem:$0x6C20]  }
0x37c: {  	[tilespmem:$0x5000] =	vst v3;
	v3 =	vld [tilespmem:$0x6C30]  }
0x37d: {  	v26 =	vld [tilespmem:$0x6C90];
	[tilespmem:$0x5300] =	vst v24  }
0x37e: {  	v27 =	vld [tilespmem:$0x6CA0];
	[tilespmem:$0x5380] =	vst v25  }
0x37f: {  	[tilespmem:$0x5180] =	vst v1;
	v1 =	vld [tilespmem:$0x6C60]  }
0x380: {  	[tilespmem:$0x5200] =	vst v2;
	v2 =	vld [tilespmem:$0x6C70]  }
0x381: {  	[tilespmem:$0x5280] =	vst v3;
	v3 =	vld [tilespmem:$0x6C80]  }
0x382: {  	v28 =	vld [tilespmem:$0x6CE0];
	[tilespmem:$0x5580] =	vst v26  }
0x383: {  	v29 =	vld [tilespmem:$0x6CF0];
	[tilespmem:$0x5600] =	vst v27  }
0x384: {  	[tilespmem:$0x5400] =	vst v1;
	v1 =	vld [tilespmem:$0x6CB0]  }
0x385: {  	[tilespmem:$0x5480] =	vst v2;
	v2 =	vld [tilespmem:$0x6CC0]  }
0x386: {  	[tilespmem:$0x5500] =	vst v3;
	v3 =	vld [tilespmem:$0x6CD0]  }
0x387: {  	[tilespmem:$0x5800] =	vst v28  }
0x388: {  	[tilespmem:$0x5880] =	vst v29  }
0x389: {  	[tilespmem:$0x5680] =	vst v1  }
0x38a: {  	[tilespmem:$0x5700] =	vst v2  }
0x38b: {  	[tilespmem:$0x5780] =	vst v3  }
0x38c: {  	[spmem:s21] =	stream.indirect.scatter.add.f32 [tilespmem:s15], [sflag:$0x4], $0x80, s17, s11, $0xb8;
	[tilespmem:$0x1AD80] =	vst v63  }
0x38d: {  	_ =	swait.ge [sflag:s25], $0x2800  }
0x38e: {  	[sflag:s25] =	ssyncset.done $0x0  }
0x38f: {  	[sflag:s25] =	ssyncadd.s32 $0xFFFFD800  }
0x390: {  	v1 =	vld [tilespmem:$0x600]  }
0x391: {  	v2 =	vld [tilespmem:$0x610]  }
0x392: {  	v3 =	vld [tilespmem:$0x620]  }
0x393: {  	v30 =	vld [tilespmem:$0x630]  }
0x394: {  	v31 =	vld [tilespmem:$0x640]  }
0x395: {  	v32 =	vld [tilespmem:$0x6D30];
	[tilespmem:$0x800] =	vst v1  }
0x396: {  	v33 =	vld [tilespmem:$0x6D40];
	[tilespmem:$0x810] =	vst v2  }
0x397: {  	v1 =	vld [tilespmem:$0x6D00];
	[tilespmem:$0x820] =	vst v3  }
0x398: {  	v2 =	vld [tilespmem:$0x6D10];
	[tilespmem:$0x830] =	vst v30  }
0x399: {  	v3 =	vld [tilespmem:$0x6D20];
	[tilespmem:$0x840] =	vst v31  }
0x39a: {  	v34 =	vld [tilespmem:$0x6D80];
	[tilespmem:$0xA80] =	vst v32  }
0x39b: {  	v35 =	vld [tilespmem:$0x6D90];
	[tilespmem:$0xB00] =	vst v33  }
0x39c: {  	[tilespmem:$0x900] =	vst v1;
	v1 =	vld [tilespmem:$0x6D50]  }
0x39d: {  	[tilespmem:$0x980] =	vst v2;
	v2 =	vld [tilespmem:$0x6D60]  }
0x39e: {  	[tilespmem:$0xA00] =	vst v3;
	v3 =	vld [tilespmem:$0x6D70]  }
0x39f: {  	v36 =	vld [tilespmem:$0x6DD0];
	[tilespmem:$0xD00] =	vst v34  }
0x3a0: {  	v37 =	vld [tilespmem:$0x6DE0];
	[tilespmem:$0xD80] =	vst v35  }
0x3a1: {  	[tilespmem:$0xB80] =	vst v1;
	v1 =	vld [tilespmem:$0x6DA0]  }
0x3a2: {  	[tilespmem:$0xC00] =	vst v2;
	v2 =	vld [tilespmem:$0x6DB0]  }
0x3a3: {  	[tilespmem:$0xC80] =	vst v3;
	v3 =	vld [tilespmem:$0x6DC0]  }
0x3a4: {  	v38 =	vld [tilespmem:$0x6E20];
	[tilespmem:$0xF80] =	vst v36  }
0x3a5: {  	v39 =	vld [tilespmem:$0x6E30];
	[tilespmem:$0x1000] =	vst v37  }
0x3a6: {  	[tilespmem:$0xE00] =	vst v1;
	v1 =	vld [tilespmem:$0x6DF0]  }
0x3a7: {  	[tilespmem:$0xE80] =	vst v2;
	v2 =	vld [tilespmem:$0x6E00]  }
0x3a8: {  	[tilespmem:$0xF00] =	vst v3;
	v3 =	vld [tilespmem:$0x6E10]  }
0x3a9: {  	v40 =	vld [tilespmem:$0x6E70];
	[tilespmem:$0x1200] =	vst v38  }
0x3aa: {  	v41 =	vld [tilespmem:$0x6E80];
	[tilespmem:$0x1280] =	vst v39  }
0x3ab: {  	[tilespmem:$0x1080] =	vst v1;
	v1 =	vld [tilespmem:$0x6E40]  }
0x3ac: {  	[tilespmem:$0x1100] =	vst v2;
	v2 =	vld [tilespmem:$0x6E50]  }
0x3ad: {  	[tilespmem:$0x1180] =	vst v3;
	v3 =	vld [tilespmem:$0x6E60]  }
0x3ae: {  	v42 =	vld [tilespmem:$0x6EC0];
	[tilespmem:$0x1480] =	vst v40  }
0x3af: {  	v43 =	vld [tilespmem:$0x6ED0];
	[tilespmem:$0x1500] =	vst v41  }
0x3b0: {  	[tilespmem:$0x1300] =	vst v1;
	v1 =	vld [tilespmem:$0x6E90]  }
0x3b1: {  	[tilespmem:$0x1380] =	vst v2;
	v2 =	vld [tilespmem:$0x6EA0]  }
0x3b2: {  	[tilespmem:$0x1400] =	vst v3;
	v3 =	vld [tilespmem:$0x6EB0]  }
0x3b3: {  	v44 =	vld [tilespmem:$0x6F10];
	[tilespmem:$0x1700] =	vst v42  }
0x3b4: {  	v45 =	vld [tilespmem:$0x6F20];
	[tilespmem:$0x1780] =	vst v43  }
0x3b5: {  	[tilespmem:$0x1580] =	vst v1;
	v1 =	vld [tilespmem:$0x6EE0]  }
0x3b6: {  	[tilespmem:$0x1600] =	vst v2;
	v2 =	vld [tilespmem:$0x6EF0]  }
0x3b7: {  	[tilespmem:$0x1680] =	vst v3;
	v3 =	vld [tilespmem:$0x6F00]  }
0x3b8: {  	v46 =	vld [tilespmem:$0x6F60];
	[tilespmem:$0x1980] =	vst v44  }
0x3b9: {  	v47 =	vld [tilespmem:$0x6F70];
	[tilespmem:$0x1A00] =	vst v45  }
0x3ba: {  	[tilespmem:$0x1800] =	vst v1;
	v1 =	vld [tilespmem:$0x6F30]  }
0x3bb: {  	[tilespmem:$0x1880] =	vst v2;
	v2 =	vld [tilespmem:$0x6F40]  }
0x3bc: {  	[tilespmem:$0x1900] =	vst v3;
	v3 =	vld [tilespmem:$0x6F50]  }
0x3bd: {  	v48 =	vld [tilespmem:$0x6FB0];
	[tilespmem:$0x1C00] =	vst v46  }
0x3be: {  	v49 =	vld [tilespmem:$0x6FC0];
	[tilespmem:$0x1C80] =	vst v47  }
0x3bf: {  	[tilespmem:$0x1A80] =	vst v1;
	v1 =	vld [tilespmem:$0x6F80]  }
0x3c0: {  	[tilespmem:$0x1B00] =	vst v2;
	v2 =	vld [tilespmem:$0x6F90]  }
0x3c1: {  	[tilespmem:$0x1B80] =	vst v3;
	v3 =	vld [tilespmem:$0x6FA0]  }
0x3c2: {  	v50 =	vld [tilespmem:$0x7000];
	[tilespmem:$0x1E80] =	vst v48  }
0x3c3: {  	v51 =	vld [tilespmem:$0x7010];
	[tilespmem:$0x1F00] =	vst v49  }
0x3c4: {  	[tilespmem:$0x1D00] =	vst v1;
	v1 =	vld [tilespmem:$0x6FD0]  }
0x3c5: {  	[tilespmem:$0x1D80] =	vst v2;
	v2 =	vld [tilespmem:$0x6FE0]  }
0x3c6: {  	[tilespmem:$0x1E00] =	vst v3;
	v3 =	vld [tilespmem:$0x6FF0]  }
0x3c7: {  	v52 =	vld [tilespmem:$0x7050];
	[tilespmem:$0x2100] =	vst v50  }
0x3c8: {  	v53 =	vld [tilespmem:$0x7060];
	[tilespmem:$0x2180] =	vst v51  }
0x3c9: {  	[tilespmem:$0x1F80] =	vst v1;
	v1 =	vld [tilespmem:$0x7020]  }
0x3ca: {  	[tilespmem:$0x2000] =	vst v2;
	v2 =	vld [tilespmem:$0x7030]  }
0x3cb: {  	[tilespmem:$0x2080] =	vst v3;
	v3 =	vld [tilespmem:$0x7040]  }
0x3cc: {  	v54 =	vld [tilespmem:$0x70A0];
	[tilespmem:$0x2380] =	vst v52  }
0x3cd: {  	v55 =	vld [tilespmem:$0x70B0];
	[tilespmem:$0x2400] =	vst v53  }
0x3ce: {  	[tilespmem:$0x2200] =	vst v1;
	v1 =	vld [tilespmem:$0x7070]  }
0x3cf: {  	[tilespmem:$0x2280] =	vst v2;
	v2 =	vld [tilespmem:$0x7080]  }
0x3d0: {  	[tilespmem:$0x2300] =	vst v3;
	v3 =	vld [tilespmem:$0x7090]  }
0x3d1: {  	v56 =	vld [tilespmem:$0x70F0];
	[tilespmem:$0x2600] =	vst v54  }
0x3d2: {  	v57 =	vld [tilespmem:$0x7100];
	[tilespmem:$0x2680] =	vst v55  }
0x3d3: {  	[tilespmem:$0x2480] =	vst v1;
	v1 =	vld [tilespmem:$0x70C0]  }
0x3d4: {  	[tilespmem:$0x2500] =	vst v2;
	v2 =	vld [tilespmem:$0x70D0]  }
0x3d5: {  	[tilespmem:$0x2580] =	vst v3;
	v3 =	vld [tilespmem:$0x70E0]  }
0x3d6: {  	v58 =	vld [tilespmem:$0x7140];
	[tilespmem:$0x2880] =	vst v56  }
0x3d7: {  	v59 =	vld [tilespmem:$0x7150];
	[tilespmem:$0x2900] =	vst v57  }
0x3d8: {  	[tilespmem:$0x2700] =	vst v1;
	v1 =	vld [tilespmem:$0x7110]  }
0x3d9: {  	[tilespmem:$0x2780] =	vst v2;
	v2 =	vld [tilespmem:$0x7120]  }
0x3da: {  	[tilespmem:$0x2800] =	vst v3;
	v3 =	vld [tilespmem:$0x7130]  }
0x3db: {  	v60 =	vld [tilespmem:$0x7190];
	[tilespmem:$0x2B00] =	vst v58  }
0x3dc: {  	v61 =	vld [tilespmem:$0x71A0];
	[tilespmem:$0x2B80] =	vst v59  }
0x3dd: {  	[tilespmem:$0x2980] =	vst v1;
	v1 =	vld [tilespmem:$0x7160]  }
0x3de: {  	[tilespmem:$0x2A00] =	vst v2;
	v2 =	vld [tilespmem:$0x7170]  }
0x3df: {  	[tilespmem:$0x2A80] =	vst v3;
	v3 =	vld [tilespmem:$0x7180]  }
0x3e0: {  	v62 =	vld [tilespmem:$0x71E0];
	[tilespmem:$0x2D80] =	vst v60  }
0x3e1: {  	v63 =	vld [tilespmem:$0x71F0];
	[tilespmem:$0x2E00] =	vst v61  }
0x3e2: {  	[tilespmem:$0x2C00] =	vst v1;
	v1 =	vld [tilespmem:$0x71B0]  }
0x3e3: {  	[tilespmem:$0x2C80] =	vst v2;
	v2 =	vld [tilespmem:$0x71C0]  }
0x3e4: {  	[tilespmem:$0x2D00] =	vst v3;
	v3 =	vld [tilespmem:$0x71D0]  }
0x3e5: {  	[tilespmem:$0x3000] =	vst v62  }
0x3e6: {  	[tilespmem:$0x3080] =	vst v63  }
0x3e7: {  	[tilespmem:$0x2E80] =	vst v1  }
0x3e8: {  	[tilespmem:$0x2F00] =	vst v2  }
0x3e9: {  	s19 =	sld [smem:$0x7FD];
	[tilespmem:$0x2F80] =	vst v3  }
0x3ea: {  	[spmem:s21] =	stream.indirect.scatter.add.f32 [tilespmem:s7], [sflag:$0x3], $0x80, s13, s11, $0xb8;
	[tilespmem:$0x1AD80] =	vst v63  }
.LBB2_12:
0x3eb: {  	s0 =	sadd.s32 s31, s22  }
0x3ec: {  	s0 =	sshrl.u32 s0, $0x3  }
0x3ed: {  	s3 =	sshrl.u32 s19, $0x3;
	s0 =	sadd.s32 s23, s0  }
0x3ee: {  	[tilespmem:s28], [sflag:$0x5] =	stream.linear.gather [hbm4b:s0+s1], $0x280, $0x38;
	[tilespmem:$0x1AD80] =	vst v63  }
0x3ef: {  	s0 =	sadd.s32 s24, s3  }
0x3f0: {  	[tilespmem:s2], [sflag:$0x6] =	stream.linear.gather [hbm4b:s0+s1], $0x1900, $0x38;
	[tilespmem:$0x1AD80] =	vst v63  }
0x3f1: {  	_ =	swait.ge [sflag:s9], $0x280  }
0x3f2: {  	[sflag:s9] =	ssyncset.done $0x0  }
0x3f3: {  	[sflag:s9] =	ssyncadd.s32 $0xFFFFFD80  }
0x3f4: {  	_ =	swait.ge [sflag:s10], $0x1900  }
0x3f5: {  	[sflag:s10] =	ssyncset.done $0x0  }
0x3f6: {  	[sflag:s10] =	ssyncadd.s32 $0xFFFFE700  }
0x3f7: {  	_ =	swait.ge [sflag:s25], $0x2800  }
0x3f8: {  	[sflag:s25] =	ssyncset.done $0x0  }
0x3f9: {  	[sflag:s25] =	ssyncadd.s32 $0xFFFFD800  }
0x3fa: {  	v1 =	vld [tilespmem:$0x400]  }
0x3fb: {  	v2 =	vld [tilespmem:$0x410]  }
0x3fc: {  	v3 =	vld [tilespmem:$0x420]  }
0x3fd: {  	v4 =	vld [tilespmem:$0x430]  }
0x3fe: {  	v5 =	vld [tilespmem:$0x440]  }
0x3ff: {  	v10 =	vld [tilespmem:$0x5930];
	[tilespmem:$0x800] =	vst v1  }
0x400: {  	v11 =	vld [tilespmem:$0x5940];
	[tilespmem:$0x810] =	vst v2  }
0x401: {  	v1 =	vld [tilespmem:$0x5900];
	[tilespmem:$0x820] =	vst v3  }
0x402: {  	v2 =	vld [tilespmem:$0x5910];
	[tilespmem:$0x830] =	vst v4  }
0x403: {  	v3 =	vld [tilespmem:$0x5920];
	[tilespmem:$0x840] =	vst v5  }
0x404: {  	v12 =	vld [tilespmem:$0x5980];
	[tilespmem:$0xA80] =	vst v10  }
0x405: {  	v13 =	vld [tilespmem:$0x5990];
	[tilespmem:$0xB00] =	vst v11  }
0x406: {  	[tilespmem:$0x900] =	vst v1;
	v1 =	vld [tilespmem:$0x5950]  }
0x407: {  	[tilespmem:$0x980] =	vst v2;
	v2 =	vld [tilespmem:$0x5960]  }
0x408: {  	[tilespmem:$0xA00] =	vst v3;
	v3 =	vld [tilespmem:$0x5970]  }
0x409: {  	v14 =	vld [tilespmem:$0x59D0];
	[tilespmem:$0xD00] =	vst v12  }
0x40a: {  	v15 =	vld [tilespmem:$0x59E0];
	[tilespmem:$0xD80] =	vst v13  }
0x40b: {  	[tilespmem:$0xB80] =	vst v1;
	v1 =	vld [tilespmem:$0x59A0]  }
0x40c: {  	[tilespmem:$0xC00] =	vst v2;
	v2 =	vld [tilespmem:$0x59B0]  }
0x40d: {  	[tilespmem:$0xC80] =	vst v3;
	v3 =	vld [tilespmem:$0x59C0]  }
0x40e: {  	v16 =	vld [tilespmem:$0x5A20];
	[tilespmem:$0xF80] =	vst v14  }
0x40f: {  	v17 =	vld [tilespmem:$0x5A30];
	[tilespmem:$0x1000] =	vst v15  }
0x410: {  	[tilespmem:$0xE00] =	vst v1;
	v1 =	vld [tilespmem:$0x59F0]  }
0x411: {  	[tilespmem:$0xE80] =	vst v2;
	v2 =	vld [tilespmem:$0x5A00]  }
0x412: {  	[tilespmem:$0xF00] =	vst v3;
	v3 =	vld [tilespmem:$0x5A10]  }
0x413: {  	v18 =	vld [tilespmem:$0x5A70];
	[tilespmem:$0x1200] =	vst v16  }
0x414: {  	v19 =	vld [tilespmem:$0x5A80];
	[tilespmem:$0x1280] =	vst v17  }
0x415: {  	[tilespmem:$0x1080] =	vst v1;
	v1 =	vld [tilespmem:$0x5A40]  }
0x416: {  	[tilespmem:$0x1100] =	vst v2;
	v2 =	vld [tilespmem:$0x5A50]  }
0x417: {  	[tilespmem:$0x1180] =	vst v3;
	v3 =	vld [tilespmem:$0x5A60]  }
0x418: {  	v20 =	vld [tilespmem:$0x5AC0];
	[tilespmem:$0x1480] =	vst v18  }
0x419: {  	v21 =	vld [tilespmem:$0x5AD0];
	[tilespmem:$0x1500] =	vst v19  }
0x41a: {  	[tilespmem:$0x1300] =	vst v1;
	v1 =	vld [tilespmem:$0x5A90]  }
0x41b: {  	[tilespmem:$0x1380] =	vst v2;
	v2 =	vld [tilespmem:$0x5AA0]  }
0x41c: {  	[tilespmem:$0x1400] =	vst v3;
	v3 =	vld [tilespmem:$0x5AB0]  }
0x41d: {  	v22 =	vld [tilespmem:$0x5B10];
	[tilespmem:$0x1700] =	vst v20  }
0x41e: {  	v23 =	vld [tilespmem:$0x5B20];
	[tilespmem:$0x1780] =	vst v21  }
0x41f: {  	[tilespmem:$0x1580] =	vst v1;
	v1 =	vld [tilespmem:$0x5AE0]  }
0x420: {  	[tilespmem:$0x1600] =	vst v2;
	v2 =	vld [tilespmem:$0x5AF0]  }
0x421: {  	[tilespmem:$0x1680] =	vst v3;
	v3 =	vld [tilespmem:$0x5B00]  }
0x422: {  	v24 =	vld [tilespmem:$0x5B60];
	[tilespmem:$0x1980] =	vst v22  }
0x423: {  	v25 =	vld [tilespmem:$0x5B70];
	[tilespmem:$0x1A00] =	vst v23  }
0x424: {  	[tilespmem:$0x1800] =	vst v1;
	v1 =	vld [tilespmem:$0x5B30]  }
0x425: {  	[tilespmem:$0x1880] =	vst v2;
	v2 =	vld [tilespmem:$0x5B40]  }
0x426: {  	[tilespmem:$0x1900] =	vst v3;
	v3 =	vld [tilespmem:$0x5B50]  }
0x427: {  	v26 =	vld [tilespmem:$0x5BB0];
	[tilespmem:$0x1C00] =	vst v24  }
0x428: {  	v27 =	vld [tilespmem:$0x5BC0];
	[tilespmem:$0x1C80] =	vst v25  }
0x429: {  	[tilespmem:$0x1A80] =	vst v1;
	v1 =	vld [tilespmem:$0x5B80]  }
0x42a: {  	[tilespmem:$0x1B00] =	vst v2;
	v2 =	vld [tilespmem:$0x5B90]  }
0x42b: {  	[tilespmem:$0x1B80] =	vst v3;
	v3 =	vld [tilespmem:$0x5BA0]  }
0x42c: {  	v28 =	vld [tilespmem:$0x5C00];
	[tilespmem:$0x1E80] =	vst v26  }
0x42d: {  	v29 =	vld [tilespmem:$0x5C10];
	[tilespmem:$0x1F00] =	vst v27  }
0x42e: {  	[tilespmem:$0x1D00] =	vst v1;
	v1 =	vld [tilespmem:$0x5BD0]  }
0x42f: {  	[tilespmem:$0x1D80] =	vst v2;
	v2 =	vld [tilespmem:$0x5BE0]  }
0x430: {  	[tilespmem:$0x1E00] =	vst v3;
	v3 =	vld [tilespmem:$0x5BF0]  }
0x431: {  	v30 =	vld [tilespmem:$0x5C50];
	[tilespmem:$0x2100] =	vst v28  }
0x432: {  	v31 =	vld [tilespmem:$0x5C60];
	[tilespmem:$0x2180] =	vst v29  }
0x433: {  	[tilespmem:$0x1F80] =	vst v1;
	v1 =	vld [tilespmem:$0x5C20]  }
0x434: {  	[tilespmem:$0x2000] =	vst v2;
	v2 =	vld [tilespmem:$0x5C30]  }
0x435: {  	[tilespmem:$0x2080] =	vst v3;
	v3 =	vld [tilespmem:$0x5C40]  }
0x436: {  	v32 =	vld [tilespmem:$0x5CA0];
	[tilespmem:$0x2380] =	vst v30  }
0x437: {  	v33 =	vld [tilespmem:$0x5CB0];
	[tilespmem:$0x2400] =	vst v31  }
0x438: {  	[tilespmem:$0x2200] =	vst v1;
	v1 =	vld [tilespmem:$0x5C70]  }
0x439: {  	[tilespmem:$0x2280] =	vst v2;
	v2 =	vld [tilespmem:$0x5C80]  }
0x43a: {  	[tilespmem:$0x2300] =	vst v3;
	v3 =	vld [tilespmem:$0x5C90]  }
0x43b: {  	v34 =	vld [tilespmem:$0x5CF0];
	[tilespmem:$0x2600] =	vst v32  }
0x43c: {  	v35 =	vld [tilespmem:$0x5D00];
	[tilespmem:$0x2680] =	vst v33  }
0x43d: {  	[tilespmem:$0x2480] =	vst v1;
	v1 =	vld [tilespmem:$0x5CC0]  }
0x43e: {  	[tilespmem:$0x2500] =	vst v2;
	v2 =	vld [tilespmem:$0x5CD0]  }
0x43f: {  	[tilespmem:$0x2580] =	vst v3;
	v3 =	vld [tilespmem:$0x5CE0]  }
0x440: {  	v36 =	vld [tilespmem:$0x5D40];
	[tilespmem:$0x2880] =	vst v34  }
0x441: {  	v37 =	vld [tilespmem:$0x5D50];
	[tilespmem:$0x2900] =	vst v35  }
0x442: {  	[tilespmem:$0x2700] =	vst v1;
	v1 =	vld [tilespmem:$0x5D10]  }
0x443: {  	[tilespmem:$0x2780] =	vst v2;
	v2 =	vld [tilespmem:$0x5D20]  }
0x444: {  	[tilespmem:$0x2800] =	vst v3;
	v3 =	vld [tilespmem:$0x5D30]  }
0x445: {  	v38 =	vld [tilespmem:$0x5D90];
	[tilespmem:$0x2B00] =	vst v36  }
0x446: {  	v39 =	vld [tilespmem:$0x5DA0];
	[tilespmem:$0x2B80] =	vst v37  }
0x447: {  	[tilespmem:$0x2980] =	vst v1;
	v1 =	vld [tilespmem:$0x5D60]  }
0x448: {  	[tilespmem:$0x2A00] =	vst v2;
	v2 =	vld [tilespmem:$0x5D70]  }
0x449: {  	[tilespmem:$0x2A80] =	vst v3;
	v3 =	vld [tilespmem:$0x5D80]  }
0x44a: {  	v40 =	vld [tilespmem:$0x5DE0];
	[tilespmem:$0x2D80] =	vst v38  }
0x44b: {  	v41 =	vld [tilespmem:$0x5DF0];
	[tilespmem:$0x2E00] =	vst v39  }
0x44c: {  	[tilespmem:$0x2C00] =	vst v1;
	v1 =	vld [tilespmem:$0x5DB0]  }
0x44d: {  	[tilespmem:$0x2C80] =	vst v2;
	v2 =	vld [tilespmem:$0x5DC0]  }
0x44e: {  	[tilespmem:$0x2D00] =	vst v3;
	v3 =	vld [tilespmem:$0x5DD0]  }
0x44f: {  	[tilespmem:$0x3000] =	vst v40  }
0x450: {  	[tilespmem:$0x3080] =	vst v41  }
0x451: {  	[tilespmem:$0x2E80] =	vst v1  }
0x452: {  	[tilespmem:$0x2F00] =	vst v2  }
0x453: {  	[tilespmem:$0x2F80] =	vst v3  }
0x454: {  	[spmem:s21] =	stream.indirect.scatter.add.f32 [tilespmem:s7], [sflag:$0x3], $0x80, s13, s11, $0xb8;
	[tilespmem:$0x1AD80] =	vst v63  }
0x455: {  	_ =	swait.ge [sflag:s5], $0x2800  }
0x456: {  	[sflag:s5] =	ssyncset.done $0x0  }
0x457: {  	[sflag:s5] =	ssyncadd.s32 $0xFFFFD800  }
0x458: {  	v1 =	vld [tilespmem:$0x480]  }
0x459: {  	v2 =	vld [tilespmem:$0x490]  }
0x45a: {  	v3 =	vld [tilespmem:$0x4A0]  }
0x45b: {  	v42 =	vld [tilespmem:$0x4B0]  }
0x45c: {  	v43 =	vld [tilespmem:$0x4C0]  }
0x45d: {  	v44 =	vld [tilespmem:$0x5E30];
	[tilespmem:$0x880] =	vst v1  }
0x45e: {  	v45 =	vld [tilespmem:$0x5E40];
	[tilespmem:$0x890] =	vst v2  }
0x45f: {  	v1 =	vld [tilespmem:$0x5E00];
	[tilespmem:$0x8A0] =	vst v3  }
0x460: {  	v2 =	vld [tilespmem:$0x5E10];
	[tilespmem:$0x8B0] =	vst v42  }
0x461: {  	v3 =	vld [tilespmem:$0x5E20];
	[tilespmem:$0x8C0] =	vst v43  }
0x462: {  	v46 =	vld [tilespmem:$0x5E80];
	[tilespmem:$0x3280] =	vst v44  }
0x463: {  	v47 =	vld [tilespmem:$0x5E90];
	[tilespmem:$0x3300] =	vst v45  }
0x464: {  	[tilespmem:$0x3100] =	vst v1;
	v1 =	vld [tilespmem:$0x5E50]  }
0x465: {  	[tilespmem:$0x3180] =	vst v2;
	v2 =	vld [tilespmem:$0x5E60]  }
0x466: {  	[tilespmem:$0x3200] =	vst v3;
	v3 =	vld [tilespmem:$0x5E70]  }
0x467: {  	v48 =	vld [tilespmem:$0x5ED0];
	[tilespmem:$0x3500] =	vst v46  }
0x468: {  	v49 =	vld [tilespmem:$0x5EE0];
	[tilespmem:$0x3580] =	vst v47  }
0x469: {  	[tilespmem:$0x3380] =	vst v1;
	v1 =	vld [tilespmem:$0x5EA0]  }
0x46a: {  	[tilespmem:$0x3400] =	vst v2;
	v2 =	vld [tilespmem:$0x5EB0]  }
0x46b: {  	[tilespmem:$0x3480] =	vst v3;
	v3 =	vld [tilespmem:$0x5EC0]  }
0x46c: {  	v50 =	vld [tilespmem:$0x5F20];
	[tilespmem:$0x3780] =	vst v48  }
0x46d: {  	v51 =	vld [tilespmem:$0x5F30];
	[tilespmem:$0x3800] =	vst v49  }
0x46e: {  	[tilespmem:$0x3600] =	vst v1;
	v1 =	vld [tilespmem:$0x5EF0]  }
0x46f: {  	[tilespmem:$0x3680] =	vst v2;
	v2 =	vld [tilespmem:$0x5F00]  }
0x470: {  	[tilespmem:$0x3700] =	vst v3;
	v3 =	vld [tilespmem:$0x5F10]  }
0x471: {  	v52 =	vld [tilespmem:$0x5F70];
	[tilespmem:$0x3A00] =	vst v50  }
0x472: {  	v53 =	vld [tilespmem:$0x5F80];
	[tilespmem:$0x3A80] =	vst v51  }
0x473: {  	[tilespmem:$0x3880] =	vst v1;
	v1 =	vld [tilespmem:$0x5F40]  }
0x474: {  	[tilespmem:$0x3900] =	vst v2;
	v2 =	vld [tilespmem:$0x5F50]  }
0x475: {  	[tilespmem:$0x3980] =	vst v3;
	v3 =	vld [tilespmem:$0x5F60]  }
0x476: {  	v54 =	vld [tilespmem:$0x5FC0];
	[tilespmem:$0x3C80] =	vst v52  }
0x477: {  	v55 =	vld [tilespmem:$0x5FD0];
	[tilespmem:$0x3D00] =	vst v53  }
0x478: {  	[tilespmem:$0x3B00] =	vst v1;
	v1 =	vld [tilespmem:$0x5F90]  }
0x479: {  	[tilespmem:$0x3B80] =	vst v2;
	v2 =	vld [tilespmem:$0x5FA0]  }
0x47a: {  	[tilespmem:$0x3C00] =	vst v3;
	v3 =	vld [tilespmem:$0x5FB0]  }
0x47b: {  	v56 =	vld [tilespmem:$0x6010];
	[tilespmem:$0x3F00] =	vst v54  }
0x47c: {  	v57 =	vld [tilespmem:$0x6020];
	[tilespmem:$0x3F80] =	vst v55  }
0x47d: {  	[tilespmem:$0x3D80] =	vst v1;
	v1 =	vld [tilespmem:$0x5FE0]  }
0x47e: {  	[tilespmem:$0x3E00] =	vst v2;
	v2 =	vld [tilespmem:$0x5FF0]  }
0x47f: {  	[tilespmem:$0x3E80] =	vst v3;
	v3 =	vld [tilespmem:$0x6000]  }
0x480: {  	v58 =	vld [tilespmem:$0x6060];
	[tilespmem:$0x4180] =	vst v56  }
0x481: {  	v59 =	vld [tilespmem:$0x6070];
	[tilespmem:$0x4200] =	vst v57  }
0x482: {  	[tilespmem:$0x4000] =	vst v1;
	v1 =	vld [tilespmem:$0x6030]  }
0x483: {  	[tilespmem:$0x4080] =	vst v2;
	v2 =	vld [tilespmem:$0x6040]  }
0x484: {  	[tilespmem:$0x4100] =	vst v3;
	v3 =	vld [tilespmem:$0x6050]  }
0x485: {  	v60 =	vld [tilespmem:$0x60B0];
	[tilespmem:$0x4400] =	vst v58  }
0x486: {  	v61 =	vld [tilespmem:$0x60C0];
	[tilespmem:$0x4480] =	vst v59  }
0x487: {  	[tilespmem:$0x4280] =	vst v1;
	v1 =	vld [tilespmem:$0x6080]  }
0x488: {  	[tilespmem:$0x4300] =	vst v2;
	v2 =	vld [tilespmem:$0x6090]  }
0x489: {  	[tilespmem:$0x4380] =	vst v3;
	v3 =	vld [tilespmem:$0x60A0]  }
0x48a: {  	v62 =	vld [tilespmem:$0x6100];
	[tilespmem:$0x4680] =	vst v60  }
0x48b: {  	v63 =	vld [tilespmem:$0x6110];
	[tilespmem:$0x4700] =	vst v61  }
0x48c: {  	[tilespmem:$0x4500] =	vst v1;
	v1 =	vld [tilespmem:$0x60D0]  }
0x48d: {  	[tilespmem:$0x4580] =	vst v2;
	v2 =	vld [tilespmem:$0x60E0]  }
0x48e: {  	[tilespmem:$0x4600] =	vst v3;
	v3 =	vld [tilespmem:$0x60F0]  }
0x48f: {  	v8 =	vld [tilespmem:$0x6150];
	[tilespmem:$0x4900] =	vst v62  }
0x490: {  	v9 =	vld [tilespmem:$0x6160];
	[tilespmem:$0x4980] =	vst v63  }
0x491: {  	[tilespmem:$0x4780] =	vst v1;
	v1 =	vld [tilespmem:$0x6120]  }
0x492: {  	[tilespmem:$0x4800] =	vst v2;
	v2 =	vld [tilespmem:$0x6130]  }
0x493: {  	[tilespmem:$0x4880] =	vst v3;
	v3 =	vld [tilespmem:$0x6140]  }
0x494: {  	v10 =	vld [tilespmem:$0x61A0];
	[tilespmem:$0x4B80] =	vst v8  }
0x495: {  	v11 =	vld [tilespmem:$0x61B0];
	[tilespmem:$0x4C00] =	vst v9  }
0x496: {  	[tilespmem:$0x4A00] =	vst v1;
	v1 =	vld [tilespmem:$0x6170]  }
0x497: {  	[tilespmem:$0x4A80] =	vst v2;
	v2 =	vld [tilespmem:$0x6180]  }
0x498: {  	[tilespmem:$0x4B00] =	vst v3;
	v3 =	vld [tilespmem:$0x6190]  }
0x499: {  	v12 =	vld [tilespmem:$0x61F0];
	[tilespmem:$0x4E00] =	vst v10  }
0x49a: {  	v13 =	vld [tilespmem:$0x6200];
	[tilespmem:$0x4E80] =	vst v11  }
0x49b: {  	[tilespmem:$0x4C80] =	vst v1;
	v1 =	vld [tilespmem:$0x61C0]  }
0x49c: {  	[tilespmem:$0x4D00] =	vst v2;
	v2 =	vld [tilespmem:$0x61D0]  }
0x49d: {  	[tilespmem:$0x4D80] =	vst v3;
	v3 =	vld [tilespmem:$0x61E0]  }
0x49e: {  	v14 =	vld [tilespmem:$0x6240];
	[tilespmem:$0x5080] =	vst v12  }
0x49f: {  	v15 =	vld [tilespmem:$0x6250];
	[tilespmem:$0x5100] =	vst v13  }
0x4a0: {  	[tilespmem:$0x4F00] =	vst v1;
	v1 =	vld [tilespmem:$0x6210]  }
0x4a1: {  	[tilespmem:$0x4F80] =	vst v2;
	v2 =	vld [tilespmem:$0x6220]  }
0x4a2: {  	[tilespmem:$0x5000] =	vst v3;
	v3 =	vld [tilespmem:$0x6230]  }
0x4a3: {  	v16 =	vld [tilespmem:$0x6290];
	[tilespmem:$0x5300] =	vst v14  }
0x4a4: {  	v17 =	vld [tilespmem:$0x62A0];
	[tilespmem:$0x5380] =	vst v15  }
0x4a5: {  	[tilespmem:$0x5180] =	vst v1;
	v1 =	vld [tilespmem:$0x6260]  }
0x4a6: {  	[tilespmem:$0x5200] =	vst v2;
	v2 =	vld [tilespmem:$0x6270]  }
0x4a7: {  	[tilespmem:$0x5280] =	vst v3;
	v3 =	vld [tilespmem:$0x6280]  }
0x4a8: {  	v18 =	vld [tilespmem:$0x62E0];
	[tilespmem:$0x5580] =	vst v16  }
0x4a9: {  	v19 =	vld [tilespmem:$0x62F0];
	[tilespmem:$0x5600] =	vst v17  }
0x4aa: {  	[tilespmem:$0x5400] =	vst v1;
	v1 =	vld [tilespmem:$0x62B0]  }
0x4ab: {  	[tilespmem:$0x5480] =	vst v2;
	v2 =	vld [tilespmem:$0x62C0]  }
0x4ac: {  	[tilespmem:$0x5500] =	vst v3;
	v3 =	vld [tilespmem:$0x62D0]  }
0x4ad: {  	[tilespmem:$0x5800] =	vst v18  }
0x4ae: {  	[tilespmem:$0x5880] =	vst v19  }
0x4af: {  	[tilespmem:$0x5680] =	vst v1  }
0x4b0: {  	[tilespmem:$0x5700] =	vst v2  }
0x4b1: {  	[tilespmem:$0x5780] =	vst v3  }
0x4b2: {  	[spmem:s21] =	stream.indirect.scatter.add.f32 [tilespmem:s15], [sflag:$0x4], $0x80, s17, s11, $0xb8;
	[tilespmem:$0x1AD80] =	vst v63  }
0x4b3: {  	_ =	swait.ge [sflag:s25], $0x2800  }
0x4b4: {  	[sflag:s25] =	ssyncset.done $0x0  }
0x4b5: {  	[sflag:s25] =	ssyncadd.s32 $0xFFFFD800  }
0x4b6: {  	v1 =	vld [tilespmem:$0x500]  }
0x4b7: {  	v2 =	vld [tilespmem:$0x510]  }
0x4b8: {  	v3 =	vld [tilespmem:$0x520]  }
0x4b9: {  	v20 =	vld [tilespmem:$0x530]  }
0x4ba: {  	v21 =	vld [tilespmem:$0x540]  }
0x4bb: {  	[tilespmem:$0x800] =	vst v1;
	v1 =	vld [tilespmem:$0x6300]  }
0x4bc: {  	[tilespmem:$0x810] =	vst v2;
	v2 =	vld [tilespmem:$0x6310]  }
0x4bd: {  	[tilespmem:$0x820] =	vst v3;
	v3 =	vld [tilespmem:$0x6320]  }
0x4be: {  	v22 =	vld [tilespmem:$0x6330];
	[tilespmem:$0x830] =	vst v20  }
0x4bf: {  	[tilespmem:$0x840] =	vst v21  }
0x4c0: {  	[tilespmem:$0x900] =	vst v1  }
0x4c1: {  	[tilespmem:$0x980] =	vst v2  }
0x4c2: {  	[tilespmem:$0xA00] =	vst v3  }
0x4c3: {  	[tilespmem:$0xA80] =	vst v22  }
0x4c4: {  	v1 =	vld [tilespmem:$0x6340]  }
0x4c5: {  	v2 =	vld [tilespmem:$0x6350]  }
0x4c6: {  	v3 =	vld [tilespmem:$0x6360]  }
0x4c7: {  	v4 =	vld [tilespmem:$0x6370]  }
0x4c8: {  	v23 =	vld [tilespmem:$0x6380]  }
0x4c9: {  	[tilespmem:$0xB00] =	vst v1;
	v1 =	vld [tilespmem:$0x6390]  }
0x4ca: {  	v24 =	vld [tilespmem:$0x63C0];
	[tilespmem:$0xB80] =	vst v2  }
0x4cb: {  	v25 =	vld [tilespmem:$0x63D0];
	[tilespmem:$0xC00] =	vst v3  }
0x4cc: {  	v2 =	vld [tilespmem:$0x63A0];
	[tilespmem:$0xC80] =	vst v4  }
0x4cd: {  	v3 =	vld [tilespmem:$0x63B0];
	[tilespmem:$0xD00] =	vst v23  }
0x4ce: {  	[tilespmem:$0xD80] =	vst v1;
	v1 =	vld [tilespmem:$0x63E0]  }
0x4cf: {  	v26 =	vld [tilespmem:$0x6410];
	[tilespmem:$0xF00] =	vst v24  }
0x4d0: {  	v27 =	vld [tilespmem:$0x6420];
	[tilespmem:$0xF80] =	vst v25  }
0x4d1: {  	[tilespmem:$0xE00] =	vst v2;
	v2 =	vld [tilespmem:$0x63F0]  }
0x4d2: {  	[tilespmem:$0xE80] =	vst v3;
	v3 =	vld [tilespmem:$0x6400]  }
0x4d3: {  	[tilespmem:$0x1000] =	vst v1;
	v1 =	vld [tilespmem:$0x6430]  }
0x4d4: {  	v28 =	vld [tilespmem:$0x6460];
	[tilespmem:$0x1180] =	vst v26  }
0x4d5: {  	v29 =	vld [tilespmem:$0x6470];
	[tilespmem:$0x1200] =	vst v27  }
0x4d6: {  	[tilespmem:$0x1080] =	vst v2;
	v2 =	vld [tilespmem:$0x6440]  }
0x4d7: {  	[tilespmem:$0x1100] =	vst v3;
	v3 =	vld [tilespmem:$0x6450]  }
0x4d8: {  	[tilespmem:$0x1280] =	vst v1;
	v1 =	vld [tilespmem:$0x6480]  }
0x4d9: {  	v30 =	vld [tilespmem:$0x64B0];
	[tilespmem:$0x1400] =	vst v28  }
0x4da: {  	v31 =	vld [tilespmem:$0x64C0];
	[tilespmem:$0x1480] =	vst v29  }
0x4db: {  	[tilespmem:$0x1300] =	vst v2;
	v2 =	vld [tilespmem:$0x6490]  }
0x4dc: {  	[tilespmem:$0x1380] =	vst v3;
	v3 =	vld [tilespmem:$0x64A0]  }
0x4dd: {  	[tilespmem:$0x1500] =	vst v1;
	v1 =	vld [tilespmem:$0x64D0]  }
0x4de: {  	v32 =	vld [tilespmem:$0x6500];
	[tilespmem:$0x1680] =	vst v30  }
0x4df: {  	v33 =	vld [tilespmem:$0x6510];
	[tilespmem:$0x1700] =	vst v31  }
0x4e0: {  	[tilespmem:$0x1580] =	vst v2;
	v2 =	vld [tilespmem:$0x64E0]  }
0x4e1: {  	[tilespmem:$0x1600] =	vst v3;
	v3 =	vld [tilespmem:$0x64F0]  }
0x4e2: {  	[tilespmem:$0x1780] =	vst v1;
	v1 =	vld [tilespmem:$0x6520]  }
0x4e3: {  	v34 =	vld [tilespmem:$0x6550];
	[tilespmem:$0x1900] =	vst v32  }
0x4e4: {  	v35 =	vld [tilespmem:$0x6560];
	[tilespmem:$0x1980] =	vst v33  }
0x4e5: {  	[tilespmem:$0x1800] =	vst v2;
	v2 =	vld [tilespmem:$0x6530]  }
0x4e6: {  	[tilespmem:$0x1880] =	vst v3;
	v3 =	vld [tilespmem:$0x6540]  }
0x4e7: {  	[tilespmem:$0x1A00] =	vst v1;
	v1 =	vld [tilespmem:$0x6570]  }
0x4e8: {  	v36 =	vld [tilespmem:$0x65A0];
	[tilespmem:$0x1B80] =	vst v34  }
0x4e9: {  	v37 =	vld [tilespmem:$0x65B0];
	[tilespmem:$0x1C00] =	vst v35  }
0x4ea: {  	[tilespmem:$0x1A80] =	vst v2;
	v2 =	vld [tilespmem:$0x6580]  }
0x4eb: {  	[tilespmem:$0x1B00] =	vst v3;
	v3 =	vld [tilespmem:$0x6590]  }
0x4ec: {  	[tilespmem:$0x1C80] =	vst v1;
	v1 =	vld [tilespmem:$0x65C0]  }
0x4ed: {  	v38 =	vld [tilespmem:$0x65F0];
	[tilespmem:$0x1E00] =	vst v36  }
0x4ee: {  	v39 =	vld [tilespmem:$0x6600];
	[tilespmem:$0x1E80] =	vst v37  }
0x4ef: {  	[tilespmem:$0x1D00] =	vst v2;
	v2 =	vld [tilespmem:$0x65D0]  }
0x4f0: {  	[tilespmem:$0x1D80] =	vst v3;
	v3 =	vld [tilespmem:$0x65E0]  }
0x4f1: {  	[tilespmem:$0x1F00] =	vst v1;
	v1 =	vld [tilespmem:$0x6610]  }
0x4f2: {  	v40 =	vld [tilespmem:$0x6640];
	[tilespmem:$0x2080] =	vst v38  }
0x4f3: {  	v41 =	vld [tilespmem:$0x6650];
	[tilespmem:$0x2100] =	vst v39  }
0x4f4: {  	[tilespmem:$0x1F80] =	vst v2;
	v2 =	vld [tilespmem:$0x6620]  }
0x4f5: {  	[tilespmem:$0x2000] =	vst v3;
	v3 =	vld [tilespmem:$0x6630]  }
0x4f6: {  	[tilespmem:$0x2180] =	vst v1;
	v1 =	vld [tilespmem:$0x6660]  }
0x4f7: {  	v42 =	vld [tilespmem:$0x6690];
	[tilespmem:$0x2300] =	vst v40  }
0x4f8: {  	v43 =	vld [tilespmem:$0x66A0];
	[tilespmem:$0x2380] =	vst v41  }
0x4f9: {  	[tilespmem:$0x2200] =	vst v2;
	v2 =	vld [tilespmem:$0x6670]  }
0x4fa: {  	[tilespmem:$0x2280] =	vst v3;
	v3 =	vld [tilespmem:$0x6680]  }
0x4fb: {  	[tilespmem:$0x2400] =	vst v1;
	v1 =	vld [tilespmem:$0x66B0]  }
0x4fc: {  	v44 =	vld [tilespmem:$0x66E0];
	[tilespmem:$0x2580] =	vst v42  }
0x4fd: {  	v45 =	vld [tilespmem:$0x66F0];
	[tilespmem:$0x2600] =	vst v43  }
0x4fe: {  	[tilespmem:$0x2480] =	vst v2;
	v2 =	vld [tilespmem:$0x66C0]  }
0x4ff: {  	[tilespmem:$0x2500] =	vst v3;
	v3 =	vld [tilespmem:$0x66D0]  }
0x500: {  	[tilespmem:$0x2680] =	vst v1;
	v1 =	vld [tilespmem:$0x6700]  }
0x501: {  	v46 =	vld [tilespmem:$0x6730];
	[tilespmem:$0x2800] =	vst v44  }
0x502: {  	v47 =	vld [tilespmem:$0x6740];
	[tilespmem:$0x2880] =	vst v45  }
0x503: {  	[tilespmem:$0x2700] =	vst v2;
	v2 =	vld [tilespmem:$0x6710]  }
0x504: {  	[tilespmem:$0x2780] =	vst v3;
	v3 =	vld [tilespmem:$0x6720]  }
0x505: {  	[tilespmem:$0x2900] =	vst v1;
	v1 =	vld [tilespmem:$0x6750]  }
0x506: {  	v48 =	vld [tilespmem:$0x6780];
	[tilespmem:$0x2A80] =	vst v46  }
0x507: {  	v49 =	vld [tilespmem:$0x6790];
	[tilespmem:$0x2B00] =	vst v47  }
0x508: {  	[tilespmem:$0x2980] =	vst v2;
	v2 =	vld [tilespmem:$0x6760]  }
0x509: {  	[tilespmem:$0x2A00] =	vst v3;
	v3 =	vld [tilespmem:$0x6770]  }
0x50a: {  	[tilespmem:$0x2B80] =	vst v1;
	v1 =	vld [tilespmem:$0x67A0]  }
0x50b: {  	v50 =	vld [tilespmem:$0x67D0];
	[tilespmem:$0x2D00] =	vst v48  }
0x50c: {  	v51 =	vld [tilespmem:$0x67E0];
	[tilespmem:$0x2D80] =	vst v49  }
0x50d: {  	[tilespmem:$0x2C00] =	vst v2;
	v2 =	vld [tilespmem:$0x67B0]  }
0x50e: {  	[tilespmem:$0x2C80] =	vst v3;
	v3 =	vld [tilespmem:$0x67C0]  }
0x50f: {  	[tilespmem:$0x2E00] =	vst v1;
	v1 =	vld [tilespmem:$0x67F0]  }
0x510: {  	[tilespmem:$0x2F80] =	vst v50  }
0x511: {  	[tilespmem:$0x3000] =	vst v51  }
0x512: {  	[tilespmem:$0x2E80] =	vst v2  }
0x513: {  	[tilespmem:$0x2F00] =	vst v3  }
0x514: {  	[tilespmem:$0x3080] =	vst v1  }
0x515: {  	[spmem:s21] =	stream.indirect.scatter.add.f32 [tilespmem:s7], [sflag:$0x3], $0x80, s13, s11, $0xb8;
	[tilespmem:$0x1AD80] =	vst v63  }
0x516: {  	_ =	swait.ge [sflag:s5], $0x2800  }
0x517: {  	[sflag:s5] =	ssyncset.done $0x0  }
0x518: {  	[sflag:s5] =	ssyncadd.s32 $0xFFFFD800  }
0x519: {  	v1 =	vld [tilespmem:$0x580]  }
0x51a: {  	v2 =	vld [tilespmem:$0x590]  }
0x51b: {  	v3 =	vld [tilespmem:$0x5A0]  }
0x51c: {  	v52 =	vld [tilespmem:$0x5B0]  }
0x51d: {  	v53 =	vld [tilespmem:$0x5C0]  }
0x51e: {  	v54 =	vld [tilespmem:$0x6830];
	[tilespmem:$0x880] =	vst v1  }
0x51f: {  	v55 =	vld [tilespmem:$0x6840];
	[tilespmem:$0x890] =	vst v2  }
0x520: {  	v1 =	vld [tilespmem:$0x6800];
	[tilespmem:$0x8A0] =	vst v3  }
0x521: {  	v2 =	vld [tilespmem:$0x6810];
	[tilespmem:$0x8B0] =	vst v52  }
0x522: {  	v3 =	vld [tilespmem:$0x6820];
	[tilespmem:$0x8C0] =	vst v53  }
0x523: {  	v56 =	vld [tilespmem:$0x6880];
	[tilespmem:$0x3280] =	vst v54  }
0x524: {  	v57 =	vld [tilespmem:$0x6890];
	[tilespmem:$0x3300] =	vst v55  }
0x525: {  	[tilespmem:$0x3100] =	vst v1;
	v1 =	vld [tilespmem:$0x6850]  }
0x526: {  	[tilespmem:$0x3180] =	vst v2;
	v2 =	vld [tilespmem:$0x6860]  }
0x527: {  	[tilespmem:$0x3200] =	vst v3;
	v3 =	vld [tilespmem:$0x6870]  }
0x528: {  	v58 =	vld [tilespmem:$0x68D0];
	[tilespmem:$0x3500] =	vst v56  }
0x529: {  	v59 =	vld [tilespmem:$0x68E0];
	[tilespmem:$0x3580] =	vst v57  }
0x52a: {  	[tilespmem:$0x3380] =	vst v1;
	v1 =	vld [tilespmem:$0x68A0]  }
0x52b: {  	[tilespmem:$0x3400] =	vst v2;
	v2 =	vld [tilespmem:$0x68B0]  }
0x52c: {  	[tilespmem:$0x3480] =	vst v3;
	v3 =	vld [tilespmem:$0x68C0]  }
0x52d: {  	v60 =	vld [tilespmem:$0x6920];
	[tilespmem:$0x3780] =	vst v58  }
0x52e: {  	v61 =	vld [tilespmem:$0x6930];
	[tilespmem:$0x3800] =	vst v59  }
0x52f: {  	[tilespmem:$0x3600] =	vst v1;
	v1 =	vld [tilespmem:$0x68F0]  }
0x530: {  	[tilespmem:$0x3680] =	vst v2;
	v2 =	vld [tilespmem:$0x6900]  }
0x531: {  	[tilespmem:$0x3700] =	vst v3;
	v3 =	vld [tilespmem:$0x6910]  }
0x532: {  	v62 =	vld [tilespmem:$0x6970];
	[tilespmem:$0x3A00] =	vst v60  }
0x533: {  	v63 =	vld [tilespmem:$0x6980];
	[tilespmem:$0x3A80] =	vst v61  }
0x534: {  	[tilespmem:$0x3880] =	vst v1;
	v1 =	vld [tilespmem:$0x6940]  }
0x535: {  	[tilespmem:$0x3900] =	vst v2;
	v2 =	vld [tilespmem:$0x6950]  }
0x536: {  	[tilespmem:$0x3980] =	vst v3;
	v3 =	vld [tilespmem:$0x6960]  }
0x537: {  	v8 =	vld [tilespmem:$0x69C0];
	[tilespmem:$0x3C80] =	vst v62  }
0x538: {  	v9 =	vld [tilespmem:$0x69D0];
	[tilespmem:$0x3D00] =	vst v63  }
0x539: {  	[tilespmem:$0x3B00] =	vst v1;
	v1 =	vld [tilespmem:$0x6990]  }
0x53a: {  	[tilespmem:$0x3B80] =	vst v2;
	v2 =	vld [tilespmem:$0x69A0]  }
0x53b: {  	[tilespmem:$0x3C00] =	vst v3;
	v3 =	vld [tilespmem:$0x69B0]  }
0x53c: {  	v10 =	vld [tilespmem:$0x6A10];
	[tilespmem:$0x3F00] =	vst v8  }
0x53d: {  	v11 =	vld [tilespmem:$0x6A20];
	[tilespmem:$0x3F80] =	vst v9  }
0x53e: {  	[tilespmem:$0x3D80] =	vst v1;
	v1 =	vld [tilespmem:$0x69E0]  }
0x53f: {  	[tilespmem:$0x3E00] =	vst v2;
	v2 =	vld [tilespmem:$0x69F0]  }
0x540: {  	[tilespmem:$0x3E80] =	vst v3;
	v3 =	vld [tilespmem:$0x6A00]  }
0x541: {  	v12 =	vld [tilespmem:$0x6A60];
	[tilespmem:$0x4180] =	vst v10  }
0x542: {  	v13 =	vld [tilespmem:$0x6A70];
	[tilespmem:$0x4200] =	vst v11  }
0x543: {  	[tilespmem:$0x4000] =	vst v1;
	v1 =	vld [tilespmem:$0x6A30]  }
0x544: {  	[tilespmem:$0x4080] =	vst v2;
	v2 =	vld [tilespmem:$0x6A40]  }
0x545: {  	[tilespmem:$0x4100] =	vst v3;
	v3 =	vld [tilespmem:$0x6A50]  }
0x546: {  	v14 =	vld [tilespmem:$0x6AB0];
	[tilespmem:$0x4400] =	vst v12  }
0x547: {  	v15 =	vld [tilespmem:$0x6AC0];
	[tilespmem:$0x4480] =	vst v13  }
0x548: {  	[tilespmem:$0x4280] =	vst v1;
	v1 =	vld [tilespmem:$0x6A80]  }
0x549: {  	[tilespmem:$0x4300] =	vst v2;
	v2 =	vld [tilespmem:$0x6A90]  }
0x54a: {  	[tilespmem:$0x4380] =	vst v3;
	v3 =	vld [tilespmem:$0x6AA0]  }
0x54b: {  	v16 =	vld [tilespmem:$0x6B00];
	[tilespmem:$0x4680] =	vst v14  }
0x54c: {  	v17 =	vld [tilespmem:$0x6B10];
	[tilespmem:$0x4700] =	vst v15  }
0x54d: {  	[tilespmem:$0x4500] =	vst v1;
	v1 =	vld [tilespmem:$0x6AD0]  }
0x54e: {  	[tilespmem:$0x4580] =	vst v2;
	v2 =	vld [tilespmem:$0x6AE0]  }
0x54f: {  	[tilespmem:$0x4600] =	vst v3;
	v3 =	vld [tilespmem:$0x6AF0]  }
0x550: {  	v18 =	vld [tilespmem:$0x6B50];
	[tilespmem:$0x4900] =	vst v16  }
0x551: {  	v19 =	vld [tilespmem:$0x6B60];
	[tilespmem:$0x4980] =	vst v17  }
0x552: {  	[tilespmem:$0x4780] =	vst v1;
	v1 =	vld [tilespmem:$0x6B20]  }
0x553: {  	[tilespmem:$0x4800] =	vst v2;
	v2 =	vld [tilespmem:$0x6B30]  }
0x554: {  	[tilespmem:$0x4880] =	vst v3;
	v3 =	vld [tilespmem:$0x6B40]  }
0x555: {  	v20 =	vld [tilespmem:$0x6BA0];
	[tilespmem:$0x4B80] =	vst v18  }
0x556: {  	v21 =	vld [tilespmem:$0x6BB0];
	[tilespmem:$0x4C00] =	vst v19  }
0x557: {  	[tilespmem:$0x4A00] =	vst v1;
	v1 =	vld [tilespmem:$0x6B70]  }
0x558: {  	[tilespmem:$0x4A80] =	vst v2;
	v2 =	vld [tilespmem:$0x6B80]  }
0x559: {  	[tilespmem:$0x4B00] =	vst v3;
	v3 =	vld [tilespmem:$0x6B90]  }
0x55a: {  	v22 =	vld [tilespmem:$0x6BF0];
	[tilespmem:$0x4E00] =	vst v20  }
0x55b: {  	v23 =	vld [tilespmem:$0x6C00];
	[tilespmem:$0x4E80] =	vst v21  }
0x55c: {  	[tilespmem:$0x4C80] =	vst v1;
	v1 =	vld [tilespmem:$0x6BC0]  }
0x55d: {  	[tilespmem:$0x4D00] =	vst v2;
	v2 =	vld [tilespmem:$0x6BD0]  }
0x55e: {  	[tilespmem:$0x4D80] =	vst v3;
	v3 =	vld [tilespmem:$0x6BE0]  }
0x55f: {  	v24 =	vld [tilespmem:$0x6C40];
	[tilespmem:$0x5080] =	vst v22  }
0x560: {  	v25 =	vld [tilespmem:$0x6C50];
	[tilespmem:$0x5100] =	vst v23  }
0x561: {  	[tilespmem:$0x4F00] =	vst v1;
	v1 =	vld [tilespmem:$0x6C10]  }
0x562: {  	[tilespmem:$0x4F80] =	vst v2;
	v2 =	vld [tilespmem:$0x6C20]  }
0x563: {  	[tilespmem:$0x5000] =	vst v3;
	v3 =	vld [tilespmem:$0x6C30]  }
0x564: {  	v26 =	vld [tilespmem:$0x6C90];
	[tilespmem:$0x5300] =	vst v24  }
0x565: {  	v27 =	vld [tilespmem:$0x6CA0];
	[tilespmem:$0x5380] =	vst v25  }
0x566: {  	[tilespmem:$0x5180] =	vst v1;
	v1 =	vld [tilespmem:$0x6C60]  }
0x567: {  	[tilespmem:$0x5200] =	vst v2;
	v2 =	vld [tilespmem:$0x6C70]  }
0x568: {  	[tilespmem:$0x5280] =	vst v3;
	v3 =	vld [tilespmem:$0x6C80]  }
0x569: {  	v28 =	vld [tilespmem:$0x6CE0];
	[tilespmem:$0x5580] =	vst v26  }
0x56a: {  	v29 =	vld [tilespmem:$0x6CF0];
	[tilespmem:$0x5600] =	vst v27  }
0x56b: {  	[tilespmem:$0x5400] =	vst v1;
	v1 =	vld [tilespmem:$0x6CB0]  }
0x56c: {  	[tilespmem:$0x5480] =	vst v2;
	v2 =	vld [tilespmem:$0x6CC0]  }
0x56d: {  	[tilespmem:$0x5500] =	vst v3;
	v3 =	vld [tilespmem:$0x6CD0]  }
0x56e: {  	[tilespmem:$0x5800] =	vst v28  }
0x56f: {  	[tilespmem:$0x5880] =	vst v29  }
0x570: {  	[tilespmem:$0x5680] =	vst v1  }
0x571: {  	[tilespmem:$0x5700] =	vst v2  }
0x572: {  	[tilespmem:$0x5780] =	vst v3  }
0x573: {  	[spmem:s21] =	stream.indirect.scatter.add.f32 [tilespmem:s15], [sflag:$0x4], $0x80, s17, s11, $0xb8;
	[tilespmem:$0x1AD80] =	vst v63  }
0x574: {  	_ =	swait.ge [sflag:s25], $0x2800  }
0x575: {  	[sflag:s25] =	ssyncset.done $0x0  }
0x576: {  	[sflag:s25] =	ssyncadd.s32 $0xFFFFD800  }
0x577: {  	v1 =	vld [tilespmem:$0x600]  }
0x578: {  	v2 =	vld [tilespmem:$0x610]  }
0x579: {  	v3 =	vld [tilespmem:$0x620]  }
0x57a: {  	v30 =	vld [tilespmem:$0x630]  }
0x57b: {  	v31 =	vld [tilespmem:$0x640]  }
0x57c: {  	v32 =	vld [tilespmem:$0x6D30];
	[tilespmem:$0x800] =	vst v1  }
0x57d: {  	v33 =	vld [tilespmem:$0x6D40];
	[tilespmem:$0x810] =	vst v2  }
0x57e: {  	v1 =	vld [tilespmem:$0x6D00];
	[tilespmem:$0x820] =	vst v3  }
0x57f: {  	v2 =	vld [tilespmem:$0x6D10];
	[tilespmem:$0x830] =	vst v30  }
0x580: {  	v3 =	vld [tilespmem:$0x6D20];
	[tilespmem:$0x840] =	vst v31  }
0x581: {  	v34 =	vld [tilespmem:$0x6D80];
	[tilespmem:$0xA80] =	vst v32  }
0x582: {  	v35 =	vld [tilespmem:$0x6D90];
	[tilespmem:$0xB00] =	vst v33  }
0x583: {  	[tilespmem:$0x900] =	vst v1;
	v1 =	vld [tilespmem:$0x6D50]  }
0x584: {  	[tilespmem:$0x980] =	vst v2;
	v2 =	vld [tilespmem:$0x6D60]  }
0x585: {  	[tilespmem:$0xA00] =	vst v3;
	v3 =	vld [tilespmem:$0x6D70]  }
0x586: {  	v36 =	vld [tilespmem:$0x6DD0];
	[tilespmem:$0xD00] =	vst v34  }
0x587: {  	v37 =	vld [tilespmem:$0x6DE0];
	[tilespmem:$0xD80] =	vst v35  }
0x588: {  	[tilespmem:$0xB80] =	vst v1;
	v1 =	vld [tilespmem:$0x6DA0]  }
0x589: {  	[tilespmem:$0xC00] =	vst v2;
	v2 =	vld [tilespmem:$0x6DB0]  }
0x58a: {  	[tilespmem:$0xC80] =	vst v3;
	v3 =	vld [tilespmem:$0x6DC0]  }
0x58b: {  	v38 =	vld [tilespmem:$0x6E20];
	[tilespmem:$0xF80] =	vst v36  }
0x58c: {  	v39 =	vld [tilespmem:$0x6E30];
	[tilespmem:$0x1000] =	vst v37  }
0x58d: {  	[tilespmem:$0xE00] =	vst v1;
	v1 =	vld [tilespmem:$0x6DF0]  }
0x58e: {  	[tilespmem:$0xE80] =	vst v2;
	v2 =	vld [tilespmem:$0x6E00]  }
0x58f: {  	[tilespmem:$0xF00] =	vst v3;
	v3 =	vld [tilespmem:$0x6E10]  }
0x590: {  	v40 =	vld [tilespmem:$0x6E70];
	[tilespmem:$0x1200] =	vst v38  }
0x591: {  	v41 =	vld [tilespmem:$0x6E80];
	[tilespmem:$0x1280] =	vst v39  }
0x592: {  	[tilespmem:$0x1080] =	vst v1;
	v1 =	vld [tilespmem:$0x6E40]  }
0x593: {  	[tilespmem:$0x1100] =	vst v2;
	v2 =	vld [tilespmem:$0x6E50]  }
0x594: {  	[tilespmem:$0x1180] =	vst v3;
	v3 =	vld [tilespmem:$0x6E60]  }
0x595: {  	v42 =	vld [tilespmem:$0x6EC0];
	[tilespmem:$0x1480] =	vst v40  }
0x596: {  	v43 =	vld [tilespmem:$0x6ED0];
	[tilespmem:$0x1500] =	vst v41  }
0x597: {  	[tilespmem:$0x1300] =	vst v1;
	v1 =	vld [tilespmem:$0x6E90]  }
0x598: {  	[tilespmem:$0x1380] =	vst v2;
	v2 =	vld [tilespmem:$0x6EA0]  }
0x599: {  	[tilespmem:$0x1400] =	vst v3;
	v3 =	vld [tilespmem:$0x6EB0]  }
0x59a: {  	v44 =	vld [tilespmem:$0x6F10];
	[tilespmem:$0x1700] =	vst v42  }
0x59b: {  	v45 =	vld [tilespmem:$0x6F20];
	[tilespmem:$0x1780] =	vst v43  }
0x59c: {  	[tilespmem:$0x1580] =	vst v1;
	v1 =	vld [tilespmem:$0x6EE0]  }
0x59d: {  	[tilespmem:$0x1600] =	vst v2;
	v2 =	vld [tilespmem:$0x6EF0]  }
0x59e: {  	[tilespmem:$0x1680] =	vst v3;
	v3 =	vld [tilespmem:$0x6F00]  }
0x59f: {  	v46 =	vld [tilespmem:$0x6F60];
	[tilespmem:$0x1980] =	vst v44  }
0x5a0: {  	v47 =	vld [tilespmem:$0x6F70];
	[tilespmem:$0x1A00] =	vst v45  }
0x5a1: {  	[tilespmem:$0x1800] =	vst v1;
	v1 =	vld [tilespmem:$0x6F30]  }
0x5a2: {  	[tilespmem:$0x1880] =	vst v2;
	v2 =	vld [tilespmem:$0x6F40]  }
0x5a3: {  	[tilespmem:$0x1900] =	vst v3;
	v3 =	vld [tilespmem:$0x6F50]  }
0x5a4: {  	v48 =	vld [tilespmem:$0x6FB0];
	[tilespmem:$0x1C00] =	vst v46  }
0x5a5: {  	v49 =	vld [tilespmem:$0x6FC0];
	[tilespmem:$0x1C80] =	vst v47  }
0x5a6: {  	[tilespmem:$0x1A80] =	vst v1;
	v1 =	vld [tilespmem:$0x6F80]  }
0x5a7: {  	[tilespmem:$0x1B00] =	vst v2;
	v2 =	vld [tilespmem:$0x6F90]  }
0x5a8: {  	[tilespmem:$0x1B80] =	vst v3;
	v3 =	vld [tilespmem:$0x6FA0]  }
0x5a9: {  	v50 =	vld [tilespmem:$0x7000];
	[tilespmem:$0x1E80] =	vst v48  }
0x5aa: {  	v51 =	vld [tilespmem:$0x7010];
	[tilespmem:$0x1F00] =	vst v49  }
0x5ab: {  	[tilespmem:$0x1D00] =	vst v1;
	v1 =	vld [tilespmem:$0x6FD0]  }
0x5ac: {  	[tilespmem:$0x1D80] =	vst v2;
	v2 =	vld [tilespmem:$0x6FE0]  }
0x5ad: {  	[tilespmem:$0x1E00] =	vst v3;
	v3 =	vld [tilespmem:$0x6FF0]  }
0x5ae: {  	v52 =	vld [tilespmem:$0x7050];
	[tilespmem:$0x2100] =	vst v50  }
0x5af: {  	v53 =	vld [tilespmem:$0x7060];
	[tilespmem:$0x2180] =	vst v51  }
0x5b0: {  	[tilespmem:$0x1F80] =	vst v1;
	v1 =	vld [tilespmem:$0x7020]  }
0x5b1: {  	[tilespmem:$0x2000] =	vst v2;
	v2 =	vld [tilespmem:$0x7030]  }
0x5b2: {  	[tilespmem:$0x2080] =	vst v3;
	v3 =	vld [tilespmem:$0x7040]  }
0x5b3: {  	v54 =	vld [tilespmem:$0x70A0];
	[tilespmem:$0x2380] =	vst v52  }
0x5b4: {  	v55 =	vld [tilespmem:$0x70B0];
	[tilespmem:$0x2400] =	vst v53  }
0x5b5: {  	[tilespmem:$0x2200] =	vst v1;
	v1 =	vld [tilespmem:$0x7070]  }
0x5b6: {  	[tilespmem:$0x2280] =	vst v2;
	v2 =	vld [tilespmem:$0x7080]  }
0x5b7: {  	[tilespmem:$0x2300] =	vst v3;
	v3 =	vld [tilespmem:$0x7090]  }
0x5b8: {  	v56 =	vld [tilespmem:$0x70F0];
	[tilespmem:$0x2600] =	vst v54  }
0x5b9: {  	v57 =	vld [tilespmem:$0x7100];
	[tilespmem:$0x2680] =	vst v55  }
0x5ba: {  	[tilespmem:$0x2480] =	vst v1;
	v1 =	vld [tilespmem:$0x70C0]  }
0x5bb: {  	[tilespmem:$0x2500] =	vst v2;
	v2 =	vld [tilespmem:$0x70D0]  }
0x5bc: {  	[tilespmem:$0x2580] =	vst v3;
	v3 =	vld [tilespmem:$0x70E0]  }
0x5bd: {  	v58 =	vld [tilespmem:$0x7140];
	[tilespmem:$0x2880] =	vst v56  }
0x5be: {  	v59 =	vld [tilespmem:$0x7150];
	[tilespmem:$0x2900] =	vst v57  }
0x5bf: {  	[tilespmem:$0x2700] =	vst v1;
	v1 =	vld [tilespmem:$0x7110]  }
0x5c0: {  	[tilespmem:$0x2780] =	vst v2;
	v2 =	vld [tilespmem:$0x7120]  }
0x5c1: {  	[tilespmem:$0x2800] =	vst v3;
	v3 =	vld [tilespmem:$0x7130]  }
0x5c2: {  	v60 =	vld [tilespmem:$0x7190];
	[tilespmem:$0x2B00] =	vst v58  }
0x5c3: {  	v61 =	vld [tilespmem:$0x71A0];
	[tilespmem:$0x2B80] =	vst v59  }
0x5c4: {  	[tilespmem:$0x2980] =	vst v1;
	v1 =	vld [tilespmem:$0x7160]  }
0x5c5: {  	[tilespmem:$0x2A00] =	vst v2;
	v2 =	vld [tilespmem:$0x7170]  }
0x5c6: {  	[tilespmem:$0x2A80] =	vst v3;
	v3 =	vld [tilespmem:$0x7180]  }
0x5c7: {  	v62 =	vld [tilespmem:$0x71E0];
	[tilespmem:$0x2D80] =	vst v60  }
0x5c8: {  	v63 =	vld [tilespmem:$0x71F0];
	[tilespmem:$0x2E00] =	vst v61  }
0x5c9: {  	[tilespmem:$0x2C00] =	vst v1;
	v1 =	vld [tilespmem:$0x71B0]  }
0x5ca: {  	[tilespmem:$0x2C80] =	vst v2;
	v2 =	vld [tilespmem:$0x71C0]  }
0x5cb: {  	[tilespmem:$0x2D00] =	vst v3;
	v3 =	vld [tilespmem:$0x71D0]  }
0x5cc: {  	p2 =	sne.s32 s31, $0x6000;
	[tilespmem:$0x3000] =	vst v62  }
.Ltmp5:
0x5cd: {  	[tilespmem:$0x3080] =	vst v63;
	(pc) =	sbr.rel @p2 .LBB2_12-.Ltmp5, $4  }
0x5ce: {  	[tilespmem:$0x2E80] =	vst v1  }
0x5cf: {  	[tilespmem:$0x2F00] =	vst v2  }
0x5d0: {  	s19 =	sadd.s32 $0x1C00, s19;
	s31 =	sadd.s32 $0x400, s31;
	[tilespmem:$0x2F80] =	vst v3  }
0x5d1: {  	[spmem:s21] =	stream.indirect.scatter.add.f32 [tilespmem:s7], [sflag:$0x3], $0x80, s13, s11, $0xb8;
	[tilespmem:$0x1AD80] =	vst v63  }
0x5d2: {  	_ =	swait.ge [sflag:s25], $0x2800  }
0x5d3: {  	[sflag:s25] =	ssyncset.done $0x0  }
0x5d4: {  	[sflag:s25] =	ssyncadd.s32 $0xFFFFD800  }
0x5d5: {  	_ =	swait.ge [sflag:s5], $0x2800  }
0x5d6: {  	[sflag:s5] =	ssyncset.done $0x0  }
0x5d7: {  	[sflag:s5] =	ssyncadd.s32 $0xFFFFD800  }
0x5d8: {  	[bflag:$0x0] =	sbarrier.arrive $0xFFFF  }
0x5d9: {  	[tilespmem:s7], [sflag:$0x1] =	stream.linear.gather [spmem:s30], $0x2800, $0x38;
	[tilespmem:$0x1AD80] =	vst v63  }
0x5da: {  	_ =	swait.ge [sflag:s12], $0x2800  }
0x5db: {  	[sflag:s12] =	ssyncset.done $0x0  }
0x5dc: {  	s0 =	rddreg [dreg:$0xd];
	[sflag:s12] =	ssyncadd.s32 $0xFFFFD800  }
0x5dd: {  	[hbm4b:s0+s1] =	stream.linear.scatter [tilespmem:s7], [sflag:$0x5], $0x2800, $0x38;
	[tilespmem:$0x1AD80] =	vst v63  }
0x5de: {  	_ = 	snop  }
0x5df: {  	[tilespmem:s15], [sflag:$0x2] =	stream.linear.gather [spmem:s8], $0x2800, $0x38;
	[tilespmem:$0x1AD80] =	vst v63  }
0x5e0: {  	_ =	swait.ge [sflag:s16], $0x2800  }
0x5e1: {  	[sflag:s16] =	ssyncset.done $0x0  }
0x5e2: {  	s2 =	rddreg [dreg:$0xe];
	[sflag:s16] =	ssyncadd.s32 $0xFFFFD800  }
0x5e3: {  	[hbm4b:s2+s1] =	stream.linear.scatter [tilespmem:s15], [sflag:$0x6], $0x2800, $0x38;
	[tilespmem:$0x1AD80] =	vst v63  }
0x5e4: {  	_ =	swait.ge [sflag:s9], $0x2800  }
0x5e5: {  	[sflag:s9] =	ssyncset.done $0x0  }
0x5e6: {  	s31 =	rddreg [dreg:$0x18];
	[sflag:s9] =	ssyncadd.s32 $0xFFFFD800  }
0x5e7: {  	[tilespmem:s7], [sflag:$0x1] =	stream.linear.gather [spmem:s31], $0x2800, $0x38;
	[tilespmem:$0x1AD80] =	vst v63  }
0x5e8: {  	_ =	swait.ge [sflag:s12], $0x2800  }
0x5e9: {  	[sflag:s12] =	ssyncset.done $0x0  }
0x5ea: {  	s3 =	rddreg [dreg:$0xf];
	[sflag:s12] =	ssyncadd.s32 $0xFFFFD800  }
0x5eb: {  	[hbm4b:s3+s1] =	stream.linear.scatter [tilespmem:s7], [sflag:$0x5], $0x2800, $0x38;
	[tilespmem:$0x1AD80] =	vst v63  }
0x5ec: {  	_ =	swait.ge [sflag:s10], $0x2800  }
0x5ed: {  	[sflag:s10] =	ssyncset.done $0x0  }
0x5ee: {  	s19 =	rddreg [dreg:$0x19];
	[sflag:s10] =	ssyncadd.s32 $0xFFFFD800  }
0x5ef: {  	[tilespmem:s15], [sflag:$0x2] =	stream.linear.gather [spmem:s19], $0x2800, $0x38;
	[tilespmem:$0x1AD80] =	vst v63  }
0x5f0: {  	_ =	swait.ge [sflag:s16], $0x2800  }
0x5f1: {  	[sflag:s16] =	ssyncset.done $0x0  }
0x5f2: {  	s2 =	rddreg [dreg:$0x10];
	[sflag:s16] =	ssyncadd.s32 $0xFFFFD800  }
0x5f3: {  	[hbm4b:s2+s1] =	stream.linear.scatter [tilespmem:s15], [sflag:$0x6], $0x2800, $0x38;
	[tilespmem:$0x1AD80] =	vst v63  }
0x5f4: {  	_ =	swait.ge [sflag:s9], $0x2800  }
0x5f5: {  	[sflag:s9] =	ssyncset.done $0x0  }
0x5f6: {  	s3 =	rddreg [dreg:$0x1a];
	[sflag:s9] =	ssyncadd.s32 $0xFFFFD800  }
0x5f7: {  	[tilespmem:s7], [sflag:$0x1] =	stream.linear.gather [spmem:s3], $0x2800, $0x38;
	[tilespmem:$0x1AD80] =	vst v63  }
0x5f8: {  	_ =	swait.ge [sflag:s12], $0x2800  }
0x5f9: {  	[sflag:s12] =	ssyncset.done $0x0  }
0x5fa: {  	s19 =	rddreg [dreg:$0x11];
	[sflag:s12] =	ssyncadd.s32 $0xFFFFD800  }
0x5fb: {  	[hbm4b:s19+s1] =	stream.linear.scatter [tilespmem:s7], [sflag:$0x5], $0x2800, $0x38;
	[tilespmem:$0x1AD80] =	vst v63  }
0x5fc: {  	_ =	swait.ge [sflag:s10], $0x2800  }
0x5fd: {  	[sflag:s10] =	ssyncset.done $0x0  }
0x5fe: {  	s2 =	rddreg [dreg:$0x1b];
	[sflag:s10] =	ssyncadd.s32 $0xFFFFD800  }
0x5ff: {  	[tilespmem:s15], [sflag:$0x2] =	stream.linear.gather [spmem:s2], $0x2800, $0x38;
	[tilespmem:$0x1AD80] =	vst v63  }
0x600: {  	_ =	swait.ge [sflag:s16], $0x2800  }
0x601: {  	[sflag:s16] =	ssyncset.done $0x0  }
0x602: {  	s3 =	rddreg [dreg:$0x12];
	[sflag:s16] =	ssyncadd.s32 $0xFFFFD800  }
0x603: {  	[hbm4b:s3+s1] =	stream.linear.scatter [tilespmem:s15], [sflag:$0x6], $0x2800, $0x38;
	[tilespmem:$0x1AD80] =	vst v63  }
0x604: {  	_ =	swait.ge [sflag:s9], $0x2800  }
0x605: {  	[sflag:s9] =	ssyncset.done $0x0  }
0x606: {  	s19 =	rddreg [dreg:$0x1c];
	[sflag:s9] =	ssyncadd.s32 $0xFFFFD800  }
0x607: {  	[tilespmem:s7], [sflag:$0x1] =	stream.linear.gather [spmem:s19], $0x2800, $0x38;
	[tilespmem:$0x1AD80] =	vst v63  }
0x608: {  	_ =	swait.ge [sflag:s12], $0x2800  }
0x609: {  	[sflag:s12] =	ssyncset.done $0x0  }
0x60a: {  	s0 =	simm.s32 @!p1 $0x6;
	s2 =	rddreg [dreg:$0x13];
	[sflag:s12] =	ssyncadd.s32 $0xFFFFD800  }
0x60b: {  	[hbm4b:s2+s1] =	stream.linear.scatter [tilespmem:s7], [sflag:$0x5], $0x2800, $0x38;
	[tilespmem:$0x1AD80] =	vst v63  }
0x60c: {  	_ =	swait.ge @!p1 [sflag:s0], $0x2800  }
0x60d: {  	[sflag:s0] =	ssyncset.done @!p1 $0x0  }
0x60e: {  	s2 =	rddreg [dreg:$0x1d];
	[sflag:s0] =	ssyncadd.s32 @!p1 $0xFFFFD800;
	s0 =	simm.s32 @!p1 $0x3100  }
0x60f: {  	[tilespmem:s0], [sflag:$0x2] =	stream.linear.gather @!p1 [spmem:s2], $0x2800, $0x38;
	[tilespmem:$0x1AD80] =	vst v63  }
0x610: {  	s2 =	simm.s32 @!p1 $0x2  }
0x611: {  	_ =	swait.ge @!p1 [sflag:s2], $0x2800  }
0x612: {  	[sflag:s2] =	ssyncset.done @!p1 $0x0  }
0x613: {  	s3 =	rddreg [dreg:$0x14];
	[sflag:s2] =	ssyncadd.s32 @!p1 $0xFFFFD800;
	s2 =	simm.s32 @!p1 $0x0  }
0x614: {  	[hbm4b:s3+s2] =	stream.linear.scatter @!p1 [tilespmem:s0], [sflag:$0x6], $0x2800, $0x38;
	[tilespmem:$0x1AD80] =	vst v63  }
0x615: {  	_ =	swait.ge [sflag:s9], $0x2800  }
0x616: {  	[sflag:s9] =	ssyncset.done $0x0  }
0x617: {  	[sflag:s9] =	ssyncadd.s32 $0xFFFFD800  }
0x618: {  	_ =	swait.ge [sflag:s10], $0x2800  }
0x619: {  	s3 =	sld [smem:$0x7FC];
	_ =	sdelay $0x2  }
0x61a: {  	s19 =	rddreg [dreg:$0x1f];
	s2 =	sadd.s32 $0x1, s3  }
0x61b: {  	p2 =	sne.s32 s2, s19  }
.Ltmp6:
0x61c: {  	_ = 	snop;
	(pc) =	sbr.rel @p2 .LBB2_1-.Ltmp6, $3  }
0x61d: {  	_ =	sdelay $0x1  }
0x61e: {  	[sflag:s10] =	ssyncset.done $0x0  }
0x61f: {  	[sflag:s10] =	ssyncadd.s32 $0xFFFFD800  }
0x620: {  	_ =	sfence.sel $0x180000  }
0x621: {  	[bflag:$0x0] =	sbarrier.arrive $0xFFFF  }
0x622: {  	_ =	strace $0x90000047  }
0x623: {  	s0 =	stileid.u32;
	[bflag:$0x2] =	sbarrier.arrive $0xFFFF  }
0x624: {  	p0 =	sne.s32 s0, $0x0;
	s0 =	rddreg [dreg:$0x4]  }
0x625: {  	s0 =	sadd.s32 @!p0 $0x100000, s0  }
0x626: {  	[sflag:s0] =	ssyncadd.tile.s32 @!p0 $0x1;
	_ =	shalt  }
.Lfunc_end2:
_tile_overlayer_lowered:
.L_overlay_start_2:
0x627: {  	(tag) =	ssettag $0x2  }
0x628: {  	s0 =	rddreg [dreg:$0x0];
	s2 =	stileid.u32  }
0x629: {  	s1 =	rddreg [dreg:$0x1];
	p0 =	sne.s32 s2, $0x0  }
0x62a: {  	s3 =	rddreg [dreg:$0x2];
	[bflag:$0x3] =	sbarrier.arrive $0xFFFF;
	s2 =	simm.s32 @!p0 $0x1C07  }
0x62b: {  	[timem:s3], [sflag:s2] =	dma.local @!p0 [hbm:s0], s1  }
0x62c: {  	s0 =	simm.s32 @!p0 $0x7  }
0x62d: {  	_ =	swait.ge @!p0 [sflag:s0], s1  }
0x62e: {  	s1 =	ssub.s32 @!p0 $0x0, s1;
	[sflag:s0] =	ssyncset.done @!p0 $0x0  }
0x62f: {  	[sflag:s0] =	ssyncadd.s32 @!p0 s1  }
0x630: {  	[bflag:$0x3] =	sbarrier.arrive $0xFFFF  }
0x631: {  	_ =	shalt  }

</sc_bundles>
